<compile_context>
chip_gen: v7x
topology: tpu7x:2x2x1
jax: 0.10.2.dev20260603
libtpu: 0.0.44.dev20260713+nightly
codegen_flags: <defaults>
</compile_context>

<pallas_src>
import functools

import jax
import jax.numpy as jnp
import numpy as np
from jax import lax
from jax.experimental import pallas as pl
from jax.experimental.pallas import tpu as pltpu
from jax.experimental.pallas import tpu_sc as plsc

N = 10000
E = 320000
D = 128
DE = 16
H = 8
FE = 8
FN = 16
HFE = H * FE
HFN = H * FN

NC = 2
NS = 16
NW = NC * NS
CHUNK = 128
UNITS = 80
EW = CHUNK * UNITS
EPAD = EW * NW
NROW = EPAD // CHUNK
ROWS_PER_SUB = N // NS
MUNITS = NROW // NS

_MESH = plsc.VectorSubcoreMesh(
    core_axis_name="c", subcore_axis_name="s", num_cores=NC, num_subcores=NS)
_SC_PARAMS = pltpu.CompilerParams(use_tc_tiling_on_sc=False)

f32 = jnp.float32
i32 = jnp.int32


def _wid():
    return lax.axis_index("s") * NC + lax.axis_index("c")



def _mm_body(colsplit, hin_ref, gx_ref, wni_ref, wnj_ref, wn_ref,
             bn_ref, fni_ref, fnj_ref, hlo_ref, hhi_ref):
    if colsplit:
        dcat = jnp.concatenate([hin_ref[0, :, 64:68], hin_ref[1, :, 64:68]],
                               axis=1)
        dinv = 1.0 / (dcat + 1e-16)
        expand = jnp.dot(dinv, gx_ref[...], preferred_element_type=f32)
        x = jnp.concatenate([hin_ref[0, :, :HFE], hin_ref[1, :, :HFE]],
                            axis=1) * expand
    else:
        x = hin_ref[0]
    fni_ref[...] = jnp.dot(x, wni_ref[...], preferred_element_type=f32)
    fnj_ref[...] = jnp.dot(x, wnj_ref[...], preferred_element_type=f32)
    hfull = jnp.dot(x, wn_ref[...], preferred_element_type=f32) + bn_ref[...]
    hlo_ref[...] = hfull[:, :HFE]
    hhi_ref[...] = hfull[:, HFE:]


def _node_matmuls(hin, Gx, Wni, Wnj, Wn, bn):
    colsplit = hin.shape[0] == 2
    din = hin.shape[2]
    bnrows = 400
    grid = (N // bnrows,)
    return pl.pallas_call(
        functools.partial(_mm_body, colsplit),
        grid=grid,
        in_specs=[
            pl.BlockSpec((hin.shape[0], bnrows, din), lambda i: (0, i, 0)),
            pl.BlockSpec((H, HFN), lambda i: (0, 0)),
            pl.BlockSpec((D, HFE), lambda i: (0, 0)),
            pl.BlockSpec((D, HFE), lambda i: (0, 0)),
            pl.BlockSpec((D, HFN), lambda i: (0, 0)),
            pl.BlockSpec((1, HFN), lambda i: (0, 0)),
        ],
        out_specs=[
            pl.BlockSpec((bnrows, HFE), lambda i: (i, 0)),
            pl.BlockSpec((bnrows, HFE), lambda i: (i, 0)),
            pl.BlockSpec((bnrows, HFE), lambda i: (i, 0)),
            pl.BlockSpec((bnrows, HFE), lambda i: (i, 0)),
        ],
        out_shape=[
            jax.ShapeDtypeStruct((N, HFE), f32),
            jax.ShapeDtypeStruct((N, HFE), f32),
            jax.ShapeDtypeStruct((N, HFE), f32),
            jax.ShapeDtypeStruct((N, HFE), f32),
        ],
    )(hin, Gx, Wni, Wnj, Wn, bn)


def _edge_body(be, gs_ref, ef_ref, wf_ref, bias_ref, attn_ref, g_ref,
               out_ref):
    z = gs_ref[...]
    z = z + jnp.dot(ef_ref[...], wf_ref[...], preferred_element_type=f32)
    z = z + bias_ref[...]
    z = jnp.where(z >= 0, z, 0.01 * z)
    e = jnp.dot(z * attn_ref[...], g_ref[...], preferred_element_type=f32)
    pid = pl.program_id(0)
    eid = pid * be + lax.broadcasted_iota(i32, (be, H), 0)
    out_ref[...] = jnp.where(eid < E, jnp.exp(e), 0.0).T


def _edge_eexp(gsum, efp, Wfij, b_edge, attn_flat, G):
    be = 1024
    grid = (EPAD // be,)
    elast = E // be
    return pl.pallas_call(
        functools.partial(_edge_body, be),
        grid=grid,
        in_specs=[
            pl.BlockSpec((be, HFE), lambda i: (i, 0)),
            pl.BlockSpec((be, DE), lambda i: (jnp.minimum(i, elast), 0)),
            pl.BlockSpec((DE, HFE), lambda i: (0, 0)),
            pl.BlockSpec((1, HFE), lambda i: (0, 0)),
            pl.BlockSpec((1, HFE), lambda i: (0, 0)),
            pl.BlockSpec((HFE, H), lambda i: (0, 0)),
        ],
        out_specs=pl.BlockSpec((H, be), lambda i: (0, i)),
        out_shape=jax.ShapeDtypeStruct((H, EPAD), f32),
    )(gsum, efp, Wfij, b_edge, attn_flat, G)


def _fin_body(p_ref, gx_ref, out_ref):
    dcat = jnp.concatenate([p_ref[0, :, 64:68], p_ref[1, :, 64:68]], axis=1)
    dinv = 1.0 / (dcat + 1e-16)
    expand = jnp.dot(dinv, gx_ref[...], preferred_element_type=f32)
    out_ref[...] = jnp.concatenate([p_ref[0, :, :HFE], p_ref[1, :, :HFE]],
                                   axis=1) * expand


def _combine_parts(parts, Gx):
    bnrows = 2000
    return pl.pallas_call(
        _fin_body,
        grid=(N // bnrows,),
        in_specs=[
            pl.BlockSpec((2, bnrows, 80), lambda i: (0, i, 0)),
            pl.BlockSpec((H, HFN), lambda i: (0, 0)),
        ],
        out_specs=pl.BlockSpec((bnrows, HFN), lambda i: (i, 0)),
        out_shape=jax.ShapeDtypeStruct((N, HFN), f32),
    )(parts, Gx)



def _gsum_body(fni, fnj, src2d, dst2d, out_hbm,
               srcb, dstb, a0, a1, b0, b1, o0, o1, sg0, sg1, sw0, sw1):
    wid = _wid()
    rowb = wid * UNITS
    pltpu.sync_copy(src2d.at[pl.ds(rowb, UNITS)], srcb)
    pltpu.sync_copy(dst2d.at[pl.ds(rowb, UNITS)], dstb)
    abuf = (a0, a1)
    bbuf = (b0, b1)
    obuf = (o0, o1)
    sg = (sg0, sg1)
    sw = (sw0, sw1)
    nr = UNITS // 2

    def descs(r, slot):
        u = 2 * r
        d = []
        for j in range(2):
            d.append(pltpu.make_async_copy(
                fni.at[srcb.at[u + j]],
                abuf[slot].at[pl.ds(j * CHUNK, CHUNK)], sg[slot]))
            d.append(pltpu.make_async_copy(
                fnj.at[dstb.at[u + j]],
                bbuf[slot].at[pl.ds(j * CHUNK, CHUNK)], sg[slot]))
        return d

    def wdesc(r, slot):
        eb = wid * EW + r * (2 * CHUNK)
        return pltpu.make_async_copy(
            obuf[slot], out_hbm.at[pl.ds(eb, 2 * CHUNK)], sw[slot])

    def issue(r, slot):
        for dsc in descs(r, slot):
            dsc.start()

    def process(r, slot):
        for dsc in descs(r, slot):
            dsc.wait()

        @pl.when(r >= 2)
        def _():
            wdesc(r - 2, slot).wait()

        av = abuf[slot]
        bv = bbuf[slot]
        ov = obuf[slot]

        def addrow(i, c):
            for k in range(4):
                sl = pl.ds(k * 16, 16)
                ov[i, sl] = av[i, sl] + bv[i, sl]
            return c

        lax.fori_loop(0, 2 * CHUNK, addrow, 0)
        wdesc(r, slot).start()

    issue(0, 0)
    issue(1, 1)

    def step(g, c):
        for s in range(2):
            r = 2 * g + s
            process(r, s)

            @pl.when(r + 2 < nr)
            def _():
                issue(r + 2, s)
        return c

    lax.fori_loop(0, nr // 2, step, 0)
    wdesc(nr - 2, 0).wait()
    wdesc(nr - 1, 1).wait()


def _gather_sum(fni, fnj, src2d, dst2d):
    fn = pl.kernel(
        _gsum_body,
        out_type=jax.ShapeDtypeStruct((EPAD, HFE), f32),
        mesh=_MESH,
        compiler_params=_SC_PARAMS,
        scratch_types=[
            pltpu.VMEM((UNITS, CHUNK), i32),
            pltpu.VMEM((UNITS, CHUNK), i32),
            pltpu.VMEM((2 * CHUNK, HFE), f32),
            pltpu.VMEM((2 * CHUNK, HFE), f32),
            pltpu.VMEM((2 * CHUNK, HFE), f32),
            pltpu.VMEM((2 * CHUNK, HFE), f32),
            pltpu.VMEM((2 * CHUNK, HFE), f32),
            pltpu.VMEM((2 * CHUNK, HFE), f32),
            pltpu.SemaphoreType.DMA,
            pltpu.SemaphoreType.DMA,
            pltpu.SemaphoreType.DMA,
            pltpu.SemaphoreType.DMA,
        ],
    )
    return fn(fni, fnj, src2d, dst2d)


def _msg_body(hcat_hbm, eT_hbm, src2d, dst2d, zeros_hbm, out_hbm,
              srcb, dstb, hb0, hb1, ebf0, ebf1, mb0, mb1, acc,
              sh0, sh1, se0, se1, sw0, sw1):
    c = lax.axis_index("c")
    s = lax.axis_index("s")
    rb = s * ROWS_PER_SUB
    pltpu.sync_copy(zeros_hbm.at[pl.ds(rb, ROWS_PER_SUB)],
                    acc.at[pl.ds(rb, ROWS_PER_SUB)])
    rowb = s * MUNITS
    pltpu.sync_copy(src2d.at[pl.ds(rowb, MUNITS)], srcb)
    pltpu.sync_copy(dst2d.at[pl.ds(rowb, MUNITS)], dstb)
    coff = c * N

    def offrow(i, cc):
        for k in range(CHUNK // 16):
            sl = pl.ds(k * 16, 16)
            srcb[i, sl] = srcb[i, sl] + coff
        return cc

    lax.fori_loop(0, MUNITS, offrow, 0)
    plsc.subcore_barrier()

    hb = (hb0, hb1)
    ebf = (ebf0, ebf1)
    mb = (mb0, mb1)
    sh = (sh0, sh1)
    se = (se0, se1)
    sw = (sw0, sw1)

    lane = lax.broadcasted_iota(i32, (16,), 0)
    eqk = [lane == k for k in range(4)]
    hbase = c * 4
    dnums = lax.GatherDimensionNumbers(
        offset_dims=(), collapsed_slice_dims=(0,), start_index_map=(0,))

    def _splat(v, k):
        idx = jnp.broadcast_to(jnp.reshape(k, (1, 1)), (16, 1))
        return lax.gather(v, idx, dnums, slice_sizes=(1,),
                          mode=lax.GatherScatterMode.PROMISE_IN_BOUNDS)

    def descs(u, slot):
        return [
            pltpu.make_async_copy(hcat_hbm.at[srcb.at[u]], hb[slot], sh[slot]),
            pltpu.make_async_copy(
                eT_hbm.at[:, pl.ds((rowb + u) * CHUNK, CHUNK)],
                ebf[slot], se[slot]),
        ]

    def wdesc(u, slot):
        return pltpu.make_async_copy(mb[slot], acc.at[dstb.at[u]], sw[slot])

    def issue(u, slot):
        for dsc in descs(u, slot):
            dsc.start()

    def process(u, slot):
        for dsc in descs(u, slot):
            dsc.wait()

        @pl.when(u >= 2)
        def _():
            wdesc(u - 2, slot).wait()

        hbv = hb[slot]
        ebv = ebf[slot]
        mbv = mb[slot]

        def group(g, cc):
            vk = [ebv[hbase + k, pl.ds(g * 16, 16)] for k in range(4)]

            def edge(e16, c2):
                ed = g * 16 + e16
                d = None
                for k in range(4):
                    b = _splat(vk[k], e16)
                    sl = pl.ds(k * 16, 16)
                    mbv[ed, sl] = hbv[ed, sl] * b
                    d = jnp.where(eqk[k], b, 0.0 if d is None else d)
                mbv[ed, pl.ds(64, 16)] = d
                return c2

            lax.fori_loop(0, 16, edge, 0)
            return cc

        lax.fori_loop(0, CHUNK // 16, group, 0)
        wdesc(u, slot).start(add=True)

    issue(0, 0)
    issue(1, 1)

    def step(g, carry):
        for s2 in range(2):
            u = 2 * g + s2
            process(u, s2)

            @pl.when(u + 2 < MUNITS)
            def _():
                issue(u + 2, s2)
        return carry

    lax.fori_loop(0, MUNITS // 2, step, 0)
    wdesc(MUNITS - 2, 0).wait()
    wdesc(MUNITS - 1, 1).wait()
    plsc.subcore_barrier()
    pltpu.sync_copy(acc.at[pl.ds(rb, ROWS_PER_SUB)],
                    out_hbm.at[c, pl.ds(rb, ROWS_PER_SUB)])


def _message_partials(hcat, eT, src2d, dst2d, zerosN):
    fn = pl.kernel(
        _msg_body,
        out_type=jax.ShapeDtypeStruct((NC, N, 80), f32),
        mesh=_MESH,
        compiler_params=_SC_PARAMS,
        scratch_types=[
            pltpu.VMEM((MUNITS, CHUNK), i32),
            pltpu.VMEM((MUNITS, CHUNK), i32),
            pltpu.VMEM((CHUNK, HFE), f32),
            pltpu.VMEM((CHUNK, HFE), f32),
            pltpu.VMEM((H, CHUNK), f32),
            pltpu.VMEM((H, CHUNK), f32),
            pltpu.VMEM((CHUNK, 80), f32),
            pltpu.VMEM((CHUNK, 80), f32),
            pltpu.VMEM_SHARED((N, 80), f32),
            pltpu.SemaphoreType.DMA,
            pltpu.SemaphoreType.DMA,
            pltpu.SemaphoreType.DMA,
            pltpu.SemaphoreType.DMA,
            pltpu.SemaphoreType.DMA,
            pltpu.SemaphoreType.DMA,
        ],
    )
    return fn(hcat, eT, src2d, dst2d, zerosN)



def _layer(hin, efp, src2d, dst2d, zerosN, G, Gx,
           Wn, bn, Wni, Wnj, Wfij, attn, be_bias):
    fni, fnj, h_lo, h_hi = _node_matmuls(hin, Gx, Wni, Wnj, Wn,
                                         bn.reshape(1, HFN))
    hcat = jnp.concatenate([h_lo, h_hi], axis=0)
    gsum = _gather_sum(fni, fnj, src2d, dst2d)
    eT = _edge_eexp(gsum, efp, Wfij, be_bias.reshape(1, HFE),
                    attn.reshape(1, HFE), G)
    return _message_partials(hcat, eT, src2d, dst2d, zerosN)


def kernel(n_feat, e_feat, edge_index, W_node0, b_node0, W_ni0, W_nj0,
           W_fij0, attn0, b_edge0, W_node1, b_node1, W_ni1, W_nj1, W_fij1,
           attn1, b_edge1):
    src = edge_index[0].astype(i32)
    dst = edge_index[1].astype(i32)
    pad = EPAD - E
    src2d = jnp.concatenate([src, jnp.zeros((pad,), i32)]).reshape(NROW, CHUNK)
    dst2d = jnp.concatenate([dst, jnp.zeros((pad,), i32)]).reshape(NROW, CHUNK)
    zerosN = jnp.zeros((N, 80), f32)
    G = jnp.asarray(np.kron(np.eye(H), np.ones((FE, 1))), f32)
    Gx = jnp.asarray(np.kron(np.eye(H), np.ones((1, FN))), f32)

    parts0 = _layer(n_feat[None], e_feat, src2d, dst2d, zerosN, G, Gx,
                    W_node0, b_node0, W_ni0, W_nj0, W_fij0, attn0, b_edge0)
    parts1 = _layer(parts0, e_feat, src2d, dst2d, zerosN, G, Gx,
                    W_node1, b_node1, W_ni1, W_nj1, W_fij1, attn1, b_edge1)
    return _combine_parts(parts1, Gx)

# --- scband reference (transcript-rebuilt; emitter-appended) ---
"""Pipeline reference for scband-unsupervised-egat-9174050144736 (READ-ONLY COPY).

The authoritative reference and input builder live on the scoring server;
editing this copy changes nothing except your own understanding.
"""

import jax, jax.numpy as jnp
import numpy as np

N = 10000
E = 320000
D_NODE = 128
D_EDGE = 16
H = 8
FE = 8
FN = 16


def _init(key, shape):
    lim = float(np.sqrt(6.0 / (shape[0] + shape[-1])))
    return jax.random.uniform(key, shape, jnp.float32, -lim, lim)


def setup_inputs(seed: int = 0):
    key = jax.random.key(seed)
    ks = jax.random.split(key, 5)
    inp = {}
    inp['n_feat'] = jax.random.normal(ks[0], (N, D_NODE), jnp.float32)
    inp['e_feat'] = jax.random.normal(ks[1], (E, D_EDGE), jnp.float32)
    inp['edge_index'] = jax.random.randint(ks[2], (2, E), 0, N)
    for i in range(2):
        din = D_NODE
        k = jax.random.split(ks[3 + i], 7)
        inp[f'W_node{i}'] = _init(k[0], (din, H * FN))
        inp[f'b_node{i}'] = jnp.zeros((H * FN,), jnp.float32)
        inp[f'W_ni{i}'] = _init(k[1], (din, H * FE))
        inp[f'W_nj{i}'] = _init(k[2], (din, H * FE))
        inp[f'W_fij{i}'] = _init(k[3], (D_EDGE, H * FE))
        inp[f'attn{i}'] = _init(k[4], (1, H, FE))
        inp[f'b_edge{i}'] = jnp.zeros((H * FE,), jnp.float32)
    return inp


def _egat_layer(nf, ef, src, dst, Wn, bn, Wni, Wnj, Wfij, attn, be):
    n_nodes = nf.shape[0]
    f_ni = nf @ Wni
    f_nj = nf @ Wnj
    f_fij = ef @ Wfij
    f_out = f_ni[src] + f_nj[dst] + f_fij + be
    f_out = jax.nn.leaky_relu(f_out, 0.01)
    f_out = f_out.reshape(-1, H, FE)
    e = jnp.sum(f_out * attn, axis=-1)  # (E, H)
    e_max = jax.ops.segment_max(e, dst, num_segments=n_nodes)
    e_exp = jnp.exp(e - e_max[dst])
    denom = jax.ops.segment_sum(e_exp, dst, num_segments=n_nodes)
    alpha = e_exp / (denom[dst] + 1e-16)  # (E, H) edge softmax over dst
    h = (nf @ Wn + bn).reshape(-1, H, FN)
    msg = h[src] * alpha[:, :, None]
    h_new = jax.ops.segment_sum(msg, dst, num_segments=n_nodes)
    return h_new.reshape(-1, H * FN), f_out


def reference(n_feat, e_feat, edge_index, W_node0, b_node0, W_ni0, W_nj0, W_fij0, attn0, b_edge0, W_node1, b_node1, W_ni1, W_nj1, W_fij1, attn1, b_edge1):
    src = edge_index[0]
    dst = edge_index[1]
    h = n_feat.reshape(-1, D_NODE)
    ef = e_feat.reshape(-1, D_EDGE)
    h, _ = _egat_layer(h, ef, src, dst, W_node0, b_node0, W_ni0, W_nj0, W_fij0, attn0, b_edge0)
    h = h.reshape(-1, H * FN)
    h, _ = _egat_layer(h, ef, src, dst, W_node1, b_node1, W_ni1, W_nj1, W_fij1, attn1, b_edge1)
    return h.reshape(-1, H * FN)

if __name__ == "__main__":
    import jax
    _d = setup_inputs()
    print(jax.jit(kernel)(*tuple(_d.values())))

</pallas_src>

<mosaic_0001>
#map = affine_map<(d0, d1) -> (0, 0)>
#map1 = affine_map<(d0, d1) -> (0, 0, 0)>
module attributes {stable_mosaic.version = 14 : i64} {
  func.func @_msg_body(%arg0: i32, %arg1: i32, %arg2: memref<20000x64xf32, #tpu.memory_space<hbm>>, %arg3: memref<8x327680xf32, #tpu.memory_space<hbm>>, %arg4: memref<2560x128xi32, #tpu.memory_space<hbm>>, %arg5: memref<2560x128xi32, #tpu.memory_space<hbm>>, %arg6: memref<10000x80xf32, #tpu.memory_space<hbm>>, %arg7: memref<2x10000x80xf32, #tpu.memory_space<hbm>>, %arg8: memref<160x128xi32, #tpu.memory_space<vmem>>, %arg9: memref<160x128xi32, #tpu.memory_space<vmem>>, %arg10: memref<128x64xf32, #tpu.memory_space<vmem>>, %arg11: memref<128x64xf32, #tpu.memory_space<vmem>>, %arg12: memref<8x128xf32, #tpu.memory_space<vmem>>, %arg13: memref<8x128xf32, #tpu.memory_space<vmem>>, %arg14: memref<128x80xf32, #tpu.memory_space<vmem>>, %arg15: memref<128x80xf32, #tpu.memory_space<vmem>>, %arg16: memref<10000x80xf32, #tpu.memory_space<vmem_shared>>, %arg17: memref<!tpu.dma_semaphore, #tpu.memory_space<semaphore_mem>>, %arg18: memref<!tpu.dma_semaphore, #tpu.memory_space<semaphore_mem>>, %arg19: memref<!tpu.dma_semaphore, #tpu.memory_space<semaphore_mem>>, %arg20: memref<!tpu.dma_semaphore, #tpu.memory_space<semaphore_mem>>, %arg21: memref<!tpu.dma_semaphore, #tpu.memory_space<semaphore_mem>>, %arg22: memref<!tpu.dma_semaphore, #tpu.memory_space<semaphore_mem>>) attributes {dimension_semantics = [#tpu.dimension_semantics<core_parallel>, #tpu.dimension_semantics<subcore_parallel>], iteration_bounds = array<i64: 2, 16>, scalar_prefetch = 0 : i64, scratch_operands = 15 : i64, tpu.core_type = #tpu.core_type<sc_vector_subcore>, window_params = [{transform_indices = #map}, {transform_indices = #map}, {transform_indices = #map}, {transform_indices = #map}, {transform_indices = #map}, {transform_indices = #map1}]} {
    %mul3A = arith.constant 625 : i32
    %mul3A_0 = arith.muli %arg1, %mul3A : i32
    "tpu.region"() ({
      %run_scoped3A = tpu.sem_alloc : memref<!tpu.dma_semaphore, #tpu.memory_space<semaphore_mem>>
      %dma_start3A_71 = arith.constant 0 : i32
      %dma_start3A_72 = tpu.memref_slice %arg16[%mul3A_0, %dma_start3A_71] : memref<10000x80xf32, #tpu.memory_space<vmem_shared>> -> memref<625x80xf32, #tpu.memory_space<vmem_shared>>
      %dma_start3A_73 = arith.constant 0 : i32
      %dma_start3A_74 = tpu.memref_slice %arg6[%mul3A_0, %dma_start3A_73] : memref<10000x80xf32, #tpu.memory_space<hbm>> -> memref<625x80xf32, #tpu.memory_space<hbm>>
      tpu.enqueue_dma source(%dma_start3A_74 : memref<625x80xf32, #tpu.memory_space<hbm>>) target(%dma_start3A_72 : memref<625x80xf32, #tpu.memory_space<vmem_shared>>) target_semaphore(%run_scoped3A : memref<!tpu.dma_semaphore, #tpu.memory_space<semaphore_mem>>)
      %dma_wait3A_75 = arith.constant 0 : i32
      %dma_wait3A_76 = tpu.memref_slice %arg16[%mul3A_0, %dma_wait3A_75] : memref<10000x80xf32, #tpu.memory_space<vmem_shared>> -> memref<625x80xf32, #tpu.memory_space<vmem_shared>>
      %dma_wait3A_77 = arith.constant 0 : i32
      %dma_wait3A_78 = tpu.memref_slice %arg6[%mul3A_0, %dma_wait3A_77] : memref<10000x80xf32, #tpu.memory_space<hbm>> -> memref<625x80xf32, #tpu.memory_space<hbm>>
      tpu.wait_dma2 semaphore(%run_scoped3A : memref<!tpu.dma_semaphore, #tpu.memory_space<semaphore_mem>>) src(%dma_wait3A_78 : memref<625x80xf32, #tpu.memory_space<hbm>>) dst(%dma_wait3A_76 : memref<625x80xf32, #tpu.memory_space<vmem_shared>>)
      tpu.yield
    }) : () -> ()
    %mul3A_1 = arith.constant 160 : i32
    %mul3A_2 = arith.muli %arg1, %mul3A_1 : i32
    "tpu.region"() ({
      %run_scoped3A = tpu.sem_alloc : memref<!tpu.dma_semaphore, #tpu.memory_space<semaphore_mem>>
      %dma_start3A_71 = arith.constant 0 : i32
      %dma_start3A_72 = tpu.memref_slice %arg4[%mul3A_2, %dma_start3A_71] : memref<2560x128xi32, #tpu.memory_space<hbm>> -> memref<160x128xi32, #tpu.memory_space<hbm>>
      %dma_start3A_73 = arith.constant 0 : i32
      %dma_start3A_74 = tpu.memref_slice %arg4[%mul3A_2, %dma_start3A_73] : memref<2560x128xi32, #tpu.memory_space<hbm>> -> memref<160x128xi32, #tpu.memory_space<hbm>>
      tpu.enqueue_dma source(%dma_start3A_74 : memref<160x128xi32, #tpu.memory_space<hbm>>) target(%arg8 : memref<160x128xi32, #tpu.memory_space<vmem>>) target_semaphore(%run_scoped3A : memref<!tpu.dma_semaphore, #tpu.memory_space<semaphore_mem>>)
      %dma_wait3A_75 = arith.constant 0 : i32
      %dma_wait3A_76 = tpu.memref_slice %arg4[%mul3A_2, %dma_wait3A_75] : memref<2560x128xi32, #tpu.memory_space<hbm>> -> memref<160x128xi32, #tpu.memory_space<hbm>>
      %dma_wait3A_77 = arith.constant 0 : i32
      %dma_wait3A_78 = tpu.memref_slice %arg4[%mul3A_2, %dma_wait3A_77] : memref<2560x128xi32, #tpu.memory_space<hbm>> -> memref<160x128xi32, #tpu.memory_space<hbm>>
      tpu.wait_dma2 semaphore(%run_scoped3A : memref<!tpu.dma_semaphore, #tpu.memory_space<semaphore_mem>>) src(%dma_wait3A_78 : memref<160x128xi32, #tpu.memory_space<hbm>>) dst(%arg8 : memref<160x128xi32, #tpu.memory_space<vmem>>)
      tpu.yield
    }) : () -> ()
    "tpu.region"() ({
      %run_scoped3A = tpu.sem_alloc : memref<!tpu.dma_semaphore, #tpu.memory_space<semaphore_mem>>
      %dma_start3A_71 = arith.constant 0 : i32
      %dma_start3A_72 = tpu.memref_slice %arg5[%mul3A_2, %dma_start3A_71] : memref<2560x128xi32, #tpu.memory_space<hbm>> -> memref<160x128xi32, #tpu.memory_space<hbm>>
      %dma_start3A_73 = arith.constant 0 : i32
      %dma_start3A_74 = tpu.memref_slice %arg5[%mul3A_2, %dma_start3A_73] : memref<2560x128xi32, #tpu.memory_space<hbm>> -> memref<160x128xi32, #tpu.memory_space<hbm>>
      tpu.enqueue_dma source(%dma_start3A_74 : memref<160x128xi32, #tpu.memory_space<hbm>>) target(%arg9 : memref<160x128xi32, #tpu.memory_space<vmem>>) target_semaphore(%run_scoped3A : memref<!tpu.dma_semaphore, #tpu.memory_space<semaphore_mem>>)
      %dma_wait3A_75 = arith.constant 0 : i32
      %dma_wait3A_76 = tpu.memref_slice %arg5[%mul3A_2, %dma_wait3A_75] : memref<2560x128xi32, #tpu.memory_space<hbm>> -> memref<160x128xi32, #tpu.memory_space<hbm>>
      %dma_wait3A_77 = arith.constant 0 : i32
      %dma_wait3A_78 = tpu.memref_slice %arg5[%mul3A_2, %dma_wait3A_77] : memref<2560x128xi32, #tpu.memory_space<hbm>> -> memref<160x128xi32, #tpu.memory_space<hbm>>
      tpu.wait_dma2 semaphore(%run_scoped3A : memref<!tpu.dma_semaphore, #tpu.memory_space<semaphore_mem>>) src(%dma_wait3A_78 : memref<160x128xi32, #tpu.memory_space<hbm>>) dst(%arg9 : memref<160x128xi32, #tpu.memory_space<vmem>>)
      tpu.yield
    }) : () -> ()
    %mul3A_3 = arith.constant 10000 : i32
    %mul3A_4 = arith.muli %arg0, %mul3A_3 : i32
    %scan3A = arith.constant 0 : i32
    %scan3A_5 = arith.constant 0 : i32
    %scan3A_6 = arith.constant 160 : i32
    %scan3A_7 = arith.addi %scan3A_5, %scan3A_6 : i32
    %scan3A_8 = arith.constant 1 : i32
    scf.for %scan3A_71 = %scan3A_5 to %scan3A_7 step %scan3A_8  : i32 {
      %get3A = arith.index_cast %scan3A_71 : i32 to index
      %get3A_72 = arith.constant 0 : index
      %get3A_73 = tpu.vector_load %arg8[%get3A, %get3A_72] {strides = array<i32>} : memref<160x128xi32, #tpu.memory_space<vmem>>, vector<1x16xi32>,
      %get3A_74 = vector.shape_cast %get3A_73 : vector<1x16xi32> to vector<16xi32>
      %add3A_75 = vector.broadcast %mul3A_4 : i32 to vector<16xi32>
      %add3A_76 = arith.addi %get3A_74, %add3A_75 : vector<16xi32>
      %swap3A = arith.index_cast %scan3A_71 : i32 to index
      %swap3A_77 = arith.constant 0 : index
      %swap3A_78 = tpu.vector_load %arg8[%swap3A, %swap3A_77] {strides = array<i32>} : memref<160x128xi32, #tpu.memory_space<vmem>>, vector<1x16xi32>,
      %swap3A_79 = vector.shape_cast %swap3A_78 : vector<1x16xi32> to vector<16xi32>
      %swap3A_80 = vector.shape_cast %add3A_76 : vector<16xi32> to vector<1x16xi32>
      tpu.vector_store %arg8[%swap3A, %swap3A_77], %swap3A_80 {strides = array<i32>} : memref<160x128xi32, #tpu.memory_space<vmem>>, vector<1x16xi32>,
      %get3A_81 = arith.index_cast %scan3A_71 : i32 to index
      %get3A_82 = arith.constant 16 : index
      %get3A_83 = tpu.vector_load %arg8[%get3A_81, %get3A_82] {strides = array<i32>} : memref<160x128xi32, #tpu.memory_space<vmem>>, vector<1x16xi32>,
      %get3A_84 = vector.shape_cast %get3A_83 : vector<1x16xi32> to vector<16xi32>
      %add3A_85 = vector.broadcast %mul3A_4 : i32 to vector<16xi32>
      %add3A_86 = arith.addi %get3A_84, %add3A_85 : vector<16xi32>
      %swap3A_87 = arith.index_cast %scan3A_71 : i32 to index
      %swap3A_88 = arith.constant 16 : index
      %swap3A_89 = tpu.vector_load %arg8[%swap3A_87, %swap3A_88] {strides = array<i32>} : memref<160x128xi32, #tpu.memory_space<vmem>>, vector<1x16xi32>,
      %swap3A_90 = vector.shape_cast %swap3A_89 : vector<1x16xi32> to vector<16xi32>
      %swap3A_91 = vector.shape_cast %add3A_86 : vector<16xi32> to vector<1x16xi32>
      tpu.vector_store %arg8[%swap3A_87, %swap3A_88], %swap3A_91 {strides = array<i32>} : memref<160x128xi32, #tpu.memory_space<vmem>>, vector<1x16xi32>,
      %get3A_92 = arith.index_cast %scan3A_71 : i32 to index
      %get3A_93 = arith.constant 32 : index
      %get3A_94 = tpu.vector_load %arg8[%get3A_92, %get3A_93] {strides = array<i32>} : memref<160x128xi32, #tpu.memory_space<vmem>>, vector<1x16xi32>,
      %get3A_95 = vector.shape_cast %get3A_94 : vector<1x16xi32> to vector<16xi32>
      %add3A_96 = vector.broadcast %mul3A_4 : i32 to vector<16xi32>
      %add3A_97 = arith.addi %get3A_95, %add3A_96 : vector<16xi32>
      %swap3A_98 = arith.index_cast %scan3A_71 : i32 to index
      %swap3A_99 = arith.constant 32 : index
      %swap3A_100 = tpu.vector_load %arg8[%swap3A_98, %swap3A_99] {strides = array<i32>} : memref<160x128xi32, #tpu.memory_space<vmem>>, vector<1x16xi32>,
      %swap3A_101 = vector.shape_cast %swap3A_100 : vector<1x16xi32> to vector<16xi32>
      %swap3A_102 = vector.shape_cast %add3A_97 : vector<16xi32> to vector<1x16xi32>
      tpu.vector_store %arg8[%swap3A_98, %swap3A_99], %swap3A_102 {strides = array<i32>} : memref<160x128xi32, #tpu.memory_space<vmem>>, vector<1x16xi32>,
      %get3A_103 = arith.index_cast %scan3A_71 : i32 to index
      %get3A_104 = arith.constant 48 : index
      %get3A_105 = tpu.vector_load %arg8[%get3A_103, %get3A_104] {strides = array<i32>} : memref<160x128xi32, #tpu.memory_space<vmem>>, vector<1x16xi32>,
      %get3A_106 = vector.shape_cast %get3A_105 : vector<1x16xi32> to vector<16xi32>
      %add3A_107 = vector.broadcast %mul3A_4 : i32 to vector<16xi32>
      %add3A_108 = arith.addi %get3A_106, %add3A_107 : vector<16xi32>
      %swap3A_109 = arith.index_cast %scan3A_71 : i32 to index
      %swap3A_110 = arith.constant 48 : index
      %swap3A_111 = tpu.vector_load %arg8[%swap3A_109, %swap3A_110] {strides = array<i32>} : memref<160x128xi32, #tpu.memory_space<vmem>>, vector<1x16xi32>,
      %swap3A_112 = vector.shape_cast %swap3A_111 : vector<1x16xi32> to vector<16xi32>
      %swap3A_113 = vector.shape_cast %add3A_108 : vector<16xi32> to vector<1x16xi32>
      tpu.vector_store %arg8[%swap3A_109, %swap3A_110], %swap3A_113 {strides = array<i32>} : memref<160x128xi32, #tpu.memory_space<vmem>>, vector<1x16xi32>,
      %get3A_114 = arith.index_cast %scan3A_71 : i32 to index
      %get3A_115 = arith.constant 64 : index
      %get3A_116 = tpu.vector_load %arg8[%get3A_114, %get3A_115] {strides = array<i32>} : memref<160x128xi32, #tpu.memory_space<vmem>>, vector<1x16xi32>,
      %get3A_117 = vector.shape_cast %get3A_116 : vector<1x16xi32> to vector<16xi32>
      %add3A_118 = vector.broadcast %mul3A_4 : i32 to vector<16xi32>
      %add3A_119 = arith.addi %get3A_117, %add3A_118 : vector<16xi32>
      %swap3A_120 = arith.index_cast %scan3A_71 : i32 to index
      %swap3A_121 = arith.constant 64 : index
      %swap3A_122 = tpu.vector_load %arg8[%swap3A_120, %swap3A_121] {strides = array<i32>} : memref<160x128xi32, #tpu.memory_space<vmem>>, vector<1x16xi32>,
      %swap3A_123 = vector.shape_cast %swap3A_122 : vector<1x16xi32> to vector<16xi32>
      %swap3A_124 = vector.shape_cast %add3A_119 : vector<16xi32> to vector<1x16xi32>
      tpu.vector_store %arg8[%swap3A_120, %swap3A_121], %swap3A_124 {strides = array<i32>} : memref<160x128xi32, #tpu.memory_space<vmem>>, vector<1x16xi32>,
      %get3A_125 = arith.index_cast %scan3A_71 : i32 to index
      %get3A_126 = arith.constant 80 : index
      %get3A_127 = tpu.vector_load %arg8[%get3A_125, %get3A_126] {strides = array<i32>} : memref<160x128xi32, #tpu.memory_space<vmem>>, vector<1x16xi32>,
      %get3A_128 = vector.shape_cast %get3A_127 : vector<1x16xi32> to vector<16xi32>
      %add3A_129 = vector.broadcast %mul3A_4 : i32 to vector<16xi32>
      %add3A_130 = arith.addi %get3A_128, %add3A_129 : vector<16xi32>
      %swap3A_131 = arith.index_cast %scan3A_71 : i32 to index
      %swap3A_132 = arith.constant 80 : index
      %swap3A_133 = tpu.vector_load %arg8[%swap3A_131, %swap3A_132] {strides = array<i32>} : memref<160x128xi32, #tpu.memory_space<vmem>>, vector<1x16xi32>,
      %swap3A_134 = vector.shape_cast %swap3A_133 : vector<1x16xi32> to vector<16xi32>
      %swap3A_135 = vector.shape_cast %add3A_130 : vector<16xi32> to vector<1x16xi32>
      tpu.vector_store %arg8[%swap3A_131, %swap3A_132], %swap3A_135 {strides = array<i32>} : memref<160x128xi32, #tpu.memory_space<vmem>>, vector<1x16xi32>,
      %get3A_136 = arith.index_cast %scan3A_71 : i32 to index
      %get3A_137 = arith.constant 96 : index
      %get3A_138 = tpu.vector_load %arg8[%get3A_136, %get3A_137] {strides = array<i32>} : memref<160x128xi32, #tpu.memory_space<vmem>>, vector<1x16xi32>,
      %get3A_139 = vector.shape_cast %get3A_138 : vector<1x16xi32> to vector<16xi32>
      %add3A_140 = vector.broadcast %mul3A_4 : i32 to vector<16xi32>
      %add3A_141 = arith.addi %get3A_139, %add3A_140 : vector<16xi32>
      %swap3A_142 = arith.index_cast %scan3A_71 : i32 to index
      %swap3A_143 = arith.constant 96 : index
      %swap3A_144 = tpu.vector_load %arg8[%swap3A_142, %swap3A_143] {strides = array<i32>} : memref<160x128xi32, #tpu.memory_space<vmem>>, vector<1x16xi32>,
      %swap3A_145 = vector.shape_cast %swap3A_144 : vector<1x16xi32> to vector<16xi32>
      %swap3A_146 = vector.shape_cast %add3A_141 : vector<16xi32> to vector<1x16xi32>
      tpu.vector_store %arg8[%swap3A_142, %swap3A_143], %swap3A_146 {strides = array<i32>} : memref<160x128xi32, #tpu.memory_space<vmem>>, vector<1x16xi32>,
      %get3A_147 = arith.index_cast %scan3A_71 : i32 to index
      %get3A_148 = arith.constant 112 : index
      %get3A_149 = tpu.vector_load %arg8[%get3A_147, %get3A_148] {strides = array<i32>} : memref<160x128xi32, #tpu.memory_space<vmem>>, vector<1x16xi32>,
      %get3A_150 = vector.shape_cast %get3A_149 : vector<1x16xi32> to vector<16xi32>
      %add3A_151 = vector.broadcast %mul3A_4 : i32 to vector<16xi32>
      %add3A_152 = arith.addi %get3A_150, %add3A_151 : vector<16xi32>
      %swap3A_153 = arith.index_cast %scan3A_71 : i32 to index
      %swap3A_154 = arith.constant 112 : index
      %swap3A_155 = tpu.vector_load %arg8[%swap3A_153, %swap3A_154] {strides = array<i32>} : memref<160x128xi32, #tpu.memory_space<vmem>>, vector<1x16xi32>,
      %swap3A_156 = vector.shape_cast %swap3A_155 : vector<1x16xi32> to vector<16xi32>
      %swap3A_157 = vector.shape_cast %add3A_152 : vector<16xi32> to vector<1x16xi32>
      tpu.vector_store %arg8[%swap3A_153, %swap3A_154], %swap3A_157 {strides = array<i32>} : memref<160x128xi32, #tpu.memory_space<vmem>>, vector<1x16xi32>,
    }
    %scan3A_9 = arith.constant 160 : i32
    %barrier3A = arith.constant 0 : index
    tpu.barrier barrier_id(%barrier3A)
    %iota3A = tpu.iota {dimensions = array<i32: 0>} : vector<16xi32>
    %eq3A = arith.constant 0 : i32
    %eq3A_10 = vector.broadcast %eq3A : i32 to vector<16xi32>
    %eq3A_11 = arith.cmpi eq, %iota3A, %eq3A_10 : vector<16xi32>
    %eq3A_12 = arith.constant 1 : i32
    %eq3A_13 = vector.broadcast %eq3A_12 : i32 to vector<16xi32>
    %eq3A_14 = arith.cmpi eq, %iota3A, %eq3A_13 : vector<16xi32>
    %eq3A_15 = arith.constant 2 : i32
    %eq3A_16 = vector.broadcast %eq3A_15 : i32 to vector<16xi32>
    %eq3A_17 = arith.cmpi eq, %iota3A, %eq3A_16 : vector<16xi32>
    %eq3A_18 = arith.constant 3 : i32
    %eq3A_19 = vector.broadcast %eq3A_18 : i32 to vector<16xi32>
    %eq3A_20 = arith.cmpi eq, %iota3A, %eq3A_19 : vector<16xi32>
    %mul3A_21 = arith.constant 4 : i32
    %mul3A_22 = arith.muli %arg0, %mul3A_21 : i32
    %add3A = arith.constant 0 : i32
    %add3A_23 = arith.addi %mul3A_2, %add3A : i32
    %mul3A_24 = arith.constant 128 : i32
    %mul3A_25 = arith.muli %add3A_23, %mul3A_24 : i32
    %dma_start3A = arith.constant 0 : i32
    %dma_start3A_26 = arith.constant 0 : i32
    %dma_start3A_27 = tpu.memref_slice %arg8[%dma_start3A, %dma_start3A_26] : memref<160x128xi32, #tpu.memory_space<vmem>> -> memref<1x128xi32, #tpu.memory_space<vmem>>
    %dma_start3A_28 = tpu.memref_squeeze %dma_start3A_27 : memref<1x128xi32, #tpu.memory_space<vmem>> -> memref<128xi32, #tpu.memory_space<vmem>>
    %dma_start3A_29 = arith.constant 0 : i32
    %dma_start3A_30 = arith.constant 0 : i32
    %dma_start3A_31 = tpu.memref_slice %arg2[%dma_start3A_29, %dma_start3A_30] : memref<20000x64xf32, #tpu.memory_space<hbm>> -> memref<20000x64xf32, #tpu.memory_space<hbm>>
    tpu.enqueue_indirect_dma source(%dma_start3A_31 : memref<20000x64xf32, #tpu.memory_space<hbm>>) target(%arg10 : memref<128x64xf32, #tpu.memory_space<vmem>>) offsets(%dma_start3A_28 : memref<128xi32, #tpu.memory_space<vmem>>) semaphore(%arg17 : memref<!tpu.dma_semaphore, #tpu.memory_space<semaphore_mem>>)
    %dma_start3A_32 = arith.constant 0 : i32
    %dma_start3A_33 = tpu.memref_slice %arg3[%dma_start3A_32, %mul3A_25] : memref<8x327680xf32, #tpu.memory_space<hbm>> -> memref<8x128xf32, #tpu.memory_space<hbm>>
    %dma_start3A_34 = arith.constant 0 : i32
    %dma_start3A_35 = tpu.memref_slice %arg3[%dma_start3A_34, %mul3A_25] : memref<8x327680xf32, #tpu.memory_space<hbm>> -> memref<8x128xf32, #tpu.memory_space<hbm>>
    tpu.enqueue_dma source(%dma_start3A_35 : memref<8x128xf32, #tpu.memory_space<hbm>>) target(%arg12 : memref<8x128xf32, #tpu.memory_space<vmem>>) target_semaphore(%arg19 : memref<!tpu.dma_semaphore, #tpu.memory_space<semaphore_mem>>)
    %add3A_36 = arith.constant 1 : i32
    %add3A_37 = arith.addi %mul3A_2, %add3A_36 : i32
    %mul3A_38 = arith.constant 128 : i32
    %mul3A_39 = arith.muli %add3A_37, %mul3A_38 : i32
    %dma_start3A_40 = arith.constant 1 : i32
    %dma_start3A_41 = arith.constant 0 : i32
    %dma_start3A_42 = tpu.memref_slice %arg8[%dma_start3A_40, %dma_start3A_41] : memref<160x128xi32, #tpu.memory_space<vmem>> -> memref<1x128xi32, #tpu.memory_space<vmem>>
    %dma_start3A_43 = tpu.memref_squeeze %dma_start3A_42 : memref<1x128xi32, #tpu.memory_space<vmem>> -> memref<128xi32, #tpu.memory_space<vmem>>
    %dma_start3A_44 = arith.constant 0 : i32
    %dma_start3A_45 = arith.constant 0 : i32
    %dma_start3A_46 = tpu.memref_slice %arg2[%dma_start3A_44, %dma_start3A_45] : memref<20000x64xf32, #tpu.memory_space<hbm>> -> memref<20000x64xf32, #tpu.memory_space<hbm>>
    tpu.enqueue_indirect_dma source(%dma_start3A_46 : memref<20000x64xf32, #tpu.memory_space<hbm>>) target(%arg11 : memref<128x64xf32, #tpu.memory_space<vmem>>) offsets(%dma_start3A_43 : memref<128xi32, #tpu.memory_space<vmem>>) semaphore(%arg18 : memref<!tpu.dma_semaphore, #tpu.memory_space<semaphore_mem>>)
    %dma_start3A_47 = arith.constant 0 : i32
    %dma_start3A_48 = tpu.memref_slice %arg3[%dma_start3A_47, %mul3A_39] : memref<8x327680xf32, #tpu.memory_space<hbm>> -> memref<8x128xf32, #tpu.memory_space<hbm>>
    %dma_start3A_49 = arith.constant 0 : i32
    %dma_start3A_50 = tpu.memref_slice %arg3[%dma_start3A_49, %mul3A_39] : memref<8x327680xf32, #tpu.memory_space<hbm>> -> memref<8x128xf32, #tpu.memory_space<hbm>>
    tpu.enqueue_dma source(%dma_start3A_50 : memref<8x128xf32, #tpu.memory_space<hbm>>) target(%arg13 : memref<8x128xf32, #tpu.memory_space<vmem>>) target_semaphore(%arg20 : memref<!tpu.dma_semaphore, #tpu.memory_space<semaphore_mem>>)
    %scan3A_51 = arith.constant 0 : i32
    %scan3A_52 = arith.constant 0 : i32
    %scan3A_53 = arith.constant 80 : i32
    %scan3A_54 = arith.addi %scan3A_52, %scan3A_53 : i32
    %scan3A_55 = arith.constant 1 : i32
    scf.for %scan3A_71 = %scan3A_52 to %scan3A_54 step %scan3A_55  : i32 {
      %mul3A_72 = arith.constant 2 : i32
      %mul3A_73 = arith.muli %mul3A_72, %scan3A_71 : i32
      %add3A_74 = arith.constant 0 : i32
      %add3A_75 = arith.addi %mul3A_73, %add3A_74 : i32
      %add3A_76 = arith.addi %mul3A_2, %add3A_75 : i32
      %mul3A_77 = arith.constant 128 : i32
      %mul3A_78 = arith.muli %add3A_76, %mul3A_77 : i32
      %dma_wait3A_79 = arith.constant 0 : i32
      %dma_wait3A_80 = tpu.memref_slice %arg8[%add3A_75, %dma_wait3A_79] : memref<160x128xi32, #tpu.memory_space<vmem>> -> memref<1x128xi32, #tpu.memory_space<vmem>>
      %dma_wait3A_81 = tpu.memref_squeeze %dma_wait3A_80 : memref<1x128xi32, #tpu.memory_space<vmem>> -> memref<128xi32, #tpu.memory_space<vmem>>
      %dma_wait3A_82 = arith.constant 0 : i32
      %dma_wait3A_83 = arith.constant 0 : i32
      %dma_wait3A_84 = tpu.memref_slice %arg2[%dma_wait3A_82, %dma_wait3A_83] : memref<20000x64xf32, #tpu.memory_space<hbm>> -> memref<20000x64xf32, #tpu.memory_space<hbm>>
      tpu.wait_indirect_dma semaphore(%arg17 : memref<!tpu.dma_semaphore, #tpu.memory_space<semaphore_mem>>) src(%dma_wait3A_84 : memref<20000x64xf32, #tpu.memory_space<hbm>>) dst(%arg10 : memref<128x64xf32, #tpu.memory_space<vmem>>)
      %dma_wait3A_85 = arith.constant 0 : i32
      %dma_wait3A_86 = tpu.memref_slice %arg3[%dma_wait3A_85, %mul3A_78] : memref<8x327680xf32, #tpu.memory_space<hbm>> -> memref<8x128xf32, #tpu.memory_space<hbm>>
      %dma_wait3A_87 = arith.constant 0 : i32
      %dma_wait3A_88 = tpu.memref_slice %arg3[%dma_wait3A_87, %mul3A_78] : memref<8x327680xf32, #tpu.memory_space<hbm>> -> memref<8x128xf32, #tpu.memory_space<hbm>>
      tpu.wait_dma2 semaphore(%arg19 : memref<!tpu.dma_semaphore, #tpu.memory_space<semaphore_mem>>) src(%dma_wait3A_88 : memref<8x128xf32, #tpu.memory_space<hbm>>) dst(%arg12 : memref<8x128xf32, #tpu.memory_space<vmem>>)
      %ge3A = arith.constant 2 : i32
      %ge3A_89 = arith.cmpi sge, %add3A_75, %ge3A : i32
      %convert_element_type3A = arith.extui %ge3A_89 : i1 to i32
      %cond3A = arith.constant 0 : i32
      %cond3A_90 = arith.cmpi ne, %convert_element_type3A, %cond3A : i32
      scf.if %cond3A_90 {
        %sub3A = arith.constant 2 : i32
        %sub3A_150 = arith.subi %add3A_75, %sub3A : i32
        %dma_wait3A_151 = arith.constant 0 : i32
        %dma_wait3A_152 = tpu.memref_slice %arg9[%sub3A_150, %dma_wait3A_151] : memref<160x128xi32, #tpu.memory_space<vmem>> -> memref<1x128xi32, #tpu.memory_space<vmem>>
        %dma_wait3A_153 = tpu.memref_squeeze %dma_wait3A_152 : memref<1x128xi32, #tpu.memory_space<vmem>> -> memref<128xi32, #tpu.memory_space<vmem>>
        %dma_wait3A_154 = arith.constant 0 : i32
        %dma_wait3A_155 = arith.constant 0 : i32
        %dma_wait3A_156 = tpu.memref_slice %arg16[%dma_wait3A_154, %dma_wait3A_155] : memref<10000x80xf32, #tpu.memory_space<vmem_shared>> -> memref<10000x80xf32, #tpu.memory_space<vmem_shared>>
        tpu.wait_indirect_dma semaphore(%arg21 : memref<!tpu.dma_semaphore, #tpu.memory_space<semaphore_mem>>) src(%arg14 : memref<128x80xf32, #tpu.memory_space<vmem>>) dst(%dma_wait3A_156 : memref<10000x80xf32, #tpu.memory_space<vmem_shared>>)
      } else {
      }
      %scan3A_91 = arith.constant 0 : i32
      %scan3A_92 = arith.constant 0 : i32
      %scan3A_93 = arith.constant 8 : i32
      %scan3A_94 = arith.addi %scan3A_92, %scan3A_93 : i32
      %scan3A_95 = arith.constant 1 : i32
      scf.for %scan3A_150 = %scan3A_92 to %scan3A_94 step %scan3A_95  : i32 {
        %add3A_151 = arith.constant 0 : i32
        %add3A_152 = arith.addi %mul3A_22, %add3A_151 : i32
        %mul3A_153 = arith.constant 16 : i32
        %mul3A_154 = arith.muli %scan3A_150, %mul3A_153 : i32
        %get3A = arith.index_cast %add3A_152 : i32 to index
        %get3A_155 = arith.index_cast %mul3A_154 : i32 to index
        %get3A_156 = tpu.vector_load %arg12[%get3A, %get3A_155] {strides = array<i32>} : memref<8x128xf32, #tpu.memory_space<vmem>>, vector<1x16xf32>,
        %get3A_157 = vector.shape_cast %get3A_156 : vector<1x16xf32> to vector<16xf32>
        %add3A_158 = arith.constant 1 : i32
        %add3A_159 = arith.addi %mul3A_22, %add3A_158 : i32
        %mul3A_160 = arith.constant 16 : i32
        %mul3A_161 = arith.muli %scan3A_150, %mul3A_160 : i32
        %get3A_162 = arith.index_cast %add3A_159 : i32 to index
        %get3A_163 = arith.index_cast %mul3A_161 : i32 to index
        %get3A_164 = tpu.vector_load %arg12[%get3A_162, %get3A_163] {strides = array<i32>} : memref<8x128xf32, #tpu.memory_space<vmem>>, vector<1x16xf32>,
        %get3A_165 = vector.shape_cast %get3A_164 : vector<1x16xf32> to vector<16xf32>
        %add3A_166 = arith.constant 2 : i32
        %add3A_167 = arith.addi %mul3A_22, %add3A_166 : i32
        %mul3A_168 = arith.constant 16 : i32
        %mul3A_169 = arith.muli %scan3A_150, %mul3A_168 : i32
        %get3A_170 = arith.index_cast %add3A_167 : i32 to index
        %get3A_171 = arith.index_cast %mul3A_169 : i32 to index
        %get3A_172 = tpu.vector_load %arg12[%get3A_170, %get3A_171] {strides = array<i32>} : memref<8x128xf32, #tpu.memory_space<vmem>>, vector<1x16xf32>,
        %get3A_173 = vector.shape_cast %get3A_172 : vector<1x16xf32> to vector<16xf32>
        %add3A_174 = arith.constant 3 : i32
        %add3A_175 = arith.addi %mul3A_22, %add3A_174 : i32
        %mul3A_176 = arith.constant 16 : i32
        %mul3A_177 = arith.muli %scan3A_150, %mul3A_176 : i32
        %get3A_178 = arith.index_cast %add3A_175 : i32 to index
        %get3A_179 = arith.index_cast %mul3A_177 : i32 to index
        %get3A_180 = tpu.vector_load %arg12[%get3A_178, %get3A_179] {strides = array<i32>} : memref<8x128xf32, #tpu.memory_space<vmem>>, vector<1x16xf32>,
        %get3A_181 = vector.shape_cast %get3A_180 : vector<1x16xf32> to vector<16xf32>
        %scan3A_182 = arith.constant 0 : i32
        %scan3A_183 = arith.constant 0 : i32
        %scan3A_184 = arith.constant 16 : i32
        %scan3A_185 = arith.addi %scan3A_183, %scan3A_184 : i32
        %scan3A_186 = arith.constant 1 : i32
        scf.for %scan3A_188 = %scan3A_183 to %scan3A_185 step %scan3A_186  : i32 {
          %mul3A_189 = arith.constant 16 : i32
          %mul3A_190 = arith.muli %scan3A_150, %mul3A_189 : i32
          %add3A_191 = arith.addi %mul3A_190, %scan3A_188 : i32
          %reshape3A = vector.broadcast %scan3A_188 : i32 to vector<1x1xi32>
          %broadcast_in_dim3A = vector.shape_cast %reshape3A : vector<1x1xi32> to vector<1x1xi32>
          %broadcast_in_dim3A_192 = vector.broadcast %broadcast_in_dim3A : vector<1x1xi32> to vector<16x1xi32>
          %gather3A = vector.shape_cast %broadcast_in_dim3A_192 : vector<16x1xi32> to vector<16xi32>
          %gather3A_193 = tpu.dynamic_gather %get3A_157[%gather3A] in [0] : vector<16xf32>, vector<16xi32> -> vector<16xf32>
          %get3A_194 = arith.index_cast %add3A_191 : i32 to index
          %get3A_195 = arith.constant 0 : index
          %get3A_196 = tpu.vector_load %arg10[%get3A_194, %get3A_195] {strides = array<i32>} : memref<128x64xf32, #tpu.memory_space<vmem>>, vector<1x16xf32>,
          %get3A_197 = vector.shape_cast %get3A_196 : vector<1x16xf32> to vector<16xf32>
          %mul3A_198 = arith.mulf %get3A_197, %gather3A_193 : vector<16xf32>
          %swap3A = arith.index_cast %add3A_191 : i32 to index
          %swap3A_199 = arith.constant 0 : index
          %swap3A_200 = tpu.vector_load %arg14[%swap3A, %swap3A_199] {strides = array<i32>} : memref<128x80xf32, #tpu.memory_space<vmem>>, vector<1x16xf32>,
          %swap3A_201 = vector.shape_cast %swap3A_200 : vector<1x16xf32> to vector<16xf32>
          %swap3A_202 = vector.shape_cast %mul3A_198 : vector<16xf32> to vector<1x16xf32>
          tpu.vector_store %arg14[%swap3A, %swap3A_199], %swap3A_202 {strides = array<i32>} : memref<128x80xf32, #tpu.memory_space<vmem>>, vector<1x16xf32>,
          %jit3A = arith.constant 0.000000e+00 : f32
          %broadcast_in_dim3A_203 = vector.broadcast %jit3A : f32 to vector<16xf32>
          %select_n3A = arith.select %eq3A_11, %gather3A_193, %broadcast_in_dim3A_203 : vector<16xi1>, vector<16xf32>
          %reshape3A_204 = vector.broadcast %scan3A_188 : i32 to vector<1x1xi32>
          %broadcast_in_dim3A_205 = vector.shape_cast %reshape3A_204 : vector<1x1xi32> to vector<1x1xi32>
          %broadcast_in_dim3A_206 = vector.broadcast %broadcast_in_dim3A_205 : vector<1x1xi32> to vector<16x1xi32>
          %gather3A_207 = vector.shape_cast %broadcast_in_dim3A_206 : vector<16x1xi32> to vector<16xi32>
          %gather3A_208 = tpu.dynamic_gather %get3A_165[%gather3A_207] in [0] : vector<16xf32>, vector<16xi32> -> vector<16xf32>
          %get3A_209 = arith.index_cast %add3A_191 : i32 to index
          %get3A_210 = arith.constant 16 : index
          %get3A_211 = tpu.vector_load %arg10[%get3A_209, %get3A_210] {strides = array<i32>} : memref<128x64xf32, #tpu.memory_space<vmem>>, vector<1x16xf32>,
          %get3A_212 = vector.shape_cast %get3A_211 : vector<1x16xf32> to vector<16xf32>
          %mul3A_213 = arith.mulf %get3A_212, %gather3A_208 : vector<16xf32>
          %swap3A_214 = arith.index_cast %add3A_191 : i32 to index
          %swap3A_215 = arith.constant 16 : index
          %swap3A_216 = tpu.vector_load %arg14[%swap3A_214, %swap3A_215] {strides = array<i32>} : memref<128x80xf32, #tpu.memory_space<vmem>>, vector<1x16xf32>,
          %swap3A_217 = vector.shape_cast %swap3A_216 : vector<1x16xf32> to vector<16xf32>
          %swap3A_218 = vector.shape_cast %mul3A_213 : vector<16xf32> to vector<1x16xf32>
          tpu.vector_store %arg14[%swap3A_214, %swap3A_215], %swap3A_218 {strides = array<i32>} : memref<128x80xf32, #tpu.memory_space<vmem>>, vector<1x16xf32>,
          %select_n3A_219 = arith.select %eq3A_14, %gather3A_208, %select_n3A : vector<16xi1>, vector<16xf32>
          %reshape3A_220 = vector.broadcast %scan3A_188 : i32 to vector<1x1xi32>
          %broadcast_in_dim3A_221 = vector.shape_cast %reshape3A_220 : vector<1x1xi32> to vector<1x1xi32>
          %broadcast_in_dim3A_222 = vector.broadcast %broadcast_in_dim3A_221 : vector<1x1xi32> to vector<16x1xi32>
          %gather3A_223 = vector.shape_cast %broadcast_in_dim3A_222 : vector<16x1xi32> to vector<16xi32>
          %gather3A_224 = tpu.dynamic_gather %get3A_173[%gather3A_223] in [0] : vector<16xf32>, vector<16xi32> -> vector<16xf32>
          %get3A_225 = arith.index_cast %add3A_191 : i32 to index
          %get3A_226 = arith.constant 32 : index
          %get3A_227 = tpu.vector_load %arg10[%get3A_225, %get3A_226] {strides = array<i32>} : memref<128x64xf32, #tpu.memory_space<vmem>>, vector<1x16xf32>,
          %get3A_228 = vector.shape_cast %get3A_227 : vector<1x16xf32> to vector<16xf32>
          %mul3A_229 = arith.mulf %get3A_228, %gather3A_224 : vector<16xf32>
          %swap3A_230 = arith.index_cast %add3A_191 : i32 to index
          %swap3A_231 = arith.constant 32 : index
          %swap3A_232 = tpu.vector_load %arg14[%swap3A_230, %swap3A_231] {strides = array<i32>} : memref<128x80xf32, #tpu.memory_space<vmem>>, vector<1x16xf32>,
          %swap3A_233 = vector.shape_cast %swap3A_232 : vector<1x16xf32> to vector<16xf32>
          %swap3A_234 = vector.shape_cast %mul3A_229 : vector<16xf32> to vector<1x16xf32>
          tpu.vector_store %arg14[%swap3A_230, %swap3A_231], %swap3A_234 {strides = array<i32>} : memref<128x80xf32, #tpu.memory_space<vmem>>, vector<1x16xf32>,
          %select_n3A_235 = arith.select %eq3A_17, %gather3A_224, %select_n3A_219 : vector<16xi1>, vector<16xf32>
          %reshape3A_236 = vector.broadcast %scan3A_188 : i32 to vector<1x1xi32>
          %broadcast_in_dim3A_237 = vector.shape_cast %reshape3A_236 : vector<1x1xi32> to vector<1x1xi32>
          %broadcast_in_dim3A_238 = vector.broadcast %broadcast_in_dim3A_237 : vector<1x1xi32> to vector<16x1xi32>
          %gather3A_239 = vector.shape_cast %broadcast_in_dim3A_238 : vector<16x1xi32> to vector<16xi32>
          %gather3A_240 = tpu.dynamic_gather %get3A_181[%gather3A_239] in [0] : vector<16xf32>, vector<16xi32> -> vector<16xf32>
          %get3A_241 = arith.index_cast %add3A_191 : i32 to index
          %get3A_242 = arith.constant 48 : index
          %get3A_243 = tpu.vector_load %arg10[%get3A_241, %get3A_242] {strides = array<i32>} : memref<128x64xf32, #tpu.memory_space<vmem>>, vector<1x16xf32>,
          %get3A_244 = vector.shape_cast %get3A_243 : vector<1x16xf32> to vector<16xf32>
          %mul3A_245 = arith.mulf %get3A_244, %gather3A_240 : vector<16xf32>
          %swap3A_246 = arith.index_cast %add3A_191 : i32 to index
          %swap3A_247 = arith.constant 48 : index
          %swap3A_248 = tpu.vector_load %arg14[%swap3A_246, %swap3A_247] {strides = array<i32>} : memref<128x80xf32, #tpu.memory_space<vmem>>, vector<1x16xf32>,
          %swap3A_249 = vector.shape_cast %swap3A_248 : vector<1x16xf32> to vector<16xf32>
          %swap3A_250 = vector.shape_cast %mul3A_245 : vector<16xf32> to vector<1x16xf32>
          tpu.vector_store %arg14[%swap3A_246, %swap3A_247], %swap3A_250 {strides = array<i32>} : memref<128x80xf32, #tpu.memory_space<vmem>>, vector<1x16xf32>,
          %select_n3A_251 = arith.select %eq3A_20, %gather3A_240, %select_n3A_235 : vector<16xi1>, vector<16xf32>
          %swap3A_252 = arith.index_cast %add3A_191 : i32 to index
          %swap3A_253 = arith.constant 64 : index
          %swap3A_254 = tpu.vector_load %arg14[%swap3A_252, %swap3A_253] {strides = array<i32>} : memref<128x80xf32, #tpu.memory_space<vmem>>, vector<1x16xf32>,
          %swap3A_255 = vector.shape_cast %swap3A_254 : vector<1x16xf32> to vector<16xf32>
          %swap3A_256 = vector.shape_cast %select_n3A_251 : vector<16xf32> to vector<1x16xf32>
          tpu.vector_store %arg14[%swap3A_252, %swap3A_253], %swap3A_256 {strides = array<i32>} : memref<128x80xf32, #tpu.memory_space<vmem>>, vector<1x16xf32>,
        }
        %scan3A_187 = arith.constant 16 : i32
      }
      %scan3A_96 = arith.constant 8 : i32
      %dma_start3A_97 = arith.constant 0 : i32
      %dma_start3A_98 = tpu.memref_slice %arg9[%add3A_75, %dma_start3A_97] : memref<160x128xi32, #tpu.memory_space<vmem>> -> memref<1x128xi32, #tpu.memory_space<vmem>>
      %dma_start3A_99 = tpu.memref_squeeze %dma_start3A_98 : memref<1x128xi32, #tpu.memory_space<vmem>> -> memref<128xi32, #tpu.memory_space<vmem>>
      %dma_start3A_100 = arith.constant 0 : i32
      %dma_start3A_101 = arith.constant 0 : i32
      %dma_start3A_102 = tpu.memref_slice %arg16[%dma_start3A_100, %dma_start3A_101] : memref<10000x80xf32, #tpu.memory_space<vmem_shared>> -> memref<10000x80xf32, #tpu.memory_space<vmem_shared>>
      tpu.enqueue_indirect_dma source(%arg14 : memref<128x80xf32, #tpu.memory_space<vmem>>) target(%dma_start3A_102 : memref<10000x80xf32, #tpu.memory_space<vmem_shared>>) offsets(%dma_start3A_99 : memref<128xi32, #tpu.memory_space<vmem>>) semaphore(%arg21 : memref<!tpu.dma_semaphore, #tpu.memory_space<semaphore_mem>>) {add = true}
      %add3A_103 = arith.constant 2 : i32
      %add3A_104 = arith.addi %add3A_75, %add3A_103 : i32
      %lt3A = arith.constant 160 : i32
      %lt3A_105 = arith.cmpi slt, %add3A_104, %lt3A : i32
      %convert_element_type3A_106 = arith.extui %lt3A_105 : i1 to i32
      %cond3A_107 = arith.constant 0 : i32
      %cond3A_108 = arith.cmpi ne, %convert_element_type3A_106, %cond3A_107 : i32
      scf.if %cond3A_108 {
        %add3A_150 = arith.constant 2 : i32
        %add3A_151 = arith.addi %add3A_75, %add3A_150 : i32
        %add3A_152 = arith.addi %mul3A_2, %add3A_151 : i32
        %mul3A_153 = arith.constant 128 : i32
        %mul3A_154 = arith.muli %add3A_152, %mul3A_153 : i32
        %dma_start3A_155 = arith.constant 0 : i32
        %dma_start3A_156 = tpu.memref_slice %arg8[%add3A_151, %dma_start3A_155] : memref<160x128xi32, #tpu.memory_space<vmem>> -> memref<1x128xi32, #tpu.memory_space<vmem>>
        %dma_start3A_157 = tpu.memref_squeeze %dma_start3A_156 : memref<1x128xi32, #tpu.memory_space<vmem>> -> memref<128xi32, #tpu.memory_space<vmem>>
        %dma_start3A_158 = arith.constant 0 : i32
        %dma_start3A_159 = arith.constant 0 : i32
        %dma_start3A_160 = tpu.memref_slice %arg2[%dma_start3A_158, %dma_start3A_159] : memref<20000x64xf32, #tpu.memory_space<hbm>> -> memref<20000x64xf32, #tpu.memory_space<hbm>>
        tpu.enqueue_indirect_dma source(%dma_start3A_160 : memref<20000x64xf32, #tpu.memory_space<hbm>>) target(%arg10 : memref<128x64xf32, #tpu.memory_space<vmem>>) offsets(%dma_start3A_157 : memref<128xi32, #tpu.memory_space<vmem>>) semaphore(%arg17 : memref<!tpu.dma_semaphore, #tpu.memory_space<semaphore_mem>>)
        %dma_start3A_161 = arith.constant 0 : i32
        %dma_start3A_162 = tpu.memref_slice %arg3[%dma_start3A_161, %mul3A_154] : memref<8x327680xf32, #tpu.memory_space<hbm>> -> memref<8x128xf32, #tpu.memory_space<hbm>>
        %dma_start3A_163 = arith.constant 0 : i32
        %dma_start3A_164 = tpu.memref_slice %arg3[%dma_start3A_163, %mul3A_154] : memref<8x327680xf32, #tpu.memory_space<hbm>> -> memref<8x128xf32, #tpu.memory_space<hbm>>
        tpu.enqueue_dma source(%dma_start3A_164 : memref<8x128xf32, #tpu.memory_space<hbm>>) target(%arg12 : memref<8x128xf32, #tpu.memory_space<vmem>>) target_semaphore(%arg19 : memref<!tpu.dma_semaphore, #tpu.memory_space<semaphore_mem>>)
      } else {
      }
      %mul3A_109 = arith.constant 2 : i32
      %mul3A_110 = arith.muli %mul3A_109, %scan3A_71 : i32
      %add3A_111 = arith.constant 1 : i32
      %add3A_112 = arith.addi %mul3A_110, %add3A_111 : i32
      %add3A_113 = arith.addi %mul3A_2, %add3A_112 : i32
      %mul3A_114 = arith.constant 128 : i32
      %mul3A_115 = arith.muli %add3A_113, %mul3A_114 : i32
      %dma_wait3A_116 = arith.constant 0 : i32
      %dma_wait3A_117 = tpu.memref_slice %arg8[%add3A_112, %dma_wait3A_116] : memref<160x128xi32, #tpu.memory_space<vmem>> -> memref<1x128xi32, #tpu.memory_space<vmem>>
      %dma_wait3A_118 = tpu.memref_squeeze %dma_wait3A_117 : memref<1x128xi32, #tpu.memory_space<vmem>> -> memref<128xi32, #tpu.memory_space<vmem>>
      %dma_wait3A_119 = arith.constant 0 : i32
      %dma_wait3A_120 = arith.constant 0 : i32
      %dma_wait3A_121 = tpu.memref_slice %arg2[%dma_wait3A_119, %dma_wait3A_120] : memref<20000x64xf32, #tpu.memory_space<hbm>> -> memref<20000x64xf32, #tpu.memory_space<hbm>>
      tpu.wait_indirect_dma semaphore(%arg18 : memref<!tpu.dma_semaphore, #tpu.memory_space<semaphore_mem>>) src(%dma_wait3A_121 : memref<20000x64xf32, #tpu.memory_space<hbm>>) dst(%arg11 : memref<128x64xf32, #tpu.memory_space<vmem>>)
      %dma_wait3A_122 = arith.constant 0 : i32
      %dma_wait3A_123 = tpu.memref_slice %arg3[%dma_wait3A_122, %mul3A_115] : memref<8x327680xf32, #tpu.memory_space<hbm>> -> memref<8x128xf32, #tpu.memory_space<hbm>>
      %dma_wait3A_124 = arith.constant 0 : i32
      %dma_wait3A_125 = tpu.memref_slice %arg3[%dma_wait3A_124, %mul3A_115] : memref<8x327680xf32, #tpu.memory_space<hbm>> -> memref<8x128xf32, #tpu.memory_space<hbm>>
      tpu.wait_dma2 semaphore(%arg20 : memref<!tpu.dma_semaphore, #tpu.memory_space<semaphore_mem>>) src(%dma_wait3A_125 : memref<8x128xf32, #tpu.memory_space<hbm>>) dst(%arg13 : memref<8x128xf32, #tpu.memory_space<vmem>>)
      %ge3A_126 = arith.constant 2 : i32
      %ge3A_127 = arith.cmpi sge, %add3A_112, %ge3A_126 : i32
      %convert_element_type3A_128 = arith.extui %ge3A_127 : i1 to i32
      %cond3A_129 = arith.constant 0 : i32
      %cond3A_130 = arith.cmpi ne, %convert_element_type3A_128, %cond3A_129 : i32
      scf.if %cond3A_130 {
        %sub3A = arith.constant 2 : i32
        %sub3A_150 = arith.subi %add3A_112, %sub3A : i32
        %dma_wait3A_151 = arith.constant 0 : i32
        %dma_wait3A_152 = tpu.memref_slice %arg9[%sub3A_150, %dma_wait3A_151] : memref<160x128xi32, #tpu.memory_space<vmem>> -> memref<1x128xi32, #tpu.memory_space<vmem>>
        %dma_wait3A_153 = tpu.memref_squeeze %dma_wait3A_152 : memref<1x128xi32, #tpu.memory_space<vmem>> -> memref<128xi32, #tpu.memory_space<vmem>>
        %dma_wait3A_154 = arith.constant 0 : i32
        %dma_wait3A_155 = arith.constant 0 : i32
        %dma_wait3A_156 = tpu.memref_slice %arg16[%dma_wait3A_154, %dma_wait3A_155] : memref<10000x80xf32, #tpu.memory_space<vmem_shared>> -> memref<10000x80xf32, #tpu.memory_space<vmem_shared>>
        tpu.wait_indirect_dma semaphore(%arg22 : memref<!tpu.dma_semaphore, #tpu.memory_space<semaphore_mem>>) src(%arg15 : memref<128x80xf32, #tpu.memory_space<vmem>>) dst(%dma_wait3A_156 : memref<10000x80xf32, #tpu.memory_space<vmem_shared>>)
      } else {
      }
      %scan3A_131 = arith.constant 0 : i32
      %scan3A_132 = arith.constant 0 : i32
      %scan3A_133 = arith.constant 8 : i32
      %scan3A_134 = arith.addi %scan3A_132, %scan3A_133 : i32
      %scan3A_135 = arith.constant 1 : i32
      scf.for %scan3A_150 = %scan3A_132 to %scan3A_134 step %scan3A_135  : i32 {
        %add3A_151 = arith.constant 0 : i32
        %add3A_152 = arith.addi %mul3A_22, %add3A_151 : i32
        %mul3A_153 = arith.constant 16 : i32
        %mul3A_154 = arith.muli %scan3A_150, %mul3A_153 : i32
        %get3A = arith.index_cast %add3A_152 : i32 to index
        %get3A_155 = arith.index_cast %mul3A_154 : i32 to index
        %get3A_156 = tpu.vector_load %arg13[%get3A, %get3A_155] {strides = array<i32>} : memref<8x128xf32, #tpu.memory_space<vmem>>, vector<1x16xf32>,
        %get3A_157 = vector.shape_cast %get3A_156 : vector<1x16xf32> to vector<16xf32>
        %add3A_158 = arith.constant 1 : i32
        %add3A_159 = arith.addi %mul3A_22, %add3A_158 : i32
        %mul3A_160 = arith.constant 16 : i32
        %mul3A_161 = arith.muli %scan3A_150, %mul3A_160 : i32
        %get3A_162 = arith.index_cast %add3A_159 : i32 to index
        %get3A_163 = arith.index_cast %mul3A_161 : i32 to index
        %get3A_164 = tpu.vector_load %arg13[%get3A_162, %get3A_163] {strides = array<i32>} : memref<8x128xf32, #tpu.memory_space<vmem>>, vector<1x16xf32>,
        %get3A_165 = vector.shape_cast %get3A_164 : vector<1x16xf32> to vector<16xf32>
        %add3A_166 = arith.constant 2 : i32
        %add3A_167 = arith.addi %mul3A_22, %add3A_166 : i32
        %mul3A_168 = arith.constant 16 : i32
        %mul3A_169 = arith.muli %scan3A_150, %mul3A_168 : i32
        %get3A_170 = arith.index_cast %add3A_167 : i32 to index
        %get3A_171 = arith.index_cast %mul3A_169 : i32 to index
        %get3A_172 = tpu.vector_load %arg13[%get3A_170, %get3A_171] {strides = array<i32>} : memref<8x128xf32, #tpu.memory_space<vmem>>, vector<1x16xf32>,
        %get3A_173 = vector.shape_cast %get3A_172 : vector<1x16xf32> to vector<16xf32>
        %add3A_174 = arith.constant 3 : i32
        %add3A_175 = arith.addi %mul3A_22, %add3A_174 : i32
        %mul3A_176 = arith.constant 16 : i32
        %mul3A_177 = arith.muli %scan3A_150, %mul3A_176 : i32
        %get3A_178 = arith.index_cast %add3A_175 : i32 to index
        %get3A_179 = arith.index_cast %mul3A_177 : i32 to index
        %get3A_180 = tpu.vector_load %arg13[%get3A_178, %get3A_179] {strides = array<i32>} : memref<8x128xf32, #tpu.memory_space<vmem>>, vector<1x16xf32>,
        %get3A_181 = vector.shape_cast %get3A_180 : vector<1x16xf32> to vector<16xf32>
        %scan3A_182 = arith.constant 0 : i32
        %scan3A_183 = arith.constant 0 : i32
        %scan3A_184 = arith.constant 16 : i32
        %scan3A_185 = arith.addi %scan3A_183, %scan3A_184 : i32
        %scan3A_186 = arith.constant 1 : i32
        scf.for %scan3A_188 = %scan3A_183 to %scan3A_185 step %scan3A_186  : i32 {
          %mul3A_189 = arith.constant 16 : i32
          %mul3A_190 = arith.muli %scan3A_150, %mul3A_189 : i32
          %add3A_191 = arith.addi %mul3A_190, %scan3A_188 : i32
          %reshape3A = vector.broadcast %scan3A_188 : i32 to vector<1x1xi32>
          %broadcast_in_dim3A = vector.shape_cast %reshape3A : vector<1x1xi32> to vector<1x1xi32>
          %broadcast_in_dim3A_192 = vector.broadcast %broadcast_in_dim3A : vector<1x1xi32> to vector<16x1xi32>
          %gather3A = vector.shape_cast %broadcast_in_dim3A_192 : vector<16x1xi32> to vector<16xi32>
          %gather3A_193 = tpu.dynamic_gather %get3A_157[%gather3A] in [0] : vector<16xf32>, vector<16xi32> -> vector<16xf32>
          %get3A_194 = arith.index_cast %add3A_191 : i32 to index
          %get3A_195 = arith.constant 0 : index
          %get3A_196 = tpu.vector_load %arg11[%get3A_194, %get3A_195] {strides = array<i32>} : memref<128x64xf32, #tpu.memory_space<vmem>>, vector<1x16xf32>,
          %get3A_197 = vector.shape_cast %get3A_196 : vector<1x16xf32> to vector<16xf32>
          %mul3A_198 = arith.mulf %get3A_197, %gather3A_193 : vector<16xf32>
          %swap3A = arith.index_cast %add3A_191 : i32 to index
          %swap3A_199 = arith.constant 0 : index
          %swap3A_200 = tpu.vector_load %arg15[%swap3A, %swap3A_199] {strides = array<i32>} : memref<128x80xf32, #tpu.memory_space<vmem>>, vector<1x16xf32>,
          %swap3A_201 = vector.shape_cast %swap3A_200 : vector<1x16xf32> to vector<16xf32>
          %swap3A_202 = vector.shape_cast %mul3A_198 : vector<16xf32> to vector<1x16xf32>
          tpu.vector_store %arg15[%swap3A, %swap3A_199], %swap3A_202 {strides = array<i32>} : memref<128x80xf32, #tpu.memory_space<vmem>>, vector<1x16xf32>,
          %jit3A = arith.constant 0.000000e+00 : f32
          %broadcast_in_dim3A_203 = vector.broadcast %jit3A : f32 to vector<16xf32>
          %select_n3A = arith.select %eq3A_11, %gather3A_193, %broadcast_in_dim3A_203 : vector<16xi1>, vector<16xf32>
          %reshape3A_204 = vector.broadcast %scan3A_188 : i32 to vector<1x1xi32>
          %broadcast_in_dim3A_205 = vector.shape_cast %reshape3A_204 : vector<1x1xi32> to vector<1x1xi32>
          %broadcast_in_dim3A_206 = vector.broadcast %broadcast_in_dim3A_205 : vector<1x1xi32> to vector<16x1xi32>
          %gather3A_207 = vector.shape_cast %broadcast_in_dim3A_206 : vector<16x1xi32> to vector<16xi32>
          %gather3A_208 = tpu.dynamic_gather %get3A_165[%gather3A_207] in [0] : vector<16xf32>, vector<16xi32> -> vector<16xf32>
          %get3A_209 = arith.index_cast %add3A_191 : i32 to index
          %get3A_210 = arith.constant 16 : index
          %get3A_211 = tpu.vector_load %arg11[%get3A_209, %get3A_210] {strides = array<i32>} : memref<128x64xf32, #tpu.memory_space<vmem>>, vector<1x16xf32>,
          %get3A_212 = vector.shape_cast %get3A_211 : vector<1x16xf32> to vector<16xf32>
          %mul3A_213 = arith.mulf %get3A_212, %gather3A_208 : vector<16xf32>
          %swap3A_214 = arith.index_cast %add3A_191 : i32 to index
          %swap3A_215 = arith.constant 16 : index
          %swap3A_216 = tpu.vector_load %arg15[%swap3A_214, %swap3A_215] {strides = array<i32>} : memref<128x80xf32, #tpu.memory_space<vmem>>, vector<1x16xf32>,
          %swap3A_217 = vector.shape_cast %swap3A_216 : vector<1x16xf32> to vector<16xf32>
          %swap3A_218 = vector.shape_cast %mul3A_213 : vector<16xf32> to vector<1x16xf32>
          tpu.vector_store %arg15[%swap3A_214, %swap3A_215], %swap3A_218 {strides = array<i32>} : memref<128x80xf32, #tpu.memory_space<vmem>>, vector<1x16xf32>,
          %select_n3A_219 = arith.select %eq3A_14, %gather3A_208, %select_n3A : vector<16xi1>, vector<16xf32>
          %reshape3A_220 = vector.broadcast %scan3A_188 : i32 to vector<1x1xi32>
          %broadcast_in_dim3A_221 = vector.shape_cast %reshape3A_220 : vector<1x1xi32> to vector<1x1xi32>
          %broadcast_in_dim3A_222 = vector.broadcast %broadcast_in_dim3A_221 : vector<1x1xi32> to vector<16x1xi32>
          %gather3A_223 = vector.shape_cast %broadcast_in_dim3A_222 : vector<16x1xi32> to vector<16xi32>
          %gather3A_224 = tpu.dynamic_gather %get3A_173[%gather3A_223] in [0] : vector<16xf32>, vector<16xi32> -> vector<16xf32>
          %get3A_225 = arith.index_cast %add3A_191 : i32 to index
          %get3A_226 = arith.constant 32 : index
          %get3A_227 = tpu.vector_load %arg11[%get3A_225, %get3A_226] {strides = array<i32>} : memref<128x64xf32, #tpu.memory_space<vmem>>, vector<1x16xf32>,
          %get3A_228 = vector.shape_cast %get3A_227 : vector<1x16xf32> to vector<16xf32>
          %mul3A_229 = arith.mulf %get3A_228, %gather3A_224 : vector<16xf32>
          %swap3A_230 = arith.index_cast %add3A_191 : i32 to index
          %swap3A_231 = arith.constant 32 : index
          %swap3A_232 = tpu.vector_load %arg15[%swap3A_230, %swap3A_231] {strides = array<i32>} : memref<128x80xf32, #tpu.memory_space<vmem>>, vector<1x16xf32>,
          %swap3A_233 = vector.shape_cast %swap3A_232 : vector<1x16xf32> to vector<16xf32>
          %swap3A_234 = vector.shape_cast %mul3A_229 : vector<16xf32> to vector<1x16xf32>
          tpu.vector_store %arg15[%swap3A_230, %swap3A_231], %swap3A_234 {strides = array<i32>} : memref<128x80xf32, #tpu.memory_space<vmem>>, vector<1x16xf32>,
          %select_n3A_235 = arith.select %eq3A_17, %gather3A_224, %select_n3A_219 : vector<16xi1>, vector<16xf32>
          %reshape3A_236 = vector.broadcast %scan3A_188 : i32 to vector<1x1xi32>
          %broadcast_in_dim3A_237 = vector.shape_cast %reshape3A_236 : vector<1x1xi32> to vector<1x1xi32>
          %broadcast_in_dim3A_238 = vector.broadcast %broadcast_in_dim3A_237 : vector<1x1xi32> to vector<16x1xi32>
          %gather3A_239 = vector.shape_cast %broadcast_in_dim3A_238 : vector<16x1xi32> to vector<16xi32>
          %gather3A_240 = tpu.dynamic_gather %get3A_181[%gather3A_239] in [0] : vector<16xf32>, vector<16xi32> -> vector<16xf32>
          %get3A_241 = arith.index_cast %add3A_191 : i32 to index
          %get3A_242 = arith.constant 48 : index
          %get3A_243 = tpu.vector_load %arg11[%get3A_241, %get3A_242] {strides = array<i32>} : memref<128x64xf32, #tpu.memory_space<vmem>>, vector<1x16xf32>,
          %get3A_244 = vector.shape_cast %get3A_243 : vector<1x16xf32> to vector<16xf32>
          %mul3A_245 = arith.mulf %get3A_244, %gather3A_240 : vector<16xf32>
          %swap3A_246 = arith.index_cast %add3A_191 : i32 to index
          %swap3A_247 = arith.constant 48 : index
          %swap3A_248 = tpu.vector_load %arg15[%swap3A_246, %swap3A_247] {strides = array<i32>} : memref<128x80xf32, #tpu.memory_space<vmem>>, vector<1x16xf32>,
          %swap3A_249 = vector.shape_cast %swap3A_248 : vector<1x16xf32> to vector<16xf32>
          %swap3A_250 = vector.shape_cast %mul3A_245 : vector<16xf32> to vector<1x16xf32>
          tpu.vector_store %arg15[%swap3A_246, %swap3A_247], %swap3A_250 {strides = array<i32>} : memref<128x80xf32, #tpu.memory_space<vmem>>, vector<1x16xf32>,
          %select_n3A_251 = arith.select %eq3A_20, %gather3A_240, %select_n3A_235 : vector<16xi1>, vector<16xf32>
          %swap3A_252 = arith.index_cast %add3A_191 : i32 to index
          %swap3A_253 = arith.constant 64 : index
          %swap3A_254 = tpu.vector_load %arg15[%swap3A_252, %swap3A_253] {strides = array<i32>} : memref<128x80xf32, #tpu.memory_space<vmem>>, vector<1x16xf32>,
          %swap3A_255 = vector.shape_cast %swap3A_254 : vector<1x16xf32> to vector<16xf32>
          %swap3A_256 = vector.shape_cast %select_n3A_251 : vector<16xf32> to vector<1x16xf32>
          tpu.vector_store %arg15[%swap3A_252, %swap3A_253], %swap3A_256 {strides = array<i32>} : memref<128x80xf32, #tpu.memory_space<vmem>>, vector<1x16xf32>,
        }
        %scan3A_187 = arith.constant 16 : i32
      }
      %scan3A_136 = arith.constant 8 : i32
      %dma_start3A_137 = arith.constant 0 : i32
      %dma_start3A_138 = tpu.memref_slice %arg9[%add3A_112, %dma_start3A_137] : memref<160x128xi32, #tpu.memory_space<vmem>> -> memref<1x128xi32, #tpu.memory_space<vmem>>
      %dma_start3A_139 = tpu.memref_squeeze %dma_start3A_138 : memref<1x128xi32, #tpu.memory_space<vmem>> -> memref<128xi32, #tpu.memory_space<vmem>>
      %dma_start3A_140 = arith.constant 0 : i32
      %dma_start3A_141 = arith.constant 0 : i32
      %dma_start3A_142 = tpu.memref_slice %arg16[%dma_start3A_140, %dma_start3A_141] : memref<10000x80xf32, #tpu.memory_space<vmem_shared>> -> memref<10000x80xf32, #tpu.memory_space<vmem_shared>>
      tpu.enqueue_indirect_dma source(%arg15 : memref<128x80xf32, #tpu.memory_space<vmem>>) target(%dma_start3A_142 : memref<10000x80xf32, #tpu.memory_space<vmem_shared>>) offsets(%dma_start3A_139 : memref<128xi32, #tpu.memory_space<vmem>>) semaphore(%arg22 : memref<!tpu.dma_semaphore, #tpu.memory_space<semaphore_mem>>) {add = true}
      %add3A_143 = arith.constant 2 : i32
      %add3A_144 = arith.addi %add3A_112, %add3A_143 : i32
      %lt3A_145 = arith.constant 160 : i32
      %lt3A_146 = arith.cmpi slt, %add3A_144, %lt3A_145 : i32
      %convert_element_type3A_147 = arith.extui %lt3A_146 : i1 to i32
      %cond3A_148 = arith.constant 0 : i32
      %cond3A_149 = arith.cmpi ne, %convert_element_type3A_147, %cond3A_148 : i32
      scf.if %cond3A_149 {
        %add3A_150 = arith.constant 2 : i32
        %add3A_151 = arith.addi %add3A_112, %add3A_150 : i32
        %add3A_152 = arith.addi %mul3A_2, %add3A_151 : i32
        %mul3A_153 = arith.constant 128 : i32
        %mul3A_154 = arith.muli %add3A_152, %mul3A_153 : i32
        %dma_start3A_155 = arith.constant 0 : i32
        %dma_start3A_156 = tpu.memref_slice %arg8[%add3A_151, %dma_start3A_155] : memref<160x128xi32, #tpu.memory_space<vmem>> -> memref<1x128xi32, #tpu.memory_space<vmem>>
        %dma_start3A_157 = tpu.memref_squeeze %dma_start3A_156 : memref<1x128xi32, #tpu.memory_space<vmem>> -> memref<128xi32, #tpu.memory_space<vmem>>
        %dma_start3A_158 = arith.constant 0 : i32
        %dma_start3A_159 = arith.constant 0 : i32
        %dma_start3A_160 = tpu.memref_slice %arg2[%dma_start3A_158, %dma_start3A_159] : memref<20000x64xf32, #tpu.memory_space<hbm>> -> memref<20000x64xf32, #tpu.memory_space<hbm>>
        tpu.enqueue_indirect_dma source(%dma_start3A_160 : memref<20000x64xf32, #tpu.memory_space<hbm>>) target(%arg11 : memref<128x64xf32, #tpu.memory_space<vmem>>) offsets(%dma_start3A_157 : memref<128xi32, #tpu.memory_space<vmem>>) semaphore(%arg18 : memref<!tpu.dma_semaphore, #tpu.memory_space<semaphore_mem>>)
        %dma_start3A_161 = arith.constant 0 : i32
        %dma_start3A_162 = tpu.memref_slice %arg3[%dma_start3A_161, %mul3A_154] : memref<8x327680xf32, #tpu.memory_space<hbm>> -> memref<8x128xf32, #tpu.memory_space<hbm>>
        %dma_start3A_163 = arith.constant 0 : i32
        %dma_start3A_164 = tpu.memref_slice %arg3[%dma_start3A_163, %mul3A_154] : memref<8x327680xf32, #tpu.memory_space<hbm>> -> memref<8x128xf32, #tpu.memory_space<hbm>>
        tpu.enqueue_dma source(%dma_start3A_164 : memref<8x128xf32, #tpu.memory_space<hbm>>) target(%arg13 : memref<8x128xf32, #tpu.memory_space<vmem>>) target_semaphore(%arg20 : memref<!tpu.dma_semaphore, #tpu.memory_space<semaphore_mem>>)
      } else {
      }
    }
    %scan3A_56 = arith.constant 80 : i32
    %dma_wait3A = arith.constant 158 : i32
    %dma_wait3A_57 = arith.constant 0 : i32
    %dma_wait3A_58 = tpu.memref_slice %arg9[%dma_wait3A, %dma_wait3A_57] : memref<160x128xi32, #tpu.memory_space<vmem>> -> memref<1x128xi32, #tpu.memory_space<vmem>>
    %dma_wait3A_59 = tpu.memref_squeeze %dma_wait3A_58 : memref<1x128xi32, #tpu.memory_space<vmem>> -> memref<128xi32, #tpu.memory_space<vmem>>
    %dma_wait3A_60 = arith.constant 0 : i32
    %dma_wait3A_61 = arith.constant 0 : i32
    %dma_wait3A_62 = tpu.memref_slice %arg16[%dma_wait3A_60, %dma_wait3A_61] : memref<10000x80xf32, #tpu.memory_space<vmem_shared>> -> memref<10000x80xf32, #tpu.memory_space<vmem_shared>>
    tpu.wait_indirect_dma semaphore(%arg21 : memref<!tpu.dma_semaphore, #tpu.memory_space<semaphore_mem>>) src(%arg14 : memref<128x80xf32, #tpu.memory_space<vmem>>) dst(%dma_wait3A_62 : memref<10000x80xf32, #tpu.memory_space<vmem_shared>>)
    %dma_wait3A_63 = arith.constant 159 : i32
    %dma_wait3A_64 = arith.constant 0 : i32
    %dma_wait3A_65 = tpu.memref_slice %arg9[%dma_wait3A_63, %dma_wait3A_64] : memref<160x128xi32, #tpu.memory_space<vmem>> -> memref<1x128xi32, #tpu.memory_space<vmem>>
    %dma_wait3A_66 = tpu.memref_squeeze %dma_wait3A_65 : memref<1x128xi32, #tpu.memory_space<vmem>> -> memref<128xi32, #tpu.memory_space<vmem>>
    %dma_wait3A_67 = arith.constant 0 : i32
    %dma_wait3A_68 = arith.constant 0 : i32
    %dma_wait3A_69 = tpu.memref_slice %arg16[%dma_wait3A_67, %dma_wait3A_68] : memref<10000x80xf32, #tpu.memory_space<vmem_shared>> -> memref<10000x80xf32, #tpu.memory_space<vmem_shared>>
    tpu.wait_indirect_dma semaphore(%arg22 : memref<!tpu.dma_semaphore, #tpu.memory_space<semaphore_mem>>) src(%arg15 : memref<128x80xf32, #tpu.memory_space<vmem>>) dst(%dma_wait3A_69 : memref<10000x80xf32, #tpu.memory_space<vmem_shared>>)
    %barrier3A_70 = arith.constant 0 : index
    tpu.barrier barrier_id(%barrier3A_70)
    "tpu.region"() ({
      %run_scoped3A = tpu.sem_alloc : memref<!tpu.dma_semaphore, #tpu.memory_space<semaphore_mem>>
      %dma_start3A_71 = arith.constant 0 : i32
      %dma_start3A_72 = tpu.memref_slice %arg7[%arg0, %mul3A_0, %dma_start3A_71] : memref<2x10000x80xf32, #tpu.memory_space<hbm>> -> memref<1x625x80xf32, #tpu.memory_space<hbm>>
      %dma_start3A_73 = tpu.memref_squeeze %dma_start3A_72 : memref<1x625x80xf32, #tpu.memory_space<hbm>> -> memref<625x80xf32, #tpu.memory_space<hbm>>
      %dma_start3A_74 = arith.constant 0 : i32
      %dma_start3A_75 = tpu.memref_slice %arg16[%mul3A_0, %dma_start3A_74] : memref<10000x80xf32, #tpu.memory_space<vmem_shared>> -> memref<625x80xf32, #tpu.memory_space<vmem_shared>>
      tpu.enqueue_dma source(%dma_start3A_75 : memref<625x80xf32, #tpu.memory_space<vmem_shared>>) target(%dma_start3A_73 : memref<625x80xf32, #tpu.memory_space<hbm>>) target_semaphore(%run_scoped3A : memref<!tpu.dma_semaphore, #tpu.memory_space<semaphore_mem>>)
      %dma_wait3A_76 = arith.constant 0 : i32
      %dma_wait3A_77 = tpu.memref_slice %arg7[%arg0, %mul3A_0, %dma_wait3A_76] : memref<2x10000x80xf32, #tpu.memory_space<hbm>> -> memref<1x625x80xf32, #tpu.memory_space<hbm>>
      %dma_wait3A_78 = tpu.memref_squeeze %dma_wait3A_77 : memref<1x625x80xf32, #tpu.memory_space<hbm>> -> memref<625x80xf32, #tpu.memory_space<hbm>>
      %dma_wait3A_79 = arith.constant 0 : i32
      %dma_wait3A_80 = tpu.memref_slice %arg16[%mul3A_0, %dma_wait3A_79] : memref<10000x80xf32, #tpu.memory_space<vmem_shared>> -> memref<625x80xf32, #tpu.memory_space<vmem_shared>>
      tpu.wait_dma2 semaphore(%run_scoped3A : memref<!tpu.dma_semaphore, #tpu.memory_space<semaphore_mem>>) src(%dma_wait3A_80 : memref<625x80xf32, #tpu.memory_space<vmem_shared>>) dst(%dma_wait3A_78 : memref<625x80xf32, #tpu.memory_space<hbm>>)
      tpu.yield
    }) : () -> ()
    return
  }
}

#map = affine_map<(d0, d1) -> (0, 0)>
module attributes {stable_mosaic.version = 14 : i64} {
  func.func @_gsum_body(%arg0: i32, %arg1: i32, %arg2: memref<10000x64xf32, #tpu.memory_space<hbm>>, %arg3: memref<10000x64xf32, #tpu.memory_space<hbm>>, %arg4: memref<2560x128xi32, #tpu.memory_space<hbm>>, %arg5: memref<2560x128xi32, #tpu.memory_space<hbm>>, %arg6: memref<327680x64xf32, #tpu.memory_space<hbm>>, %arg7: memref<80x128xi32, #tpu.memory_space<vmem>>, %arg8: memref<80x128xi32, #tpu.memory_space<vmem>>, %arg9: memref<256x64xf32, #tpu.memory_space<vmem>>, %arg10: memref<256x64xf32, #tpu.memory_space<vmem>>, %arg11: memref<256x64xf32, #tpu.memory_space<vmem>>, %arg12: memref<256x64xf32, #tpu.memory_space<vmem>>, %arg13: memref<256x64xf32, #tpu.memory_space<vmem>>, %arg14: memref<256x64xf32, #tpu.memory_space<vmem>>, %arg15: memref<!tpu.dma_semaphore, #tpu.memory_space<semaphore_mem>>, %arg16: memref<!tpu.dma_semaphore, #tpu.memory_space<semaphore_mem>>, %arg17: memref<!tpu.dma_semaphore, #tpu.memory_space<semaphore_mem>>, %arg18: memref<!tpu.dma_semaphore, #tpu.memory_space<semaphore_mem>>) attributes {dimension_semantics = [#tpu.dimension_semantics<core_parallel>, #tpu.dimension_semantics<subcore_parallel>], iteration_bounds = array<i64: 2, 16>, scalar_prefetch = 0 : i64, scratch_operands = 12 : i64, tpu.core_type = #tpu.core_type<sc_vector_subcore>, window_params = [{transform_indices = #map}, {transform_indices = #map}, {transform_indices = #map}, {transform_indices = #map}, {transform_indices = #map}]} {
    %mul3A = arith.constant 2 : i32
    %mul3A_0 = arith.muli %arg1, %mul3A : i32
    %add3A = arith.addi %mul3A_0, %arg0 : i32
    %mul3A_1 = arith.constant 80 : i32
    %mul3A_2 = arith.muli %add3A, %mul3A_1 : i32
    "tpu.region"() ({
      %run_scoped3A = tpu.sem_alloc : memref<!tpu.dma_semaphore, #tpu.memory_space<semaphore_mem>>
      %dma_start3A_102 = arith.constant 0 : i32
      %dma_start3A_103 = tpu.memref_slice %arg4[%mul3A_2, %dma_start3A_102] : memref<2560x128xi32, #tpu.memory_space<hbm>> -> memref<80x128xi32, #tpu.memory_space<hbm>>
      %dma_start3A_104 = arith.constant 0 : i32
      %dma_start3A_105 = tpu.memref_slice %arg4[%mul3A_2, %dma_start3A_104] : memref<2560x128xi32, #tpu.memory_space<hbm>> -> memref<80x128xi32, #tpu.memory_space<hbm>>
      tpu.enqueue_dma source(%dma_start3A_105 : memref<80x128xi32, #tpu.memory_space<hbm>>) target(%arg7 : memref<80x128xi32, #tpu.memory_space<vmem>>) target_semaphore(%run_scoped3A : memref<!tpu.dma_semaphore, #tpu.memory_space<semaphore_mem>>)
      %dma_wait3A_106 = arith.constant 0 : i32
      %dma_wait3A_107 = tpu.memref_slice %arg4[%mul3A_2, %dma_wait3A_106] : memref<2560x128xi32, #tpu.memory_space<hbm>> -> memref<80x128xi32, #tpu.memory_space<hbm>>
      %dma_wait3A_108 = arith.constant 0 : i32
      %dma_wait3A_109 = tpu.memref_slice %arg4[%mul3A_2, %dma_wait3A_108] : memref<2560x128xi32, #tpu.memory_space<hbm>> -> memref<80x128xi32, #tpu.memory_space<hbm>>
      tpu.wait_dma2 semaphore(%run_scoped3A : memref<!tpu.dma_semaphore, #tpu.memory_space<semaphore_mem>>) src(%dma_wait3A_109 : memref<80x128xi32, #tpu.memory_space<hbm>>) dst(%arg7 : memref<80x128xi32, #tpu.memory_space<vmem>>)
      tpu.yield
    }) : () -> ()
    "tpu.region"() ({
      %run_scoped3A = tpu.sem_alloc : memref<!tpu.dma_semaphore, #tpu.memory_space<semaphore_mem>>
      %dma_start3A_102 = arith.constant 0 : i32
      %dma_start3A_103 = tpu.memref_slice %arg5[%mul3A_2, %dma_start3A_102] : memref<2560x128xi32, #tpu.memory_space<hbm>> -> memref<80x128xi32, #tpu.memory_space<hbm>>
      %dma_start3A_104 = arith.constant 0 : i32
      %dma_start3A_105 = tpu.memref_slice %arg5[%mul3A_2, %dma_start3A_104] : memref<2560x128xi32, #tpu.memory_space<hbm>> -> memref<80x128xi32, #tpu.memory_space<hbm>>
      tpu.enqueue_dma source(%dma_start3A_105 : memref<80x128xi32, #tpu.memory_space<hbm>>) target(%arg8 : memref<80x128xi32, #tpu.memory_space<vmem>>) target_semaphore(%run_scoped3A : memref<!tpu.dma_semaphore, #tpu.memory_space<semaphore_mem>>)
      %dma_wait3A_106 = arith.constant 0 : i32
      %dma_wait3A_107 = tpu.memref_slice %arg5[%mul3A_2, %dma_wait3A_106] : memref<2560x128xi32, #tpu.memory_space<hbm>> -> memref<80x128xi32, #tpu.memory_space<hbm>>
      %dma_wait3A_108 = arith.constant 0 : i32
      %dma_wait3A_109 = tpu.memref_slice %arg5[%mul3A_2, %dma_wait3A_108] : memref<2560x128xi32, #tpu.memory_space<hbm>> -> memref<80x128xi32, #tpu.memory_space<hbm>>
      tpu.wait_dma2 semaphore(%run_scoped3A : memref<!tpu.dma_semaphore, #tpu.memory_space<semaphore_mem>>) src(%dma_wait3A_109 : memref<80x128xi32, #tpu.memory_space<hbm>>) dst(%arg8 : memref<80x128xi32, #tpu.memory_space<vmem>>)
      tpu.yield
    }) : () -> ()
    %dma_start3A = arith.constant 0 : i32
    %dma_start3A_3 = arith.constant 0 : i32
    %dma_start3A_4 = arith.constant 0 : i32
    %dma_start3A_5 = tpu.memref_slice %arg9[%dma_start3A_3, %dma_start3A_4] : memref<256x64xf32, #tpu.memory_space<vmem>> -> memref<128x64xf32, #tpu.memory_space<vmem>>
    %dma_start3A_6 = arith.constant 0 : i32
    %dma_start3A_7 = tpu.memref_slice %arg7[%dma_start3A, %dma_start3A_6] : memref<80x128xi32, #tpu.memory_space<vmem>> -> memref<1x128xi32, #tpu.memory_space<vmem>>
    %dma_start3A_8 = tpu.memref_squeeze %dma_start3A_7 : memref<1x128xi32, #tpu.memory_space<vmem>> -> memref<128xi32, #tpu.memory_space<vmem>>
    %dma_start3A_9 = arith.constant 0 : i32
    %dma_start3A_10 = arith.constant 0 : i32
    %dma_start3A_11 = tpu.memref_slice %arg2[%dma_start3A_9, %dma_start3A_10] : memref<10000x64xf32, #tpu.memory_space<hbm>> -> memref<10000x64xf32, #tpu.memory_space<hbm>>
    tpu.enqueue_indirect_dma source(%dma_start3A_11 : memref<10000x64xf32, #tpu.memory_space<hbm>>) target(%dma_start3A_5 : memref<128x64xf32, #tpu.memory_space<vmem>>) offsets(%dma_start3A_8 : memref<128xi32, #tpu.memory_space<vmem>>) semaphore(%arg15 : memref<!tpu.dma_semaphore, #tpu.memory_space<semaphore_mem>>)
    %dma_start3A_12 = arith.constant 0 : i32
    %dma_start3A_13 = arith.constant 0 : i32
    %dma_start3A_14 = arith.constant 0 : i32
    %dma_start3A_15 = tpu.memref_slice %arg11[%dma_start3A_13, %dma_start3A_14] : memref<256x64xf32, #tpu.memory_space<vmem>> -> memref<128x64xf32, #tpu.memory_space<vmem>>
    %dma_start3A_16 = arith.constant 0 : i32
    %dma_start3A_17 = tpu.memref_slice %arg8[%dma_start3A_12, %dma_start3A_16] : memref<80x128xi32, #tpu.memory_space<vmem>> -> memref<1x128xi32, #tpu.memory_space<vmem>>
    %dma_start3A_18 = tpu.memref_squeeze %dma_start3A_17 : memref<1x128xi32, #tpu.memory_space<vmem>> -> memref<128xi32, #tpu.memory_space<vmem>>
    %dma_start3A_19 = arith.constant 0 : i32
    %dma_start3A_20 = arith.constant 0 : i32
    %dma_start3A_21 = tpu.memref_slice %arg3[%dma_start3A_19, %dma_start3A_20] : memref<10000x64xf32, #tpu.memory_space<hbm>> -> memref<10000x64xf32, #tpu.memory_space<hbm>>
    tpu.enqueue_indirect_dma source(%dma_start3A_21 : memref<10000x64xf32, #tpu.memory_space<hbm>>) target(%dma_start3A_15 : memref<128x64xf32, #tpu.memory_space<vmem>>) offsets(%dma_start3A_18 : memref<128xi32, #tpu.memory_space<vmem>>) semaphore(%arg15 : memref<!tpu.dma_semaphore, #tpu.memory_space<semaphore_mem>>)
    %dma_start3A_22 = arith.constant 1 : i32
    %dma_start3A_23 = arith.constant 128 : i32
    %dma_start3A_24 = arith.constant 0 : i32
    %dma_start3A_25 = tpu.memref_slice %arg9[%dma_start3A_23, %dma_start3A_24] : memref<256x64xf32, #tpu.memory_space<vmem>> -> memref<128x64xf32, #tpu.memory_space<vmem>>
    %dma_start3A_26 = arith.constant 0 : i32
    %dma_start3A_27 = tpu.memref_slice %arg7[%dma_start3A_22, %dma_start3A_26] : memref<80x128xi32, #tpu.memory_space<vmem>> -> memref<1x128xi32, #tpu.memory_space<vmem>>
    %dma_start3A_28 = tpu.memref_squeeze %dma_start3A_27 : memref<1x128xi32, #tpu.memory_space<vmem>> -> memref<128xi32, #tpu.memory_space<vmem>>
    %dma_start3A_29 = arith.constant 0 : i32
    %dma_start3A_30 = arith.constant 0 : i32
    %dma_start3A_31 = tpu.memref_slice %arg2[%dma_start3A_29, %dma_start3A_30] : memref<10000x64xf32, #tpu.memory_space<hbm>> -> memref<10000x64xf32, #tpu.memory_space<hbm>>
    tpu.enqueue_indirect_dma source(%dma_start3A_31 : memref<10000x64xf32, #tpu.memory_space<hbm>>) target(%dma_start3A_25 : memref<128x64xf32, #tpu.memory_space<vmem>>) offsets(%dma_start3A_28 : memref<128xi32, #tpu.memory_space<vmem>>) semaphore(%arg15 : memref<!tpu.dma_semaphore, #tpu.memory_space<semaphore_mem>>)
    %dma_start3A_32 = arith.constant 1 : i32
    %dma_start3A_33 = arith.constant 128 : i32
    %dma_start3A_34 = arith.constant 0 : i32
    %dma_start3A_35 = tpu.memref_slice %arg11[%dma_start3A_33, %dma_start3A_34] : memref<256x64xf32, #tpu.memory_space<vmem>> -> memref<128x64xf32, #tpu.memory_space<vmem>>
    %dma_start3A_36 = arith.constant 0 : i32
    %dma_start3A_37 = tpu.memref_slice %arg8[%dma_start3A_32, %dma_start3A_36] : memref<80x128xi32, #tpu.memory_space<vmem>> -> memref<1x128xi32, #tpu.memory_space<vmem>>
    %dma_start3A_38 = tpu.memref_squeeze %dma_start3A_37 : memref<1x128xi32, #tpu.memory_space<vmem>> -> memref<128xi32, #tpu.memory_space<vmem>>
    %dma_start3A_39 = arith.constant 0 : i32
    %dma_start3A_40 = arith.constant 0 : i32
    %dma_start3A_41 = tpu.memref_slice %arg3[%dma_start3A_39, %dma_start3A_40] : memref<10000x64xf32, #tpu.memory_space<hbm>> -> memref<10000x64xf32, #tpu.memory_space<hbm>>
    tpu.enqueue_indirect_dma source(%dma_start3A_41 : memref<10000x64xf32, #tpu.memory_space<hbm>>) target(%dma_start3A_35 : memref<128x64xf32, #tpu.memory_space<vmem>>) offsets(%dma_start3A_38 : memref<128xi32, #tpu.memory_space<vmem>>) semaphore(%arg15 : memref<!tpu.dma_semaphore, #tpu.memory_space<semaphore_mem>>)
    %dma_start3A_42 = arith.constant 2 : i32
    %dma_start3A_43 = arith.constant 0 : i32
    %dma_start3A_44 = arith.constant 0 : i32
    %dma_start3A_45 = tpu.memref_slice %arg10[%dma_start3A_43, %dma_start3A_44] : memref<256x64xf32, #tpu.memory_space<vmem>> -> memref<128x64xf32, #tpu.memory_space<vmem>>
    %dma_start3A_46 = arith.constant 0 : i32
    %dma_start3A_47 = tpu.memref_slice %arg7[%dma_start3A_42, %dma_start3A_46] : memref<80x128xi32, #tpu.memory_space<vmem>> -> memref<1x128xi32, #tpu.memory_space<vmem>>
    %dma_start3A_48 = tpu.memref_squeeze %dma_start3A_47 : memref<1x128xi32, #tpu.memory_space<vmem>> -> memref<128xi32, #tpu.memory_space<vmem>>
    %dma_start3A_49 = arith.constant 0 : i32
    %dma_start3A_50 = arith.constant 0 : i32
    %dma_start3A_51 = tpu.memref_slice %arg2[%dma_start3A_49, %dma_start3A_50] : memref<10000x64xf32, #tpu.memory_space<hbm>> -> memref<10000x64xf32, #tpu.memory_space<hbm>>
    tpu.enqueue_indirect_dma source(%dma_start3A_51 : memref<10000x64xf32, #tpu.memory_space<hbm>>) target(%dma_start3A_45 : memref<128x64xf32, #tpu.memory_space<vmem>>) offsets(%dma_start3A_48 : memref<128xi32, #tpu.memory_space<vmem>>) semaphore(%arg16 : memref<!tpu.dma_semaphore, #tpu.memory_space<semaphore_mem>>)
    %dma_start3A_52 = arith.constant 2 : i32
    %dma_start3A_53 = arith.constant 0 : i32
    %dma_start3A_54 = arith.constant 0 : i32
    %dma_start3A_55 = tpu.memref_slice %arg12[%dma_start3A_53, %dma_start3A_54] : memref<256x64xf32, #tpu.memory_space<vmem>> -> memref<128x64xf32, #tpu.memory_space<vmem>>
    %dma_start3A_56 = arith.constant 0 : i32
    %dma_start3A_57 = tpu.memref_slice %arg8[%dma_start3A_52, %dma_start3A_56] : memref<80x128xi32, #tpu.memory_space<vmem>> -> memref<1x128xi32, #tpu.memory_space<vmem>>
    %dma_start3A_58 = tpu.memref_squeeze %dma_start3A_57 : memref<1x128xi32, #tpu.memory_space<vmem>> -> memref<128xi32, #tpu.memory_space<vmem>>
    %dma_start3A_59 = arith.constant 0 : i32
    %dma_start3A_60 = arith.constant 0 : i32
    %dma_start3A_61 = tpu.memref_slice %arg3[%dma_start3A_59, %dma_start3A_60] : memref<10000x64xf32, #tpu.memory_space<hbm>> -> memref<10000x64xf32, #tpu.memory_space<hbm>>
    tpu.enqueue_indirect_dma source(%dma_start3A_61 : memref<10000x64xf32, #tpu.memory_space<hbm>>) target(%dma_start3A_55 : memref<128x64xf32, #tpu.memory_space<vmem>>) offsets(%dma_start3A_58 : memref<128xi32, #tpu.memory_space<vmem>>) semaphore(%arg16 : memref<!tpu.dma_semaphore, #tpu.memory_space<semaphore_mem>>)
    %dma_start3A_62 = arith.constant 3 : i32
    %dma_start3A_63 = arith.constant 128 : i32
    %dma_start3A_64 = arith.constant 0 : i32
    %dma_start3A_65 = tpu.memref_slice %arg10[%dma_start3A_63, %dma_start3A_64] : memref<256x64xf32, #tpu.memory_space<vmem>> -> memref<128x64xf32, #tpu.memory_space<vmem>>
    %dma_start3A_66 = arith.constant 0 : i32
    %dma_start3A_67 = tpu.memref_slice %arg7[%dma_start3A_62, %dma_start3A_66] : memref<80x128xi32, #tpu.memory_space<vmem>> -> memref<1x128xi32, #tpu.memory_space<vmem>>
    %dma_start3A_68 = tpu.memref_squeeze %dma_start3A_67 : memref<1x128xi32, #tpu.memory_space<vmem>> -> memref<128xi32, #tpu.memory_space<vmem>>
    %dma_start3A_69 = arith.constant 0 : i32
    %dma_start3A_70 = arith.constant 0 : i32
    %dma_start3A_71 = tpu.memref_slice %arg2[%dma_start3A_69, %dma_start3A_70] : memref<10000x64xf32, #tpu.memory_space<hbm>> -> memref<10000x64xf32, #tpu.memory_space<hbm>>
    tpu.enqueue_indirect_dma source(%dma_start3A_71 : memref<10000x64xf32, #tpu.memory_space<hbm>>) target(%dma_start3A_65 : memref<128x64xf32, #tpu.memory_space<vmem>>) offsets(%dma_start3A_68 : memref<128xi32, #tpu.memory_space<vmem>>) semaphore(%arg16 : memref<!tpu.dma_semaphore, #tpu.memory_space<semaphore_mem>>)
    %dma_start3A_72 = arith.constant 3 : i32
    %dma_start3A_73 = arith.constant 128 : i32
    %dma_start3A_74 = arith.constant 0 : i32
    %dma_start3A_75 = tpu.memref_slice %arg12[%dma_start3A_73, %dma_start3A_74] : memref<256x64xf32, #tpu.memory_space<vmem>> -> memref<128x64xf32, #tpu.memory_space<vmem>>
    %dma_start3A_76 = arith.constant 0 : i32
    %dma_start3A_77 = tpu.memref_slice %arg8[%dma_start3A_72, %dma_start3A_76] : memref<80x128xi32, #tpu.memory_space<vmem>> -> memref<1x128xi32, #tpu.memory_space<vmem>>
    %dma_start3A_78 = tpu.memref_squeeze %dma_start3A_77 : memref<1x128xi32, #tpu.memory_space<vmem>> -> memref<128xi32, #tpu.memory_space<vmem>>
    %dma_start3A_79 = arith.constant 0 : i32
    %dma_start3A_80 = arith.constant 0 : i32
    %dma_start3A_81 = tpu.memref_slice %arg3[%dma_start3A_79, %dma_start3A_80] : memref<10000x64xf32, #tpu.memory_space<hbm>> -> memref<10000x64xf32, #tpu.memory_space<hbm>>
    tpu.enqueue_indirect_dma source(%dma_start3A_81 : memref<10000x64xf32, #tpu.memory_space<hbm>>) target(%dma_start3A_75 : memref<128x64xf32, #tpu.memory_space<vmem>>) offsets(%dma_start3A_78 : memref<128xi32, #tpu.memory_space<vmem>>) semaphore(%arg16 : memref<!tpu.dma_semaphore, #tpu.memory_space<semaphore_mem>>)
    %scan3A = arith.constant 0 : i32
    %scan3A_82 = arith.constant 0 : i32
    %scan3A_83 = arith.constant 20 : i32
    %scan3A_84 = arith.addi %scan3A_82, %scan3A_83 : i32
    %scan3A_85 = arith.constant 1 : i32
    scf.for %scan3A_102 = %scan3A_82 to %scan3A_84 step %scan3A_85  : i32 {
      %mul3A_103 = arith.constant 2 : i32
      %mul3A_104 = arith.muli %mul3A_103, %scan3A_102 : i32
      %add3A_105 = arith.constant 0 : i32
      %add3A_106 = arith.addi %mul3A_104, %add3A_105 : i32
      %mul3A_107 = arith.constant 2 : i32
      %mul3A_108 = arith.muli %mul3A_107, %add3A_106 : i32
      %add3A_109 = arith.constant 0 : i32
      %add3A_110 = arith.addi %mul3A_108, %add3A_109 : i32
      %add3A_111 = arith.constant 0 : i32
      %add3A_112 = arith.addi %mul3A_108, %add3A_111 : i32
      %add3A_113 = arith.constant 1 : i32
      %add3A_114 = arith.addi %mul3A_108, %add3A_113 : i32
      %add3A_115 = arith.constant 1 : i32
      %add3A_116 = arith.addi %mul3A_108, %add3A_115 : i32
      %dma_wait3A_117 = arith.constant 0 : i32
      %dma_wait3A_118 = arith.constant 0 : i32
      %dma_wait3A_119 = tpu.memref_slice %arg9[%dma_wait3A_117, %dma_wait3A_118] : memref<256x64xf32, #tpu.memory_space<vmem>> -> memref<128x64xf32, #tpu.memory_space<vmem>>
      %dma_wait3A_120 = arith.constant 0 : i32
      %dma_wait3A_121 = tpu.memref_slice %arg7[%add3A_110, %dma_wait3A_120] : memref<80x128xi32, #tpu.memory_space<vmem>> -> memref<1x128xi32, #tpu.memory_space<vmem>>
      %dma_wait3A_122 = tpu.memref_squeeze %dma_wait3A_121 : memref<1x128xi32, #tpu.memory_space<vmem>> -> memref<128xi32, #tpu.memory_space<vmem>>
      %dma_wait3A_123 = arith.constant 0 : i32
      %dma_wait3A_124 = arith.constant 0 : i32
      %dma_wait3A_125 = tpu.memref_slice %arg2[%dma_wait3A_123, %dma_wait3A_124] : memref<10000x64xf32, #tpu.memory_space<hbm>> -> memref<10000x64xf32, #tpu.memory_space<hbm>>
      tpu.wait_indirect_dma semaphore(%arg15 : memref<!tpu.dma_semaphore, #tpu.memory_space<semaphore_mem>>) src(%dma_wait3A_125 : memref<10000x64xf32, #tpu.memory_space<hbm>>) dst(%dma_wait3A_119 : memref<128x64xf32, #tpu.memory_space<vmem>>)
      %dma_wait3A_126 = arith.constant 0 : i32
      %dma_wait3A_127 = arith.constant 0 : i32
      %dma_wait3A_128 = tpu.memref_slice %arg11[%dma_wait3A_126, %dma_wait3A_127] : memref<256x64xf32, #tpu.memory_space<vmem>> -> memref<128x64xf32, #tpu.memory_space<vmem>>
      %dma_wait3A_129 = arith.constant 0 : i32
      %dma_wait3A_130 = tpu.memref_slice %arg8[%add3A_112, %dma_wait3A_129] : memref<80x128xi32, #tpu.memory_space<vmem>> -> memref<1x128xi32, #tpu.memory_space<vmem>>
      %dma_wait3A_131 = tpu.memref_squeeze %dma_wait3A_130 : memref<1x128xi32, #tpu.memory_space<vmem>> -> memref<128xi32, #tpu.memory_space<vmem>>
      %dma_wait3A_132 = arith.constant 0 : i32
      %dma_wait3A_133 = arith.constant 0 : i32
      %dma_wait3A_134 = tpu.memref_slice %arg3[%dma_wait3A_132, %dma_wait3A_133] : memref<10000x64xf32, #tpu.memory_space<hbm>> -> memref<10000x64xf32, #tpu.memory_space<hbm>>
      tpu.wait_indirect_dma semaphore(%arg15 : memref<!tpu.dma_semaphore, #tpu.memory_space<semaphore_mem>>) src(%dma_wait3A_134 : memref<10000x64xf32, #tpu.memory_space<hbm>>) dst(%dma_wait3A_128 : memref<128x64xf32, #tpu.memory_space<vmem>>)
      %dma_wait3A_135 = arith.constant 128 : i32
      %dma_wait3A_136 = arith.constant 0 : i32
      %dma_wait3A_137 = tpu.memref_slice %arg9[%dma_wait3A_135, %dma_wait3A_136] : memref<256x64xf32, #tpu.memory_space<vmem>> -> memref<128x64xf32, #tpu.memory_space<vmem>>
      %dma_wait3A_138 = arith.constant 0 : i32
      %dma_wait3A_139 = tpu.memref_slice %arg7[%add3A_114, %dma_wait3A_138] : memref<80x128xi32, #tpu.memory_space<vmem>> -> memref<1x128xi32, #tpu.memory_space<vmem>>
      %dma_wait3A_140 = tpu.memref_squeeze %dma_wait3A_139 : memref<1x128xi32, #tpu.memory_space<vmem>> -> memref<128xi32, #tpu.memory_space<vmem>>
      %dma_wait3A_141 = arith.constant 0 : i32
      %dma_wait3A_142 = arith.constant 0 : i32
      %dma_wait3A_143 = tpu.memref_slice %arg2[%dma_wait3A_141, %dma_wait3A_142] : memref<10000x64xf32, #tpu.memory_space<hbm>> -> memref<10000x64xf32, #tpu.memory_space<hbm>>
      tpu.wait_indirect_dma semaphore(%arg15 : memref<!tpu.dma_semaphore, #tpu.memory_space<semaphore_mem>>) src(%dma_wait3A_143 : memref<10000x64xf32, #tpu.memory_space<hbm>>) dst(%dma_wait3A_137 : memref<128x64xf32, #tpu.memory_space<vmem>>)
      %dma_wait3A_144 = arith.constant 128 : i32
      %dma_wait3A_145 = arith.constant 0 : i32
      %dma_wait3A_146 = tpu.memref_slice %arg11[%dma_wait3A_144, %dma_wait3A_145] : memref<256x64xf32, #tpu.memory_space<vmem>> -> memref<128x64xf32, #tpu.memory_space<vmem>>
      %dma_wait3A_147 = arith.constant 0 : i32
      %dma_wait3A_148 = tpu.memref_slice %arg8[%add3A_116, %dma_wait3A_147] : memref<80x128xi32, #tpu.memory_space<vmem>> -> memref<1x128xi32, #tpu.memory_space<vmem>>
      %dma_wait3A_149 = tpu.memref_squeeze %dma_wait3A_148 : memref<1x128xi32, #tpu.memory_space<vmem>> -> memref<128xi32, #tpu.memory_space<vmem>>
      %dma_wait3A_150 = arith.constant 0 : i32
      %dma_wait3A_151 = arith.constant 0 : i32
      %dma_wait3A_152 = tpu.memref_slice %arg3[%dma_wait3A_150, %dma_wait3A_151] : memref<10000x64xf32, #tpu.memory_space<hbm>> -> memref<10000x64xf32, #tpu.memory_space<hbm>>
      tpu.wait_indirect_dma semaphore(%arg15 : memref<!tpu.dma_semaphore, #tpu.memory_space<semaphore_mem>>) src(%dma_wait3A_152 : memref<10000x64xf32, #tpu.memory_space<hbm>>) dst(%dma_wait3A_146 : memref<128x64xf32, #tpu.memory_space<vmem>>)
      %ge3A = arith.constant 2 : i32
      %ge3A_153 = arith.cmpi sge, %add3A_106, %ge3A : i32
      %convert_element_type3A = arith.extui %ge3A_153 : i1 to i32
      %cond3A = arith.constant 0 : i32
      %cond3A_154 = arith.cmpi ne, %convert_element_type3A, %cond3A : i32
      scf.if %cond3A_154 {
        %sub3A = arith.constant 2 : i32
        %sub3A_253 = arith.subi %add3A_106, %sub3A : i32
        %mul3A_254 = arith.constant 10240 : i32
        %mul3A_255 = arith.muli %add3A, %mul3A_254 : i32
        %mul3A_256 = arith.constant 256 : i32
        %mul3A_257 = arith.muli %sub3A_253, %mul3A_256 : i32
        %add3A_258 = arith.addi %mul3A_255, %mul3A_257 : i32
        %dma_wait3A_259 = arith.constant 0 : i32
        %dma_wait3A_260 = tpu.memref_slice %arg6[%add3A_258, %dma_wait3A_259] : memref<327680x64xf32, #tpu.memory_space<hbm>> -> memref<256x64xf32, #tpu.memory_space<hbm>>
        %dma_wait3A_261 = arith.constant 0 : i32
        %dma_wait3A_262 = tpu.memref_slice %arg6[%add3A_258, %dma_wait3A_261] : memref<327680x64xf32, #tpu.memory_space<hbm>> -> memref<256x64xf32, #tpu.memory_space<hbm>>
        tpu.wait_dma2 semaphore(%arg17 : memref<!tpu.dma_semaphore, #tpu.memory_space<semaphore_mem>>) src(%arg13 : memref<256x64xf32, #tpu.memory_space<vmem>>) dst(%dma_wait3A_262 : memref<256x64xf32, #tpu.memory_space<hbm>>)
      } else {
      }
      %scan3A_155 = arith.constant 0 : i32
      %scan3A_156 = arith.constant 0 : i32
      %scan3A_157 = arith.constant 256 : i32
      %scan3A_158 = arith.addi %scan3A_156, %scan3A_157 : i32
      %scan3A_159 = arith.constant 1 : i32
      scf.for %scan3A_253 = %scan3A_156 to %scan3A_158 step %scan3A_159  : i32 {
        %get3A = arith.index_cast %scan3A_253 : i32 to index
        %get3A_254 = arith.constant 0 : index
        %get3A_255 = tpu.vector_load %arg9[%get3A, %get3A_254] {strides = array<i32>} : memref<256x64xf32, #tpu.memory_space<vmem>>, vector<1x16xf32>,
        %get3A_256 = vector.shape_cast %get3A_255 : vector<1x16xf32> to vector<16xf32>
        %get3A_257 = arith.index_cast %scan3A_253 : i32 to index
        %get3A_258 = arith.constant 0 : index
        %get3A_259 = tpu.vector_load %arg11[%get3A_257, %get3A_258] {strides = array<i32>} : memref<256x64xf32, #tpu.memory_space<vmem>>, vector<1x16xf32>,
        %get3A_260 = vector.shape_cast %get3A_259 : vector<1x16xf32> to vector<16xf32>
        %add3A_261 = arith.addf %get3A_256, %get3A_260 : vector<16xf32>
        %swap3A = arith.index_cast %scan3A_253 : i32 to index
        %swap3A_262 = arith.constant 0 : index
        %swap3A_263 = tpu.vector_load %arg13[%swap3A, %swap3A_262] {strides = array<i32>} : memref<256x64xf32, #tpu.memory_space<vmem>>, vector<1x16xf32>,
        %swap3A_264 = vector.shape_cast %swap3A_263 : vector<1x16xf32> to vector<16xf32>
        %swap3A_265 = vector.shape_cast %add3A_261 : vector<16xf32> to vector<1x16xf32>
        tpu.vector_store %arg13[%swap3A, %swap3A_262], %swap3A_265 {strides = array<i32>} : memref<256x64xf32, #tpu.memory_space<vmem>>, vector<1x16xf32>,
        %get3A_266 = arith.index_cast %scan3A_253 : i32 to index
        %get3A_267 = arith.constant 16 : index
        %get3A_268 = tpu.vector_load %arg9[%get3A_266, %get3A_267] {strides = array<i32>} : memref<256x64xf32, #tpu.memory_space<vmem>>, vector<1x16xf32>,
        %get3A_269 = vector.shape_cast %get3A_268 : vector<1x16xf32> to vector<16xf32>
        %get3A_270 = arith.index_cast %scan3A_253 : i32 to index
        %get3A_271 = arith.constant 16 : index
        %get3A_272 = tpu.vector_load %arg11[%get3A_270, %get3A_271] {strides = array<i32>} : memref<256x64xf32, #tpu.memory_space<vmem>>, vector<1x16xf32>,
        %get3A_273 = vector.shape_cast %get3A_272 : vector<1x16xf32> to vector<16xf32>
        %add3A_274 = arith.addf %get3A_269, %get3A_273 : vector<16xf32>
        %swap3A_275 = arith.index_cast %scan3A_253 : i32 to index
        %swap3A_276 = arith.constant 16 : index
        %swap3A_277 = tpu.vector_load %arg13[%swap3A_275, %swap3A_276] {strides = array<i32>} : memref<256x64xf32, #tpu.memory_space<vmem>>, vector<1x16xf32>,
        %swap3A_278 = vector.shape_cast %swap3A_277 : vector<1x16xf32> to vector<16xf32>
        %swap3A_279 = vector.shape_cast %add3A_274 : vector<16xf32> to vector<1x16xf32>
        tpu.vector_store %arg13[%swap3A_275, %swap3A_276], %swap3A_279 {strides = array<i32>} : memref<256x64xf32, #tpu.memory_space<vmem>>, vector<1x16xf32>,
        %get3A_280 = arith.index_cast %scan3A_253 : i32 to index
        %get3A_281 = arith.constant 32 : index
        %get3A_282 = tpu.vector_load %arg9[%get3A_280, %get3A_281] {strides = array<i32>} : memref<256x64xf32, #tpu.memory_space<vmem>>, vector<1x16xf32>,
        %get3A_283 = vector.shape_cast %get3A_282 : vector<1x16xf32> to vector<16xf32>
        %get3A_284 = arith.index_cast %scan3A_253 : i32 to index
        %get3A_285 = arith.constant 32 : index
        %get3A_286 = tpu.vector_load %arg11[%get3A_284, %get3A_285] {strides = array<i32>} : memref<256x64xf32, #tpu.memory_space<vmem>>, vector<1x16xf32>,
        %get3A_287 = vector.shape_cast %get3A_286 : vector<1x16xf32> to vector<16xf32>
        %add3A_288 = arith.addf %get3A_283, %get3A_287 : vector<16xf32>
        %swap3A_289 = arith.index_cast %scan3A_253 : i32 to index
        %swap3A_290 = arith.constant 32 : index
        %swap3A_291 = tpu.vector_load %arg13[%swap3A_289, %swap3A_290] {strides = array<i32>} : memref<256x64xf32, #tpu.memory_space<vmem>>, vector<1x16xf32>,
        %swap3A_292 = vector.shape_cast %swap3A_291 : vector<1x16xf32> to vector<16xf32>
        %swap3A_293 = vector.shape_cast %add3A_288 : vector<16xf32> to vector<1x16xf32>
        tpu.vector_store %arg13[%swap3A_289, %swap3A_290], %swap3A_293 {strides = array<i32>} : memref<256x64xf32, #tpu.memory_space<vmem>>, vector<1x16xf32>,
        %get3A_294 = arith.index_cast %scan3A_253 : i32 to index
        %get3A_295 = arith.constant 48 : index
        %get3A_296 = tpu.vector_load %arg9[%get3A_294, %get3A_295] {strides = array<i32>} : memref<256x64xf32, #tpu.memory_space<vmem>>, vector<1x16xf32>,
        %get3A_297 = vector.shape_cast %get3A_296 : vector<1x16xf32> to vector<16xf32>
        %get3A_298 = arith.index_cast %scan3A_253 : i32 to index
        %get3A_299 = arith.constant 48 : index
        %get3A_300 = tpu.vector_load %arg11[%get3A_298, %get3A_299] {strides = array<i32>} : memref<256x64xf32, #tpu.memory_space<vmem>>, vector<1x16xf32>,
        %get3A_301 = vector.shape_cast %get3A_300 : vector<1x16xf32> to vector<16xf32>
        %add3A_302 = arith.addf %get3A_297, %get3A_301 : vector<16xf32>
        %swap3A_303 = arith.index_cast %scan3A_253 : i32 to index
        %swap3A_304 = arith.constant 48 : index
        %swap3A_305 = tpu.vector_load %arg13[%swap3A_303, %swap3A_304] {strides = array<i32>} : memref<256x64xf32, #tpu.memory_space<vmem>>, vector<1x16xf32>,
        %swap3A_306 = vector.shape_cast %swap3A_305 : vector<1x16xf32> to vector<16xf32>
        %swap3A_307 = vector.shape_cast %add3A_302 : vector<16xf32> to vector<1x16xf32>
        tpu.vector_store %arg13[%swap3A_303, %swap3A_304], %swap3A_307 {strides = array<i32>} : memref<256x64xf32, #tpu.memory_space<vmem>>, vector<1x16xf32>,
      }
      %scan3A_160 = arith.constant 256 : i32
      %mul3A_161 = arith.constant 10240 : i32
      %mul3A_162 = arith.muli %add3A, %mul3A_161 : i32
      %mul3A_163 = arith.constant 256 : i32
      %mul3A_164 = arith.muli %add3A_106, %mul3A_163 : i32
      %add3A_165 = arith.addi %mul3A_162, %mul3A_164 : i32
      %dma_start3A_166 = arith.constant 0 : i32
      %dma_start3A_167 = tpu.memref_slice %arg6[%add3A_165, %dma_start3A_166] : memref<327680x64xf32, #tpu.memory_space<hbm>> -> memref<256x64xf32, #tpu.memory_space<hbm>>
      %dma_start3A_168 = arith.constant 0 : i32
      %dma_start3A_169 = tpu.memref_slice %arg6[%add3A_165, %dma_start3A_168] : memref<327680x64xf32, #tpu.memory_space<hbm>> -> memref<256x64xf32, #tpu.memory_space<hbm>>
      tpu.enqueue_dma source(%arg13 : memref<256x64xf32, #tpu.memory_space<vmem>>) target(%dma_start3A_169 : memref<256x64xf32, #tpu.memory_space<hbm>>) target_semaphore(%arg17 : memref<!tpu.dma_semaphore, #tpu.memory_space<semaphore_mem>>)
      %add3A_170 = arith.constant 2 : i32
      %add3A_171 = arith.addi %add3A_106, %add3A_170 : i32
      %lt3A = arith.constant 40 : i32
      %lt3A_172 = arith.cmpi slt, %add3A_171, %lt3A : i32
      %convert_element_type3A_173 = arith.extui %lt3A_172 : i1 to i32
      %cond3A_174 = arith.constant 0 : i32
      %cond3A_175 = arith.cmpi ne, %convert_element_type3A_173, %cond3A_174 : i32
      scf.if %cond3A_175 {
        %add3A_253 = arith.constant 2 : i32
        %add3A_254 = arith.addi %add3A_106, %add3A_253 : i32
        %mul3A_255 = arith.constant 2 : i32
        %mul3A_256 = arith.muli %mul3A_255, %add3A_254 : i32
        %add3A_257 = arith.constant 0 : i32
        %add3A_258 = arith.addi %mul3A_256, %add3A_257 : i32
        %add3A_259 = arith.constant 0 : i32
        %add3A_260 = arith.addi %mul3A_256, %add3A_259 : i32
        %add3A_261 = arith.constant 1 : i32
        %add3A_262 = arith.addi %mul3A_256, %add3A_261 : i32
        %add3A_263 = arith.constant 1 : i32
        %add3A_264 = arith.addi %mul3A_256, %add3A_263 : i32
        %dma_start3A_265 = arith.constant 0 : i32
        %dma_start3A_266 = arith.constant 0 : i32
        %dma_start3A_267 = tpu.memref_slice %arg9[%dma_start3A_265, %dma_start3A_266] : memref<256x64xf32, #tpu.memory_space<vmem>> -> memref<128x64xf32, #tpu.memory_space<vmem>>
        %dma_start3A_268 = arith.constant 0 : i32
        %dma_start3A_269 = tpu.memref_slice %arg7[%add3A_258, %dma_start3A_268] : memref<80x128xi32, #tpu.memory_space<vmem>> -> memref<1x128xi32, #tpu.memory_space<vmem>>
        %dma_start3A_270 = tpu.memref_squeeze %dma_start3A_269 : memref<1x128xi32, #tpu.memory_space<vmem>> -> memref<128xi32, #tpu.memory_space<vmem>>
        %dma_start3A_271 = arith.constant 0 : i32
        %dma_start3A_272 = arith.constant 0 : i32
        %dma_start3A_273 = tpu.memref_slice %arg2[%dma_start3A_271, %dma_start3A_272] : memref<10000x64xf32, #tpu.memory_space<hbm>> -> memref<10000x64xf32, #tpu.memory_space<hbm>>
        tpu.enqueue_indirect_dma source(%dma_start3A_273 : memref<10000x64xf32, #tpu.memory_space<hbm>>) target(%dma_start3A_267 : memref<128x64xf32, #tpu.memory_space<vmem>>) offsets(%dma_start3A_270 : memref<128xi32, #tpu.memory_space<vmem>>) semaphore(%arg15 : memref<!tpu.dma_semaphore, #tpu.memory_space<semaphore_mem>>)
        %dma_start3A_274 = arith.constant 0 : i32
        %dma_start3A_275 = arith.constant 0 : i32
        %dma_start3A_276 = tpu.memref_slice %arg11[%dma_start3A_274, %dma_start3A_275] : memref<256x64xf32, #tpu.memory_space<vmem>> -> memref<128x64xf32, #tpu.memory_space<vmem>>
        %dma_start3A_277 = arith.constant 0 : i32
        %dma_start3A_278 = tpu.memref_slice %arg8[%add3A_260, %dma_start3A_277] : memref<80x128xi32, #tpu.memory_space<vmem>> -> memref<1x128xi32, #tpu.memory_space<vmem>>
        %dma_start3A_279 = tpu.memref_squeeze %dma_start3A_278 : memref<1x128xi32, #tpu.memory_space<vmem>> -> memref<128xi32, #tpu.memory_space<vmem>>
        %dma_start3A_280 = arith.constant 0 : i32
        %dma_start3A_281 = arith.constant 0 : i32
        %dma_start3A_282 = tpu.memref_slice %arg3[%dma_start3A_280, %dma_start3A_281] : memref<10000x64xf32, #tpu.memory_space<hbm>> -> memref<10000x64xf32, #tpu.memory_space<hbm>>
        tpu.enqueue_indirect_dma source(%dma_start3A_282 : memref<10000x64xf32, #tpu.memory_space<hbm>>) target(%dma_start3A_276 : memref<128x64xf32, #tpu.memory_space<vmem>>) offsets(%dma_start3A_279 : memref<128xi32, #tpu.memory_space<vmem>>) semaphore(%arg15 : memref<!tpu.dma_semaphore, #tpu.memory_space<semaphore_mem>>)
        %dma_start3A_283 = arith.constant 128 : i32
        %dma_start3A_284 = arith.constant 0 : i32
        %dma_start3A_285 = tpu.memref_slice %arg9[%dma_start3A_283, %dma_start3A_284] : memref<256x64xf32, #tpu.memory_space<vmem>> -> memref<128x64xf32, #tpu.memory_space<vmem>>
        %dma_start3A_286 = arith.constant 0 : i32
        %dma_start3A_287 = tpu.memref_slice %arg7[%add3A_262, %dma_start3A_286] : memref<80x128xi32, #tpu.memory_space<vmem>> -> memref<1x128xi32, #tpu.memory_space<vmem>>
        %dma_start3A_288 = tpu.memref_squeeze %dma_start3A_287 : memref<1x128xi32, #tpu.memory_space<vmem>> -> memref<128xi32, #tpu.memory_space<vmem>>
        %dma_start3A_289 = arith.constant 0 : i32
        %dma_start3A_290 = arith.constant 0 : i32
        %dma_start3A_291 = tpu.memref_slice %arg2[%dma_start3A_289, %dma_start3A_290] : memref<10000x64xf32, #tpu.memory_space<hbm>> -> memref<10000x64xf32, #tpu.memory_space<hbm>>
        tpu.enqueue_indirect_dma source(%dma_start3A_291 : memref<10000x64xf32, #tpu.memory_space<hbm>>) target(%dma_start3A_285 : memref<128x64xf32, #tpu.memory_space<vmem>>) offsets(%dma_start3A_288 : memref<128xi32, #tpu.memory_space<vmem>>) semaphore(%arg15 : memref<!tpu.dma_semaphore, #tpu.memory_space<semaphore_mem>>)
        %dma_start3A_292 = arith.constant 128 : i32
        %dma_start3A_293 = arith.constant 0 : i32
        %dma_start3A_294 = tpu.memref_slice %arg11[%dma_start3A_292, %dma_start3A_293] : memref<256x64xf32, #tpu.memory_space<vmem>> -> memref<128x64xf32, #tpu.memory_space<vmem>>
        %dma_start3A_295 = arith.constant 0 : i32
        %dma_start3A_296 = tpu.memref_slice %arg8[%add3A_264, %dma_start3A_295] : memref<80x128xi32, #tpu.memory_space<vmem>> -> memref<1x128xi32, #tpu.memory_space<vmem>>
        %dma_start3A_297 = tpu.memref_squeeze %dma_start3A_296 : memref<1x128xi32, #tpu.memory_space<vmem>> -> memref<128xi32, #tpu.memory_space<vmem>>
        %dma_start3A_298 = arith.constant 0 : i32
        %dma_start3A_299 = arith.constant 0 : i32
        %dma_start3A_300 = tpu.memref_slice %arg3[%dma_start3A_298, %dma_start3A_299] : memref<10000x64xf32, #tpu.memory_space<hbm>> -> memref<10000x64xf32, #tpu.memory_space<hbm>>
        tpu.enqueue_indirect_dma source(%dma_start3A_300 : memref<10000x64xf32, #tpu.memory_space<hbm>>) target(%dma_start3A_294 : memref<128x64xf32, #tpu.memory_space<vmem>>) offsets(%dma_start3A_297 : memref<128xi32, #tpu.memory_space<vmem>>) semaphore(%arg15 : memref<!tpu.dma_semaphore, #tpu.memory_space<semaphore_mem>>)
      } else {
      }
      %mul3A_176 = arith.constant 2 : i32
      %mul3A_177 = arith.muli %mul3A_176, %scan3A_102 : i32
      %add3A_178 = arith.constant 1 : i32
      %add3A_179 = arith.addi %mul3A_177, %add3A_178 : i32
      %mul3A_180 = arith.constant 2 : i32
      %mul3A_181 = arith.muli %mul3A_180, %add3A_179 : i32
      %add3A_182 = arith.constant 0 : i32
      %add3A_183 = arith.addi %mul3A_181, %add3A_182 : i32
      %add3A_184 = arith.constant 0 : i32
      %add3A_185 = arith.addi %mul3A_181, %add3A_184 : i32
      %add3A_186 = arith.constant 1 : i32
      %add3A_187 = arith.addi %mul3A_181, %add3A_186 : i32
      %add3A_188 = arith.constant 1 : i32
      %add3A_189 = arith.addi %mul3A_181, %add3A_188 : i32
      %dma_wait3A_190 = arith.constant 0 : i32
      %dma_wait3A_191 = arith.constant 0 : i32
      %dma_wait3A_192 = tpu.memref_slice %arg10[%dma_wait3A_190, %dma_wait3A_191] : memref<256x64xf32, #tpu.memory_space<vmem>> -> memref<128x64xf32, #tpu.memory_space<vmem>>
      %dma_wait3A_193 = arith.constant 0 : i32
      %dma_wait3A_194 = tpu.memref_slice %arg7[%add3A_183, %dma_wait3A_193] : memref<80x128xi32, #tpu.memory_space<vmem>> -> memref<1x128xi32, #tpu.memory_space<vmem>>
      %dma_wait3A_195 = tpu.memref_squeeze %dma_wait3A_194 : memref<1x128xi32, #tpu.memory_space<vmem>> -> memref<128xi32, #tpu.memory_space<vmem>>
      %dma_wait3A_196 = arith.constant 0 : i32
      %dma_wait3A_197 = arith.constant 0 : i32
      %dma_wait3A_198 = tpu.memref_slice %arg2[%dma_wait3A_196, %dma_wait3A_197] : memref<10000x64xf32, #tpu.memory_space<hbm>> -> memref<10000x64xf32, #tpu.memory_space<hbm>>
      tpu.wait_indirect_dma semaphore(%arg16 : memref<!tpu.dma_semaphore, #tpu.memory_space<semaphore_mem>>) src(%dma_wait3A_198 : memref<10000x64xf32, #tpu.memory_space<hbm>>) dst(%dma_wait3A_192 : memref<128x64xf32, #tpu.memory_space<vmem>>)
      %dma_wait3A_199 = arith.constant 0 : i32
      %dma_wait3A_200 = arith.constant 0 : i32
      %dma_wait3A_201 = tpu.memref_slice %arg12[%dma_wait3A_199, %dma_wait3A_200] : memref<256x64xf32, #tpu.memory_space<vmem>> -> memref<128x64xf32, #tpu.memory_space<vmem>>
      %dma_wait3A_202 = arith.constant 0 : i32
      %dma_wait3A_203 = tpu.memref_slice %arg8[%add3A_185, %dma_wait3A_202] : memref<80x128xi32, #tpu.memory_space<vmem>> -> memref<1x128xi32, #tpu.memory_space<vmem>>
      %dma_wait3A_204 = tpu.memref_squeeze %dma_wait3A_203 : memref<1x128xi32, #tpu.memory_space<vmem>> -> memref<128xi32, #tpu.memory_space<vmem>>
      %dma_wait3A_205 = arith.constant 0 : i32
      %dma_wait3A_206 = arith.constant 0 : i32
      %dma_wait3A_207 = tpu.memref_slice %arg3[%dma_wait3A_205, %dma_wait3A_206] : memref<10000x64xf32, #tpu.memory_space<hbm>> -> memref<10000x64xf32, #tpu.memory_space<hbm>>
      tpu.wait_indirect_dma semaphore(%arg16 : memref<!tpu.dma_semaphore, #tpu.memory_space<semaphore_mem>>) src(%dma_wait3A_207 : memref<10000x64xf32, #tpu.memory_space<hbm>>) dst(%dma_wait3A_201 : memref<128x64xf32, #tpu.memory_space<vmem>>)
      %dma_wait3A_208 = arith.constant 128 : i32
      %dma_wait3A_209 = arith.constant 0 : i32
      %dma_wait3A_210 = tpu.memref_slice %arg10[%dma_wait3A_208, %dma_wait3A_209] : memref<256x64xf32, #tpu.memory_space<vmem>> -> memref<128x64xf32, #tpu.memory_space<vmem>>
      %dma_wait3A_211 = arith.constant 0 : i32
      %dma_wait3A_212 = tpu.memref_slice %arg7[%add3A_187, %dma_wait3A_211] : memref<80x128xi32, #tpu.memory_space<vmem>> -> memref<1x128xi32, #tpu.memory_space<vmem>>
      %dma_wait3A_213 = tpu.memref_squeeze %dma_wait3A_212 : memref<1x128xi32, #tpu.memory_space<vmem>> -> memref<128xi32, #tpu.memory_space<vmem>>
      %dma_wait3A_214 = arith.constant 0 : i32
      %dma_wait3A_215 = arith.constant 0 : i32
      %dma_wait3A_216 = tpu.memref_slice %arg2[%dma_wait3A_214, %dma_wait3A_215] : memref<10000x64xf32, #tpu.memory_space<hbm>> -> memref<10000x64xf32, #tpu.memory_space<hbm>>
      tpu.wait_indirect_dma semaphore(%arg16 : memref<!tpu.dma_semaphore, #tpu.memory_space<semaphore_mem>>) src(%dma_wait3A_216 : memref<10000x64xf32, #tpu.memory_space<hbm>>) dst(%dma_wait3A_210 : memref<128x64xf32, #tpu.memory_space<vmem>>)
      %dma_wait3A_217 = arith.constant 128 : i32
      %dma_wait3A_218 = arith.constant 0 : i32
      %dma_wait3A_219 = tpu.memref_slice %arg12[%dma_wait3A_217, %dma_wait3A_218] : memref<256x64xf32, #tpu.memory_space<vmem>> -> memref<128x64xf32, #tpu.memory_space<vmem>>
      %dma_wait3A_220 = arith.constant 0 : i32
      %dma_wait3A_221 = tpu.memref_slice %arg8[%add3A_189, %dma_wait3A_220] : memref<80x128xi32, #tpu.memory_space<vmem>> -> memref<1x128xi32, #tpu.memory_space<vmem>>
      %dma_wait3A_222 = tpu.memref_squeeze %dma_wait3A_221 : memref<1x128xi32, #tpu.memory_space<vmem>> -> memref<128xi32, #tpu.memory_space<vmem>>
      %dma_wait3A_223 = arith.constant 0 : i32
      %dma_wait3A_224 = arith.constant 0 : i32
      %dma_wait3A_225 = tpu.memref_slice %arg3[%dma_wait3A_223, %dma_wait3A_224] : memref<10000x64xf32, #tpu.memory_space<hbm>> -> memref<10000x64xf32, #tpu.memory_space<hbm>>
      tpu.wait_indirect_dma semaphore(%arg16 : memref<!tpu.dma_semaphore, #tpu.memory_space<semaphore_mem>>) src(%dma_wait3A_225 : memref<10000x64xf32, #tpu.memory_space<hbm>>) dst(%dma_wait3A_219 : memref<128x64xf32, #tpu.memory_space<vmem>>)
      %ge3A_226 = arith.constant 2 : i32
      %ge3A_227 = arith.cmpi sge, %add3A_179, %ge3A_226 : i32
      %convert_element_type3A_228 = arith.extui %ge3A_227 : i1 to i32
      %cond3A_229 = arith.constant 0 : i32
      %cond3A_230 = arith.cmpi ne, %convert_element_type3A_228, %cond3A_229 : i32
      scf.if %cond3A_230 {
        %sub3A = arith.constant 2 : i32
        %sub3A_253 = arith.subi %add3A_179, %sub3A : i32
        %mul3A_254 = arith.constant 10240 : i32
        %mul3A_255 = arith.muli %add3A, %mul3A_254 : i32
        %mul3A_256 = arith.constant 256 : i32
        %mul3A_257 = arith.muli %sub3A_253, %mul3A_256 : i32
        %add3A_258 = arith.addi %mul3A_255, %mul3A_257 : i32
        %dma_wait3A_259 = arith.constant 0 : i32
        %dma_wait3A_260 = tpu.memref_slice %arg6[%add3A_258, %dma_wait3A_259] : memref<327680x64xf32, #tpu.memory_space<hbm>> -> memref<256x64xf32, #tpu.memory_space<hbm>>
        %dma_wait3A_261 = arith.constant 0 : i32
        %dma_wait3A_262 = tpu.memref_slice %arg6[%add3A_258, %dma_wait3A_261] : memref<327680x64xf32, #tpu.memory_space<hbm>> -> memref<256x64xf32, #tpu.memory_space<hbm>>
        tpu.wait_dma2 semaphore(%arg18 : memref<!tpu.dma_semaphore, #tpu.memory_space<semaphore_mem>>) src(%arg14 : memref<256x64xf32, #tpu.memory_space<vmem>>) dst(%dma_wait3A_262 : memref<256x64xf32, #tpu.memory_space<hbm>>)
      } else {
      }
      %scan3A_231 = arith.constant 0 : i32
      %scan3A_232 = arith.constant 0 : i32
      %scan3A_233 = arith.constant 256 : i32
      %scan3A_234 = arith.addi %scan3A_232, %scan3A_233 : i32
      %scan3A_235 = arith.constant 1 : i32
      scf.for %scan3A_253 = %scan3A_232 to %scan3A_234 step %scan3A_235  : i32 {
        %get3A = arith.index_cast %scan3A_253 : i32 to index
        %get3A_254 = arith.constant 0 : index
        %get3A_255 = tpu.vector_load %arg10[%get3A, %get3A_254] {strides = array<i32>} : memref<256x64xf32, #tpu.memory_space<vmem>>, vector<1x16xf32>,
        %get3A_256 = vector.shape_cast %get3A_255 : vector<1x16xf32> to vector<16xf32>
        %get3A_257 = arith.index_cast %scan3A_253 : i32 to index
        %get3A_258 = arith.constant 0 : index
        %get3A_259 = tpu.vector_load %arg12[%get3A_257, %get3A_258] {strides = array<i32>} : memref<256x64xf32, #tpu.memory_space<vmem>>, vector<1x16xf32>,
        %get3A_260 = vector.shape_cast %get3A_259 : vector<1x16xf32> to vector<16xf32>
        %add3A_261 = arith.addf %get3A_256, %get3A_260 : vector<16xf32>
        %swap3A = arith.index_cast %scan3A_253 : i32 to index
        %swap3A_262 = arith.constant 0 : index
        %swap3A_263 = tpu.vector_load %arg14[%swap3A, %swap3A_262] {strides = array<i32>} : memref<256x64xf32, #tpu.memory_space<vmem>>, vector<1x16xf32>,
        %swap3A_264 = vector.shape_cast %swap3A_263 : vector<1x16xf32> to vector<16xf32>
        %swap3A_265 = vector.shape_cast %add3A_261 : vector<16xf32> to vector<1x16xf32>
        tpu.vector_store %arg14[%swap3A, %swap3A_262], %swap3A_265 {strides = array<i32>} : memref<256x64xf32, #tpu.memory_space<vmem>>, vector<1x16xf32>,
        %get3A_266 = arith.index_cast %scan3A_253 : i32 to index
        %get3A_267 = arith.constant 16 : index
        %get3A_268 = tpu.vector_load %arg10[%get3A_266, %get3A_267] {strides = array<i32>} : memref<256x64xf32, #tpu.memory_space<vmem>>, vector<1x16xf32>,
        %get3A_269 = vector.shape_cast %get3A_268 : vector<1x16xf32> to vector<16xf32>
        %get3A_270 = arith.index_cast %scan3A_253 : i32 to index
        %get3A_271 = arith.constant 16 : index
        %get3A_272 = tpu.vector_load %arg12[%get3A_270, %get3A_271] {strides = array<i32>} : memref<256x64xf32, #tpu.memory_space<vmem>>, vector<1x16xf32>,
        %get3A_273 = vector.shape_cast %get3A_272 : vector<1x16xf32> to vector<16xf32>
        %add3A_274 = arith.addf %get3A_269, %get3A_273 : vector<16xf32>
        %swap3A_275 = arith.index_cast %scan3A_253 : i32 to index
        %swap3A_276 = arith.constant 16 : index
        %swap3A_277 = tpu.vector_load %arg14[%swap3A_275, %swap3A_276] {strides = array<i32>} : memref<256x64xf32, #tpu.memory_space<vmem>>, vector<1x16xf32>,
        %swap3A_278 = vector.shape_cast %swap3A_277 : vector<1x16xf32> to vector<16xf32>
        %swap3A_279 = vector.shape_cast %add3A_274 : vector<16xf32> to vector<1x16xf32>
        tpu.vector_store %arg14[%swap3A_275, %swap3A_276], %swap3A_279 {strides = array<i32>} : memref<256x64xf32, #tpu.memory_space<vmem>>, vector<1x16xf32>,
        %get3A_280 = arith.index_cast %scan3A_253 : i32 to index
        %get3A_281 = arith.constant 32 : index
        %get3A_282 = tpu.vector_load %arg10[%get3A_280, %get3A_281] {strides = array<i32>} : memref<256x64xf32, #tpu.memory_space<vmem>>, vector<1x16xf32>,
        %get3A_283 = vector.shape_cast %get3A_282 : vector<1x16xf32> to vector<16xf32>
        %get3A_284 = arith.index_cast %scan3A_253 : i32 to index
        %get3A_285 = arith.constant 32 : index
        %get3A_286 = tpu.vector_load %arg12[%get3A_284, %get3A_285] {strides = array<i32>} : memref<256x64xf32, #tpu.memory_space<vmem>>, vector<1x16xf32>,
        %get3A_287 = vector.shape_cast %get3A_286 : vector<1x16xf32> to vector<16xf32>
        %add3A_288 = arith.addf %get3A_283, %get3A_287 : vector<16xf32>
        %swap3A_289 = arith.index_cast %scan3A_253 : i32 to index
        %swap3A_290 = arith.constant 32 : index
        %swap3A_291 = tpu.vector_load %arg14[%swap3A_289, %swap3A_290] {strides = array<i32>} : memref<256x64xf32, #tpu.memory_space<vmem>>, vector<1x16xf32>,
        %swap3A_292 = vector.shape_cast %swap3A_291 : vector<1x16xf32> to vector<16xf32>
        %swap3A_293 = vector.shape_cast %add3A_288 : vector<16xf32> to vector<1x16xf32>
        tpu.vector_store %arg14[%swap3A_289, %swap3A_290], %swap3A_293 {strides = array<i32>} : memref<256x64xf32, #tpu.memory_space<vmem>>, vector<1x16xf32>,
        %get3A_294 = arith.index_cast %scan3A_253 : i32 to index
        %get3A_295 = arith.constant 48 : index
        %get3A_296 = tpu.vector_load %arg10[%get3A_294, %get3A_295] {strides = array<i32>} : memref<256x64xf32, #tpu.memory_space<vmem>>, vector<1x16xf32>,
        %get3A_297 = vector.shape_cast %get3A_296 : vector<1x16xf32> to vector<16xf32>
        %get3A_298 = arith.index_cast %scan3A_253 : i32 to index
        %get3A_299 = arith.constant 48 : index
        %get3A_300 = tpu.vector_load %arg12[%get3A_298, %get3A_299] {strides = array<i32>} : memref<256x64xf32, #tpu.memory_space<vmem>>, vector<1x16xf32>,
        %get3A_301 = vector.shape_cast %get3A_300 : vector<1x16xf32> to vector<16xf32>
        %add3A_302 = arith.addf %get3A_297, %get3A_301 : vector<16xf32>
        %swap3A_303 = arith.index_cast %scan3A_253 : i32 to index
        %swap3A_304 = arith.constant 48 : index
        %swap3A_305 = tpu.vector_load %arg14[%swap3A_303, %swap3A_304] {strides = array<i32>} : memref<256x64xf32, #tpu.memory_space<vmem>>, vector<1x16xf32>,
        %swap3A_306 = vector.shape_cast %swap3A_305 : vector<1x16xf32> to vector<16xf32>
        %swap3A_307 = vector.shape_cast %add3A_302 : vector<16xf32> to vector<1x16xf32>
        tpu.vector_store %arg14[%swap3A_303, %swap3A_304], %swap3A_307 {strides = array<i32>} : memref<256x64xf32, #tpu.memory_space<vmem>>, vector<1x16xf32>,
      }
      %scan3A_236 = arith.constant 256 : i32
      %mul3A_237 = arith.constant 10240 : i32
      %mul3A_238 = arith.muli %add3A, %mul3A_237 : i32
      %mul3A_239 = arith.constant 256 : i32
      %mul3A_240 = arith.muli %add3A_179, %mul3A_239 : i32
      %add3A_241 = arith.addi %mul3A_238, %mul3A_240 : i32
      %dma_start3A_242 = arith.constant 0 : i32
      %dma_start3A_243 = tpu.memref_slice %arg6[%add3A_241, %dma_start3A_242] : memref<327680x64xf32, #tpu.memory_space<hbm>> -> memref<256x64xf32, #tpu.memory_space<hbm>>
      %dma_start3A_244 = arith.constant 0 : i32
      %dma_start3A_245 = tpu.memref_slice %arg6[%add3A_241, %dma_start3A_244] : memref<327680x64xf32, #tpu.memory_space<hbm>> -> memref<256x64xf32, #tpu.memory_space<hbm>>
      tpu.enqueue_dma source(%arg14 : memref<256x64xf32, #tpu.memory_space<vmem>>) target(%dma_start3A_245 : memref<256x64xf32, #tpu.memory_space<hbm>>) target_semaphore(%arg18 : memref<!tpu.dma_semaphore, #tpu.memory_space<semaphore_mem>>)
      %add3A_246 = arith.constant 2 : i32
      %add3A_247 = arith.addi %add3A_179, %add3A_246 : i32
      %lt3A_248 = arith.constant 40 : i32
      %lt3A_249 = arith.cmpi slt, %add3A_247, %lt3A_248 : i32
      %convert_element_type3A_250 = arith.extui %lt3A_249 : i1 to i32
      %cond3A_251 = arith.constant 0 : i32
      %cond3A_252 = arith.cmpi ne, %convert_element_type3A_250, %cond3A_251 : i32
      scf.if %cond3A_252 {
        %add3A_253 = arith.constant 2 : i32
        %add3A_254 = arith.addi %add3A_179, %add3A_253 : i32
        %mul3A_255 = arith.constant 2 : i32
        %mul3A_256 = arith.muli %mul3A_255, %add3A_254 : i32
        %add3A_257 = arith.constant 0 : i32
        %add3A_258 = arith.addi %mul3A_256, %add3A_257 : i32
        %add3A_259 = arith.constant 0 : i32
        %add3A_260 = arith.addi %mul3A_256, %add3A_259 : i32
        %add3A_261 = arith.constant 1 : i32
        %add3A_262 = arith.addi %mul3A_256, %add3A_261 : i32
        %add3A_263 = arith.constant 1 : i32
        %add3A_264 = arith.addi %mul3A_256, %add3A_263 : i32
        %dma_start3A_265 = arith.constant 0 : i32
        %dma_start3A_266 = arith.constant 0 : i32
        %dma_start3A_267 = tpu.memref_slice %arg10[%dma_start3A_265, %dma_start3A_266] : memref<256x64xf32, #tpu.memory_space<vmem>> -> memref<128x64xf32, #tpu.memory_space<vmem>>
        %dma_start3A_268 = arith.constant 0 : i32
        %dma_start3A_269 = tpu.memref_slice %arg7[%add3A_258, %dma_start3A_268] : memref<80x128xi32, #tpu.memory_space<vmem>> -> memref<1x128xi32, #tpu.memory_space<vmem>>
        %dma_start3A_270 = tpu.memref_squeeze %dma_start3A_269 : memref<1x128xi32, #tpu.memory_space<vmem>> -> memref<128xi32, #tpu.memory_space<vmem>>
        %dma_start3A_271 = arith.constant 0 : i32
        %dma_start3A_272 = arith.constant 0 : i32
        %dma_start3A_273 = tpu.memref_slice %arg2[%dma_start3A_271, %dma_start3A_272] : memref<10000x64xf32, #tpu.memory_space<hbm>> -> memref<10000x64xf32, #tpu.memory_space<hbm>>
        tpu.enqueue_indirect_dma source(%dma_start3A_273 : memref<10000x64xf32, #tpu.memory_space<hbm>>) target(%dma_start3A_267 : memref<128x64xf32, #tpu.memory_space<vmem>>) offsets(%dma_start3A_270 : memref<128xi32, #tpu.memory_space<vmem>>) semaphore(%arg16 : memref<!tpu.dma_semaphore, #tpu.memory_space<semaphore_mem>>)
        %dma_start3A_274 = arith.constant 0 : i32
        %dma_start3A_275 = arith.constant 0 : i32
        %dma_start3A_276 = tpu.memref_slice %arg12[%dma_start3A_274, %dma_start3A_275] : memref<256x64xf32, #tpu.memory_space<vmem>> -> memref<128x64xf32, #tpu.memory_space<vmem>>
        %dma_start3A_277 = arith.constant 0 : i32
        %dma_start3A_278 = tpu.memref_slice %arg8[%add3A_260, %dma_start3A_277] : memref<80x128xi32, #tpu.memory_space<vmem>> -> memref<1x128xi32, #tpu.memory_space<vmem>>
        %dma_start3A_279 = tpu.memref_squeeze %dma_start3A_278 : memref<1x128xi32, #tpu.memory_space<vmem>> -> memref<128xi32, #tpu.memory_space<vmem>>
        %dma_start3A_280 = arith.constant 0 : i32
        %dma_start3A_281 = arith.constant 0 : i32
        %dma_start3A_282 = tpu.memref_slice %arg3[%dma_start3A_280, %dma_start3A_281] : memref<10000x64xf32, #tpu.memory_space<hbm>> -> memref<10000x64xf32, #tpu.memory_space<hbm>>
        tpu.enqueue_indirect_dma source(%dma_start3A_282 : memref<10000x64xf32, #tpu.memory_space<hbm>>) target(%dma_start3A_276 : memref<128x64xf32, #tpu.memory_space<vmem>>) offsets(%dma_start3A_279 : memref<128xi32, #tpu.memory_space<vmem>>) semaphore(%arg16 : memref<!tpu.dma_semaphore, #tpu.memory_space<semaphore_mem>>)
        %dma_start3A_283 = arith.constant 128 : i32
        %dma_start3A_284 = arith.constant 0 : i32
        %dma_start3A_285 = tpu.memref_slice %arg10[%dma_start3A_283, %dma_start3A_284] : memref<256x64xf32, #tpu.memory_space<vmem>> -> memref<128x64xf32, #tpu.memory_space<vmem>>
        %dma_start3A_286 = arith.constant 0 : i32
        %dma_start3A_287 = tpu.memref_slice %arg7[%add3A_262, %dma_start3A_286] : memref<80x128xi32, #tpu.memory_space<vmem>> -> memref<1x128xi32, #tpu.memory_space<vmem>>
        %dma_start3A_288 = tpu.memref_squeeze %dma_start3A_287 : memref<1x128xi32, #tpu.memory_space<vmem>> -> memref<128xi32, #tpu.memory_space<vmem>>
        %dma_start3A_289 = arith.constant 0 : i32
        %dma_start3A_290 = arith.constant 0 : i32
        %dma_start3A_291 = tpu.memref_slice %arg2[%dma_start3A_289, %dma_start3A_290] : memref<10000x64xf32, #tpu.memory_space<hbm>> -> memref<10000x64xf32, #tpu.memory_space<hbm>>
        tpu.enqueue_indirect_dma source(%dma_start3A_291 : memref<10000x64xf32, #tpu.memory_space<hbm>>) target(%dma_start3A_285 : memref<128x64xf32, #tpu.memory_space<vmem>>) offsets(%dma_start3A_288 : memref<128xi32, #tpu.memory_space<vmem>>) semaphore(%arg16 : memref<!tpu.dma_semaphore, #tpu.memory_space<semaphore_mem>>)
        %dma_start3A_292 = arith.constant 128 : i32
        %dma_start3A_293 = arith.constant 0 : i32
        %dma_start3A_294 = tpu.memref_slice %arg12[%dma_start3A_292, %dma_start3A_293] : memref<256x64xf32, #tpu.memory_space<vmem>> -> memref<128x64xf32, #tpu.memory_space<vmem>>
        %dma_start3A_295 = arith.constant 0 : i32
        %dma_start3A_296 = tpu.memref_slice %arg8[%add3A_264, %dma_start3A_295] : memref<80x128xi32, #tpu.memory_space<vmem>> -> memref<1x128xi32, #tpu.memory_space<vmem>>
        %dma_start3A_297 = tpu.memref_squeeze %dma_start3A_296 : memref<1x128xi32, #tpu.memory_space<vmem>> -> memref<128xi32, #tpu.memory_space<vmem>>
        %dma_start3A_298 = arith.constant 0 : i32
        %dma_start3A_299 = arith.constant 0 : i32
        %dma_start3A_300 = tpu.memref_slice %arg3[%dma_start3A_298, %dma_start3A_299] : memref<10000x64xf32, #tpu.memory_space<hbm>> -> memref<10000x64xf32, #tpu.memory_space<hbm>>
        tpu.enqueue_indirect_dma source(%dma_start3A_300 : memref<10000x64xf32, #tpu.memory_space<hbm>>) target(%dma_start3A_294 : memref<128x64xf32, #tpu.memory_space<vmem>>) offsets(%dma_start3A_297 : memref<128xi32, #tpu.memory_space<vmem>>) semaphore(%arg16 : memref<!tpu.dma_semaphore, #tpu.memory_space<semaphore_mem>>)
      } else {
      }
    }
    %scan3A_86 = arith.constant 20 : i32
    %mul3A_87 = arith.constant 10240 : i32
    %mul3A_88 = arith.muli %add3A, %mul3A_87 : i32
    %add3A_89 = arith.constant 9728 : i32
    %add3A_90 = arith.addi %mul3A_88, %add3A_89 : i32
    %dma_wait3A = arith.constant 0 : i32
    %dma_wait3A_91 = tpu.memref_slice %arg6[%add3A_90, %dma_wait3A] : memref<327680x64xf32, #tpu.memory_space<hbm>> -> memref<256x64xf32, #tpu.memory_space<hbm>>
    %dma_wait3A_92 = arith.constant 0 : i32
    %dma_wait3A_93 = tpu.memref_slice %arg6[%add3A_90, %dma_wait3A_92] : memref<327680x64xf32, #tpu.memory_space<hbm>> -> memref<256x64xf32, #tpu.memory_space<hbm>>
    tpu.wait_dma2 semaphore(%arg17 : memref<!tpu.dma_semaphore, #tpu.memory_space<semaphore_mem>>) src(%arg13 : memref<256x64xf32, #tpu.memory_space<vmem>>) dst(%dma_wait3A_93 : memref<256x64xf32, #tpu.memory_space<hbm>>)
    %mul3A_94 = arith.constant 10240 : i32
    %mul3A_95 = arith.muli %add3A, %mul3A_94 : i32
    %add3A_96 = arith.constant 9984 : i32
    %add3A_97 = arith.addi %mul3A_95, %add3A_96 : i32
    %dma_wait3A_98 = arith.constant 0 : i32
    %dma_wait3A_99 = tpu.memref_slice %arg6[%add3A_97, %dma_wait3A_98] : memref<327680x64xf32, #tpu.memory_space<hbm>> -> memref<256x64xf32, #tpu.memory_space<hbm>>
    %dma_wait3A_100 = arith.constant 0 : i32
    %dma_wait3A_101 = tpu.memref_slice %arg6[%add3A_97, %dma_wait3A_100] : memref<327680x64xf32, #tpu.memory_space<hbm>> -> memref<256x64xf32, #tpu.memory_space<hbm>>
    tpu.wait_dma2 semaphore(%arg18 : memref<!tpu.dma_semaphore, #tpu.memory_space<semaphore_mem>>) src(%arg14 : memref<256x64xf32, #tpu.memory_space<vmem>>) dst(%dma_wait3A_101 : memref<256x64xf32, #tpu.memory_space<hbm>>)
    return
  }
}

#map = affine_map<(d0, d1) -> (0, 0)>
#map1 = affine_map<(d0, d1) -> (0, 0, 0)>
module attributes {stable_mosaic.version = 14 : i64} {
  func.func @_msg_body(%arg0: i32, %arg1: i32, %arg2: memref<20000x64xf32, #tpu.memory_space<hbm>>, %arg3: memref<8x327680xf32, #tpu.memory_space<hbm>>, %arg4: memref<2560x128xi32, #tpu.memory_space<hbm>>, %arg5: memref<2560x128xi32, #tpu.memory_space<hbm>>, %arg6: memref<10000x80xf32, #tpu.memory_space<hbm>>, %arg7: memref<2x10000x80xf32, #tpu.memory_space<hbm>>, %arg8: memref<160x128xi32, #tpu.memory_space<vmem>>, %arg9: memref<160x128xi32, #tpu.memory_space<vmem>>, %arg10: memref<128x64xf32, #tpu.memory_space<vmem>>, %arg11: memref<128x64xf32, #tpu.memory_space<vmem>>, %arg12: memref<8x128xf32, #tpu.memory_space<vmem>>, %arg13: memref<8x128xf32, #tpu.memory_space<vmem>>, %arg14: memref<128x80xf32, #tpu.memory_space<vmem>>, %arg15: memref<128x80xf32, #tpu.memory_space<vmem>>, %arg16: memref<10000x80xf32, #tpu.memory_space<vmem_shared>>, %arg17: memref<!tpu.dma_semaphore, #tpu.memory_space<semaphore_mem>>, %arg18: memref<!tpu.dma_semaphore, #tpu.memory_space<semaphore_mem>>, %arg19: memref<!tpu.dma_semaphore, #tpu.memory_space<semaphore_mem>>, %arg20: memref<!tpu.dma_semaphore, #tpu.memory_space<semaphore_mem>>, %arg21: memref<!tpu.dma_semaphore, #tpu.memory_space<semaphore_mem>>, %arg22: memref<!tpu.dma_semaphore, #tpu.memory_space<semaphore_mem>>) attributes {dimension_semantics = [#tpu.dimension_semantics<core_parallel>, #tpu.dimension_semantics<subcore_parallel>], iteration_bounds = array<i64: 2, 16>, scalar_prefetch = 0 : i64, scratch_operands = 15 : i64, tpu.core_type = #tpu.core_type<sc_vector_subcore>, window_params = [{transform_indices = #map}, {transform_indices = #map}, {transform_indices = #map}, {transform_indices = #map}, {transform_indices = #map}, {transform_indices = #map1}]} {
    %mul3A = arith.constant 625 : i32
    %mul3A_0 = arith.muli %arg1, %mul3A : i32
    "tpu.region"() ({
      %run_scoped3A = tpu.sem_alloc : memref<!tpu.dma_semaphore, #tpu.memory_space<semaphore_mem>>
      %dma_start3A_71 = arith.constant 0 : i32
      %dma_start3A_72 = tpu.memref_slice %arg16[%mul3A_0, %dma_start3A_71] : memref<10000x80xf32, #tpu.memory_space<vmem_shared>> -> memref<625x80xf32, #tpu.memory_space<vmem_shared>>
      %dma_start3A_73 = arith.constant 0 : i32
      %dma_start3A_74 = tpu.memref_slice %arg6[%mul3A_0, %dma_start3A_73] : memref<10000x80xf32, #tpu.memory_space<hbm>> -> memref<625x80xf32, #tpu.memory_space<hbm>>
      tpu.enqueue_dma source(%dma_start3A_74 : memref<625x80xf32, #tpu.memory_space<hbm>>) target(%dma_start3A_72 : memref<625x80xf32, #tpu.memory_space<vmem_shared>>) target_semaphore(%run_scoped3A : memref<!tpu.dma_semaphore, #tpu.memory_space<semaphore_mem>>)
      %dma_wait3A_75 = arith.constant 0 : i32
      %dma_wait3A_76 = tpu.memref_slice %arg16[%mul3A_0, %dma_wait3A_75] : memref<10000x80xf32, #tpu.memory_space<vmem_shared>> -> memref<625x80xf32, #tpu.memory_space<vmem_shared>>
      %dma_wait3A_77 = arith.constant 0 : i32
      %dma_wait3A_78 = tpu.memref_slice %arg6[%mul3A_0, %dma_wait3A_77] : memref<10000x80xf32, #tpu.memory_space<hbm>> -> memref<625x80xf32, #tpu.memory_space<hbm>>
      tpu.wait_dma2 semaphore(%run_scoped3A : memref<!tpu.dma_semaphore, #tpu.memory_space<semaphore_mem>>) src(%dma_wait3A_78 : memref<625x80xf32, #tpu.memory_space<hbm>>) dst(%dma_wait3A_76 : memref<625x80xf32, #tpu.memory_space<vmem_shared>>)
      tpu.yield
    }) : () -> ()
    %mul3A_1 = arith.constant 160 : i32
    %mul3A_2 = arith.muli %arg1, %mul3A_1 : i32
    "tpu.region"() ({
      %run_scoped3A = tpu.sem_alloc : memref<!tpu.dma_semaphore, #tpu.memory_space<semaphore_mem>>
      %dma_start3A_71 = arith.constant 0 : i32
      %dma_start3A_72 = tpu.memref_slice %arg4[%mul3A_2, %dma_start3A_71] : memref<2560x128xi32, #tpu.memory_space<hbm>> -> memref<160x128xi32, #tpu.memory_space<hbm>>
      %dma_start3A_73 = arith.constant 0 : i32
      %dma_start3A_74 = tpu.memref_slice %arg4[%mul3A_2, %dma_start3A_73] : memref<2560x128xi32, #tpu.memory_space<hbm>> -> memref<160x128xi32, #tpu.memory_space<hbm>>
      tpu.enqueue_dma source(%dma_start3A_74 : memref<160x128xi32, #tpu.memory_space<hbm>>) target(%arg8 : memref<160x128xi32, #tpu.memory_space<vmem>>) target_semaphore(%run_scoped3A : memref<!tpu.dma_semaphore, #tpu.memory_space<semaphore_mem>>)
      %dma_wait3A_75 = arith.constant 0 : i32
      %dma_wait3A_76 = tpu.memref_slice %arg4[%mul3A_2, %dma_wait3A_75] : memref<2560x128xi32, #tpu.memory_space<hbm>> -> memref<160x128xi32, #tpu.memory_space<hbm>>
      %dma_wait3A_77 = arith.constant 0 : i32
      %dma_wait3A_78 = tpu.memref_slice %arg4[%mul3A_2, %dma_wait3A_77] : memref<2560x128xi32, #tpu.memory_space<hbm>> -> memref<160x128xi32, #tpu.memory_space<hbm>>
      tpu.wait_dma2 semaphore(%run_scoped3A : memref<!tpu.dma_semaphore, #tpu.memory_space<semaphore_mem>>) src(%dma_wait3A_78 : memref<160x128xi32, #tpu.memory_space<hbm>>) dst(%arg8 : memref<160x128xi32, #tpu.memory_space<vmem>>)
      tpu.yield
    }) : () -> ()
    "tpu.region"() ({
      %run_scoped3A = tpu.sem_alloc : memref<!tpu.dma_semaphore, #tpu.memory_space<semaphore_mem>>
      %dma_start3A_71 = arith.constant 0 : i32
      %dma_start3A_72 = tpu.memref_slice %arg5[%mul3A_2, %dma_start3A_71] : memref<2560x128xi32, #tpu.memory_space<hbm>> -> memref<160x128xi32, #tpu.memory_space<hbm>>
      %dma_start3A_73 = arith.constant 0 : i32
      %dma_start3A_74 = tpu.memref_slice %arg5[%mul3A_2, %dma_start3A_73] : memref<2560x128xi32, #tpu.memory_space<hbm>> -> memref<160x128xi32, #tpu.memory_space<hbm>>
      tpu.enqueue_dma source(%dma_start3A_74 : memref<160x128xi32, #tpu.memory_space<hbm>>) target(%arg9 : memref<160x128xi32, #tpu.memory_space<vmem>>) target_semaphore(%run_scoped3A : memref<!tpu.dma_semaphore, #tpu.memory_space<semaphore_mem>>)
      %dma_wait3A_75 = arith.constant 0 : i32
      %dma_wait3A_76 = tpu.memref_slice %arg5[%mul3A_2, %dma_wait3A_75] : memref<2560x128xi32, #tpu.memory_space<hbm>> -> memref<160x128xi32, #tpu.memory_space<hbm>>
      %dma_wait3A_77 = arith.constant 0 : i32
      %dma_wait3A_78 = tpu.memref_slice %arg5[%mul3A_2, %dma_wait3A_77] : memref<2560x128xi32, #tpu.memory_space<hbm>> -> memref<160x128xi32, #tpu.memory_space<hbm>>
      tpu.wait_dma2 semaphore(%run_scoped3A : memref<!tpu.dma_semaphore, #tpu.memory_space<semaphore_mem>>) src(%dma_wait3A_78 : memref<160x128xi32, #tpu.memory_space<hbm>>) dst(%arg9 : memref<160x128xi32, #tpu.memory_space<vmem>>)
      tpu.yield
    }) : () -> ()
    %mul3A_3 = arith.constant 10000 : i32
    %mul3A_4 = arith.muli %arg0, %mul3A_3 : i32
    %scan3A = arith.constant 0 : i32
    %scan3A_5 = arith.constant 0 : i32
    %scan3A_6 = arith.constant 160 : i32
    %scan3A_7 = arith.addi %scan3A_5, %scan3A_6 : i32
    %scan3A_8 = arith.constant 1 : i32
    scf.for %scan3A_71 = %scan3A_5 to %scan3A_7 step %scan3A_8  : i32 {
      %get3A = arith.index_cast %scan3A_71 : i32 to index
      %get3A_72 = arith.constant 0 : index
      %get3A_73 = tpu.vector_load %arg8[%get3A, %get3A_72] {strides = array<i32>} : memref<160x128xi32, #tpu.memory_space<vmem>>, vector<1x16xi32>,
      %get3A_74 = vector.shape_cast %get3A_73 : vector<1x16xi32> to vector<16xi32>
      %add3A_75 = vector.broadcast %mul3A_4 : i32 to vector<16xi32>
      %add3A_76 = arith.addi %get3A_74, %add3A_75 : vector<16xi32>
      %swap3A = arith.index_cast %scan3A_71 : i32 to index
      %swap3A_77 = arith.constant 0 : index
      %swap3A_78 = tpu.vector_load %arg8[%swap3A, %swap3A_77] {strides = array<i32>} : memref<160x128xi32, #tpu.memory_space<vmem>>, vector<1x16xi32>,
      %swap3A_79 = vector.shape_cast %swap3A_78 : vector<1x16xi32> to vector<16xi32>
      %swap3A_80 = vector.shape_cast %add3A_76 : vector<16xi32> to vector<1x16xi32>
      tpu.vector_store %arg8[%swap3A, %swap3A_77], %swap3A_80 {strides = array<i32>} : memref<160x128xi32, #tpu.memory_space<vmem>>, vector<1x16xi32>,
      %get3A_81 = arith.index_cast %scan3A_71 : i32 to index
      %get3A_82 = arith.constant 16 : index
      %get3A_83 = tpu.vector_load %arg8[%get3A_81, %get3A_82] {strides = array<i32>} : memref<160x128xi32, #tpu.memory_space<vmem>>, vector<1x16xi32>,
      %get3A_84 = vector.shape_cast %get3A_83 : vector<1x16xi32> to vector<16xi32>
      %add3A_85 = vector.broadcast %mul3A_4 : i32 to vector<16xi32>
      %add3A_86 = arith.addi %get3A_84, %add3A_85 : vector<16xi32>
      %swap3A_87 = arith.index_cast %scan3A_71 : i32 to index
      %swap3A_88 = arith.constant 16 : index
      %swap3A_89 = tpu.vector_load %arg8[%swap3A_87, %swap3A_88] {strides = array<i32>} : memref<160x128xi32, #tpu.memory_space<vmem>>, vector<1x16xi32>,
      %swap3A_90 = vector.shape_cast %swap3A_89 : vector<1x16xi32> to vector<16xi32>
      %swap3A_91 = vector.shape_cast %add3A_86 : vector<16xi32> to vector<1x16xi32>
      tpu.vector_store %arg8[%swap3A_87, %swap3A_88], %swap3A_91 {strides = array<i32>} : memref<160x128xi32, #tpu.memory_space<vmem>>, vector<1x16xi32>,
      %get3A_92 = arith.index_cast %scan3A_71 : i32 to index
      %get3A_93 = arith.constant 32 : index
      %get3A_94 = tpu.vector_load %arg8[%get3A_92, %get3A_93] {strides = array<i32>} : memref<160x128xi32, #tpu.memory_space<vmem>>, vector<1x16xi32>,
      %get3A_95 = vector.shape_cast %get3A_94 : vector<1x16xi32> to vector<16xi32>
      %add3A_96 = vector.broadcast %mul3A_4 : i32 to vector<16xi32>
      %add3A_97 = arith.addi %get3A_95, %add3A_96 : vector<16xi32>
      %swap3A_98 = arith.index_cast %scan3A_71 : i32 to index
      %swap3A_99 = arith.constant 32 : index
      %swap3A_100 = tpu.vector_load %arg8[%swap3A_98, %swap3A_99] {strides = array<i32>} : memref<160x128xi32, #tpu.memory_space<vmem>>, vector<1x16xi32>,
      %swap3A_101 = vector.shape_cast %swap3A_100 : vector<1x16xi32> to vector<16xi32>
      %swap3A_102 = vector.shape_cast %add3A_97 : vector<16xi32> to vector<1x16xi32>
      tpu.vector_store %arg8[%swap3A_98, %swap3A_99], %swap3A_102 {strides = array<i32>} : memref<160x128xi32, #tpu.memory_space<vmem>>, vector<1x16xi32>,
      %get3A_103 = arith.index_cast %scan3A_71 : i32 to index
      %get3A_104 = arith.constant 48 : index
      %get3A_105 = tpu.vector_load %arg8[%get3A_103, %get3A_104] {strides = array<i32>} : memref<160x128xi32, #tpu.memory_space<vmem>>, vector<1x16xi32>,
      %get3A_106 = vector.shape_cast %get3A_105 : vector<1x16xi32> to vector<16xi32>
      %add3A_107 = vector.broadcast %mul3A_4 : i32 to vector<16xi32>
      %add3A_108 = arith.addi %get3A_106, %add3A_107 : vector<16xi32>
      %swap3A_109 = arith.index_cast %scan3A_71 : i32 to index
      %swap3A_110 = arith.constant 48 : index
      %swap3A_111 = tpu.vector_load %arg8[%swap3A_109, %swap3A_110] {strides = array<i32>} : memref<160x128xi32, #tpu.memory_space<vmem>>, vector<1x16xi32>,
      %swap3A_112 = vector.shape_cast %swap3A_111 : vector<1x16xi32> to vector<16xi32>
      %swap3A_113 = vector.shape_cast %add3A_108 : vector<16xi32> to vector<1x16xi32>
      tpu.vector_store %arg8[%swap3A_109, %swap3A_110], %swap3A_113 {strides = array<i32>} : memref<160x128xi32, #tpu.memory_space<vmem>>, vector<1x16xi32>,
      %get3A_114 = arith.index_cast %scan3A_71 : i32 to index
      %get3A_115 = arith.constant 64 : index
      %get3A_116 = tpu.vector_load %arg8[%get3A_114, %get3A_115] {strides = array<i32>} : memref<160x128xi32, #tpu.memory_space<vmem>>, vector<1x16xi32>,
      %get3A_117 = vector.shape_cast %get3A_116 : vector<1x16xi32> to vector<16xi32>
      %add3A_118 = vector.broadcast %mul3A_4 : i32 to vector<16xi32>
      %add3A_119 = arith.addi %get3A_117, %add3A_118 : vector<16xi32>
      %swap3A_120 = arith.index_cast %scan3A_71 : i32 to index
      %swap3A_121 = arith.constant 64 : index
      %swap3A_122 = tpu.vector_load %arg8[%swap3A_120, %swap3A_121] {strides = array<i32>} : memref<160x128xi32, #tpu.memory_space<vmem>>, vector<1x16xi32>,
      %swap3A_123 = vector.shape_cast %swap3A_122 : vector<1x16xi32> to vector<16xi32>
      %swap3A_124 = vector.shape_cast %add3A_119 : vector<16xi32> to vector<1x16xi32>
      tpu.vector_store %arg8[%swap3A_120, %swap3A_121], %swap3A_124 {strides = array<i32>} : memref<160x128xi32, #tpu.memory_space<vmem>>, vector<1x16xi32>,
      %get3A_125 = arith.index_cast %scan3A_71 : i32 to index
      %get3A_126 = arith.constant 80 : index
      %get3A_127 = tpu.vector_load %arg8[%get3A_125, %get3A_126] {strides = array<i32>} : memref<160x128xi32, #tpu.memory_space<vmem>>, vector<1x16xi32>,
      %get3A_128 = vector.shape_cast %get3A_127 : vector<1x16xi32> to vector<16xi32>
      %add3A_129 = vector.broadcast %mul3A_4 : i32 to vector<16xi32>
      %add3A_130 = arith.addi %get3A_128, %add3A_129 : vector<16xi32>
      %swap3A_131 = arith.index_cast %scan3A_71 : i32 to index
      %swap3A_132 = arith.constant 80 : index
      %swap3A_133 = tpu.vector_load %arg8[%swap3A_131, %swap3A_132] {strides = array<i32>} : memref<160x128xi32, #tpu.memory_space<vmem>>, vector<1x16xi32>,
      %swap3A_134 = vector.shape_cast %swap3A_133 : vector<1x16xi32> to vector<16xi32>
      %swap3A_135 = vector.shape_cast %add3A_130 : vector<16xi32> to vector<1x16xi32>
      tpu.vector_store %arg8[%swap3A_131, %swap3A_132], %swap3A_135 {strides = array<i32>} : memref<160x128xi32, #tpu.memory_space<vmem>>, vector<1x16xi32>,
      %get3A_136 = arith.index_cast %scan3A_71 : i32 to index
      %get3A_137 = arith.constant 96 : index
      %get3A_138 = tpu.vector_load %arg8[%get3A_136, %get3A_137] {strides = array<i32>} : memref<160x128xi32, #tpu.memory_space<vmem>>, vector<1x16xi32>,
      %get3A_139 = vector.shape_cast %get3A_138 : vector<1x16xi32> to vector<16xi32>
      %add3A_140 = vector.broadcast %mul3A_4 : i32 to vector<16xi32>
      %add3A_141 = arith.addi %get3A_139, %add3A_140 : vector<16xi32>
      %swap3A_142 = arith.index_cast %scan3A_71 : i32 to index
      %swap3A_143 = arith.constant 96 : index
      %swap3A_144 = tpu.vector_load %arg8[%swap3A_142, %swap3A_143] {strides = array<i32>} : memref<160x128xi32, #tpu.memory_space<vmem>>, vector<1x16xi32>,
      %swap3A_145 = vector.shape_cast %swap3A_144 : vector<1x16xi32> to vector<16xi32>
      %swap3A_146 = vector.shape_cast %add3A_141 : vector<16xi32> to vector<1x16xi32>
      tpu.vector_store %arg8[%swap3A_142, %swap3A_143], %swap3A_146 {strides = array<i32>} : memref<160x128xi32, #tpu.memory_space<vmem>>, vector<1x16xi32>,
      %get3A_147 = arith.index_cast %scan3A_71 : i32 to index
      %get3A_148 = arith.constant 112 : index
      %get3A_149 = tpu.vector_load %arg8[%get3A_147, %get3A_148] {strides = array<i32>} : memref<160x128xi32, #tpu.memory_space<vmem>>, vector<1x16xi32>,
      %get3A_150 = vector.shape_cast %get3A_149 : vector<1x16xi32> to vector<16xi32>
      %add3A_151 = vector.broadcast %mul3A_4 : i32 to vector<16xi32>
      %add3A_152 = arith.addi %get3A_150, %add3A_151 : vector<16xi32>
      %swap3A_153 = arith.index_cast %scan3A_71 : i32 to index
      %swap3A_154 = arith.constant 112 : index
      %swap3A_155 = tpu.vector_load %arg8[%swap3A_153, %swap3A_154] {strides = array<i32>} : memref<160x128xi32, #tpu.memory_space<vmem>>, vector<1x16xi32>,
      %swap3A_156 = vector.shape_cast %swap3A_155 : vector<1x16xi32> to vector<16xi32>
      %swap3A_157 = vector.shape_cast %add3A_152 : vector<16xi32> to vector<1x16xi32>
      tpu.vector_store %arg8[%swap3A_153, %swap3A_154], %swap3A_157 {strides = array<i32>} : memref<160x128xi32, #tpu.memory_space<vmem>>, vector<1x16xi32>,
    }
    %scan3A_9 = arith.constant 160 : i32
    %barrier3A = arith.constant 0 : index
    tpu.barrier barrier_id(%barrier3A)
    %iota3A = tpu.iota {dimensions = array<i32: 0>} : vector<16xi32>
    %eq3A = arith.constant 0 : i32
    %eq3A_10 = vector.broadcast %eq3A : i32 to vector<16xi32>
    %eq3A_11 = arith.cmpi eq, %iota3A, %eq3A_10 : vector<16xi32>
    %eq3A_12 = arith.constant 1 : i32
    %eq3A_13 = vector.broadcast %eq3A_12 : i32 to vector<16xi32>
    %eq3A_14 = arith.cmpi eq, %iota3A, %eq3A_13 : vector<16xi32>
    %eq3A_15 = arith.constant 2 : i32
    %eq3A_16 = vector.broadcast %eq3A_15 : i32 to vector<16xi32>
    %eq3A_17 = arith.cmpi eq, %iota3A, %eq3A_16 : vector<16xi32>
    %eq3A_18 = arith.constant 3 : i32
    %eq3A_19 = vector.broadcast %eq3A_18 : i32 to vector<16xi32>
    %eq3A_20 = arith.cmpi eq, %iota3A, %eq3A_19 : vector<16xi32>
    %mul3A_21 = arith.constant 4 : i32
    %mul3A_22 = arith.muli %arg0, %mul3A_21 : i32
    %add3A = arith.constant 0 : i32
    %add3A_23 = arith.addi %mul3A_2, %add3A : i32
    %mul3A_24 = arith.constant 128 : i32
    %mul3A_25 = arith.muli %add3A_23, %mul3A_24 : i32
    %dma_start3A = arith.constant 0 : i32
    %dma_start3A_26 = arith.constant 0 : i32
    %dma_start3A_27 = tpu.memref_slice %arg8[%dma_start3A, %dma_start3A_26] : memref<160x128xi32, #tpu.memory_space<vmem>> -> memref<1x128xi32, #tpu.memory_space<vmem>>
    %dma_start3A_28 = tpu.memref_squeeze %dma_start3A_27 : memref<1x128xi32, #tpu.memory_space<vmem>> -> memref<128xi32, #tpu.memory_space<vmem>>
    %dma_start3A_29 = arith.constant 0 : i32
    %dma_start3A_30 = arith.constant 0 : i32
    %dma_start3A_31 = tpu.memref_slice %arg2[%dma_start3A_29, %dma_start3A_30] : memref<20000x64xf32, #tpu.memory_space<hbm>> -> memref<20000x64xf32, #tpu.memory_space<hbm>>
    tpu.enqueue_indirect_dma source(%dma_start3A_31 : memref<20000x64xf32, #tpu.memory_space<hbm>>) target(%arg10 : memref<128x64xf32, #tpu.memory_space<vmem>>) offsets(%dma_start3A_28 : memref<128xi32, #tpu.memory_space<vmem>>) semaphore(%arg17 : memref<!tpu.dma_semaphore, #tpu.memory_space<semaphore_mem>>)
    %dma_start3A_32 = arith.constant 0 : i32
    %dma_start3A_33 = tpu.memref_slice %arg3[%dma_start3A_32, %mul3A_25] : memref<8x327680xf32, #tpu.memory_space<hbm>> -> memref<8x128xf32, #tpu.memory_space<hbm>>
    %dma_start3A_34 = arith.constant 0 : i32
    %dma_start3A_35 = tpu.memref_slice %arg3[%dma_start3A_34, %mul3A_25] : memref<8x327680xf32, #tpu.memory_space<hbm>> -> memref<8x128xf32, #tpu.memory_space<hbm>>
    tpu.enqueue_dma source(%dma_start3A_35 : memref<8x128xf32, #tpu.memory_space<hbm>>) target(%arg12 : memref<8x128xf32, #tpu.memory_space<vmem>>) target_semaphore(%arg19 : memref<!tpu.dma_semaphore, #tpu.memory_space<semaphore_mem>>)
    %add3A_36 = arith.constant 1 : i32
    %add3A_37 = arith.addi %mul3A_2, %add3A_36 : i32
    %mul3A_38 = arith.constant 128 : i32
    %mul3A_39 = arith.muli %add3A_37, %mul3A_38 : i32
    %dma_start3A_40 = arith.constant 1 : i32
    %dma_start3A_41 = arith.constant 0 : i32
    %dma_start3A_42 = tpu.memref_slice %arg8[%dma_start3A_40, %dma_start3A_41] : memref<160x128xi32, #tpu.memory_space<vmem>> -> memref<1x128xi32, #tpu.memory_space<vmem>>
    %dma_start3A_43 = tpu.memref_squeeze %dma_start3A_42 : memref<1x128xi32, #tpu.memory_space<vmem>> -> memref<128xi32, #tpu.memory_space<vmem>>
    %dma_start3A_44 = arith.constant 0 : i32
    %dma_start3A_45 = arith.constant 0 : i32
    %dma_start3A_46 = tpu.memref_slice %arg2[%dma_start3A_44, %dma_start3A_45] : memref<20000x64xf32, #tpu.memory_space<hbm>> -> memref<20000x64xf32, #tpu.memory_space<hbm>>
    tpu.enqueue_indirect_dma source(%dma_start3A_46 : memref<20000x64xf32, #tpu.memory_space<hbm>>) target(%arg11 : memref<128x64xf32, #tpu.memory_space<vmem>>) offsets(%dma_start3A_43 : memref<128xi32, #tpu.memory_space<vmem>>) semaphore(%arg18 : memref<!tpu.dma_semaphore, #tpu.memory_space<semaphore_mem>>)
    %dma_start3A_47 = arith.constant 0 : i32
    %dma_start3A_48 = tpu.memref_slice %arg3[%dma_start3A_47, %mul3A_39] : memref<8x327680xf32, #tpu.memory_space<hbm>> -> memref<8x128xf32, #tpu.memory_space<hbm>>
    %dma_start3A_49 = arith.constant 0 : i32
    %dma_start3A_50 = tpu.memref_slice %arg3[%dma_start3A_49, %mul3A_39] : memref<8x327680xf32, #tpu.memory_space<hbm>> -> memref<8x128xf32, #tpu.memory_space<hbm>>
    tpu.enqueue_dma source(%dma_start3A_50 : memref<8x128xf32, #tpu.memory_space<hbm>>) target(%arg13 : memref<8x128xf32, #tpu.memory_space<vmem>>) target_semaphore(%arg20 : memref<!tpu.dma_semaphore, #tpu.memory_space<semaphore_mem>>)
    %scan3A_51 = arith.constant 0 : i32
    %scan3A_52 = arith.constant 0 : i32
    %scan3A_53 = arith.constant 80 : i32
    %scan3A_54 = arith.addi %scan3A_52, %scan3A_53 : i32
    %scan3A_55 = arith.constant 1 : i32
    scf.for %scan3A_71 = %scan3A_52 to %scan3A_54 step %scan3A_55  : i32 {
      %mul3A_72 = arith.constant 2 : i32
      %mul3A_73 = arith.muli %mul3A_72, %scan3A_71 : i32
      %add3A_74 = arith.constant 0 : i32
      %add3A_75 = arith.addi %mul3A_73, %add3A_74 : i32
      %add3A_76 = arith.addi %mul3A_2, %add3A_75 : i32
      %mul3A_77 = arith.constant 128 : i32
      %mul3A_78 = arith.muli %add3A_76, %mul3A_77 : i32
      %dma_wait3A_79 = arith.constant 0 : i32
      %dma_wait3A_80 = tpu.memref_slice %arg8[%add3A_75, %dma_wait3A_79] : memref<160x128xi32, #tpu.memory_space<vmem>> -> memref<1x128xi32, #tpu.memory_space<vmem>>
      %dma_wait3A_81 = tpu.memref_squeeze %dma_wait3A_80 : memref<1x128xi32, #tpu.memory_space<vmem>> -> memref<128xi32, #tpu.memory_space<vmem>>
      %dma_wait3A_82 = arith.constant 0 : i32
      %dma_wait3A_83 = arith.constant 0 : i32
      %dma_wait3A_84 = tpu.memref_slice %arg2[%dma_wait3A_82, %dma_wait3A_83] : memref<20000x64xf32, #tpu.memory_space<hbm>> -> memref<20000x64xf32, #tpu.memory_space<hbm>>
      tpu.wait_indirect_dma semaphore(%arg17 : memref<!tpu.dma_semaphore, #tpu.memory_space<semaphore_mem>>) src(%dma_wait3A_84 : memref<20000x64xf32, #tpu.memory_space<hbm>>) dst(%arg10 : memref<128x64xf32, #tpu.memory_space<vmem>>)
      %dma_wait3A_85 = arith.constant 0 : i32
      %dma_wait3A_86 = tpu.memref_slice %arg3[%dma_wait3A_85, %mul3A_78] : memref<8x327680xf32, #tpu.memory_space<hbm>> -> memref<8x128xf32, #tpu.memory_space<hbm>>
      %dma_wait3A_87 = arith.constant 0 : i32
      %dma_wait3A_88 = tpu.memref_slice %arg3[%dma_wait3A_87, %mul3A_78] : memref<8x327680xf32, #tpu.memory_space<hbm>> -> memref<8x128xf32, #tpu.memory_space<hbm>>
      tpu.wait_dma2 semaphore(%arg19 : memref<!tpu.dma_semaphore, #tpu.memory_space<semaphore_mem>>) src(%dma_wait3A_88 : memref<8x128xf32, #tpu.memory_space<hbm>>) dst(%arg12 : memref<8x128xf32, #tpu.memory_space<vmem>>)
      %ge3A = arith.constant 2 : i32
      %ge3A_89 = arith.cmpi sge, %add3A_75, %ge3A : i32
      %convert_element_type3A = arith.extui %ge3A_89 : i1 to i32
      %cond3A = arith.constant 0 : i32
      %cond3A_90 = arith.cmpi ne, %convert_element_type3A, %cond3A : i32
      scf.if %cond3A_90 {
        %sub3A = arith.constant 2 : i32
        %sub3A_150 = arith.subi %add3A_75, %sub3A : i32
        %dma_wait3A_151 = arith.constant 0 : i32
        %dma_wait3A_152 = tpu.memref_slice %arg9[%sub3A_150, %dma_wait3A_151] : memref<160x128xi32, #tpu.memory_space<vmem>> -> memref<1x128xi32, #tpu.memory_space<vmem>>
        %dma_wait3A_153 = tpu.memref_squeeze %dma_wait3A_152 : memref<1x128xi32, #tpu.memory_space<vmem>> -> memref<128xi32, #tpu.memory_space<vmem>>
        %dma_wait3A_154 = arith.constant 0 : i32
        %dma_wait3A_155 = arith.constant 0 : i32
        %dma_wait3A_156 = tpu.memref_slice %arg16[%dma_wait3A_154, %dma_wait3A_155] : memref<10000x80xf32, #tpu.memory_space<vmem_shared>> -> memref<10000x80xf32, #tpu.memory_space<vmem_shared>>
        tpu.wait_indirect_dma semaphore(%arg21 : memref<!tpu.dma_semaphore, #tpu.memory_space<semaphore_mem>>) src(%arg14 : memref<128x80xf32, #tpu.memory_space<vmem>>) dst(%dma_wait3A_156 : memref<10000x80xf32, #tpu.memory_space<vmem_shared>>)
      } else {
      }
      %scan3A_91 = arith.constant 0 : i32
      %scan3A_92 = arith.constant 0 : i32
      %scan3A_93 = arith.constant 8 : i32
      %scan3A_94 = arith.addi %scan3A_92, %scan3A_93 : i32
      %scan3A_95 = arith.constant 1 : i32
      scf.for %scan3A_150 = %scan3A_92 to %scan3A_94 step %scan3A_95  : i32 {
        %add3A_151 = arith.constant 0 : i32
        %add3A_152 = arith.addi %mul3A_22, %add3A_151 : i32
        %mul3A_153 = arith.constant 16 : i32
        %mul3A_154 = arith.muli %scan3A_150, %mul3A_153 : i32
        %get3A = arith.index_cast %add3A_152 : i32 to index
        %get3A_155 = arith.index_cast %mul3A_154 : i32 to index
        %get3A_156 = tpu.vector_load %arg12[%get3A, %get3A_155] {strides = array<i32>} : memref<8x128xf32, #tpu.memory_space<vmem>>, vector<1x16xf32>,
        %get3A_157 = vector.shape_cast %get3A_156 : vector<1x16xf32> to vector<16xf32>
        %add3A_158 = arith.constant 1 : i32
        %add3A_159 = arith.addi %mul3A_22, %add3A_158 : i32
        %mul3A_160 = arith.constant 16 : i32
        %mul3A_161 = arith.muli %scan3A_150, %mul3A_160 : i32
        %get3A_162 = arith.index_cast %add3A_159 : i32 to index
        %get3A_163 = arith.index_cast %mul3A_161 : i32 to index
        %get3A_164 = tpu.vector_load %arg12[%get3A_162, %get3A_163] {strides = array<i32>} : memref<8x128xf32, #tpu.memory_space<vmem>>, vector<1x16xf32>,
        %get3A_165 = vector.shape_cast %get3A_164 : vector<1x16xf32> to vector<16xf32>
        %add3A_166 = arith.constant 2 : i32
        %add3A_167 = arith.addi %mul3A_22, %add3A_166 : i32
        %mul3A_168 = arith.constant 16 : i32
        %mul3A_169 = arith.muli %scan3A_150, %mul3A_168 : i32
        %get3A_170 = arith.index_cast %add3A_167 : i32 to index
        %get3A_171 = arith.index_cast %mul3A_169 : i32 to index
        %get3A_172 = tpu.vector_load %arg12[%get3A_170, %get3A_171] {strides = array<i32>} : memref<8x128xf32, #tpu.memory_space<vmem>>, vector<1x16xf32>,
        %get3A_173 = vector.shape_cast %get3A_172 : vector<1x16xf32> to vector<16xf32>
        %add3A_174 = arith.constant 3 : i32
        %add3A_175 = arith.addi %mul3A_22, %add3A_174 : i32
        %mul3A_176 = arith.constant 16 : i32
        %mul3A_177 = arith.muli %scan3A_150, %mul3A_176 : i32
        %get3A_178 = arith.index_cast %add3A_175 : i32 to index
        %get3A_179 = arith.index_cast %mul3A_177 : i32 to index
        %get3A_180 = tpu.vector_load %arg12[%get3A_178, %get3A_179] {strides = array<i32>} : memref<8x128xf32, #tpu.memory_space<vmem>>, vector<1x16xf32>,
        %get3A_181 = vector.shape_cast %get3A_180 : vector<1x16xf32> to vector<16xf32>
        %scan3A_182 = arith.constant 0 : i32
        %scan3A_183 = arith.constant 0 : i32
        %scan3A_184 = arith.constant 16 : i32
        %scan3A_185 = arith.addi %scan3A_183, %scan3A_184 : i32
        %scan3A_186 = arith.constant 1 : i32
        scf.for %scan3A_188 = %scan3A_183 to %scan3A_185 step %scan3A_186  : i32 {
          %mul3A_189 = arith.constant 16 : i32
          %mul3A_190 = arith.muli %scan3A_150, %mul3A_189 : i32
          %add3A_191 = arith.addi %mul3A_190, %scan3A_188 : i32
          %reshape3A = vector.broadcast %scan3A_188 : i32 to vector<1x1xi32>
          %broadcast_in_dim3A = vector.shape_cast %reshape3A : vector<1x1xi32> to vector<1x1xi32>
          %broadcast_in_dim3A_192 = vector.broadcast %broadcast_in_dim3A : vector<1x1xi32> to vector<16x1xi32>
          %gather3A = vector.shape_cast %broadcast_in_dim3A_192 : vector<16x1xi32> to vector<16xi32>
          %gather3A_193 = tpu.dynamic_gather %get3A_157[%gather3A] in [0] : vector<16xf32>, vector<16xi32> -> vector<16xf32>
          %get3A_194 = arith.index_cast %add3A_191 : i32 to index
          %get3A_195 = arith.constant 0 : index
          %get3A_196 = tpu.vector_load %arg10[%get3A_194, %get3A_195] {strides = array<i32>} : memref<128x64xf32, #tpu.memory_space<vmem>>, vector<1x16xf32>,
          %get3A_197 = vector.shape_cast %get3A_196 : vector<1x16xf32> to vector<16xf32>
          %mul3A_198 = arith.mulf %get3A_197, %gather3A_193 : vector<16xf32>
          %swap3A = arith.index_cast %add3A_191 : i32 to index
          %swap3A_199 = arith.constant 0 : index
          %swap3A_200 = tpu.vector_load %arg14[%swap3A, %swap3A_199] {strides = array<i32>} : memref<128x80xf32, #tpu.memory_space<vmem>>, vector<1x16xf32>,
          %swap3A_201 = vector.shape_cast %swap3A_200 : vector<1x16xf32> to vector<16xf32>
          %swap3A_202 = vector.shape_cast %mul3A_198 : vector<16xf32> to vector<1x16xf32>
          tpu.vector_store %arg14[%swap3A, %swap3A_199], %swap3A_202 {strides = array<i32>} : memref<128x80xf32, #tpu.memory_space<vmem>>, vector<1x16xf32>,
          %jit3A = arith.constant 0.000000e+00 : f32
          %broadcast_in_dim3A_203 = vector.broadcast %jit3A : f32 to vector<16xf32>
          %select_n3A = arith.select %eq3A_11, %gather3A_193, %broadcast_in_dim3A_203 : vector<16xi1>, vector<16xf32>
          %reshape3A_204 = vector.broadcast %scan3A_188 : i32 to vector<1x1xi32>
          %broadcast_in_dim3A_205 = vector.shape_cast %reshape3A_204 : vector<1x1xi32> to vector<1x1xi32>
          %broadcast_in_dim3A_206 = vector.broadcast %broadcast_in_dim3A_205 : vector<1x1xi32> to vector<16x1xi32>
          %gather3A_207 = vector.shape_cast %broadcast_in_dim3A_206 : vector<16x1xi32> to vector<16xi32>
          %gather3A_208 = tpu.dynamic_gather %get3A_165[%gather3A_207] in [0] : vector<16xf32>, vector<16xi32> -> vector<16xf32>
          %get3A_209 = arith.index_cast %add3A_191 : i32 to index
          %get3A_210 = arith.constant 16 : index
          %get3A_211 = tpu.vector_load %arg10[%get3A_209, %get3A_210] {strides = array<i32>} : memref<128x64xf32, #tpu.memory_space<vmem>>, vector<1x16xf32>,
          %get3A_212 = vector.shape_cast %get3A_211 : vector<1x16xf32> to vector<16xf32>
          %mul3A_213 = arith.mulf %get3A_212, %gather3A_208 : vector<16xf32>
          %swap3A_214 = arith.index_cast %add3A_191 : i32 to index
          %swap3A_215 = arith.constant 16 : index
          %swap3A_216 = tpu.vector_load %arg14[%swap3A_214, %swap3A_215] {strides = array<i32>} : memref<128x80xf32, #tpu.memory_space<vmem>>, vector<1x16xf32>,
          %swap3A_217 = vector.shape_cast %swap3A_216 : vector<1x16xf32> to vector<16xf32>
          %swap3A_218 = vector.shape_cast %mul3A_213 : vector<16xf32> to vector<1x16xf32>
          tpu.vector_store %arg14[%swap3A_214, %swap3A_215], %swap3A_218 {strides = array<i32>} : memref<128x80xf32, #tpu.memory_space<vmem>>, vector<1x16xf32>,
          %select_n3A_219 = arith.select %eq3A_14, %gather3A_208, %select_n3A : vector<16xi1>, vector<16xf32>
          %reshape3A_220 = vector.broadcast %scan3A_188 : i32 to vector<1x1xi32>
          %broadcast_in_dim3A_221 = vector.shape_cast %reshape3A_220 : vector<1x1xi32> to vector<1x1xi32>
          %broadcast_in_dim3A_222 = vector.broadcast %broadcast_in_dim3A_221 : vector<1x1xi32> to vector<16x1xi32>
          %gather3A_223 = vector.shape_cast %broadcast_in_dim3A_222 : vector<16x1xi32> to vector<16xi32>
          %gather3A_224 = tpu.dynamic_gather %get3A_173[%gather3A_223] in [0] : vector<16xf32>, vector<16xi32> -> vector<16xf32>
          %get3A_225 = arith.index_cast %add3A_191 : i32 to index
          %get3A_226 = arith.constant 32 : index
          %get3A_227 = tpu.vector_load %arg10[%get3A_225, %get3A_226] {strides = array<i32>} : memref<128x64xf32, #tpu.memory_space<vmem>>, vector<1x16xf32>,
          %get3A_228 = vector.shape_cast %get3A_227 : vector<1x16xf32> to vector<16xf32>
          %mul3A_229 = arith.mulf %get3A_228, %gather3A_224 : vector<16xf32>
          %swap3A_230 = arith.index_cast %add3A_191 : i32 to index
          %swap3A_231 = arith.constant 32 : index
          %swap3A_232 = tpu.vector_load %arg14[%swap3A_230, %swap3A_231] {strides = array<i32>} : memref<128x80xf32, #tpu.memory_space<vmem>>, vector<1x16xf32>,
          %swap3A_233 = vector.shape_cast %swap3A_232 : vector<1x16xf32> to vector<16xf32>
          %swap3A_234 = vector.shape_cast %mul3A_229 : vector<16xf32> to vector<1x16xf32>
          tpu.vector_store %arg14[%swap3A_230, %swap3A_231], %swap3A_234 {strides = array<i32>} : memref<128x80xf32, #tpu.memory_space<vmem>>, vector<1x16xf32>,
          %select_n3A_235 = arith.select %eq3A_17, %gather3A_224, %select_n3A_219 : vector<16xi1>, vector<16xf32>
          %reshape3A_236 = vector.broadcast %scan3A_188 : i32 to vector<1x1xi32>
          %broadcast_in_dim3A_237 = vector.shape_cast %reshape3A_236 : vector<1x1xi32> to vector<1x1xi32>
          %broadcast_in_dim3A_238 = vector.broadcast %broadcast_in_dim3A_237 : vector<1x1xi32> to vector<16x1xi32>
          %gather3A_239 = vector.shape_cast %broadcast_in_dim3A_238 : vector<16x1xi32> to vector<16xi32>
          %gather3A_240 = tpu.dynamic_gather %get3A_181[%gather3A_239] in [0] : vector<16xf32>, vector<16xi32> -> vector<16xf32>
          %get3A_241 = arith.index_cast %add3A_191 : i32 to index
          %get3A_242 = arith.constant 48 : index
          %get3A_243 = tpu.vector_load %arg10[%get3A_241, %get3A_242] {strides = array<i32>} : memref<128x64xf32, #tpu.memory_space<vmem>>, vector<1x16xf32>,
          %get3A_244 = vector.shape_cast %get3A_243 : vector<1x16xf32> to vector<16xf32>
          %mul3A_245 = arith.mulf %get3A_244, %gather3A_240 : vector<16xf32>
          %swap3A_246 = arith.index_cast %add3A_191 : i32 to index
          %swap3A_247 = arith.constant 48 : index
          %swap3A_248 = tpu.vector_load %arg14[%swap3A_246, %swap3A_247] {strides = array<i32>} : memref<128x80xf32, #tpu.memory_space<vmem>>, vector<1x16xf32>,
          %swap3A_249 = vector.shape_cast %swap3A_248 : vector<1x16xf32> to vector<16xf32>
          %swap3A_250 = vector.shape_cast %mul3A_245 : vector<16xf32> to vector<1x16xf32>
          tpu.vector_store %arg14[%swap3A_246, %swap3A_247], %swap3A_250 {strides = array<i32>} : memref<128x80xf32, #tpu.memory_space<vmem>>, vector<1x16xf32>,
          %select_n3A_251 = arith.select %eq3A_20, %gather3A_240, %select_n3A_235 : vector<16xi1>, vector<16xf32>
          %swap3A_252 = arith.index_cast %add3A_191 : i32 to index
          %swap3A_253 = arith.constant 64 : index
          %swap3A_254 = tpu.vector_load %arg14[%swap3A_252, %swap3A_253] {strides = array<i32>} : memref<128x80xf32, #tpu.memory_space<vmem>>, vector<1x16xf32>,
          %swap3A_255 = vector.shape_cast %swap3A_254 : vector<1x16xf32> to vector<16xf32>
          %swap3A_256 = vector.shape_cast %select_n3A_251 : vector<16xf32> to vector<1x16xf32>
          tpu.vector_store %arg14[%swap3A_252, %swap3A_253], %swap3A_256 {strides = array<i32>} : memref<128x80xf32, #tpu.memory_space<vmem>>, vector<1x16xf32>,
        }
        %scan3A_187 = arith.constant 16 : i32
      }
      %scan3A_96 = arith.constant 8 : i32
      %dma_start3A_97 = arith.constant 0 : i32
      %dma_start3A_98 = tpu.memref_slice %arg9[%add3A_75, %dma_start3A_97] : memref<160x128xi32, #tpu.memory_space<vmem>> -> memref<1x128xi32, #tpu.memory_space<vmem>>
      %dma_start3A_99 = tpu.memref_squeeze %dma_start3A_98 : memref<1x128xi32, #tpu.memory_space<vmem>> -> memref<128xi32, #tpu.memory_space<vmem>>
      %dma_start3A_100 = arith.constant 0 : i32
      %dma_start3A_101 = arith.constant 0 : i32
      %dma_start3A_102 = tpu.memref_slice %arg16[%dma_start3A_100, %dma_start3A_101] : memref<10000x80xf32, #tpu.memory_space<vmem_shared>> -> memref<10000x80xf32, #tpu.memory_space<vmem_shared>>
      tpu.enqueue_indirect_dma source(%arg14 : memref<128x80xf32, #tpu.memory_space<vmem>>) target(%dma_start3A_102 : memref<10000x80xf32, #tpu.memory_space<vmem_shared>>) offsets(%dma_start3A_99 : memref<128xi32, #tpu.memory_space<vmem>>) semaphore(%arg21 : memref<!tpu.dma_semaphore, #tpu.memory_space<semaphore_mem>>) {add = true}
      %add3A_103 = arith.constant 2 : i32
      %add3A_104 = arith.addi %add3A_75, %add3A_103 : i32
      %lt3A = arith.constant 160 : i32
      %lt3A_105 = arith.cmpi slt, %add3A_104, %lt3A : i32
      %convert_element_type3A_106 = arith.extui %lt3A_105 : i1 to i32
      %cond3A_107 = arith.constant 0 : i32
      %cond3A_108 = arith.cmpi ne, %convert_element_type3A_106, %cond3A_107 : i32
      scf.if %cond3A_108 {
        %add3A_150 = arith.constant 2 : i32
        %add3A_151 = arith.addi %add3A_75, %add3A_150 : i32
        %add3A_152 = arith.addi %mul3A_2, %add3A_151 : i32
        %mul3A_153 = arith.constant 128 : i32
        %mul3A_154 = arith.muli %add3A_152, %mul3A_153 : i32
        %dma_start3A_155 = arith.constant 0 : i32
        %dma_start3A_156 = tpu.memref_slice %arg8[%add3A_151, %dma_start3A_155] : memref<160x128xi32, #tpu.memory_space<vmem>> -> memref<1x128xi32, #tpu.memory_space<vmem>>
        %dma_start3A_157 = tpu.memref_squeeze %dma_start3A_156 : memref<1x128xi32, #tpu.memory_space<vmem>> -> memref<128xi32, #tpu.memory_space<vmem>>
        %dma_start3A_158 = arith.constant 0 : i32
        %dma_start3A_159 = arith.constant 0 : i32
        %dma_start3A_160 = tpu.memref_slice %arg2[%dma_start3A_158, %dma_start3A_159] : memref<20000x64xf32, #tpu.memory_space<hbm>> -> memref<20000x64xf32, #tpu.memory_space<hbm>>
        tpu.enqueue_indirect_dma source(%dma_start3A_160 : memref<20000x64xf32, #tpu.memory_space<hbm>>) target(%arg10 : memref<128x64xf32, #tpu.memory_space<vmem>>) offsets(%dma_start3A_157 : memref<128xi32, #tpu.memory_space<vmem>>) semaphore(%arg17 : memref<!tpu.dma_semaphore, #tpu.memory_space<semaphore_mem>>)
        %dma_start3A_161 = arith.constant 0 : i32
        %dma_start3A_162 = tpu.memref_slice %arg3[%dma_start3A_161, %mul3A_154] : memref<8x327680xf32, #tpu.memory_space<hbm>> -> memref<8x128xf32, #tpu.memory_space<hbm>>
        %dma_start3A_163 = arith.constant 0 : i32
        %dma_start3A_164 = tpu.memref_slice %arg3[%dma_start3A_163, %mul3A_154] : memref<8x327680xf32, #tpu.memory_space<hbm>> -> memref<8x128xf32, #tpu.memory_space<hbm>>
        tpu.enqueue_dma source(%dma_start3A_164 : memref<8x128xf32, #tpu.memory_space<hbm>>) target(%arg12 : memref<8x128xf32, #tpu.memory_space<vmem>>) target_semaphore(%arg19 : memref<!tpu.dma_semaphore, #tpu.memory_space<semaphore_mem>>)
      } else {
      }
      %mul3A_109 = arith.constant 2 : i32
      %mul3A_110 = arith.muli %mul3A_109, %scan3A_71 : i32
      %add3A_111 = arith.constant 1 : i32
      %add3A_112 = arith.addi %mul3A_110, %add3A_111 : i32
      %add3A_113 = arith.addi %mul3A_2, %add3A_112 : i32
      %mul3A_114 = arith.constant 128 : i32
      %mul3A_115 = arith.muli %add3A_113, %mul3A_114 : i32
      %dma_wait3A_116 = arith.constant 0 : i32
      %dma_wait3A_117 = tpu.memref_slice %arg8[%add3A_112, %dma_wait3A_116] : memref<160x128xi32, #tpu.memory_space<vmem>> -> memref<1x128xi32, #tpu.memory_space<vmem>>
      %dma_wait3A_118 = tpu.memref_squeeze %dma_wait3A_117 : memref<1x128xi32, #tpu.memory_space<vmem>> -> memref<128xi32, #tpu.memory_space<vmem>>
      %dma_wait3A_119 = arith.constant 0 : i32
      %dma_wait3A_120 = arith.constant 0 : i32
      %dma_wait3A_121 = tpu.memref_slice %arg2[%dma_wait3A_119, %dma_wait3A_120] : memref<20000x64xf32, #tpu.memory_space<hbm>> -> memref<20000x64xf32, #tpu.memory_space<hbm>>
      tpu.wait_indirect_dma semaphore(%arg18 : memref<!tpu.dma_semaphore, #tpu.memory_space<semaphore_mem>>) src(%dma_wait3A_121 : memref<20000x64xf32, #tpu.memory_space<hbm>>) dst(%arg11 : memref<128x64xf32, #tpu.memory_space<vmem>>)
      %dma_wait3A_122 = arith.constant 0 : i32
      %dma_wait3A_123 = tpu.memref_slice %arg3[%dma_wait3A_122, %mul3A_115] : memref<8x327680xf32, #tpu.memory_space<hbm>> -> memref<8x128xf32, #tpu.memory_space<hbm>>
      %dma_wait3A_124 = arith.constant 0 : i32
      %dma_wait3A_125 = tpu.memref_slice %arg3[%dma_wait3A_124, %mul3A_115] : memref<8x327680xf32, #tpu.memory_space<hbm>> -> memref<8x128xf32, #tpu.memory_space<hbm>>
      tpu.wait_dma2 semaphore(%arg20 : memref<!tpu.dma_semaphore, #tpu.memory_space<semaphore_mem>>) src(%dma_wait3A_125 : memref<8x128xf32, #tpu.memory_space<hbm>>) dst(%arg13 : memref<8x128xf32, #tpu.memory_space<vmem>>)
      %ge3A_126 = arith.constant 2 : i32
      %ge3A_127 = arith.cmpi sge, %add3A_112, %ge3A_126 : i32
      %convert_element_type3A_128 = arith.extui %ge3A_127 : i1 to i32
      %cond3A_129 = arith.constant 0 : i32
      %cond3A_130 = arith.cmpi ne, %convert_element_type3A_128, %cond3A_129 : i32
      scf.if %cond3A_130 {
        %sub3A = arith.constant 2 : i32
        %sub3A_150 = arith.subi %add3A_112, %sub3A : i32
        %dma_wait3A_151 = arith.constant 0 : i32
        %dma_wait3A_152 = tpu.memref_slice %arg9[%sub3A_150, %dma_wait3A_151] : memref<160x128xi32, #tpu.memory_space<vmem>> -> memref<1x128xi32, #tpu.memory_space<vmem>>
        %dma_wait3A_153 = tpu.memref_squeeze %dma_wait3A_152 : memref<1x128xi32, #tpu.memory_space<vmem>> -> memref<128xi32, #tpu.memory_space<vmem>>
        %dma_wait3A_154 = arith.constant 0 : i32
        %dma_wait3A_155 = arith.constant 0 : i32
        %dma_wait3A_156 = tpu.memref_slice %arg16[%dma_wait3A_154, %dma_wait3A_155] : memref<10000x80xf32, #tpu.memory_space<vmem_shared>> -> memref<10000x80xf32, #tpu.memory_space<vmem_shared>>
        tpu.wait_indirect_dma semaphore(%arg22 : memref<!tpu.dma_semaphore, #tpu.memory_space<semaphore_mem>>) src(%arg15 : memref<128x80xf32, #tpu.memory_space<vmem>>) dst(%dma_wait3A_156 : memref<10000x80xf32, #tpu.memory_space<vmem_shared>>)
      } else {
      }
      %scan3A_131 = arith.constant 0 : i32
      %scan3A_132 = arith.constant 0 : i32
      %scan3A_133 = arith.constant 8 : i32
      %scan3A_134 = arith.addi %scan3A_132, %scan3A_133 : i32
      %scan3A_135 = arith.constant 1 : i32
      scf.for %scan3A_150 = %scan3A_132 to %scan3A_134 step %scan3A_135  : i32 {
        %add3A_151 = arith.constant 0 : i32
        %add3A_152 = arith.addi %mul3A_22, %add3A_151 : i32
        %mul3A_153 = arith.constant 16 : i32
        %mul3A_154 = arith.muli %scan3A_150, %mul3A_153 : i32
        %get3A = arith.index_cast %add3A_152 : i32 to index
        %get3A_155 = arith.index_cast %mul3A_154 : i32 to index
        %get3A_156 = tpu.vector_load %arg13[%get3A, %get3A_155] {strides = array<i32>} : memref<8x128xf32, #tpu.memory_space<vmem>>, vector<1x16xf32>,
        %get3A_157 = vector.shape_cast %get3A_156 : vector<1x16xf32> to vector<16xf32>
        %add3A_158 = arith.constant 1 : i32
        %add3A_159 = arith.addi %mul3A_22, %add3A_158 : i32
        %mul3A_160 = arith.constant 16 : i32
        %mul3A_161 = arith.muli %scan3A_150, %mul3A_160 : i32
        %get3A_162 = arith.index_cast %add3A_159 : i32 to index
        %get3A_163 = arith.index_cast %mul3A_161 : i32 to index
        %get3A_164 = tpu.vector_load %arg13[%get3A_162, %get3A_163] {strides = array<i32>} : memref<8x128xf32, #tpu.memory_space<vmem>>, vector<1x16xf32>,
        %get3A_165 = vector.shape_cast %get3A_164 : vector<1x16xf32> to vector<16xf32>
        %add3A_166 = arith.constant 2 : i32
        %add3A_167 = arith.addi %mul3A_22, %add3A_166 : i32
        %mul3A_168 = arith.constant 16 : i32
        %mul3A_169 = arith.muli %scan3A_150, %mul3A_168 : i32
        %get3A_170 = arith.index_cast %add3A_167 : i32 to index
        %get3A_171 = arith.index_cast %mul3A_169 : i32 to index
        %get3A_172 = tpu.vector_load %arg13[%get3A_170, %get3A_171] {strides = array<i32>} : memref<8x128xf32, #tpu.memory_space<vmem>>, vector<1x16xf32>,
        %get3A_173 = vector.shape_cast %get3A_172 : vector<1x16xf32> to vector<16xf32>
        %add3A_174 = arith.constant 3 : i32
        %add3A_175 = arith.addi %mul3A_22, %add3A_174 : i32
        %mul3A_176 = arith.constant 16 : i32
        %mul3A_177 = arith.muli %scan3A_150, %mul3A_176 : i32
        %get3A_178 = arith.index_cast %add3A_175 : i32 to index
        %get3A_179 = arith.index_cast %mul3A_177 : i32 to index
        %get3A_180 = tpu.vector_load %arg13[%get3A_178, %get3A_179] {strides = array<i32>} : memref<8x128xf32, #tpu.memory_space<vmem>>, vector<1x16xf32>,
        %get3A_181 = vector.shape_cast %get3A_180 : vector<1x16xf32> to vector<16xf32>
        %scan3A_182 = arith.constant 0 : i32
        %scan3A_183 = arith.constant 0 : i32
        %scan3A_184 = arith.constant 16 : i32
        %scan3A_185 = arith.addi %scan3A_183, %scan3A_184 : i32
        %scan3A_186 = arith.constant 1 : i32
        scf.for %scan3A_188 = %scan3A_183 to %scan3A_185 step %scan3A_186  : i32 {
          %mul3A_189 = arith.constant 16 : i32
          %mul3A_190 = arith.muli %scan3A_150, %mul3A_189 : i32
          %add3A_191 = arith.addi %mul3A_190, %scan3A_188 : i32
          %reshape3A = vector.broadcast %scan3A_188 : i32 to vector<1x1xi32>
          %broadcast_in_dim3A = vector.shape_cast %reshape3A : vector<1x1xi32> to vector<1x1xi32>
          %broadcast_in_dim3A_192 = vector.broadcast %broadcast_in_dim3A : vector<1x1xi32> to vector<16x1xi32>
          %gather3A = vector.shape_cast %broadcast_in_dim3A_192 : vector<16x1xi32> to vector<16xi32>
          %gather3A_193 = tpu.dynamic_gather %get3A_157[%gather3A] in [0] : vector<16xf32>, vector<16xi32> -> vector<16xf32>
          %get3A_194 = arith.index_cast %add3A_191 : i32 to index
          %get3A_195 = arith.constant 0 : index
          %get3A_196 = tpu.vector_load %arg11[%get3A_194, %get3A_195] {strides = array<i32>} : memref<128x64xf32, #tpu.memory_space<vmem>>, vector<1x16xf32>,
          %get3A_197 = vector.shape_cast %get3A_196 : vector<1x16xf32> to vector<16xf32>
          %mul3A_198 = arith.mulf %get3A_197, %gather3A_193 : vector<16xf32>
          %swap3A = arith.index_cast %add3A_191 : i32 to index
          %swap3A_199 = arith.constant 0 : index
          %swap3A_200 = tpu.vector_load %arg15[%swap3A, %swap3A_199] {strides = array<i32>} : memref<128x80xf32, #tpu.memory_space<vmem>>, vector<1x16xf32>,
          %swap3A_201 = vector.shape_cast %swap3A_200 : vector<1x16xf32> to vector<16xf32>
          %swap3A_202 = vector.shape_cast %mul3A_198 : vector<16xf32> to vector<1x16xf32>
          tpu.vector_store %arg15[%swap3A, %swap3A_199], %swap3A_202 {strides = array<i32>} : memref<128x80xf32, #tpu.memory_space<vmem>>, vector<1x16xf32>,
          %jit3A = arith.constant 0.000000e+00 : f32
          %broadcast_in_dim3A_203 = vector.broadcast %jit3A : f32 to vector<16xf32>
          %select_n3A = arith.select %eq3A_11, %gather3A_193, %broadcast_in_dim3A_203 : vector<16xi1>, vector<16xf32>
          %reshape3A_204 = vector.broadcast %scan3A_188 : i32 to vector<1x1xi32>
          %broadcast_in_dim3A_205 = vector.shape_cast %reshape3A_204 : vector<1x1xi32> to vector<1x1xi32>
          %broadcast_in_dim3A_206 = vector.broadcast %broadcast_in_dim3A_205 : vector<1x1xi32> to vector<16x1xi32>
          %gather3A_207 = vector.shape_cast %broadcast_in_dim3A_206 : vector<16x1xi32> to vector<16xi32>
          %gather3A_208 = tpu.dynamic_gather %get3A_165[%gather3A_207] in [0] : vector<16xf32>, vector<16xi32> -> vector<16xf32>
          %get3A_209 = arith.index_cast %add3A_191 : i32 to index
          %get3A_210 = arith.constant 16 : index
          %get3A_211 = tpu.vector_load %arg11[%get3A_209, %get3A_210] {strides = array<i32>} : memref<128x64xf32, #tpu.memory_space<vmem>>, vector<1x16xf32>,
          %get3A_212 = vector.shape_cast %get3A_211 : vector<1x16xf32> to vector<16xf32>
          %mul3A_213 = arith.mulf %get3A_212, %gather3A_208 : vector<16xf32>
          %swap3A_214 = arith.index_cast %add3A_191 : i32 to index
          %swap3A_215 = arith.constant 16 : index
          %swap3A_216 = tpu.vector_load %arg15[%swap3A_214, %swap3A_215] {strides = array<i32>} : memref<128x80xf32, #tpu.memory_space<vmem>>, vector<1x16xf32>,
          %swap3A_217 = vector.shape_cast %swap3A_216 : vector<1x16xf32> to vector<16xf32>
          %swap3A_218 = vector.shape_cast %mul3A_213 : vector<16xf32> to vector<1x16xf32>
          tpu.vector_store %arg15[%swap3A_214, %swap3A_215], %swap3A_218 {strides = array<i32>} : memref<128x80xf32, #tpu.memory_space<vmem>>, vector<1x16xf32>,
          %select_n3A_219 = arith.select %eq3A_14, %gather3A_208, %select_n3A : vector<16xi1>, vector<16xf32>
          %reshape3A_220 = vector.broadcast %scan3A_188 : i32 to vector<1x1xi32>
          %broadcast_in_dim3A_221 = vector.shape_cast %reshape3A_220 : vector<1x1xi32> to vector<1x1xi32>
          %broadcast_in_dim3A_222 = vector.broadcast %broadcast_in_dim3A_221 : vector<1x1xi32> to vector<16x1xi32>
          %gather3A_223 = vector.shape_cast %broadcast_in_dim3A_222 : vector<16x1xi32> to vector<16xi32>
          %gather3A_224 = tpu.dynamic_gather %get3A_173[%gather3A_223] in [0] : vector<16xf32>, vector<16xi32> -> vector<16xf32>
          %get3A_225 = arith.index_cast %add3A_191 : i32 to index
          %get3A_226 = arith.constant 32 : index
          %get3A_227 = tpu.vector_load %arg11[%get3A_225, %get3A_226] {strides = array<i32>} : memref<128x64xf32, #tpu.memory_space<vmem>>, vector<1x16xf32>,
          %get3A_228 = vector.shape_cast %get3A_227 : vector<1x16xf32> to vector<16xf32>
          %mul3A_229 = arith.mulf %get3A_228, %gather3A_224 : vector<16xf32>
          %swap3A_230 = arith.index_cast %add3A_191 : i32 to index
          %swap3A_231 = arith.constant 32 : index
          %swap3A_232 = tpu.vector_load %arg15[%swap3A_230, %swap3A_231] {strides = array<i32>} : memref<128x80xf32, #tpu.memory_space<vmem>>, vector<1x16xf32>,
          %swap3A_233 = vector.shape_cast %swap3A_232 : vector<1x16xf32> to vector<16xf32>
          %swap3A_234 = vector.shape_cast %mul3A_229 : vector<16xf32> to vector<1x16xf32>
          tpu.vector_store %arg15[%swap3A_230, %swap3A_231], %swap3A_234 {strides = array<i32>} : memref<128x80xf32, #tpu.memory_space<vmem>>, vector<1x16xf32>,
          %select_n3A_235 = arith.select %eq3A_17, %gather3A_224, %select_n3A_219 : vector<16xi1>, vector<16xf32>
          %reshape3A_236 = vector.broadcast %scan3A_188 : i32 to vector<1x1xi32>
          %broadcast_in_dim3A_237 = vector.shape_cast %reshape3A_236 : vector<1x1xi32> to vector<1x1xi32>
          %broadcast_in_dim3A_238 = vector.broadcast %broadcast_in_dim3A_237 : vector<1x1xi32> to vector<16x1xi32>
          %gather3A_239 = vector.shape_cast %broadcast_in_dim3A_238 : vector<16x1xi32> to vector<16xi32>
          %gather3A_240 = tpu.dynamic_gather %get3A_181[%gather3A_239] in [0] : vector<16xf32>, vector<16xi32> -> vector<16xf32>
          %get3A_241 = arith.index_cast %add3A_191 : i32 to index
          %get3A_242 = arith.constant 48 : index
          %get3A_243 = tpu.vector_load %arg11[%get3A_241, %get3A_242] {strides = array<i32>} : memref<128x64xf32, #tpu.memory_space<vmem>>, vector<1x16xf32>,
          %get3A_244 = vector.shape_cast %get3A_243 : vector<1x16xf32> to vector<16xf32>
          %mul3A_245 = arith.mulf %get3A_244, %gather3A_240 : vector<16xf32>
          %swap3A_246 = arith.index_cast %add3A_191 : i32 to index
          %swap3A_247 = arith.constant 48 : index
          %swap3A_248 = tpu.vector_load %arg15[%swap3A_246, %swap3A_247] {strides = array<i32>} : memref<128x80xf32, #tpu.memory_space<vmem>>, vector<1x16xf32>,
          %swap3A_249 = vector.shape_cast %swap3A_248 : vector<1x16xf32> to vector<16xf32>
          %swap3A_250 = vector.shape_cast %mul3A_245 : vector<16xf32> to vector<1x16xf32>
          tpu.vector_store %arg15[%swap3A_246, %swap3A_247], %swap3A_250 {strides = array<i32>} : memref<128x80xf32, #tpu.memory_space<vmem>>, vector<1x16xf32>,
          %select_n3A_251 = arith.select %eq3A_20, %gather3A_240, %select_n3A_235 : vector<16xi1>, vector<16xf32>
          %swap3A_252 = arith.index_cast %add3A_191 : i32 to index
          %swap3A_253 = arith.constant 64 : index
          %swap3A_254 = tpu.vector_load %arg15[%swap3A_252, %swap3A_253] {strides = array<i32>} : memref<128x80xf32, #tpu.memory_space<vmem>>, vector<1x16xf32>,
          %swap3A_255 = vector.shape_cast %swap3A_254 : vector<1x16xf32> to vector<16xf32>
          %swap3A_256 = vector.shape_cast %select_n3A_251 : vector<16xf32> to vector<1x16xf32>
          tpu.vector_store %arg15[%swap3A_252, %swap3A_253], %swap3A_256 {strides = array<i32>} : memref<128x80xf32, #tpu.memory_space<vmem>>, vector<1x16xf32>,
        }
        %scan3A_187 = arith.constant 16 : i32
      }
      %scan3A_136 = arith.constant 8 : i32
      %dma_start3A_137 = arith.constant 0 : i32
      %dma_start3A_138 = tpu.memref_slice %arg9[%add3A_112, %dma_start3A_137] : memref<160x128xi32, #tpu.memory_space<vmem>> -> memref<1x128xi32, #tpu.memory_space<vmem>>
      %dma_start3A_139 = tpu.memref_squeeze %dma_start3A_138 : memref<1x128xi32, #tpu.memory_space<vmem>> -> memref<128xi32, #tpu.memory_space<vmem>>
      %dma_start3A_140 = arith.constant 0 : i32
      %dma_start3A_141 = arith.constant 0 : i32
      %dma_start3A_142 = tpu.memref_slice %arg16[%dma_start3A_140, %dma_start3A_141] : memref<10000x80xf32, #tpu.memory_space<vmem_shared>> -> memref<10000x80xf32, #tpu.memory_space<vmem_shared>>
      tpu.enqueue_indirect_dma source(%arg15 : memref<128x80xf32, #tpu.memory_space<vmem>>) target(%dma_start3A_142 : memref<10000x80xf32, #tpu.memory_space<vmem_shared>>) offsets(%dma_start3A_139 : memref<128xi32, #tpu.memory_space<vmem>>) semaphore(%arg22 : memref<!tpu.dma_semaphore, #tpu.memory_space<semaphore_mem>>) {add = true}
      %add3A_143 = arith.constant 2 : i32
      %add3A_144 = arith.addi %add3A_112, %add3A_143 : i32
      %lt3A_145 = arith.constant 160 : i32
      %lt3A_146 = arith.cmpi slt, %add3A_144, %lt3A_145 : i32
      %convert_element_type3A_147 = arith.extui %lt3A_146 : i1 to i32
      %cond3A_148 = arith.constant 0 : i32
      %cond3A_149 = arith.cmpi ne, %convert_element_type3A_147, %cond3A_148 : i32
      scf.if %cond3A_149 {
        %add3A_150 = arith.constant 2 : i32
        %add3A_151 = arith.addi %add3A_112, %add3A_150 : i32
        %add3A_152 = arith.addi %mul3A_2, %add3A_151 : i32
        %mul3A_153 = arith.constant 128 : i32
        %mul3A_154 = arith.muli %add3A_152, %mul3A_153 : i32
        %dma_start3A_155 = arith.constant 0 : i32
        %dma_start3A_156 = tpu.memref_slice %arg8[%add3A_151, %dma_start3A_155] : memref<160x128xi32, #tpu.memory_space<vmem>> -> memref<1x128xi32, #tpu.memory_space<vmem>>
        %dma_start3A_157 = tpu.memref_squeeze %dma_start3A_156 : memref<1x128xi32, #tpu.memory_space<vmem>> -> memref<128xi32, #tpu.memory_space<vmem>>
        %dma_start3A_158 = arith.constant 0 : i32
        %dma_start3A_159 = arith.constant 0 : i32
        %dma_start3A_160 = tpu.memref_slice %arg2[%dma_start3A_158, %dma_start3A_159] : memref<20000x64xf32, #tpu.memory_space<hbm>> -> memref<20000x64xf32, #tpu.memory_space<hbm>>
        tpu.enqueue_indirect_dma source(%dma_start3A_160 : memref<20000x64xf32, #tpu.memory_space<hbm>>) target(%arg11 : memref<128x64xf32, #tpu.memory_space<vmem>>) offsets(%dma_start3A_157 : memref<128xi32, #tpu.memory_space<vmem>>) semaphore(%arg18 : memref<!tpu.dma_semaphore, #tpu.memory_space<semaphore_mem>>)
        %dma_start3A_161 = arith.constant 0 : i32
        %dma_start3A_162 = tpu.memref_slice %arg3[%dma_start3A_161, %mul3A_154] : memref<8x327680xf32, #tpu.memory_space<hbm>> -> memref<8x128xf32, #tpu.memory_space<hbm>>
        %dma_start3A_163 = arith.constant 0 : i32
        %dma_start3A_164 = tpu.memref_slice %arg3[%dma_start3A_163, %mul3A_154] : memref<8x327680xf32, #tpu.memory_space<hbm>> -> memref<8x128xf32, #tpu.memory_space<hbm>>
        tpu.enqueue_dma source(%dma_start3A_164 : memref<8x128xf32, #tpu.memory_space<hbm>>) target(%arg13 : memref<8x128xf32, #tpu.memory_space<vmem>>) target_semaphore(%arg20 : memref<!tpu.dma_semaphore, #tpu.memory_space<semaphore_mem>>)
      } else {
      }
    }
    %scan3A_56 = arith.constant 80 : i32
    %dma_wait3A = arith.constant 158 : i32
    %dma_wait3A_57 = arith.constant 0 : i32
    %dma_wait3A_58 = tpu.memref_slice %arg9[%dma_wait3A, %dma_wait3A_57] : memref<160x128xi32, #tpu.memory_space<vmem>> -> memref<1x128xi32, #tpu.memory_space<vmem>>
    %dma_wait3A_59 = tpu.memref_squeeze %dma_wait3A_58 : memref<1x128xi32, #tpu.memory_space<vmem>> -> memref<128xi32, #tpu.memory_space<vmem>>
    %dma_wait3A_60 = arith.constant 0 : i32
    %dma_wait3A_61 = arith.constant 0 : i32
    %dma_wait3A_62 = tpu.memref_slice %arg16[%dma_wait3A_60, %dma_wait3A_61] : memref<10000x80xf32, #tpu.memory_space<vmem_shared>> -> memref<10000x80xf32, #tpu.memory_space<vmem_shared>>
    tpu.wait_indirect_dma semaphore(%arg21 : memref<!tpu.dma_semaphore, #tpu.memory_space<semaphore_mem>>) src(%arg14 : memref<128x80xf32, #tpu.memory_space<vmem>>) dst(%dma_wait3A_62 : memref<10000x80xf32, #tpu.memory_space<vmem_shared>>)
    %dma_wait3A_63 = arith.constant 159 : i32
    %dma_wait3A_64 = arith.constant 0 : i32
    %dma_wait3A_65 = tpu.memref_slice %arg9[%dma_wait3A_63, %dma_wait3A_64] : memref<160x128xi32, #tpu.memory_space<vmem>> -> memref<1x128xi32, #tpu.memory_space<vmem>>
    %dma_wait3A_66 = tpu.memref_squeeze %dma_wait3A_65 : memref<1x128xi32, #tpu.memory_space<vmem>> -> memref<128xi32, #tpu.memory_space<vmem>>
    %dma_wait3A_67 = arith.constant 0 : i32
    %dma_wait3A_68 = arith.constant 0 : i32
    %dma_wait3A_69 = tpu.memref_slice %arg16[%dma_wait3A_67, %dma_wait3A_68] : memref<10000x80xf32, #tpu.memory_space<vmem_shared>> -> memref<10000x80xf32, #tpu.memory_space<vmem_shared>>
    tpu.wait_indirect_dma semaphore(%arg22 : memref<!tpu.dma_semaphore, #tpu.memory_space<semaphore_mem>>) src(%arg15 : memref<128x80xf32, #tpu.memory_space<vmem>>) dst(%dma_wait3A_69 : memref<10000x80xf32, #tpu.memory_space<vmem_shared>>)
    %barrier3A_70 = arith.constant 0 : index
    tpu.barrier barrier_id(%barrier3A_70)
    "tpu.region"() ({
      %run_scoped3A = tpu.sem_alloc : memref<!tpu.dma_semaphore, #tpu.memory_space<semaphore_mem>>
      %dma_start3A_71 = arith.constant 0 : i32
      %dma_start3A_72 = tpu.memref_slice %arg7[%arg0, %mul3A_0, %dma_start3A_71] : memref<2x10000x80xf32, #tpu.memory_space<hbm>> -> memref<1x625x80xf32, #tpu.memory_space<hbm>>
      %dma_start3A_73 = tpu.memref_squeeze %dma_start3A_72 : memref<1x625x80xf32, #tpu.memory_space<hbm>> -> memref<625x80xf32, #tpu.memory_space<hbm>>
      %dma_start3A_74 = arith.constant 0 : i32
      %dma_start3A_75 = tpu.memref_slice %arg16[%mul3A_0, %dma_start3A_74] : memref<10000x80xf32, #tpu.memory_space<vmem_shared>> -> memref<625x80xf32, #tpu.memory_space<vmem_shared>>
      tpu.enqueue_dma source(%dma_start3A_75 : memref<625x80xf32, #tpu.memory_space<vmem_shared>>) target(%dma_start3A_73 : memref<625x80xf32, #tpu.memory_space<hbm>>) target_semaphore(%run_scoped3A : memref<!tpu.dma_semaphore, #tpu.memory_space<semaphore_mem>>)
      %dma_wait3A_76 = arith.constant 0 : i32
      %dma_wait3A_77 = tpu.memref_slice %arg7[%arg0, %mul3A_0, %dma_wait3A_76] : memref<2x10000x80xf32, #tpu.memory_space<hbm>> -> memref<1x625x80xf32, #tpu.memory_space<hbm>>
      %dma_wait3A_78 = tpu.memref_squeeze %dma_wait3A_77 : memref<1x625x80xf32, #tpu.memory_space<hbm>> -> memref<625x80xf32, #tpu.memory_space<hbm>>
      %dma_wait3A_79 = arith.constant 0 : i32
      %dma_wait3A_80 = tpu.memref_slice %arg16[%mul3A_0, %dma_wait3A_79] : memref<10000x80xf32, #tpu.memory_space<vmem_shared>> -> memref<625x80xf32, #tpu.memory_space<vmem_shared>>
      tpu.wait_dma2 semaphore(%run_scoped3A : memref<!tpu.dma_semaphore, #tpu.memory_space<semaphore_mem>>) src(%dma_wait3A_80 : memref<625x80xf32, #tpu.memory_space<vmem_shared>>) dst(%dma_wait3A_78 : memref<625x80xf32, #tpu.memory_space<hbm>>)
      tpu.yield
    }) : () -> ()
    return
  }
}

#map = affine_map<(d0, d1) -> (0, 0)>
module attributes {stable_mosaic.version = 14 : i64} {
  func.func @_gsum_body(%arg0: i32, %arg1: i32, %arg2: memref<10000x64xf32, #tpu.memory_space<hbm>>, %arg3: memref<10000x64xf32, #tpu.memory_space<hbm>>, %arg4: memref<2560x128xi32, #tpu.memory_space<hbm>>, %arg5: memref<2560x128xi32, #tpu.memory_space<hbm>>, %arg6: memref<327680x64xf32, #tpu.memory_space<hbm>>, %arg7: memref<80x128xi32, #tpu.memory_space<vmem>>, %arg8: memref<80x128xi32, #tpu.memory_space<vmem>>, %arg9: memref<256x64xf32, #tpu.memory_space<vmem>>, %arg10: memref<256x64xf32, #tpu.memory_space<vmem>>, %arg11: memref<256x64xf32, #tpu.memory_space<vmem>>, %arg12: memref<256x64xf32, #tpu.memory_space<vmem>>, %arg13: memref<256x64xf32, #tpu.memory_space<vmem>>, %arg14: memref<256x64xf32, #tpu.memory_space<vmem>>, %arg15: memref<!tpu.dma_semaphore, #tpu.memory_space<semaphore_mem>>, %arg16: memref<!tpu.dma_semaphore, #tpu.memory_space<semaphore_mem>>, %arg17: memref<!tpu.dma_semaphore, #tpu.memory_space<semaphore_mem>>, %arg18: memref<!tpu.dma_semaphore, #tpu.memory_space<semaphore_mem>>) attributes {dimension_semantics = [#tpu.dimension_semantics<core_parallel>, #tpu.dimension_semantics<subcore_parallel>], iteration_bounds = array<i64: 2, 16>, scalar_prefetch = 0 : i64, scratch_operands = 12 : i64, tpu.core_type = #tpu.core_type<sc_vector_subcore>, window_params = [{transform_indices = #map}, {transform_indices = #map}, {transform_indices = #map}, {transform_indices = #map}, {transform_indices = #map}]} {
    %mul3A = arith.constant 2 : i32
    %mul3A_0 = arith.muli %arg1, %mul3A : i32
    %add3A = arith.addi %mul3A_0, %arg0 : i32
    %mul3A_1 = arith.constant 80 : i32
    %mul3A_2 = arith.muli %add3A, %mul3A_1 : i32
    "tpu.region"() ({
      %run_scoped3A = tpu.sem_alloc : memref<!tpu.dma_semaphore, #tpu.memory_space<semaphore_mem>>
      %dma_start3A_102 = arith.constant 0 : i32
      %dma_start3A_103 = tpu.memref_slice %arg4[%mul3A_2, %dma_start3A_102] : memref<2560x128xi32, #tpu.memory_space<hbm>> -> memref<80x128xi32, #tpu.memory_space<hbm>>
      %dma_start3A_104 = arith.constant 0 : i32
      %dma_start3A_105 = tpu.memref_slice %arg4[%mul3A_2, %dma_start3A_104] : memref<2560x128xi32, #tpu.memory_space<hbm>> -> memref<80x128xi32, #tpu.memory_space<hbm>>
      tpu.enqueue_dma source(%dma_start3A_105 : memref<80x128xi32, #tpu.memory_space<hbm>>) target(%arg7 : memref<80x128xi32, #tpu.memory_space<vmem>>) target_semaphore(%run_scoped3A : memref<!tpu.dma_semaphore, #tpu.memory_space<semaphore_mem>>)
      %dma_wait3A_106 = arith.constant 0 : i32
      %dma_wait3A_107 = tpu.memref_slice %arg4[%mul3A_2, %dma_wait3A_106] : memref<2560x128xi32, #tpu.memory_space<hbm>> -> memref<80x128xi32, #tpu.memory_space<hbm>>
      %dma_wait3A_108 = arith.constant 0 : i32
      %dma_wait3A_109 = tpu.memref_slice %arg4[%mul3A_2, %dma_wait3A_108] : memref<2560x128xi32, #tpu.memory_space<hbm>> -> memref<80x128xi32, #tpu.memory_space<hbm>>
      tpu.wait_dma2 semaphore(%run_scoped3A : memref<!tpu.dma_semaphore, #tpu.memory_space<semaphore_mem>>) src(%dma_wait3A_109 : memref<80x128xi32, #tpu.memory_space<hbm>>) dst(%arg7 : memref<80x128xi32, #tpu.memory_space<vmem>>)
      tpu.yield
    }) : () -> ()
    "tpu.region"() ({
      %run_scoped3A = tpu.sem_alloc : memref<!tpu.dma_semaphore, #tpu.memory_space<semaphore_mem>>
      %dma_start3A_102 = arith.constant 0 : i32
      %dma_start3A_103 = tpu.memref_slice %arg5[%mul3A_2, %dma_start3A_102] : memref<2560x128xi32, #tpu.memory_space<hbm>> -> memref<80x128xi32, #tpu.memory_space<hbm>>
      %dma_start3A_104 = arith.constant 0 : i32
      %dma_start3A_105 = tpu.memref_slice %arg5[%mul3A_2, %dma_start3A_104] : memref<2560x128xi32, #tpu.memory_space<hbm>> -> memref<80x128xi32, #tpu.memory_space<hbm>>
      tpu.enqueue_dma source(%dma_start3A_105 : memref<80x128xi32, #tpu.memory_space<hbm>>) target(%arg8 : memref<80x128xi32, #tpu.memory_space<vmem>>) target_semaphore(%run_scoped3A : memref<!tpu.dma_semaphore, #tpu.memory_space<semaphore_mem>>)
      %dma_wait3A_106 = arith.constant 0 : i32
      %dma_wait3A_107 = tpu.memref_slice %arg5[%mul3A_2, %dma_wait3A_106] : memref<2560x128xi32, #tpu.memory_space<hbm>> -> memref<80x128xi32, #tpu.memory_space<hbm>>
      %dma_wait3A_108 = arith.constant 0 : i32
      %dma_wait3A_109 = tpu.memref_slice %arg5[%mul3A_2, %dma_wait3A_108] : memref<2560x128xi32, #tpu.memory_space<hbm>> -> memref<80x128xi32, #tpu.memory_space<hbm>>
      tpu.wait_dma2 semaphore(%run_scoped3A : memref<!tpu.dma_semaphore, #tpu.memory_space<semaphore_mem>>) src(%dma_wait3A_109 : memref<80x128xi32, #tpu.memory_space<hbm>>) dst(%arg8 : memref<80x128xi32, #tpu.memory_space<vmem>>)
      tpu.yield
    }) : () -> ()
    %dma_start3A = arith.constant 0 : i32
    %dma_start3A_3 = arith.constant 0 : i32
    %dma_start3A_4 = arith.constant 0 : i32
    %dma_start3A_5 = tpu.memref_slice %arg9[%dma_start3A_3, %dma_start3A_4] : memref<256x64xf32, #tpu.memory_space<vmem>> -> memref<128x64xf32, #tpu.memory_space<vmem>>
    %dma_start3A_6 = arith.constant 0 : i32
    %dma_start3A_7 = tpu.memref_slice %arg7[%dma_start3A, %dma_start3A_6] : memref<80x128xi32, #tpu.memory_space<vmem>> -> memref<1x128xi32, #tpu.memory_space<vmem>>
    %dma_start3A_8 = tpu.memref_squeeze %dma_start3A_7 : memref<1x128xi32, #tpu.memory_space<vmem>> -> memref<128xi32, #tpu.memory_space<vmem>>
    %dma_start3A_9 = arith.constant 0 : i32
    %dma_start3A_10 = arith.constant 0 : i32
    %dma_start3A_11 = tpu.memref_slice %arg2[%dma_start3A_9, %dma_start3A_10] : memref<10000x64xf32, #tpu.memory_space<hbm>> -> memref<10000x64xf32, #tpu.memory_space<hbm>>
    tpu.enqueue_indirect_dma source(%dma_start3A_11 : memref<10000x64xf32, #tpu.memory_space<hbm>>) target(%dma_start3A_5 : memref<128x64xf32, #tpu.memory_space<vmem>>) offsets(%dma_start3A_8 : memref<128xi32, #tpu.memory_space<vmem>>) semaphore(%arg15 : memref<!tpu.dma_semaphore, #tpu.memory_space<semaphore_mem>>)
    %dma_start3A_12 = arith.constant 0 : i32
    %dma_start3A_13 = arith.constant 0 : i32
    %dma_start3A_14 = arith.constant 0 : i32
    %dma_start3A_15 = tpu.memref_slice %arg11[%dma_start3A_13, %dma_start3A_14] : memref<256x64xf32, #tpu.memory_space<vmem>> -> memref<128x64xf32, #tpu.memory_space<vmem>>
    %dma_start3A_16 = arith.constant 0 : i32
    %dma_start3A_17 = tpu.memref_slice %arg8[%dma_start3A_12, %dma_start3A_16] : memref<80x128xi32, #tpu.memory_space<vmem>> -> memref<1x128xi32, #tpu.memory_space<vmem>>
    %dma_start3A_18 = tpu.memref_squeeze %dma_start3A_17 : memref<1x128xi32, #tpu.memory_space<vmem>> -> memref<128xi32, #tpu.memory_space<vmem>>
    %dma_start3A_19 = arith.constant 0 : i32
    %dma_start3A_20 = arith.constant 0 : i32
    %dma_start3A_21 = tpu.memref_slice %arg3[%dma_start3A_19, %dma_start3A_20] : memref<10000x64xf32, #tpu.memory_space<hbm>> -> memref<10000x64xf32, #tpu.memory_space<hbm>>
    tpu.enqueue_indirect_dma source(%dma_start3A_21 : memref<10000x64xf32, #tpu.memory_space<hbm>>) target(%dma_start3A_15 : memref<128x64xf32, #tpu.memory_space<vmem>>) offsets(%dma_start3A_18 : memref<128xi32, #tpu.memory_space<vmem>>) semaphore(%arg15 : memref<!tpu.dma_semaphore, #tpu.memory_space<semaphore_mem>>)
    %dma_start3A_22 = arith.constant 1 : i32
    %dma_start3A_23 = arith.constant 128 : i32
    %dma_start3A_24 = arith.constant 0 : i32
    %dma_start3A_25 = tpu.memref_slice %arg9[%dma_start3A_23, %dma_start3A_24] : memref<256x64xf32, #tpu.memory_space<vmem>> -> memref<128x64xf32, #tpu.memory_space<vmem>>
    %dma_start3A_26 = arith.constant 0 : i32
    %dma_start3A_27 = tpu.memref_slice %arg7[%dma_start3A_22, %dma_start3A_26] : memref<80x128xi32, #tpu.memory_space<vmem>> -> memref<1x128xi32, #tpu.memory_space<vmem>>
    %dma_start3A_28 = tpu.memref_squeeze %dma_start3A_27 : memref<1x128xi32, #tpu.memory_space<vmem>> -> memref<128xi32, #tpu.memory_space<vmem>>
    %dma_start3A_29 = arith.constant 0 : i32
    %dma_start3A_30 = arith.constant 0 : i32
    %dma_start3A_31 = tpu.memref_slice %arg2[%dma_start3A_29, %dma_start3A_30] : memref<10000x64xf32, #tpu.memory_space<hbm>> -> memref<10000x64xf32, #tpu.memory_space<hbm>>
    tpu.enqueue_indirect_dma source(%dma_start3A_31 : memref<10000x64xf32, #tpu.memory_space<hbm>>) target(%dma_start3A_25 : memref<128x64xf32, #tpu.memory_space<vmem>>) offsets(%dma_start3A_28 : memref<128xi32, #tpu.memory_space<vmem>>) semaphore(%arg15 : memref<!tpu.dma_semaphore, #tpu.memory_space<semaphore_mem>>)
    %dma_start3A_32 = arith.constant 1 : i32
    %dma_start3A_33 = arith.constant 128 : i32
    %dma_start3A_34 = arith.constant 0 : i32
    %dma_start3A_35 = tpu.memref_slice %arg11[%dma_start3A_33, %dma_start3A_34] : memref<256x64xf32, #tpu.memory_space<vmem>> -> memref<128x64xf32, #tpu.memory_space<vmem>>
    %dma_start3A_36 = arith.constant 0 : i32
    %dma_start3A_37 = tpu.memref_slice %arg8[%dma_start3A_32, %dma_start3A_36] : memref<80x128xi32, #tpu.memory_space<vmem>> -> memref<1x128xi32, #tpu.memory_space<vmem>>
    %dma_start3A_38 = tpu.memref_squeeze %dma_start3A_37 : memref<1x128xi32, #tpu.memory_space<vmem>> -> memref<128xi32, #tpu.memory_space<vmem>>
    %dma_start3A_39 = arith.constant 0 : i32
    %dma_start3A_40 = arith.constant 0 : i32
    %dma_start3A_41 = tpu.memref_slice %arg3[%dma_start3A_39, %dma_start3A_40] : memref<10000x64xf32, #tpu.memory_space<hbm>> -> memref<10000x64xf32, #tpu.memory_space<hbm>>
    tpu.enqueue_indirect_dma source(%dma_start3A_41 : memref<10000x64xf32, #tpu.memory_space<hbm>>) target(%dma_start3A_35 : memref<128x64xf32, #tpu.memory_space<vmem>>) offsets(%dma_start3A_38 : memref<128xi32, #tpu.memory_space<vmem>>) semaphore(%arg15 : memref<!tpu.dma_semaphore, #tpu.memory_space<semaphore_mem>>)
    %dma_start3A_42 = arith.constant 2 : i32
    %dma_start3A_43 = arith.constant 0 : i32
    %dma_start3A_44 = arith.constant 0 : i32
    %dma_start3A_45 = tpu.memref_slice %arg10[%dma_start3A_43, %dma_start3A_44] : memref<256x64xf32, #tpu.memory_space<vmem>> -> memref<128x64xf32, #tpu.memory_space<vmem>>
    %dma_start3A_46 = arith.constant 0 : i32
    %dma_start3A_47 = tpu.memref_slice %arg7[%dma_start3A_42, %dma_start3A_46] : memref<80x128xi32, #tpu.memory_space<vmem>> -> memref<1x128xi32, #tpu.memory_space<vmem>>
    %dma_start3A_48 = tpu.memref_squeeze %dma_start3A_47 : memref<1x128xi32, #tpu.memory_space<vmem>> -> memref<128xi32, #tpu.memory_space<vmem>>
    %dma_start3A_49 = arith.constant 0 : i32
    %dma_start3A_50 = arith.constant 0 : i32
    %dma_start3A_51 = tpu.memref_slice %arg2[%dma_start3A_49, %dma_start3A_50] : memref<10000x64xf32, #tpu.memory_space<hbm>> -> memref<10000x64xf32, #tpu.memory_space<hbm>>
    tpu.enqueue_indirect_dma source(%dma_start3A_51 : memref<10000x64xf32, #tpu.memory_space<hbm>>) target(%dma_start3A_45 : memref<128x64xf32, #tpu.memory_space<vmem>>) offsets(%dma_start3A_48 : memref<128xi32, #tpu.memory_space<vmem>>) semaphore(%arg16 : memref<!tpu.dma_semaphore, #tpu.memory_space<semaphore_mem>>)
    %dma_start3A_52 = arith.constant 2 : i32
    %dma_start3A_53 = arith.constant 0 : i32
    %dma_start3A_54 = arith.constant 0 : i32
    %dma_start3A_55 = tpu.memref_slice %arg12[%dma_start3A_53, %dma_start3A_54] : memref<256x64xf32, #tpu.memory_space<vmem>> -> memref<128x64xf32, #tpu.memory_space<vmem>>
    %dma_start3A_56 = arith.constant 0 : i32
    %dma_start3A_57 = tpu.memref_slice %arg8[%dma_start3A_52, %dma_start3A_56] : memref<80x128xi32, #tpu.memory_space<vmem>> -> memref<1x128xi32, #tpu.memory_space<vmem>>
    %dma_start3A_58 = tpu.memref_squeeze %dma_start3A_57 : memref<1x128xi32, #tpu.memory_space<vmem>> -> memref<128xi32, #tpu.memory_space<vmem>>
    %dma_start3A_59 = arith.constant 0 : i32
    %dma_start3A_60 = arith.constant 0 : i32
    %dma_start3A_61 = tpu.memref_slice %arg3[%dma_start3A_59, %dma_start3A_60] : memref<10000x64xf32, #tpu.memory_space<hbm>> -> memref<10000x64xf32, #tpu.memory_space<hbm>>
    tpu.enqueue_indirect_dma source(%dma_start3A_61 : memref<10000x64xf32, #tpu.memory_space<hbm>>) target(%dma_start3A_55 : memref<128x64xf32, #tpu.memory_space<vmem>>) offsets(%dma_start3A_58 : memref<128xi32, #tpu.memory_space<vmem>>) semaphore(%arg16 : memref<!tpu.dma_semaphore, #tpu.memory_space<semaphore_mem>>)
    %dma_start3A_62 = arith.constant 3 : i32
    %dma_start3A_63 = arith.constant 128 : i32
    %dma_start3A_64 = arith.constant 0 : i32
    %dma_start3A_65 = tpu.memref_slice %arg10[%dma_start3A_63, %dma_start3A_64] : memref<256x64xf32, #tpu.memory_space<vmem>> -> memref<128x64xf32, #tpu.memory_space<vmem>>
    %dma_start3A_66 = arith.constant 0 : i32
    %dma_start3A_67 = tpu.memref_slice %arg7[%dma_start3A_62, %dma_start3A_66] : memref<80x128xi32, #tpu.memory_space<vmem>> -> memref<1x128xi32, #tpu.memory_space<vmem>>
    %dma_start3A_68 = tpu.memref_squeeze %dma_start3A_67 : memref<1x128xi32, #tpu.memory_space<vmem>> -> memref<128xi32, #tpu.memory_space<vmem>>
    %dma_start3A_69 = arith.constant 0 : i32
    %dma_start3A_70 = arith.constant 0 : i32
    %dma_start3A_71 = tpu.memref_slice %arg2[%dma_start3A_69, %dma_start3A_70] : memref<10000x64xf32, #tpu.memory_space<hbm>> -> memref<10000x64xf32, #tpu.memory_space<hbm>>
    tpu.enqueue_indirect_dma source(%dma_start3A_71 : memref<10000x64xf32, #tpu.memory_space<hbm>>) target(%dma_start3A_65 : memref<128x64xf32, #tpu.memory_space<vmem>>) offsets(%dma_start3A_68 : memref<128xi32, #tpu.memory_space<vmem>>) semaphore(%arg16 : memref<!tpu.dma_semaphore, #tpu.memory_space<semaphore_mem>>)
    %dma_start3A_72 = arith.constant 3 : i32
    %dma_start3A_73 = arith.constant 128 : i32
    %dma_start3A_74 = arith.constant 0 : i32
    %dma_start3A_75 = tpu.memref_slice %arg12[%dma_start3A_73, %dma_start3A_74] : memref<256x64xf32, #tpu.memory_space<vmem>> -> memref<128x64xf32, #tpu.memory_space<vmem>>
    %dma_start3A_76 = arith.constant 0 : i32
    %dma_start3A_77 = tpu.memref_slice %arg8[%dma_start3A_72, %dma_start3A_76] : memref<80x128xi32, #tpu.memory_space<vmem>> -> memref<1x128xi32, #tpu.memory_space<vmem>>
    %dma_start3A_78 = tpu.memref_squeeze %dma_start3A_77 : memref<1x128xi32, #tpu.memory_space<vmem>> -> memref<128xi32, #tpu.memory_space<vmem>>
    %dma_start3A_79 = arith.constant 0 : i32
    %dma_start3A_80 = arith.constant 0 : i32
    %dma_start3A_81 = tpu.memref_slice %arg3[%dma_start3A_79, %dma_start3A_80] : memref<10000x64xf32, #tpu.memory_space<hbm>> -> memref<10000x64xf32, #tpu.memory_space<hbm>>
    tpu.enqueue_indirect_dma source(%dma_start3A_81 : memref<10000x64xf32, #tpu.memory_space<hbm>>) target(%dma_start3A_75 : memref<128x64xf32, #tpu.memory_space<vmem>>) offsets(%dma_start3A_78 : memref<128xi32, #tpu.memory_space<vmem>>) semaphore(%arg16 : memref<!tpu.dma_semaphore, #tpu.memory_space<semaphore_mem>>)
    %scan3A = arith.constant 0 : i32
    %scan3A_82 = arith.constant 0 : i32
    %scan3A_83 = arith.constant 20 : i32
    %scan3A_84 = arith.addi %scan3A_82, %scan3A_83 : i32
    %scan3A_85 = arith.constant 1 : i32
    scf.for %scan3A_102 = %scan3A_82 to %scan3A_84 step %scan3A_85  : i32 {
      %mul3A_103 = arith.constant 2 : i32
      %mul3A_104 = arith.muli %mul3A_103, %scan3A_102 : i32
      %add3A_105 = arith.constant 0 : i32
      %add3A_106 = arith.addi %mul3A_104, %add3A_105 : i32
      %mul3A_107 = arith.constant 2 : i32
      %mul3A_108 = arith.muli %mul3A_107, %add3A_106 : i32
      %add3A_109 = arith.constant 0 : i32
      %add3A_110 = arith.addi %mul3A_108, %add3A_109 : i32
      %add3A_111 = arith.constant 0 : i32
      %add3A_112 = arith.addi %mul3A_108, %add3A_111 : i32
      %add3A_113 = arith.constant 1 : i32
      %add3A_114 = arith.addi %mul3A_108, %add3A_113 : i32
      %add3A_115 = arith.constant 1 : i32
      %add3A_116 = arith.addi %mul3A_108, %add3A_115 : i32
      %dma_wait3A_117 = arith.constant 0 : i32
      %dma_wait3A_118 = arith.constant 0 : i32
      %dma_wait3A_119 = tpu.memref_slice %arg9[%dma_wait3A_117, %dma_wait3A_118] : memref<256x64xf32, #tpu.memory_space<vmem>> -> memref<128x64xf32, #tpu.memory_space<vmem>>
      %dma_wait3A_120 = arith.constant 0 : i32
      %dma_wait3A_121 = tpu.memref_slice %arg7[%add3A_110, %dma_wait3A_120] : memref<80x128xi32, #tpu.memory_space<vmem>> -> memref<1x128xi32, #tpu.memory_space<vmem>>
      %dma_wait3A_122 = tpu.memref_squeeze %dma_wait3A_121 : memref<1x128xi32, #tpu.memory_space<vmem>> -> memref<128xi32, #tpu.memory_space<vmem>>
      %dma_wait3A_123 = arith.constant 0 : i32
      %dma_wait3A_124 = arith.constant 0 : i32
      %dma_wait3A_125 = tpu.memref_slice %arg2[%dma_wait3A_123, %dma_wait3A_124] : memref<10000x64xf32, #tpu.memory_space<hbm>> -> memref<10000x64xf32, #tpu.memory_space<hbm>>
      tpu.wait_indirect_dma semaphore(%arg15 : memref<!tpu.dma_semaphore, #tpu.memory_space<semaphore_mem>>) src(%dma_wait3A_125 : memref<10000x64xf32, #tpu.memory_space<hbm>>) dst(%dma_wait3A_119 : memref<128x64xf32, #tpu.memory_space<vmem>>)
      %dma_wait3A_126 = arith.constant 0 : i32
      %dma_wait3A_127 = arith.constant 0 : i32
      %dma_wait3A_128 = tpu.memref_slice %arg11[%dma_wait3A_126, %dma_wait3A_127] : memref<256x64xf32, #tpu.memory_space<vmem>> -> memref<128x64xf32, #tpu.memory_space<vmem>>
      %dma_wait3A_129 = arith.constant 0 : i32
      %dma_wait3A_130 = tpu.memref_slice %arg8[%add3A_112, %dma_wait3A_129] : memref<80x128xi32, #tpu.memory_space<vmem>> -> memref<1x128xi32, #tpu.memory_space<vmem>>
      %dma_wait3A_131 = tpu.memref_squeeze %dma_wait3A_130 : memref<1x128xi32, #tpu.memory_space<vmem>> -> memref<128xi32, #tpu.memory_space<vmem>>
      %dma_wait3A_132 = arith.constant 0 : i32
      %dma_wait3A_133 = arith.constant 0 : i32
      %dma_wait3A_134 = tpu.memref_slice %arg3[%dma_wait3A_132, %dma_wait3A_133] : memref<10000x64xf32, #tpu.memory_space<hbm>> -> memref<10000x64xf32, #tpu.memory_space<hbm>>
      tpu.wait_indirect_dma semaphore(%arg15 : memref<!tpu.dma_semaphore, #tpu.memory_space<semaphore_mem>>) src(%dma_wait3A_134 : memref<10000x64xf32, #tpu.memory_space<hbm>>) dst(%dma_wait3A_128 : memref<128x64xf32, #tpu.memory_space<vmem>>)
      %dma_wait3A_135 = arith.constant 128 : i32
      %dma_wait3A_136 = arith.constant 0 : i32
      %dma_wait3A_137 = tpu.memref_slice %arg9[%dma_wait3A_135, %dma_wait3A_136] : memref<256x64xf32, #tpu.memory_space<vmem>> -> memref<128x64xf32, #tpu.memory_space<vmem>>
      %dma_wait3A_138 = arith.constant 0 : i32
      %dma_wait3A_139 = tpu.memref_slice %arg7[%add3A_114, %dma_wait3A_138] : memref<80x128xi32, #tpu.memory_space<vmem>> -> memref<1x128xi32, #tpu.memory_space<vmem>>
      %dma_wait3A_140 = tpu.memref_squeeze %dma_wait3A_139 : memref<1x128xi32, #tpu.memory_space<vmem>> -> memref<128xi32, #tpu.memory_space<vmem>>
      %dma_wait3A_141 = arith.constant 0 : i32
      %dma_wait3A_142 = arith.constant 0 : i32
      %dma_wait3A_143 = tpu.memref_slice %arg2[%dma_wait3A_141, %dma_wait3A_142] : memref<10000x64xf32, #tpu.memory_space<hbm>> -> memref<10000x64xf32, #tpu.memory_space<hbm>>
      tpu.wait_indirect_dma semaphore(%arg15 : memref<!tpu.dma_semaphore, #tpu.memory_space<semaphore_mem>>) src(%dma_wait3A_143 : memref<10000x64xf32, #tpu.memory_space<hbm>>) dst(%dma_wait3A_137 : memref<128x64xf32, #tpu.memory_space<vmem>>)
      %dma_wait3A_144 = arith.constant 128 : i32
      %dma_wait3A_145 = arith.constant 0 : i32
      %dma_wait3A_146 = tpu.memref_slice %arg11[%dma_wait3A_144, %dma_wait3A_145] : memref<256x64xf32, #tpu.memory_space<vmem>> -> memref<128x64xf32, #tpu.memory_space<vmem>>
      %dma_wait3A_147 = arith.constant 0 : i32
      %dma_wait3A_148 = tpu.memref_slice %arg8[%add3A_116, %dma_wait3A_147] : memref<80x128xi32, #tpu.memory_space<vmem>> -> memref<1x128xi32, #tpu.memory_space<vmem>>
      %dma_wait3A_149 = tpu.memref_squeeze %dma_wait3A_148 : memref<1x128xi32, #tpu.memory_space<vmem>> -> memref<128xi32, #tpu.memory_space<vmem>>
      %dma_wait3A_150 = arith.constant 0 : i32
      %dma_wait3A_151 = arith.constant 0 : i32
      %dma_wait3A_152 = tpu.memref_slice %arg3[%dma_wait3A_150, %dma_wait3A_151] : memref<10000x64xf32, #tpu.memory_space<hbm>> -> memref<10000x64xf32, #tpu.memory_space<hbm>>
      tpu.wait_indirect_dma semaphore(%arg15 : memref<!tpu.dma_semaphore, #tpu.memory_space<semaphore_mem>>) src(%dma_wait3A_152 : memref<10000x64xf32, #tpu.memory_space<hbm>>) dst(%dma_wait3A_146 : memref<128x64xf32, #tpu.memory_space<vmem>>)
      %ge3A = arith.constant 2 : i32
      %ge3A_153 = arith.cmpi sge, %add3A_106, %ge3A : i32
      %convert_element_type3A = arith.extui %ge3A_153 : i1 to i32
      %cond3A = arith.constant 0 : i32
      %cond3A_154 = arith.cmpi ne, %convert_element_type3A, %cond3A : i32
      scf.if %cond3A_154 {
        %sub3A = arith.constant 2 : i32
        %sub3A_253 = arith.subi %add3A_106, %sub3A : i32
        %mul3A_254 = arith.constant 10240 : i32
        %mul3A_255 = arith.muli %add3A, %mul3A_254 : i32
        %mul3A_256 = arith.constant 256 : i32
        %mul3A_257 = arith.muli %sub3A_253, %mul3A_256 : i32
        %add3A_258 = arith.addi %mul3A_255, %mul3A_257 : i32
        %dma_wait3A_259 = arith.constant 0 : i32
        %dma_wait3A_260 = tpu.memref_slice %arg6[%add3A_258, %dma_wait3A_259] : memref<327680x64xf32, #tpu.memory_space<hbm>> -> memref<256x64xf32, #tpu.memory_space<hbm>>
        %dma_wait3A_261 = arith.constant 0 : i32
        %dma_wait3A_262 = tpu.memref_slice %arg6[%add3A_258, %dma_wait3A_261] : memref<327680x64xf32, #tpu.memory_space<hbm>> -> memref<256x64xf32, #tpu.memory_space<hbm>>
        tpu.wait_dma2 semaphore(%arg17 : memref<!tpu.dma_semaphore, #tpu.memory_space<semaphore_mem>>) src(%arg13 : memref<256x64xf32, #tpu.memory_space<vmem>>) dst(%dma_wait3A_262 : memref<256x64xf32, #tpu.memory_space<hbm>>)
      } else {
      }
      %scan3A_155 = arith.constant 0 : i32
      %scan3A_156 = arith.constant 0 : i32
      %scan3A_157 = arith.constant 256 : i32
      %scan3A_158 = arith.addi %scan3A_156, %scan3A_157 : i32
      %scan3A_159 = arith.constant 1 : i32
      scf.for %scan3A_253 = %scan3A_156 to %scan3A_158 step %scan3A_159  : i32 {
        %get3A = arith.index_cast %scan3A_253 : i32 to index
        %get3A_254 = arith.constant 0 : index
        %get3A_255 = tpu.vector_load %arg9[%get3A, %get3A_254] {strides = array<i32>} : memref<256x64xf32, #tpu.memory_space<vmem>>, vector<1x16xf32>,
        %get3A_256 = vector.shape_cast %get3A_255 : vector<1x16xf32> to vector<16xf32>
        %get3A_257 = arith.index_cast %scan3A_253 : i32 to index
        %get3A_258 = arith.constant 0 : index
        %get3A_259 = tpu.vector_load %arg11[%get3A_257, %get3A_258] {strides = array<i32>} : memref<256x64xf32, #tpu.memory_space<vmem>>, vector<1x16xf32>,
        %get3A_260 = vector.shape_cast %get3A_259 : vector<1x16xf32> to vector<16xf32>
        %add3A_261 = arith.addf %get3A_256, %get3A_260 : vector<16xf32>
        %swap3A = arith.index_cast %scan3A_253 : i32 to index
        %swap3A_262 = arith.constant 0 : index
        %swap3A_263 = tpu.vector_load %arg13[%swap3A, %swap3A_262] {strides = array<i32>} : memref<256x64xf32, #tpu.memory_space<vmem>>, vector<1x16xf32>,
        %swap3A_264 = vector.shape_cast %swap3A_263 : vector<1x16xf32> to vector<16xf32>
        %swap3A_265 = vector.shape_cast %add3A_261 : vector<16xf32> to vector<1x16xf32>
        tpu.vector_store %arg13[%swap3A, %swap3A_262], %swap3A_265 {strides = array<i32>} : memref<256x64xf32, #tpu.memory_space<vmem>>, vector<1x16xf32>,
        %get3A_266 = arith.index_cast %scan3A_253 : i32 to index
        %get3A_267 = arith.constant 16 : index
        %get3A_268 = tpu.vector_load %arg9[%get3A_266, %get3A_267] {strides = array<i32>} : memref<256x64xf32, #tpu.memory_space<vmem>>, vector<1x16xf32>,
        %get3A_269 = vector.shape_cast %get3A_268 : vector<1x16xf32> to vector<16xf32>
        %get3A_270 = arith.index_cast %scan3A_253 : i32 to index
        %get3A_271 = arith.constant 16 : index
        %get3A_272 = tpu.vector_load %arg11[%get3A_270, %get3A_271] {strides = array<i32>} : memref<256x64xf32, #tpu.memory_space<vmem>>, vector<1x16xf32>,
        %get3A_273 = vector.shape_cast %get3A_272 : vector<1x16xf32> to vector<16xf32>
        %add3A_274 = arith.addf %get3A_269, %get3A_273 : vector<16xf32>
        %swap3A_275 = arith.index_cast %scan3A_253 : i32 to index
        %swap3A_276 = arith.constant 16 : index
        %swap3A_277 = tpu.vector_load %arg13[%swap3A_275, %swap3A_276] {strides = array<i32>} : memref<256x64xf32, #tpu.memory_space<vmem>>, vector<1x16xf32>,
        %swap3A_278 = vector.shape_cast %swap3A_277 : vector<1x16xf32> to vector<16xf32>
        %swap3A_279 = vector.shape_cast %add3A_274 : vector<16xf32> to vector<1x16xf32>
        tpu.vector_store %arg13[%swap3A_275, %swap3A_276], %swap3A_279 {strides = array<i32>} : memref<256x64xf32, #tpu.memory_space<vmem>>, vector<1x16xf32>,
        %get3A_280 = arith.index_cast %scan3A_253 : i32 to index
        %get3A_281 = arith.constant 32 : index
        %get3A_282 = tpu.vector_load %arg9[%get3A_280, %get3A_281] {strides = array<i32>} : memref<256x64xf32, #tpu.memory_space<vmem>>, vector<1x16xf32>,
        %get3A_283 = vector.shape_cast %get3A_282 : vector<1x16xf32> to vector<16xf32>
        %get3A_284 = arith.index_cast %scan3A_253 : i32 to index
        %get3A_285 = arith.constant 32 : index
        %get3A_286 = tpu.vector_load %arg11[%get3A_284, %get3A_285] {strides = array<i32>} : memref<256x64xf32, #tpu.memory_space<vmem>>, vector<1x16xf32>,
        %get3A_287 = vector.shape_cast %get3A_286 : vector<1x16xf32> to vector<16xf32>
        %add3A_288 = arith.addf %get3A_283, %get3A_287 : vector<16xf32>
        %swap3A_289 = arith.index_cast %scan3A_253 : i32 to index
        %swap3A_290 = arith.constant 32 : index
        %swap3A_291 = tpu.vector_load %arg13[%swap3A_289, %swap3A_290] {strides = array<i32>} : memref<256x64xf32, #tpu.memory_space<vmem>>, vector<1x16xf32>,
        %swap3A_292 = vector.shape_cast %swap3A_291 : vector<1x16xf32> to vector<16xf32>
        %swap3A_293 = vector.shape_cast %add3A_288 : vector<16xf32> to vector<1x16xf32>
        tpu.vector_store %arg13[%swap3A_289, %swap3A_290], %swap3A_293 {strides = array<i32>} : memref<256x64xf32, #tpu.memory_space<vmem>>, vector<1x16xf32>,
        %get3A_294 = arith.index_cast %scan3A_253 : i32 to index
        %get3A_295 = arith.constant 48 : index
        %get3A_296 = tpu.vector_load %arg9[%get3A_294, %get3A_295] {strides = array<i32>} : memref<256x64xf32, #tpu.memory_space<vmem>>, vector<1x16xf32>,
        %get3A_297 = vector.shape_cast %get3A_296 : vector<1x16xf32> to vector<16xf32>
        %get3A_298 = arith.index_cast %scan3A_253 : i32 to index
        %get3A_299 = arith.constant 48 : index
        %get3A_300 = tpu.vector_load %arg11[%get3A_298, %get3A_299] {strides = array<i32>} : memref<256x64xf32, #tpu.memory_space<vmem>>, vector<1x16xf32>,
        %get3A_301 = vector.shape_cast %get3A_300 : vector<1x16xf32> to vector<16xf32>
        %add3A_302 = arith.addf %get3A_297, %get3A_301 : vector<16xf32>
        %swap3A_303 = arith.index_cast %scan3A_253 : i32 to index
        %swap3A_304 = arith.constant 48 : index
        %swap3A_305 = tpu.vector_load %arg13[%swap3A_303, %swap3A_304] {strides = array<i32>} : memref<256x64xf32, #tpu.memory_space<vmem>>, vector<1x16xf32>,
        %swap3A_306 = vector.shape_cast %swap3A_305 : vector<1x16xf32> to vector<16xf32>
        %swap3A_307 = vector.shape_cast %add3A_302 : vector<16xf32> to vector<1x16xf32>
        tpu.vector_store %arg13[%swap3A_303, %swap3A_304], %swap3A_307 {strides = array<i32>} : memref<256x64xf32, #tpu.memory_space<vmem>>, vector<1x16xf32>,
      }
      %scan3A_160 = arith.constant 256 : i32
      %mul3A_161 = arith.constant 10240 : i32
      %mul3A_162 = arith.muli %add3A, %mul3A_161 : i32
      %mul3A_163 = arith.constant 256 : i32
      %mul3A_164 = arith.muli %add3A_106, %mul3A_163 : i32
      %add3A_165 = arith.addi %mul3A_162, %mul3A_164 : i32
      %dma_start3A_166 = arith.constant 0 : i32
      %dma_start3A_167 = tpu.memref_slice %arg6[%add3A_165, %dma_start3A_166] : memref<327680x64xf32, #tpu.memory_space<hbm>> -> memref<256x64xf32, #tpu.memory_space<hbm>>
      %dma_start3A_168 = arith.constant 0 : i32
      %dma_start3A_169 = tpu.memref_slice %arg6[%add3A_165, %dma_start3A_168] : memref<327680x64xf32, #tpu.memory_space<hbm>> -> memref<256x64xf32, #tpu.memory_space<hbm>>
      tpu.enqueue_dma source(%arg13 : memref<256x64xf32, #tpu.memory_space<vmem>>) target(%dma_start3A_169 : memref<256x64xf32, #tpu.memory_space<hbm>>) target_semaphore(%arg17 : memref<!tpu.dma_semaphore, #tpu.memory_space<semaphore_mem>>)
      %add3A_170 = arith.constant 2 : i32
      %add3A_171 = arith.addi %add3A_106, %add3A_170 : i32
      %lt3A = arith.constant 40 : i32
      %lt3A_172 = arith.cmpi slt, %add3A_171, %lt3A : i32
      %convert_element_type3A_173 = arith.extui %lt3A_172 : i1 to i32
      %cond3A_174 = arith.constant 0 : i32
      %cond3A_175 = arith.cmpi ne, %convert_element_type3A_173, %cond3A_174 : i32
      scf.if %cond3A_175 {
        %add3A_253 = arith.constant 2 : i32
        %add3A_254 = arith.addi %add3A_106, %add3A_253 : i32
        %mul3A_255 = arith.constant 2 : i32
        %mul3A_256 = arith.muli %mul3A_255, %add3A_254 : i32
        %add3A_257 = arith.constant 0 : i32
        %add3A_258 = arith.addi %mul3A_256, %add3A_257 : i32
        %add3A_259 = arith.constant 0 : i32
        %add3A_260 = arith.addi %mul3A_256, %add3A_259 : i32
        %add3A_261 = arith.constant 1 : i32
        %add3A_262 = arith.addi %mul3A_256, %add3A_261 : i32
        %add3A_263 = arith.constant 1 : i32
        %add3A_264 = arith.addi %mul3A_256, %add3A_263 : i32
        %dma_start3A_265 = arith.constant 0 : i32
        %dma_start3A_266 = arith.constant 0 : i32
        %dma_start3A_267 = tpu.memref_slice %arg9[%dma_start3A_265, %dma_start3A_266] : memref<256x64xf32, #tpu.memory_space<vmem>> -> memref<128x64xf32, #tpu.memory_space<vmem>>
        %dma_start3A_268 = arith.constant 0 : i32
        %dma_start3A_269 = tpu.memref_slice %arg7[%add3A_258, %dma_start3A_268] : memref<80x128xi32, #tpu.memory_space<vmem>> -> memref<1x128xi32, #tpu.memory_space<vmem>>
        %dma_start3A_270 = tpu.memref_squeeze %dma_start3A_269 : memref<1x128xi32, #tpu.memory_space<vmem>> -> memref<128xi32, #tpu.memory_space<vmem>>
        %dma_start3A_271 = arith.constant 0 : i32
        %dma_start3A_272 = arith.constant 0 : i32
        %dma_start3A_273 = tpu.memref_slice %arg2[%dma_start3A_271, %dma_start3A_272] : memref<10000x64xf32, #tpu.memory_space<hbm>> -> memref<10000x64xf32, #tpu.memory_space<hbm>>
        tpu.enqueue_indirect_dma source(%dma_start3A_273 : memref<10000x64xf32, #tpu.memory_space<hbm>>) target(%dma_start3A_267 : memref<128x64xf32, #tpu.memory_space<vmem>>) offsets(%dma_start3A_270 : memref<128xi32, #tpu.memory_space<vmem>>) semaphore(%arg15 : memref<!tpu.dma_semaphore, #tpu.memory_space<semaphore_mem>>)
        %dma_start3A_274 = arith.constant 0 : i32
        %dma_start3A_275 = arith.constant 0 : i32
        %dma_start3A_276 = tpu.memref_slice %arg11[%dma_start3A_274, %dma_start3A_275] : memref<256x64xf32, #tpu.memory_space<vmem>> -> memref<128x64xf32, #tpu.memory_space<vmem>>
        %dma_start3A_277 = arith.constant 0 : i32
        %dma_start3A_278 = tpu.memref_slice %arg8[%add3A_260, %dma_start3A_277] : memref<80x128xi32, #tpu.memory_space<vmem>> -> memref<1x128xi32, #tpu.memory_space<vmem>>
        %dma_start3A_279 = tpu.memref_squeeze %dma_start3A_278 : memref<1x128xi32, #tpu.memory_space<vmem>> -> memref<128xi32, #tpu.memory_space<vmem>>
        %dma_start3A_280 = arith.constant 0 : i32
        %dma_start3A_281 = arith.constant 0 : i32
        %dma_start3A_282 = tpu.memref_slice %arg3[%dma_start3A_280, %dma_start3A_281] : memref<10000x64xf32, #tpu.memory_space<hbm>> -> memref<10000x64xf32, #tpu.memory_space<hbm>>
        tpu.enqueue_indirect_dma source(%dma_start3A_282 : memref<10000x64xf32, #tpu.memory_space<hbm>>) target(%dma_start3A_276 : memref<128x64xf32, #tpu.memory_space<vmem>>) offsets(%dma_start3A_279 : memref<128xi32, #tpu.memory_space<vmem>>) semaphore(%arg15 : memref<!tpu.dma_semaphore, #tpu.memory_space<semaphore_mem>>)
        %dma_start3A_283 = arith.constant 128 : i32
        %dma_start3A_284 = arith.constant 0 : i32
        %dma_start3A_285 = tpu.memref_slice %arg9[%dma_start3A_283, %dma_start3A_284] : memref<256x64xf32, #tpu.memory_space<vmem>> -> memref<128x64xf32, #tpu.memory_space<vmem>>
        %dma_start3A_286 = arith.constant 0 : i32
        %dma_start3A_287 = tpu.memref_slice %arg7[%add3A_262, %dma_start3A_286] : memref<80x128xi32, #tpu.memory_space<vmem>> -> memref<1x128xi32, #tpu.memory_space<vmem>>
        %dma_start3A_288 = tpu.memref_squeeze %dma_start3A_287 : memref<1x128xi32, #tpu.memory_space<vmem>> -> memref<128xi32, #tpu.memory_space<vmem>>
        %dma_start3A_289 = arith.constant 0 : i32
        %dma_start3A_290 = arith.constant 0 : i32
        %dma_start3A_291 = tpu.memref_slice %arg2[%dma_start3A_289, %dma_start3A_290] : memref<10000x64xf32, #tpu.memory_space<hbm>> -> memref<10000x64xf32, #tpu.memory_space<hbm>>
        tpu.enqueue_indirect_dma source(%dma_start3A_291 : memref<10000x64xf32, #tpu.memory_space<hbm>>) target(%dma_start3A_285 : memref<128x64xf32, #tpu.memory_space<vmem>>) offsets(%dma_start3A_288 : memref<128xi32, #tpu.memory_space<vmem>>) semaphore(%arg15 : memref<!tpu.dma_semaphore, #tpu.memory_space<semaphore_mem>>)
        %dma_start3A_292 = arith.constant 128 : i32
        %dma_start3A_293 = arith.constant 0 : i32
        %dma_start3A_294 = tpu.memref_slice %arg11[%dma_start3A_292, %dma_start3A_293] : memref<256x64xf32, #tpu.memory_space<vmem>> -> memref<128x64xf32, #tpu.memory_space<vmem>>
        %dma_start3A_295 = arith.constant 0 : i32
        %dma_start3A_296 = tpu.memref_slice %arg8[%add3A_264, %dma_start3A_295] : memref<80x128xi32, #tpu.memory_space<vmem>> -> memref<1x128xi32, #tpu.memory_space<vmem>>
        %dma_start3A_297 = tpu.memref_squeeze %dma_start3A_296 : memref<1x128xi32, #tpu.memory_space<vmem>> -> memref<128xi32, #tpu.memory_space<vmem>>
        %dma_start3A_298 = arith.constant 0 : i32
        %dma_start3A_299 = arith.constant 0 : i32
        %dma_start3A_300 = tpu.memref_slice %arg3[%dma_start3A_298, %dma_start3A_299] : memref<10000x64xf32, #tpu.memory_space<hbm>> -> memref<10000x64xf32, #tpu.memory_space<hbm>>
        tpu.enqueue_indirect_dma source(%dma_start3A_300 : memref<10000x64xf32, #tpu.memory_space<hbm>>) target(%dma_start3A_294 : memref<128x64xf32, #tpu.memory_space<vmem>>) offsets(%dma_start3A_297 : memref<128xi32, #tpu.memory_space<vmem>>) semaphore(%arg15 : memref<!tpu.dma_semaphore, #tpu.memory_space<semaphore_mem>>)
      } else {
      }
      %mul3A_176 = arith.constant 2 : i32
      %mul3A_177 = arith.muli %mul3A_176, %scan3A_102 : i32
      %add3A_178 = arith.constant 1 : i32
      %add3A_179 = arith.addi %mul3A_177, %add3A_178 : i32
      %mul3A_180 = arith.constant 2 : i32
      %mul3A_181 = arith.muli %mul3A_180, %add3A_179 : i32
      %add3A_182 = arith.constant 0 : i32
      %add3A_183 = arith.addi %mul3A_181, %add3A_182 : i32
      %add3A_184 = arith.constant 0 : i32
      %add3A_185 = arith.addi %mul3A_181, %add3A_184 : i32
      %add3A_186 = arith.constant 1 : i32
      %add3A_187 = arith.addi %mul3A_181, %add3A_186 : i32
      %add3A_188 = arith.constant 1 : i32
      %add3A_189 = arith.addi %mul3A_181, %add3A_188 : i32
      %dma_wait3A_190 = arith.constant 0 : i32
      %dma_wait3A_191 = arith.constant 0 : i32
      %dma_wait3A_192 = tpu.memref_slice %arg10[%dma_wait3A_190, %dma_wait3A_191] : memref<256x64xf32, #tpu.memory_space<vmem>> -> memref<128x64xf32, #tpu.memory_space<vmem>>
      %dma_wait3A_193 = arith.constant 0 : i32
      %dma_wait3A_194 = tpu.memref_slice %arg7[%add3A_183, %dma_wait3A_193] : memref<80x128xi32, #tpu.memory_space<vmem>> -> memref<1x128xi32, #tpu.memory_space<vmem>>
      %dma_wait3A_195 = tpu.memref_squeeze %dma_wait3A_194 : memref<1x128xi32, #tpu.memory_space<vmem>> -> memref<128xi32, #tpu.memory_space<vmem>>
      %dma_wait3A_196 = arith.constant 0 : i32
      %dma_wait3A_197 = arith.constant 0 : i32
      %dma_wait3A_198 = tpu.memref_slice %arg2[%dma_wait3A_196, %dma_wait3A_197] : memref<10000x64xf32, #tpu.memory_space<hbm>> -> memref<10000x64xf32, #tpu.memory_space<hbm>>
      tpu.wait_indirect_dma semaphore(%arg16 : memref<!tpu.dma_semaphore, #tpu.memory_space<semaphore_mem>>) src(%dma_wait3A_198 : memref<10000x64xf32, #tpu.memory_space<hbm>>) dst(%dma_wait3A_192 : memref<128x64xf32, #tpu.memory_space<vmem>>)
      %dma_wait3A_199 = arith.constant 0 : i32
      %dma_wait3A_200 = arith.constant 0 : i32
      %dma_wait3A_201 = tpu.memref_slice %arg12[%dma_wait3A_199, %dma_wait3A_200] : memref<256x64xf32, #tpu.memory_space<vmem>> -> memref<128x64xf32, #tpu.memory_space<vmem>>
      %dma_wait3A_202 = arith.constant 0 : i32
      %dma_wait3A_203 = tpu.memref_slice %arg8[%add3A_185, %dma_wait3A_202] : memref<80x128xi32, #tpu.memory_space<vmem>> -> memref<1x128xi32, #tpu.memory_space<vmem>>
      %dma_wait3A_204 = tpu.memref_squeeze %dma_wait3A_203 : memref<1x128xi32, #tpu.memory_space<vmem>> -> memref<128xi32, #tpu.memory_space<vmem>>
      %dma_wait3A_205 = arith.constant 0 : i32
      %dma_wait3A_206 = arith.constant 0 : i32
      %dma_wait3A_207 = tpu.memref_slice %arg3[%dma_wait3A_205, %dma_wait3A_206] : memref<10000x64xf32, #tpu.memory_space<hbm>> -> memref<10000x64xf32, #tpu.memory_space<hbm>>
      tpu.wait_indirect_dma semaphore(%arg16 : memref<!tpu.dma_semaphore, #tpu.memory_space<semaphore_mem>>) src(%dma_wait3A_207 : memref<10000x64xf32, #tpu.memory_space<hbm>>) dst(%dma_wait3A_201 : memref<128x64xf32, #tpu.memory_space<vmem>>)
      %dma_wait3A_208 = arith.constant 128 : i32
      %dma_wait3A_209 = arith.constant 0 : i32
      %dma_wait3A_210 = tpu.memref_slice %arg10[%dma_wait3A_208, %dma_wait3A_209] : memref<256x64xf32, #tpu.memory_space<vmem>> -> memref<128x64xf32, #tpu.memory_space<vmem>>
      %dma_wait3A_211 = arith.constant 0 : i32
      %dma_wait3A_212 = tpu.memref_slice %arg7[%add3A_187, %dma_wait3A_211] : memref<80x128xi32, #tpu.memory_space<vmem>> -> memref<1x128xi32, #tpu.memory_space<vmem>>
      %dma_wait3A_213 = tpu.memref_squeeze %dma_wait3A_212 : memref<1x128xi32, #tpu.memory_space<vmem>> -> memref<128xi32, #tpu.memory_space<vmem>>
      %dma_wait3A_214 = arith.constant 0 : i32
      %dma_wait3A_215 = arith.constant 0 : i32
      %dma_wait3A_216 = tpu.memref_slice %arg2[%dma_wait3A_214, %dma_wait3A_215] : memref<10000x64xf32, #tpu.memory_space<hbm>> -> memref<10000x64xf32, #tpu.memory_space<hbm>>
      tpu.wait_indirect_dma semaphore(%arg16 : memref<!tpu.dma_semaphore, #tpu.memory_space<semaphore_mem>>) src(%dma_wait3A_216 : memref<10000x64xf32, #tpu.memory_space<hbm>>) dst(%dma_wait3A_210 : memref<128x64xf32, #tpu.memory_space<vmem>>)
      %dma_wait3A_217 = arith.constant 128 : i32
      %dma_wait3A_218 = arith.constant 0 : i32
      %dma_wait3A_219 = tpu.memref_slice %arg12[%dma_wait3A_217, %dma_wait3A_218] : memref<256x64xf32, #tpu.memory_space<vmem>> -> memref<128x64xf32, #tpu.memory_space<vmem>>
      %dma_wait3A_220 = arith.constant 0 : i32
      %dma_wait3A_221 = tpu.memref_slice %arg8[%add3A_189, %dma_wait3A_220] : memref<80x128xi32, #tpu.memory_space<vmem>> -> memref<1x128xi32, #tpu.memory_space<vmem>>
      %dma_wait3A_222 = tpu.memref_squeeze %dma_wait3A_221 : memref<1x128xi32, #tpu.memory_space<vmem>> -> memref<128xi32, #tpu.memory_space<vmem>>
      %dma_wait3A_223 = arith.constant 0 : i32
      %dma_wait3A_224 = arith.constant 0 : i32
      %dma_wait3A_225 = tpu.memref_slice %arg3[%dma_wait3A_223, %dma_wait3A_224] : memref<10000x64xf32, #tpu.memory_space<hbm>> -> memref<10000x64xf32, #tpu.memory_space<hbm>>
      tpu.wait_indirect_dma semaphore(%arg16 : memref<!tpu.dma_semaphore, #tpu.memory_space<semaphore_mem>>) src(%dma_wait3A_225 : memref<10000x64xf32, #tpu.memory_space<hbm>>) dst(%dma_wait3A_219 : memref<128x64xf32, #tpu.memory_space<vmem>>)
      %ge3A_226 = arith.constant 2 : i32
      %ge3A_227 = arith.cmpi sge, %add3A_179, %ge3A_226 : i32
      %convert_element_type3A_228 = arith.extui %ge3A_227 : i1 to i32
      %cond3A_229 = arith.constant 0 : i32
      %cond3A_230 = arith.cmpi ne, %convert_element_type3A_228, %cond3A_229 : i32
      scf.if %cond3A_230 {
        %sub3A = arith.constant 2 : i32
        %sub3A_253 = arith.subi %add3A_179, %sub3A : i32
        %mul3A_254 = arith.constant 10240 : i32
        %mul3A_255 = arith.muli %add3A, %mul3A_254 : i32
        %mul3A_256 = arith.constant 256 : i32
        %mul3A_257 = arith.muli %sub3A_253, %mul3A_256 : i32
        %add3A_258 = arith.addi %mul3A_255, %mul3A_257 : i32
        %dma_wait3A_259 = arith.constant 0 : i32
        %dma_wait3A_260 = tpu.memref_slice %arg6[%add3A_258, %dma_wait3A_259] : memref<327680x64xf32, #tpu.memory_space<hbm>> -> memref<256x64xf32, #tpu.memory_space<hbm>>
        %dma_wait3A_261 = arith.constant 0 : i32
        %dma_wait3A_262 = tpu.memref_slice %arg6[%add3A_258, %dma_wait3A_261] : memref<327680x64xf32, #tpu.memory_space<hbm>> -> memref<256x64xf32, #tpu.memory_space<hbm>>
        tpu.wait_dma2 semaphore(%arg18 : memref<!tpu.dma_semaphore, #tpu.memory_space<semaphore_mem>>) src(%arg14 : memref<256x64xf32, #tpu.memory_space<vmem>>) dst(%dma_wait3A_262 : memref<256x64xf32, #tpu.memory_space<hbm>>)
      } else {
      }
      %scan3A_231 = arith.constant 0 : i32
      %scan3A_232 = arith.constant 0 : i32
      %scan3A_233 = arith.constant 256 : i32
      %scan3A_234 = arith.addi %scan3A_232, %scan3A_233 : i32
      %scan3A_235 = arith.constant 1 : i32
      scf.for %scan3A_253 = %scan3A_232 to %scan3A_234 step %scan3A_235  : i32 {
        %get3A = arith.index_cast %scan3A_253 : i32 to index
        %get3A_254 = arith.constant 0 : index
        %get3A_255 = tpu.vector_load %arg10[%get3A, %get3A_254] {strides = array<i32>} : memref<256x64xf32, #tpu.memory_space<vmem>>, vector<1x16xf32>,
        %get3A_256 = vector.shape_cast %get3A_255 : vector<1x16xf32> to vector<16xf32>
        %get3A_257 = arith.index_cast %scan3A_253 : i32 to index
        %get3A_258 = arith.constant 0 : index
        %get3A_259 = tpu.vector_load %arg12[%get3A_257, %get3A_258] {strides = array<i32>} : memref<256x64xf32, #tpu.memory_space<vmem>>, vector<1x16xf32>,
        %get3A_260 = vector.shape_cast %get3A_259 : vector<1x16xf32> to vector<16xf32>
        %add3A_261 = arith.addf %get3A_256, %get3A_260 : vector<16xf32>
        %swap3A = arith.index_cast %scan3A_253 : i32 to index
        %swap3A_262 = arith.constant 0 : index
        %swap3A_263 = tpu.vector_load %arg14[%swap3A, %swap3A_262] {strides = array<i32>} : memref<256x64xf32, #tpu.memory_space<vmem>>, vector<1x16xf32>,
        %swap3A_264 = vector.shape_cast %swap3A_263 : vector<1x16xf32> to vector<16xf32>
        %swap3A_265 = vector.shape_cast %add3A_261 : vector<16xf32> to vector<1x16xf32>
        tpu.vector_store %arg14[%swap3A, %swap3A_262], %swap3A_265 {strides = array<i32>} : memref<256x64xf32, #tpu.memory_space<vmem>>, vector<1x16xf32>,
        %get3A_266 = arith.index_cast %scan3A_253 : i32 to index
        %get3A_267 = arith.constant 16 : index
        %get3A_268 = tpu.vector_load %arg10[%get3A_266, %get3A_267] {strides = array<i32>} : memref<256x64xf32, #tpu.memory_space<vmem>>, vector<1x16xf32>,
        %get3A_269 = vector.shape_cast %get3A_268 : vector<1x16xf32> to vector<16xf32>
        %get3A_270 = arith.index_cast %scan3A_253 : i32 to index
        %get3A_271 = arith.constant 16 : index
        %get3A_272 = tpu.vector_load %arg12[%get3A_270, %get3A_271] {strides = array<i32>} : memref<256x64xf32, #tpu.memory_space<vmem>>, vector<1x16xf32>,
        %get3A_273 = vector.shape_cast %get3A_272 : vector<1x16xf32> to vector<16xf32>
        %add3A_274 = arith.addf %get3A_269, %get3A_273 : vector<16xf32>
        %swap3A_275 = arith.index_cast %scan3A_253 : i32 to index
        %swap3A_276 = arith.constant 16 : index
        %swap3A_277 = tpu.vector_load %arg14[%swap3A_275, %swap3A_276] {strides = array<i32>} : memref<256x64xf32, #tpu.memory_space<vmem>>, vector<1x16xf32>,
        %swap3A_278 = vector.shape_cast %swap3A_277 : vector<1x16xf32> to vector<16xf32>
        %swap3A_279 = vector.shape_cast %add3A_274 : vector<16xf32> to vector<1x16xf32>
        tpu.vector_store %arg14[%swap3A_275, %swap3A_276], %swap3A_279 {strides = array<i32>} : memref<256x64xf32, #tpu.memory_space<vmem>>, vector<1x16xf32>,
        %get3A_280 = arith.index_cast %scan3A_253 : i32 to index
        %get3A_281 = arith.constant 32 : index
        %get3A_282 = tpu.vector_load %arg10[%get3A_280, %get3A_281] {strides = array<i32>} : memref<256x64xf32, #tpu.memory_space<vmem>>, vector<1x16xf32>,
        %get3A_283 = vector.shape_cast %get3A_282 : vector<1x16xf32> to vector<16xf32>
        %get3A_284 = arith.index_cast %scan3A_253 : i32 to index
        %get3A_285 = arith.constant 32 : index
        %get3A_286 = tpu.vector_load %arg12[%get3A_284, %get3A_285] {strides = array<i32>} : memref<256x64xf32, #tpu.memory_space<vmem>>, vector<1x16xf32>,
        %get3A_287 = vector.shape_cast %get3A_286 : vector<1x16xf32> to vector<16xf32>
        %add3A_288 = arith.addf %get3A_283, %get3A_287 : vector<16xf32>
        %swap3A_289 = arith.index_cast %scan3A_253 : i32 to index
        %swap3A_290 = arith.constant 32 : index
        %swap3A_291 = tpu.vector_load %arg14[%swap3A_289, %swap3A_290] {strides = array<i32>} : memref<256x64xf32, #tpu.memory_space<vmem>>, vector<1x16xf32>,
        %swap3A_292 = vector.shape_cast %swap3A_291 : vector<1x16xf32> to vector<16xf32>
        %swap3A_293 = vector.shape_cast %add3A_288 : vector<16xf32> to vector<1x16xf32>
        tpu.vector_store %arg14[%swap3A_289, %swap3A_290], %swap3A_293 {strides = array<i32>} : memref<256x64xf32, #tpu.memory_space<vmem>>, vector<1x16xf32>,
        %get3A_294 = arith.index_cast %scan3A_253 : i32 to index
        %get3A_295 = arith.constant 48 : index
        %get3A_296 = tpu.vector_load %arg10[%get3A_294, %get3A_295] {strides = array<i32>} : memref<256x64xf32, #tpu.memory_space<vmem>>, vector<1x16xf32>,
        %get3A_297 = vector.shape_cast %get3A_296 : vector<1x16xf32> to vector<16xf32>
        %get3A_298 = arith.index_cast %scan3A_253 : i32 to index
        %get3A_299 = arith.constant 48 : index
        %get3A_300 = tpu.vector_load %arg12[%get3A_298, %get3A_299] {strides = array<i32>} : memref<256x64xf32, #tpu.memory_space<vmem>>, vector<1x16xf32>,
        %get3A_301 = vector.shape_cast %get3A_300 : vector<1x16xf32> to vector<16xf32>
        %add3A_302 = arith.addf %get3A_297, %get3A_301 : vector<16xf32>
        %swap3A_303 = arith.index_cast %scan3A_253 : i32 to index
        %swap3A_304 = arith.constant 48 : index
        %swap3A_305 = tpu.vector_load %arg14[%swap3A_303, %swap3A_304] {strides = array<i32>} : memref<256x64xf32, #tpu.memory_space<vmem>>, vector<1x16xf32>,
        %swap3A_306 = vector.shape_cast %swap3A_305 : vector<1x16xf32> to vector<16xf32>
        %swap3A_307 = vector.shape_cast %add3A_302 : vector<16xf32> to vector<1x16xf32>
        tpu.vector_store %arg14[%swap3A_303, %swap3A_304], %swap3A_307 {strides = array<i32>} : memref<256x64xf32, #tpu.memory_space<vmem>>, vector<1x16xf32>,
      }
      %scan3A_236 = arith.constant 256 : i32
      %mul3A_237 = arith.constant 10240 : i32
      %mul3A_238 = arith.muli %add3A, %mul3A_237 : i32
      %mul3A_239 = arith.constant 256 : i32
      %mul3A_240 = arith.muli %add3A_179, %mul3A_239 : i32
      %add3A_241 = arith.addi %mul3A_238, %mul3A_240 : i32
      %dma_start3A_242 = arith.constant 0 : i32
      %dma_start3A_243 = tpu.memref_slice %arg6[%add3A_241, %dma_start3A_242] : memref<327680x64xf32, #tpu.memory_space<hbm>> -> memref<256x64xf32, #tpu.memory_space<hbm>>
      %dma_start3A_244 = arith.constant 0 : i32
      %dma_start3A_245 = tpu.memref_slice %arg6[%add3A_241, %dma_start3A_244] : memref<327680x64xf32, #tpu.memory_space<hbm>> -> memref<256x64xf32, #tpu.memory_space<hbm>>
      tpu.enqueue_dma source(%arg14 : memref<256x64xf32, #tpu.memory_space<vmem>>) target(%dma_start3A_245 : memref<256x64xf32, #tpu.memory_space<hbm>>) target_semaphore(%arg18 : memref<!tpu.dma_semaphore, #tpu.memory_space<semaphore_mem>>)
      %add3A_246 = arith.constant 2 : i32
      %add3A_247 = arith.addi %add3A_179, %add3A_246 : i32
      %lt3A_248 = arith.constant 40 : i32
      %lt3A_249 = arith.cmpi slt, %add3A_247, %lt3A_248 : i32
      %convert_element_type3A_250 = arith.extui %lt3A_249 : i1 to i32
      %cond3A_251 = arith.constant 0 : i32
      %cond3A_252 = arith.cmpi ne, %convert_element_type3A_250, %cond3A_251 : i32
      scf.if %cond3A_252 {
        %add3A_253 = arith.constant 2 : i32
        %add3A_254 = arith.addi %add3A_179, %add3A_253 : i32
        %mul3A_255 = arith.constant 2 : i32
        %mul3A_256 = arith.muli %mul3A_255, %add3A_254 : i32
        %add3A_257 = arith.constant 0 : i32
        %add3A_258 = arith.addi %mul3A_256, %add3A_257 : i32
        %add3A_259 = arith.constant 0 : i32
        %add3A_260 = arith.addi %mul3A_256, %add3A_259 : i32
        %add3A_261 = arith.constant 1 : i32
        %add3A_262 = arith.addi %mul3A_256, %add3A_261 : i32
        %add3A_263 = arith.constant 1 : i32
        %add3A_264 = arith.addi %mul3A_256, %add3A_263 : i32
        %dma_start3A_265 = arith.constant 0 : i32
        %dma_start3A_266 = arith.constant 0 : i32
        %dma_start3A_267 = tpu.memref_slice %arg10[%dma_start3A_265, %dma_start3A_266] : memref<256x64xf32, #tpu.memory_space<vmem>> -> memref<128x64xf32, #tpu.memory_space<vmem>>
        %dma_start3A_268 = arith.constant 0 : i32
        %dma_start3A_269 = tpu.memref_slice %arg7[%add3A_258, %dma_start3A_268] : memref<80x128xi32, #tpu.memory_space<vmem>> -> memref<1x128xi32, #tpu.memory_space<vmem>>
        %dma_start3A_270 = tpu.memref_squeeze %dma_start3A_269 : memref<1x128xi32, #tpu.memory_space<vmem>> -> memref<128xi32, #tpu.memory_space<vmem>>
        %dma_start3A_271 = arith.constant 0 : i32
        %dma_start3A_272 = arith.constant 0 : i32
        %dma_start3A_273 = tpu.memref_slice %arg2[%dma_start3A_271, %dma_start3A_272] : memref<10000x64xf32, #tpu.memory_space<hbm>> -> memref<10000x64xf32, #tpu.memory_space<hbm>>
        tpu.enqueue_indirect_dma source(%dma_start3A_273 : memref<10000x64xf32, #tpu.memory_space<hbm>>) target(%dma_start3A_267 : memref<128x64xf32, #tpu.memory_space<vmem>>) offsets(%dma_start3A_270 : memref<128xi32, #tpu.memory_space<vmem>>) semaphore(%arg16 : memref<!tpu.dma_semaphore, #tpu.memory_space<semaphore_mem>>)
        %dma_start3A_274 = arith.constant 0 : i32
        %dma_start3A_275 = arith.constant 0 : i32
        %dma_start3A_276 = tpu.memref_slice %arg12[%dma_start3A_274, %dma_start3A_275] : memref<256x64xf32, #tpu.memory_space<vmem>> -> memref<128x64xf32, #tpu.memory_space<vmem>>
        %dma_start3A_277 = arith.constant 0 : i32
        %dma_start3A_278 = tpu.memref_slice %arg8[%add3A_260, %dma_start3A_277] : memref<80x128xi32, #tpu.memory_space<vmem>> -> memref<1x128xi32, #tpu.memory_space<vmem>>
        %dma_start3A_279 = tpu.memref_squeeze %dma_start3A_278 : memref<1x128xi32, #tpu.memory_space<vmem>> -> memref<128xi32, #tpu.memory_space<vmem>>
        %dma_start3A_280 = arith.constant 0 : i32
        %dma_start3A_281 = arith.constant 0 : i32
        %dma_start3A_282 = tpu.memref_slice %arg3[%dma_start3A_280, %dma_start3A_281] : memref<10000x64xf32, #tpu.memory_space<hbm>> -> memref<10000x64xf32, #tpu.memory_space<hbm>>
        tpu.enqueue_indirect_dma source(%dma_start3A_282 : memref<10000x64xf32, #tpu.memory_space<hbm>>) target(%dma_start3A_276 : memref<128x64xf32, #tpu.memory_space<vmem>>) offsets(%dma_start3A_279 : memref<128xi32, #tpu.memory_space<vmem>>) semaphore(%arg16 : memref<!tpu.dma_semaphore, #tpu.memory_space<semaphore_mem>>)
        %dma_start3A_283 = arith.constant 128 : i32
        %dma_start3A_284 = arith.constant 0 : i32
        %dma_start3A_285 = tpu.memref_slice %arg10[%dma_start3A_283, %dma_start3A_284] : memref<256x64xf32, #tpu.memory_space<vmem>> -> memref<128x64xf32, #tpu.memory_space<vmem>>
        %dma_start3A_286 = arith.constant 0 : i32
        %dma_start3A_287 = tpu.memref_slice %arg7[%add3A_262, %dma_start3A_286] : memref<80x128xi32, #tpu.memory_space<vmem>> -> memref<1x128xi32, #tpu.memory_space<vmem>>
        %dma_start3A_288 = tpu.memref_squeeze %dma_start3A_287 : memref<1x128xi32, #tpu.memory_space<vmem>> -> memref<128xi32, #tpu.memory_space<vmem>>
        %dma_start3A_289 = arith.constant 0 : i32
        %dma_start3A_290 = arith.constant 0 : i32
        %dma_start3A_291 = tpu.memref_slice %arg2[%dma_start3A_289, %dma_start3A_290] : memref<10000x64xf32, #tpu.memory_space<hbm>> -> memref<10000x64xf32, #tpu.memory_space<hbm>>
        tpu.enqueue_indirect_dma source(%dma_start3A_291 : memref<10000x64xf32, #tpu.memory_space<hbm>>) target(%dma_start3A_285 : memref<128x64xf32, #tpu.memory_space<vmem>>) offsets(%dma_start3A_288 : memref<128xi32, #tpu.memory_space<vmem>>) semaphore(%arg16 : memref<!tpu.dma_semaphore, #tpu.memory_space<semaphore_mem>>)
        %dma_start3A_292 = arith.constant 128 : i32
        %dma_start3A_293 = arith.constant 0 : i32
        %dma_start3A_294 = tpu.memref_slice %arg12[%dma_start3A_292, %dma_start3A_293] : memref<256x64xf32, #tpu.memory_space<vmem>> -> memref<128x64xf32, #tpu.memory_space<vmem>>
        %dma_start3A_295 = arith.constant 0 : i32
        %dma_start3A_296 = tpu.memref_slice %arg8[%add3A_264, %dma_start3A_295] : memref<80x128xi32, #tpu.memory_space<vmem>> -> memref<1x128xi32, #tpu.memory_space<vmem>>
        %dma_start3A_297 = tpu.memref_squeeze %dma_start3A_296 : memref<1x128xi32, #tpu.memory_space<vmem>> -> memref<128xi32, #tpu.memory_space<vmem>>
        %dma_start3A_298 = arith.constant 0 : i32
        %dma_start3A_299 = arith.constant 0 : i32
        %dma_start3A_300 = tpu.memref_slice %arg3[%dma_start3A_298, %dma_start3A_299] : memref<10000x64xf32, #tpu.memory_space<hbm>> -> memref<10000x64xf32, #tpu.memory_space<hbm>>
        tpu.enqueue_indirect_dma source(%dma_start3A_300 : memref<10000x64xf32, #tpu.memory_space<hbm>>) target(%dma_start3A_294 : memref<128x64xf32, #tpu.memory_space<vmem>>) offsets(%dma_start3A_297 : memref<128xi32, #tpu.memory_space<vmem>>) semaphore(%arg16 : memref<!tpu.dma_semaphore, #tpu.memory_space<semaphore_mem>>)
      } else {
      }
    }
    %scan3A_86 = arith.constant 20 : i32
    %mul3A_87 = arith.constant 10240 : i32
    %mul3A_88 = arith.muli %add3A, %mul3A_87 : i32
    %add3A_89 = arith.constant 9728 : i32
    %add3A_90 = arith.addi %mul3A_88, %add3A_89 : i32
    %dma_wait3A = arith.constant 0 : i32
    %dma_wait3A_91 = tpu.memref_slice %arg6[%add3A_90, %dma_wait3A] : memref<327680x64xf32, #tpu.memory_space<hbm>> -> memref<256x64xf32, #tpu.memory_space<hbm>>
    %dma_wait3A_92 = arith.constant 0 : i32
    %dma_wait3A_93 = tpu.memref_slice %arg6[%add3A_90, %dma_wait3A_92] : memref<327680x64xf32, #tpu.memory_space<hbm>> -> memref<256x64xf32, #tpu.memory_space<hbm>>
    tpu.wait_dma2 semaphore(%arg17 : memref<!tpu.dma_semaphore, #tpu.memory_space<semaphore_mem>>) src(%arg13 : memref<256x64xf32, #tpu.memory_space<vmem>>) dst(%dma_wait3A_93 : memref<256x64xf32, #tpu.memory_space<hbm>>)
    %mul3A_94 = arith.constant 10240 : i32
    %mul3A_95 = arith.muli %add3A, %mul3A_94 : i32
    %add3A_96 = arith.constant 9984 : i32
    %add3A_97 = arith.addi %mul3A_95, %add3A_96 : i32
    %dma_wait3A_98 = arith.constant 0 : i32
    %dma_wait3A_99 = tpu.memref_slice %arg6[%add3A_97, %dma_wait3A_98] : memref<327680x64xf32, #tpu.memory_space<hbm>> -> memref<256x64xf32, #tpu.memory_space<hbm>>
    %dma_wait3A_100 = arith.constant 0 : i32
    %dma_wait3A_101 = tpu.memref_slice %arg6[%add3A_97, %dma_wait3A_100] : memref<327680x64xf32, #tpu.memory_space<hbm>> -> memref<256x64xf32, #tpu.memory_space<hbm>>
    tpu.wait_dma2 semaphore(%arg18 : memref<!tpu.dma_semaphore, #tpu.memory_space<semaphore_mem>>) src(%arg14 : memref<256x64xf32, #tpu.memory_space<vmem>>) dst(%dma_wait3A_101 : memref<256x64xf32, #tpu.memory_space<hbm>>)
    return
  }
}

module attributes {stable_mosaic.version = 14 : i64} {
  func.func @_mm_body(%arg0: i32, %arg1: memref<1x400x128xf32, #tpu.memory_space<vmem>>, %arg2: memref<8x128xf32, #tpu.memory_space<vmem>>, %arg3: memref<128x64xf32, #tpu.memory_space<vmem>>, %arg4: memref<128x64xf32, #tpu.memory_space<vmem>>, %arg5: memref<128x128xf32, #tpu.memory_space<vmem>>, %arg6: memref<1x128xf32, #tpu.memory_space<vmem>>, %arg7: memref<400x64xf32, #tpu.memory_space<vmem>>, %arg8: memref<400x64xf32, #tpu.memory_space<vmem>>, %arg9: memref<400x64xf32, #tpu.memory_space<vmem>>, %arg10: memref<400x64xf32, #tpu.memory_space<vmem>>) attributes {dimension_semantics = [#tpu.dimension_semantics<arbitrary>], iteration_bounds = array<i64: 25>, scalar_prefetch = 0 : i64, scratch_operands = 0 : i64, tpu.core_type = #tpu.core_type<tc>, window_params = [{transform_indices = @transform_0, window_bounds = array<i64: 1, 400, 128>}, {pipeline_mode = #tpu.pipeline_mode<synchronous>, transform_indices = @transform_1, window_bounds = array<i64: 8, 128>}, {pipeline_mode = #tpu.pipeline_mode<synchronous>, transform_indices = @transform_2, window_bounds = array<i64: 128, 64>}, {pipeline_mode = #tpu.pipeline_mode<synchronous>, transform_indices = @transform_3, window_bounds = array<i64: 128, 64>}, {pipeline_mode = #tpu.pipeline_mode<synchronous>, transform_indices = @transform_4, window_bounds = array<i64: 128, 128>}, {pipeline_mode = #tpu.pipeline_mode<synchronous>, transform_indices = @transform_5, window_bounds = array<i64: 1, 128>}, {transform_indices = @transform_6, window_bounds = array<i64: 400, 64>}, {transform_indices = @transform_7, window_bounds = array<i64: 400, 64>}, {transform_indices = @transform_8, window_bounds = array<i64: 400, 64>}, {transform_indices = @transform_9, window_bounds = array<i64: 400, 64>}]} {
    %get3A = arith.constant 0 : index
    %get3A_0 = arith.constant 0 : index
    %get3A_1 = arith.constant 0 : index
    %get3A_2 = vector.load %arg1[%get3A, %get3A_0, %get3A_1] : memref<1x400x128xf32, #tpu.memory_space<vmem>>, vector<1x400x128xf32>
    %get3A_3 = vector.shape_cast %get3A_2 : vector<1x400x128xf32> to vector<400x128xf32>
    %get3A_4 = arith.constant 0 : index
    %get3A_5 = arith.constant 0 : index
    %get3A_6 = vector.load %arg3[%get3A_4, %get3A_5] : memref<128x64xf32, #tpu.memory_space<vmem>>, vector<128x64xf32>
    %dot_general3A = arith.constant dense<0.000000e+00> : vector<400x64xf32>
    %dot_general3A_7 = tpu.matmul %get3A_3, %get3A_6, %dot_general3A {dimension_numbers = #tpu.dot_dimension_numbers<[1], [0], [0], [1], [0, 0, 1, 1], [], []>, transpose_lhs_hint = false} : vector<400x128xf32>, vector<128x64xf32>, vector<400x64xf32> -> vector<400x64xf32>
    %swap3A = arith.constant 0 : index
    %swap3A_8 = arith.constant 0 : index
    %swap3A_9 = vector.load %arg7[%swap3A, %swap3A_8] : memref<400x64xf32, #tpu.memory_space<vmem>>, vector<400x64xf32>
    tpu.vector_store %arg7[%swap3A, %swap3A_8], %dot_general3A_7 {strides = array<i32>} : memref<400x64xf32, #tpu.memory_space<vmem>>, vector<400x64xf32>,
    %get3A_10 = arith.constant 0 : index
    %get3A_11 = arith.constant 0 : index
    %get3A_12 = vector.load %arg4[%get3A_10, %get3A_11] : memref<128x64xf32, #tpu.memory_space<vmem>>, vector<128x64xf32>
    %dot_general3A_13 = arith.constant dense<0.000000e+00> : vector<400x64xf32>
    %dot_general3A_14 = tpu.matmul %get3A_3, %get3A_12, %dot_general3A_13 {dimension_numbers = #tpu.dot_dimension_numbers<[1], [0], [0], [1], [0, 0, 1, 1], [], []>, transpose_lhs_hint = false} : vector<400x128xf32>, vector<128x64xf32>, vector<400x64xf32> -> vector<400x64xf32>
    %swap3A_15 = arith.constant 0 : index
    %swap3A_16 = arith.constant 0 : index
    %swap3A_17 = vector.load %arg8[%swap3A_15, %swap3A_16] : memref<400x64xf32, #tpu.memory_space<vmem>>, vector<400x64xf32>
    tpu.vector_store %arg8[%swap3A_15, %swap3A_16], %dot_general3A_14 {strides = array<i32>} : memref<400x64xf32, #tpu.memory_space<vmem>>, vector<400x64xf32>,
    %get3A_18 = arith.constant 0 : index
    %get3A_19 = arith.constant 0 : index
    %get3A_20 = vector.load %arg5[%get3A_18, %get3A_19] : memref<128x128xf32, #tpu.memory_space<vmem>>, vector<128x128xf32>
    %dot_general3A_21 = arith.constant dense<0.000000e+00> : vector<400x128xf32>
    %dot_general3A_22 = tpu.matmul %get3A_3, %get3A_20, %dot_general3A_21 {dimension_numbers = #tpu.dot_dimension_numbers<[1], [0], [0], [1], [0, 0, 1, 1], [], []>, transpose_lhs_hint = false} : vector<400x128xf32>, vector<128x128xf32>, vector<400x128xf32> -> vector<400x128xf32>
    %get3A_23 = arith.constant 0 : index
    %get3A_24 = arith.constant 0 : index
    %get3A_25 = vector.load %arg6[%get3A_23, %get3A_24] : memref<1x128xf32, #tpu.memory_space<vmem>>, vector<1x128xf32>
    %add3A = vector.broadcast %get3A_25 : vector<1x128xf32> to vector<400x128xf32>
    %add3A_26 = arith.addf %dot_general3A_22, %add3A : vector<400x128xf32>
    %slice3A = vector.extract_strided_slice %add3A_26 {offsets = [0, 0], sizes = [400, 64], strides = [1, 1]} : vector<400x128xf32> to vector<400x64xf32>
    %swap3A_27 = arith.constant 0 : index
    %swap3A_28 = arith.constant 0 : index
    %swap3A_29 = vector.load %arg9[%swap3A_27, %swap3A_28] : memref<400x64xf32, #tpu.memory_space<vmem>>, vector<400x64xf32>
    tpu.vector_store %arg9[%swap3A_27, %swap3A_28], %slice3A {strides = array<i32>} : memref<400x64xf32, #tpu.memory_space<vmem>>, vector<400x64xf32>,
    %slice3A_30 = vector.extract_strided_slice %add3A_26 {offsets = [0, 64], sizes = [400, 64], strides = [1, 1]} : vector<400x128xf32> to vector<400x64xf32>
    %swap3A_31 = arith.constant 0 : index
    %swap3A_32 = arith.constant 0 : index
    %swap3A_33 = vector.load %arg10[%swap3A_31, %swap3A_32] : memref<400x64xf32, #tpu.memory_space<vmem>>, vector<400x64xf32>
    tpu.vector_store %arg10[%swap3A_31, %swap3A_32], %slice3A_30 {strides = array<i32>} : memref<400x64xf32, #tpu.memory_space<vmem>>, vector<400x64xf32>,
    return
  }
  func.func @transform_0(%arg0: i32) -> (i32, i32, i32) {
    %c0_i32 = arith.constant 0 : i32
    %c0_i32_0 = arith.constant 0 : i32
    %c0_i32_1 = arith.constant 0 : i32
    return %c0_i32, %arg0, %c0_i32_0 : i32, i32, i32
  }
  func.func @transform_1(%arg0: i32) -> (i32, i32) {
    %c0_i32 = arith.constant 0 : i32
    %c0_i32_0 = arith.constant 0 : i32
    %c0_i32_1 = arith.constant 0 : i32
    return %c0_i32, %c0_i32_0 : i32, i32
  }
  func.func @transform_2(%arg0: i32) -> (i32, i32) {
    %c0_i32 = arith.constant 0 : i32
    %c0_i32_0 = arith.constant 0 : i32
    %c0_i32_1 = arith.constant 0 : i32
    return %c0_i32, %c0_i32_0 : i32, i32
  }
  func.func @transform_3(%arg0: i32) -> (i32, i32) {
    %c0_i32 = arith.constant 0 : i32
    %c0_i32_0 = arith.constant 0 : i32
    %c0_i32_1 = arith.constant 0 : i32
    return %c0_i32, %c0_i32_0 : i32, i32
  }
  func.func @transform_4(%arg0: i32) -> (i32, i32) {
    %c0_i32 = arith.constant 0 : i32
    %c0_i32_0 = arith.constant 0 : i32
    %c0_i32_1 = arith.constant 0 : i32
    return %c0_i32, %c0_i32_0 : i32, i32
  }
  func.func @transform_5(%arg0: i32) -> (i32, i32) {
    %c0_i32 = arith.constant 0 : i32
    %c0_i32_0 = arith.constant 0 : i32
    %c0_i32_1 = arith.constant 0 : i32
    return %c0_i32, %c0_i32_0 : i32, i32
  }
  func.func @transform_6(%arg0: i32) -> (i32, i32) {
    %c0_i32 = arith.constant 0 : i32
    %c0_i32_0 = arith.constant 0 : i32
    return %arg0, %c0_i32 : i32, i32
  }
  func.func @transform_7(%arg0: i32) -> (i32, i32) {
    %c0_i32 = arith.constant 0 : i32
    %c0_i32_0 = arith.constant 0 : i32
    return %arg0, %c0_i32 : i32, i32
  }
  func.func @transform_8(%arg0: i32) -> (i32, i32) {
    %c0_i32 = arith.constant 0 : i32
    %c0_i32_0 = arith.constant 0 : i32
    return %arg0, %c0_i32 : i32, i32
  }
  func.func @transform_9(%arg0: i32) -> (i32, i32) {
    %c0_i32 = arith.constant 0 : i32
    %c0_i32_0 = arith.constant 0 : i32
    return %arg0, %c0_i32 : i32, i32
  }
}

module attributes {stable_mosaic.version = 14 : i64} {
  func.func @_edge_body(%arg0: i32, %arg1: memref<1024x64xf32, #tpu.memory_space<vmem>>, %arg2: memref<1024x16xf32, #tpu.memory_space<vmem>>, %arg3: memref<16x64xf32, #tpu.memory_space<vmem>>, %arg4: memref<1x64xf32, #tpu.memory_space<vmem>>, %arg5: memref<1x64xf32, #tpu.memory_space<vmem>>, %arg6: memref<64x8xf32, #tpu.memory_space<vmem>>, %arg7: memref<8x1024xf32, #tpu.memory_space<vmem>>) attributes {dimension_semantics = [#tpu.dimension_semantics<arbitrary>], iteration_bounds = array<i64: 320>, scalar_prefetch = 0 : i64, scratch_operands = 0 : i64, tpu.core_type = #tpu.core_type<tc>, window_params = [{transform_indices = @transform_0, window_bounds = array<i64: 1024, 64>}, {transform_indices = @transform_1, window_bounds = array<i64: 1024, 16>}, {pipeline_mode = #tpu.pipeline_mode<synchronous>, transform_indices = @transform_2, window_bounds = array<i64: 16, 64>}, {pipeline_mode = #tpu.pipeline_mode<synchronous>, transform_indices = @transform_3, window_bounds = array<i64: 1, 64>}, {pipeline_mode = #tpu.pipeline_mode<synchronous>, transform_indices = @transform_4, window_bounds = array<i64: 1, 64>}, {pipeline_mode = #tpu.pipeline_mode<synchronous>, transform_indices = @transform_5, window_bounds = array<i64: 64, 8>}, {transform_indices = @transform_6, window_bounds = array<i64: 8, 1024>}]} {
    %get3A = arith.constant 0 : index
    %get3A_0 = arith.constant 0 : index
    %get3A_1 = vector.load %arg1[%get3A, %get3A_0] : memref<1024x64xf32, #tpu.memory_space<vmem>>, vector<1024x64xf32>
    %get3A_2 = arith.constant 0 : index
    %get3A_3 = arith.constant 0 : index
    %get3A_4 = vector.load %arg2[%get3A_2, %get3A_3] : memref<1024x16xf32, #tpu.memory_space<vmem>>, vector<1024x16xf32>
    %get3A_5 = arith.constant 0 : index
    %get3A_6 = arith.constant 0 : index
    %get3A_7 = vector.load %arg3[%get3A_5, %get3A_6] : memref<16x64xf32, #tpu.memory_space<vmem>>, vector<16x64xf32>
    %dot_general3A = arith.constant dense<0.000000e+00> : vector<1024x64xf32>
    %dot_general3A_8 = tpu.matmul %get3A_4, %get3A_7, %dot_general3A {dimension_numbers = #tpu.dot_dimension_numbers<[1], [0], [0], [1], [0, 0, 1, 1], [], []>, transpose_lhs_hint = false} : vector<1024x16xf32>, vector<16x64xf32>, vector<1024x64xf32> -> vector<1024x64xf32>
    %add3A = arith.addf %get3A_1, %dot_general3A_8 : vector<1024x64xf32>
    %get3A_9 = arith.constant 0 : index
    %get3A_10 = arith.constant 0 : index
    %get3A_11 = vector.load %arg4[%get3A_9, %get3A_10] : memref<1x64xf32, #tpu.memory_space<vmem>>, vector<1x64xf32>
    %add3A_12 = vector.broadcast %get3A_11 : vector<1x64xf32> to vector<1024x64xf32>
    %add3A_13 = arith.addf %add3A, %add3A_12 : vector<1024x64xf32>
    %ge3A = arith.constant 0.000000e+00 : f32
    %ge3A_14 = vector.broadcast %ge3A : f32 to vector<1024x64xf32>
    %ge3A_15 = arith.cmpf oge, %add3A_13, %ge3A_14 : vector<1024x64xf32>
    %mul3A = arith.constant 0.00999999977 : f32
    %mul3A_16 = vector.broadcast %mul3A : f32 to vector<1024x64xf32>
    %mul3A_17 = arith.mulf %mul3A_16, %add3A_13 : vector<1024x64xf32>
    %select_n3A = arith.select %ge3A_15, %add3A_13, %mul3A_17 : vector<1024x64xi1>, vector<1024x64xf32>
    %get3A_18 = arith.constant 0 : index
    %get3A_19 = arith.constant 0 : index
    %get3A_20 = vector.load %arg5[%get3A_18, %get3A_19] : memref<1x64xf32, #tpu.memory_space<vmem>>, vector<1x64xf32>
    %mul3A_21 = vector.broadcast %get3A_20 : vector<1x64xf32> to vector<1024x64xf32>
    %mul3A_22 = arith.mulf %select_n3A, %mul3A_21 : vector<1024x64xf32>
    %get3A_23 = arith.constant 0 : index
    %get3A_24 = arith.constant 0 : index
    %get3A_25 = vector.load %arg6[%get3A_23, %get3A_24] : memref<64x8xf32, #tpu.memory_space<vmem>>, vector<64x8xf32>
    %dot_general3A_26 = arith.constant dense<0.000000e+00> : vector<1024x8xf32>
    %dot_general3A_27 = tpu.matmul %mul3A_22, %get3A_25, %dot_general3A_26 {dimension_numbers = #tpu.dot_dimension_numbers<[1], [0], [0], [1], [0, 0, 1, 1], [], []>, transpose_lhs_hint = false} : vector<1024x64xf32>, vector<64x8xf32>, vector<1024x8xf32> -> vector<1024x8xf32>
    %mul3A_28 = arith.constant 1024 : i32
    %mul3A_29 = arith.muli %arg0, %mul3A_28 : i32
    %iota3A = tpu.iota {dimensions = array<i32: 0>} : vector<1024x8xi32>
    %add3A_30 = vector.broadcast %mul3A_29 : i32 to vector<1024x8xi32>
    %add3A_31 = arith.addi %add3A_30, %iota3A : vector<1024x8xi32>
    %lt3A = arith.constant 320000 : i32
    %lt3A_32 = vector.broadcast %lt3A : i32 to vector<1024x8xi32>
    %lt3A_33 = arith.cmpi slt, %add3A_31, %lt3A_32 : vector<1024x8xi32>
    %exp3A = math.exp %dot_general3A_27 : vector<1024x8xf32>
    %jit3A = arith.constant 0.000000e+00 : f32
    %broadcast_in_dim3A = vector.broadcast %jit3A : f32 to vector<1024x8xf32>
    %select_n3A_34 = arith.select %lt3A_33, %exp3A, %broadcast_in_dim3A : vector<1024x8xi1>, vector<1024x8xf32>
    %transpose3A = tpu.transpose %select_n3A_34, [1, 0] : vector<1024x8xf32> -> vector<8x1024xf32>
    %swap3A = arith.constant 0 : index
    %swap3A_35 = arith.constant 0 : index
    %swap3A_36 = vector.load %arg7[%swap3A, %swap3A_35] : memref<8x1024xf32, #tpu.memory_space<vmem>>, vector<8x1024xf32>
    tpu.vector_store %arg7[%swap3A, %swap3A_35], %transpose3A {strides = array<i32>} : memref<8x1024xf32, #tpu.memory_space<vmem>>, vector<8x1024xf32>,
    return
  }
  func.func @transform_0(%arg0: i32) -> (i32, i32) {
    %c0_i32 = arith.constant 0 : i32
    %c0_i32_0 = arith.constant 0 : i32
    return %arg0, %c0_i32 : i32, i32
  }
  func.func @transform_1(%arg0: i32) -> (i32, i32) {
    %min3A = arith.constant 312 : i32
    %min3A_0 = arith.minsi %arg0, %min3A : i32
    %c0_i32 = arith.constant 0 : i32
    %c0_i32_1 = arith.constant 0 : i32
    return %min3A_0, %c0_i32 : i32, i32
  }
  func.func @transform_2(%arg0: i32) -> (i32, i32) {
    %c0_i32 = arith.constant 0 : i32
    %c0_i32_0 = arith.constant 0 : i32
    %c0_i32_1 = arith.constant 0 : i32
    return %c0_i32, %c0_i32_0 : i32, i32
  }
  func.func @transform_3(%arg0: i32) -> (i32, i32) {
    %c0_i32 = arith.constant 0 : i32
    %c0_i32_0 = arith.constant 0 : i32
    %c0_i32_1 = arith.constant 0 : i32
    return %c0_i32, %c0_i32_0 : i32, i32
  }
  func.func @transform_4(%arg0: i32) -> (i32, i32) {
    %c0_i32 = arith.constant 0 : i32
    %c0_i32_0 = arith.constant 0 : i32
    %c0_i32_1 = arith.constant 0 : i32
    return %c0_i32, %c0_i32_0 : i32, i32
  }
  func.func @transform_5(%arg0: i32) -> (i32, i32) {
    %c0_i32 = arith.constant 0 : i32
    %c0_i32_0 = arith.constant 0 : i32
    %c0_i32_1 = arith.constant 0 : i32
    return %c0_i32, %c0_i32_0 : i32, i32
  }
  func.func @transform_6(%arg0: i32) -> (i32, i32) {
    %c0_i32 = arith.constant 0 : i32
    %c0_i32_0 = arith.constant 0 : i32
    return %c0_i32, %arg0 : i32, i32
  }
}

module attributes {stable_mosaic.version = 14 : i64} {
  func.func @_mm_body(%arg0: i32, %arg1: memref<2x400x80xf32, #tpu.memory_space<vmem>>, %arg2: memref<8x128xf32, #tpu.memory_space<vmem>>, %arg3: memref<128x64xf32, #tpu.memory_space<vmem>>, %arg4: memref<128x64xf32, #tpu.memory_space<vmem>>, %arg5: memref<128x128xf32, #tpu.memory_space<vmem>>, %arg6: memref<1x128xf32, #tpu.memory_space<vmem>>, %arg7: memref<400x64xf32, #tpu.memory_space<vmem>>, %arg8: memref<400x64xf32, #tpu.memory_space<vmem>>, %arg9: memref<400x64xf32, #tpu.memory_space<vmem>>, %arg10: memref<400x64xf32, #tpu.memory_space<vmem>>) attributes {dimension_semantics = [#tpu.dimension_semantics<arbitrary>], iteration_bounds = array<i64: 25>, scalar_prefetch = 0 : i64, scratch_operands = 0 : i64, tpu.core_type = #tpu.core_type<tc>, window_params = [{transform_indices = @transform_0, window_bounds = array<i64: 2, 400, 80>}, {pipeline_mode = #tpu.pipeline_mode<synchronous>, transform_indices = @transform_1, window_bounds = array<i64: 8, 128>}, {pipeline_mode = #tpu.pipeline_mode<synchronous>, transform_indices = @transform_2, window_bounds = array<i64: 128, 64>}, {pipeline_mode = #tpu.pipeline_mode<synchronous>, transform_indices = @transform_3, window_bounds = array<i64: 128, 64>}, {pipeline_mode = #tpu.pipeline_mode<synchronous>, transform_indices = @transform_4, window_bounds = array<i64: 128, 128>}, {pipeline_mode = #tpu.pipeline_mode<synchronous>, transform_indices = @transform_5, window_bounds = array<i64: 1, 128>}, {transform_indices = @transform_6, window_bounds = array<i64: 400, 64>}, {transform_indices = @transform_7, window_bounds = array<i64: 400, 64>}, {transform_indices = @transform_8, window_bounds = array<i64: 400, 64>}, {transform_indices = @transform_9, window_bounds = array<i64: 400, 64>}]} {
    %get3A = arith.constant 0 : index
    %get3A_0 = arith.constant 0 : index
    %get3A_1 = arith.constant 64 : index
    %get3A_2 = vector.load %arg1[%get3A, %get3A_0, %get3A_1] : memref<2x400x80xf32, #tpu.memory_space<vmem>>, vector<1x400x4xf32>
    %get3A_3 = vector.shape_cast %get3A_2 : vector<1x400x4xf32> to vector<400x4xf32>
    %get3A_4 = arith.constant 1 : index
    %get3A_5 = arith.constant 0 : index
    %get3A_6 = arith.constant 64 : index
    %get3A_7 = vector.load %arg1[%get3A_4, %get3A_5, %get3A_6] : memref<2x400x80xf32, #tpu.memory_space<vmem>>, vector<1x400x4xf32>
    %get3A_8 = vector.shape_cast %get3A_7 : vector<1x400x4xf32> to vector<400x4xf32>
    %concatenate3A = tpu.concatenate %get3A_3, %get3A_8 in 1 : vector<400x4xf32>, vector<400x4xf32> -> vector<400x8xf32>
    %add3A = arith.constant 1.000000e-16 : f32
    %add3A_9 = vector.broadcast %add3A : f32 to vector<400x8xf32>
    %add3A_10 = arith.addf %concatenate3A, %add3A_9 : vector<400x8xf32>
    %div3A = arith.constant 1.000000e+00 : f32
    %div3A_11 = vector.broadcast %div3A : f32 to vector<400x8xf32>
    %div3A_12 = arith.divf %div3A_11, %add3A_10 : vector<400x8xf32>
    %get3A_13 = arith.constant 0 : index
    %get3A_14 = arith.constant 0 : index
    %get3A_15 = vector.load %arg2[%get3A_13, %get3A_14] : memref<8x128xf32, #tpu.memory_space<vmem>>, vector<8x128xf32>
    %dot_general3A = arith.constant dense<0.000000e+00> : vector<400x128xf32>
    %dot_general3A_16 = tpu.matmul %div3A_12, %get3A_15, %dot_general3A {dimension_numbers = #tpu.dot_dimension_numbers<[1], [0], [0], [1], [0, 0, 1, 1], [], []>, transpose_lhs_hint = false} : vector<400x8xf32>, vector<8x128xf32>, vector<400x128xf32> -> vector<400x128xf32>
    %get3A_17 = arith.constant 0 : index
    %get3A_18 = arith.constant 0 : index
    %get3A_19 = arith.constant 0 : index
    %get3A_20 = vector.load %arg1[%get3A_17, %get3A_18, %get3A_19] : memref<2x400x80xf32, #tpu.memory_space<vmem>>, vector<1x400x64xf32>
    %get3A_21 = vector.shape_cast %get3A_20 : vector<1x400x64xf32> to vector<400x64xf32>
    %get3A_22 = arith.constant 1 : index
    %get3A_23 = arith.constant 0 : index
    %get3A_24 = arith.constant 0 : index
    %get3A_25 = vector.load %arg1[%get3A_22, %get3A_23, %get3A_24] : memref<2x400x80xf32, #tpu.memory_space<vmem>>, vector<1x400x64xf32>
    %get3A_26 = vector.shape_cast %get3A_25 : vector<1x400x64xf32> to vector<400x64xf32>
    %concatenate3A_27 = tpu.concatenate %get3A_21, %get3A_26 in 1 : vector<400x64xf32>, vector<400x64xf32> -> vector<400x128xf32>
    %mul3A = arith.mulf %concatenate3A_27, %dot_general3A_16 : vector<400x128xf32>
    %get3A_28 = arith.constant 0 : index
    %get3A_29 = arith.constant 0 : index
    %get3A_30 = vector.load %arg3[%get3A_28, %get3A_29] : memref<128x64xf32, #tpu.memory_space<vmem>>, vector<128x64xf32>
    %dot_general3A_31 = arith.constant dense<0.000000e+00> : vector<400x64xf32>
    %dot_general3A_32 = tpu.matmul %mul3A, %get3A_30, %dot_general3A_31 {dimension_numbers = #tpu.dot_dimension_numbers<[1], [0], [0], [1], [0, 0, 1, 1], [], []>, transpose_lhs_hint = false} : vector<400x128xf32>, vector<128x64xf32>, vector<400x64xf32> -> vector<400x64xf32>
    %swap3A = arith.constant 0 : index
    %swap3A_33 = arith.constant 0 : index
    %swap3A_34 = vector.load %arg7[%swap3A, %swap3A_33] : memref<400x64xf32, #tpu.memory_space<vmem>>, vector<400x64xf32>
    tpu.vector_store %arg7[%swap3A, %swap3A_33], %dot_general3A_32 {strides = array<i32>} : memref<400x64xf32, #tpu.memory_space<vmem>>, vector<400x64xf32>,
    %get3A_35 = arith.constant 0 : index
    %get3A_36 = arith.constant 0 : index
    %get3A_37 = vector.load %arg4[%get3A_35, %get3A_36] : memref<128x64xf32, #tpu.memory_space<vmem>>, vector<128x64xf32>
    %dot_general3A_38 = arith.constant dense<0.000000e+00> : vector<400x64xf32>
    %dot_general3A_39 = tpu.matmul %mul3A, %get3A_37, %dot_general3A_38 {dimension_numbers = #tpu.dot_dimension_numbers<[1], [0], [0], [1], [0, 0, 1, 1], [], []>, transpose_lhs_hint = false} : vector<400x128xf32>, vector<128x64xf32>, vector<400x64xf32> -> vector<400x64xf32>
    %swap3A_40 = arith.constant 0 : index
    %swap3A_41 = arith.constant 0 : index
    %swap3A_42 = vector.load %arg8[%swap3A_40, %swap3A_41] : memref<400x64xf32, #tpu.memory_space<vmem>>, vector<400x64xf32>
    tpu.vector_store %arg8[%swap3A_40, %swap3A_41], %dot_general3A_39 {strides = array<i32>} : memref<400x64xf32, #tpu.memory_space<vmem>>, vector<400x64xf32>,
    %get3A_43 = arith.constant 0 : index
    %get3A_44 = arith.constant 0 : index
    %get3A_45 = vector.load %arg5[%get3A_43, %get3A_44] : memref<128x128xf32, #tpu.memory_space<vmem>>, vector<128x128xf32>
    %dot_general3A_46 = arith.constant dense<0.000000e+00> : vector<400x128xf32>
    %dot_general3A_47 = tpu.matmul %mul3A, %get3A_45, %dot_general3A_46 {dimension_numbers = #tpu.dot_dimension_numbers<[1], [0], [0], [1], [0, 0, 1, 1], [], []>, transpose_lhs_hint = false} : vector<400x128xf32>, vector<128x128xf32>, vector<400x128xf32> -> vector<400x128xf32>
    %get3A_48 = arith.constant 0 : index
    %get3A_49 = arith.constant 0 : index
    %get3A_50 = vector.load %arg6[%get3A_48, %get3A_49] : memref<1x128xf32, #tpu.memory_space<vmem>>, vector<1x128xf32>
    %add3A_51 = vector.broadcast %get3A_50 : vector<1x128xf32> to vector<400x128xf32>
    %add3A_52 = arith.addf %dot_general3A_47, %add3A_51 : vector<400x128xf32>
    %slice3A = vector.extract_strided_slice %add3A_52 {offsets = [0, 0], sizes = [400, 64], strides = [1, 1]} : vector<400x128xf32> to vector<400x64xf32>
    %swap3A_53 = arith.constant 0 : index
    %swap3A_54 = arith.constant 0 : index
    %swap3A_55 = vector.load %arg9[%swap3A_53, %swap3A_54] : memref<400x64xf32, #tpu.memory_space<vmem>>, vector<400x64xf32>
    tpu.vector_store %arg9[%swap3A_53, %swap3A_54], %slice3A {strides = array<i32>} : memref<400x64xf32, #tpu.memory_space<vmem>>, vector<400x64xf32>,
    %slice3A_56 = vector.extract_strided_slice %add3A_52 {offsets = [0, 64], sizes = [400, 64], strides = [1, 1]} : vector<400x128xf32> to vector<400x64xf32>
    %swap3A_57 = arith.constant 0 : index
    %swap3A_58 = arith.constant 0 : index
    %swap3A_59 = vector.load %arg10[%swap3A_57, %swap3A_58] : memref<400x64xf32, #tpu.memory_space<vmem>>, vector<400x64xf32>
    tpu.vector_store %arg10[%swap3A_57, %swap3A_58], %slice3A_56 {strides = array<i32>} : memref<400x64xf32, #tpu.memory_space<vmem>>, vector<400x64xf32>,
    return
  }
  func.func @transform_0(%arg0: i32) -> (i32, i32, i32) {
    %c0_i32 = arith.constant 0 : i32
    %c0_i32_0 = arith.constant 0 : i32
    %c0_i32_1 = arith.constant 0 : i32
    return %c0_i32, %arg0, %c0_i32_0 : i32, i32, i32
  }
  func.func @transform_1(%arg0: i32) -> (i32, i32) {
    %c0_i32 = arith.constant 0 : i32
    %c0_i32_0 = arith.constant 0 : i32
    %c0_i32_1 = arith.constant 0 : i32
    return %c0_i32, %c0_i32_0 : i32, i32
  }
  func.func @transform_2(%arg0: i32) -> (i32, i32) {
    %c0_i32 = arith.constant 0 : i32
    %c0_i32_0 = arith.constant 0 : i32
    %c0_i32_1 = arith.constant 0 : i32
    return %c0_i32, %c0_i32_0 : i32, i32
  }
  func.func @transform_3(%arg0: i32) -> (i32, i32) {
    %c0_i32 = arith.constant 0 : i32
    %c0_i32_0 = arith.constant 0 : i32
    %c0_i32_1 = arith.constant 0 : i32
    return %c0_i32, %c0_i32_0 : i32, i32
  }
  func.func @transform_4(%arg0: i32) -> (i32, i32) {
    %c0_i32 = arith.constant 0 : i32
    %c0_i32_0 = arith.constant 0 : i32
    %c0_i32_1 = arith.constant 0 : i32
    return %c0_i32, %c0_i32_0 : i32, i32
  }
  func.func @transform_5(%arg0: i32) -> (i32, i32) {
    %c0_i32 = arith.constant 0 : i32
    %c0_i32_0 = arith.constant 0 : i32
    %c0_i32_1 = arith.constant 0 : i32
    return %c0_i32, %c0_i32_0 : i32, i32
  }
  func.func @transform_6(%arg0: i32) -> (i32, i32) {
    %c0_i32 = arith.constant 0 : i32
    %c0_i32_0 = arith.constant 0 : i32
    return %arg0, %c0_i32 : i32, i32
  }
  func.func @transform_7(%arg0: i32) -> (i32, i32) {
    %c0_i32 = arith.constant 0 : i32
    %c0_i32_0 = arith.constant 0 : i32
    return %arg0, %c0_i32 : i32, i32
  }
  func.func @transform_8(%arg0: i32) -> (i32, i32) {
    %c0_i32 = arith.constant 0 : i32
    %c0_i32_0 = arith.constant 0 : i32
    return %arg0, %c0_i32 : i32, i32
  }
  func.func @transform_9(%arg0: i32) -> (i32, i32) {
    %c0_i32 = arith.constant 0 : i32
    %c0_i32_0 = arith.constant 0 : i32
    return %arg0, %c0_i32 : i32, i32
  }
}

module attributes {stable_mosaic.version = 14 : i64} {
  func.func @_fin_body(%arg0: i32, %arg1: memref<2x2000x80xf32, #tpu.memory_space<vmem>>, %arg2: memref<8x128xf32, #tpu.memory_space<vmem>>, %arg3: memref<2000x128xf32, #tpu.memory_space<vmem>>) attributes {dimension_semantics = [#tpu.dimension_semantics<arbitrary>], iteration_bounds = array<i64: 5>, scalar_prefetch = 0 : i64, scratch_operands = 0 : i64, tpu.core_type = #tpu.core_type<tc>, window_params = [{transform_indices = @transform_0, window_bounds = array<i64: 2, 2000, 80>}, {pipeline_mode = #tpu.pipeline_mode<synchronous>, transform_indices = @transform_1, window_bounds = array<i64: 8, 128>}, {transform_indices = @transform_2, window_bounds = array<i64: 2000, 128>}]} {
    %get3A = arith.constant 0 : index
    %get3A_0 = arith.constant 0 : index
    %get3A_1 = arith.constant 64 : index
    %get3A_2 = vector.load %arg1[%get3A, %get3A_0, %get3A_1] : memref<2x2000x80xf32, #tpu.memory_space<vmem>>, vector<1x2000x4xf32>
    %get3A_3 = vector.shape_cast %get3A_2 : vector<1x2000x4xf32> to vector<2000x4xf32>
    %get3A_4 = arith.constant 1 : index
    %get3A_5 = arith.constant 0 : index
    %get3A_6 = arith.constant 64 : index
    %get3A_7 = vector.load %arg1[%get3A_4, %get3A_5, %get3A_6] : memref<2x2000x80xf32, #tpu.memory_space<vmem>>, vector<1x2000x4xf32>
    %get3A_8 = vector.shape_cast %get3A_7 : vector<1x2000x4xf32> to vector<2000x4xf32>
    %concatenate3A = tpu.concatenate %get3A_3, %get3A_8 in 1 : vector<2000x4xf32>, vector<2000x4xf32> -> vector<2000x8xf32>
    %add3A = arith.constant 1.000000e-16 : f32
    %add3A_9 = vector.broadcast %add3A : f32 to vector<2000x8xf32>
    %add3A_10 = arith.addf %concatenate3A, %add3A_9 : vector<2000x8xf32>
    %div3A = arith.constant 1.000000e+00 : f32
    %div3A_11 = vector.broadcast %div3A : f32 to vector<2000x8xf32>
    %div3A_12 = arith.divf %div3A_11, %add3A_10 : vector<2000x8xf32>
    %get3A_13 = arith.constant 0 : index
    %get3A_14 = arith.constant 0 : index
    %get3A_15 = vector.load %arg2[%get3A_13, %get3A_14] : memref<8x128xf32, #tpu.memory_space<vmem>>, vector<8x128xf32>
    %dot_general3A = arith.constant dense<0.000000e+00> : vector<2000x128xf32>
    %dot_general3A_16 = tpu.matmul %div3A_12, %get3A_15, %dot_general3A {dimension_numbers = #tpu.dot_dimension_numbers<[1], [0], [0], [1], [0, 0, 1, 1], [], []>, transpose_lhs_hint = false} : vector<2000x8xf32>, vector<8x128xf32>, vector<2000x128xf32> -> vector<2000x128xf32>
    %get3A_17 = arith.constant 0 : index
    %get3A_18 = arith.constant 0 : index
    %get3A_19 = arith.constant 0 : index
    %get3A_20 = vector.load %arg1[%get3A_17, %get3A_18, %get3A_19] : memref<2x2000x80xf32, #tpu.memory_space<vmem>>, vector<1x2000x64xf32>
    %get3A_21 = vector.shape_cast %get3A_20 : vector<1x2000x64xf32> to vector<2000x64xf32>
    %get3A_22 = arith.constant 1 : index
    %get3A_23 = arith.constant 0 : index
    %get3A_24 = arith.constant 0 : index
    %get3A_25 = vector.load %arg1[%get3A_22, %get3A_23, %get3A_24] : memref<2x2000x80xf32, #tpu.memory_space<vmem>>, vector<1x2000x64xf32>
    %get3A_26 = vector.shape_cast %get3A_25 : vector<1x2000x64xf32> to vector<2000x64xf32>
    %concatenate3A_27 = tpu.concatenate %get3A_21, %get3A_26 in 1 : vector<2000x64xf32>, vector<2000x64xf32> -> vector<2000x128xf32>
    %mul3A = arith.mulf %concatenate3A_27, %dot_general3A_16 : vector<2000x128xf32>
    %swap3A = arith.constant 0 : index
    %swap3A_28 = arith.constant 0 : index
    %swap3A_29 = vector.load %arg3[%swap3A, %swap3A_28] : memref<2000x128xf32, #tpu.memory_space<vmem>>, vector<2000x128xf32>
    tpu.vector_store %arg3[%swap3A, %swap3A_28], %mul3A {strides = array<i32>} : memref<2000x128xf32, #tpu.memory_space<vmem>>, vector<2000x128xf32>,
    return
  }
  func.func @transform_0(%arg0: i32) -> (i32, i32, i32) {
    %c0_i32 = arith.constant 0 : i32
    %c0_i32_0 = arith.constant 0 : i32
    %c0_i32_1 = arith.constant 0 : i32
    return %c0_i32, %arg0, %c0_i32_0 : i32, i32, i32
  }
  func.func @transform_1(%arg0: i32) -> (i32, i32) {
    %c0_i32 = arith.constant 0 : i32
    %c0_i32_0 = arith.constant 0 : i32
    %c0_i32_1 = arith.constant 0 : i32
    return %c0_i32, %c0_i32_0 : i32, i32
  }
  func.func @transform_2(%arg0: i32) -> (i32, i32) {
    %c0_i32 = arith.constant 0 : i32
    %c0_i32_0 = arith.constant 0 : i32
    return %arg0, %c0_i32 : i32, i32
  }
}

</mosaic_0001>

<sc_bundles>
// kernel: kernel.11.cloned.1.call-start
scs
__scs_entry_jumppad:
0x0: {  	(pc) =	sbr.rel $0x88, $3  }
0x1: {  	(tag) =	ssettag $0x0;
	lr =	simm.s32 $0x1  }
0x2: {  	[smem:$0x3F90] =	sst lr;
	_ =	strace $0xD0000000  }
0x3: {  	_ = 	snop  }
0x4: {  	_ = 	snop  }
0x5: {  	_ = 	snop  }
0x6: {  	_ = 	snop  }
0x7: {  	_ = 	snop  }
__scs_overlays_trampoline_lowered:
0x8: {  	[smem:$0x3F9F] =	sst s0  }
0x9: {  	[smem:$0x3FA0] =	sst s1  }
0xa: {  	[smem:$0x3FA1] =	sst s2  }
0xb: {  	[smem:$0x3FA2] =	sst s3  }
0xc: {  	[smem:$0x3FA3] =	sst s4  }
0xd: {  	[smem:$0x3FA4] =	sst s5  }
0xe: {  	[smem:$0x3FA5] =	sst s6  }
0xf: {  	[smem:$0x3FA6] =	sst s7  }
0x10: {  	[smem:$0x3FA7] =	sst s8  }
0x11: {  	[smem:$0x3FA8] =	sst s9;
	s0 =	simm.s32 @!p0 $0x0  }
0x12: {  	s1 =	sld [smem:$0x3F8E];
	s0 =	simm.s32 @p0 $0x1  }
0x13: {  	[smem:$0x3FA9] =	sst s0;
	s0 =	simm.s32 @!p1 $0x0  }
0x14: {  	s2 =	sld [smem:$0x3F8D];
	s0 =	simm.s32 @p1 $0x1  }
0x15: {  	[smem:$0x3FAA] =	sst s0;
	s0 =	simm.s32 @!p2 $0x0  }
0x16: {  	s3 =	sld [smem:$0x3FDB];
	s0 =	simm.s32 @p2 $0x1  }
0x17: {  	s4 =	simm.s32 $0x1BF5;
	[smem:$0x3FAC] =	sst s0  }
0x18: {  	s0 =	sld [smem:$0x3F8F];
	_ =	swait.ge [sflag:s4], $0x0  }
0x19: {  	s7 =	sld [smem:$0x3F90]  }
0x1a: {  	s8 =	sadd.s32 $0xFFFFE003, lr  }
0x1b: {  	s9 =	sadd.s32 $0xFFFFFEF7, lr;
	s5 =	simm.s32 $0xFFFFFFFF;
	p2 =	slt.u32 s8, $0xFFFFF086  }
0x1c: {  	p1 =	slt.u32 s9, $0xF7A;
	s5 =	simm.s32 @!p2 $0x0  }
0x1d: {  	s5 =	simm.s32 @p1 $0x1;
	p0 =	seq.s32 s7, s2  }
0x1e: {  	s7 =	smul.u32 @!p0 $0xF7A, s2;
	p2 =	seq.s32 @!p0 s5, $0x0  }
0x1f: {  	s9 =	smul.u32 $0xF7A, s1;
	s8 =	simm.s32 @!p0 $0x1BF5;
	p2 =	por !p2, p0  }
0x20: {  	[sflag:s8] =	ssyncset.s32 @!p0 $0xFFFFF086;
	s6 =	sadd.s32 @!p0 s3, s7;
	s7 =	simm.s32 @!p0 $0x108  }
0x21: {  	s3 =	sadd.s32 s3, s9;
	s6 =	sadd.s32 @!p0 $0x88, s6;
	s7 =	simm.s32 @p2 $0x1082  }
0x22: {  	[simem:s7], [sflag:s8] =	dma.local @!p0 [hbm:s6], $0xF7A  }
0x23: {  	s9 =	sor.u32 $0xD0000000, s2;
	s6 =	simm.s32 $0x108;
	_ =	swait.ge @!p0 [sflag:s8], $0x0  }
0x24: {  	s3 =	sadd.s32 $0x88, s3;
	s6 =	simm.s32 @!p1 $0x1082;
	[sflag:s4] =	ssyncset.s32 $0xFFFFF086  }
0x25: {  	[simem:s6], [sflag:s4] =	dma.local [hbm:s3], $0xF7A  }
0x26: {  	[smem:$0x3F90] =	sst s1;
	(tag) =	ssettag s2;
	_ =	strace s9  }
0x27: {  	s1 =	sld [smem:$0x3FA0]  }
0x28: {  	s2 =	sld [smem:$0x3FA1]  }
0x29: {  	s4 =	sld [smem:$0x3FA3]  }
0x2a: {  	p0 =	seq.s32 s5, $0x0;
	s5 =	sld [smem:$0x3FA4]  }
0x2b: {  	s6 =	sld [smem:$0x3FA5]  }
0x2c: {  	s7 =	sld [smem:$0x3FA6]  }
0x2d: {  	s3 =	simm.s32 $0x108;
	s8 =	sld [smem:$0x3FA7]  }
0x2e: {  	s3 =	simm.s32 @!p0 $0x1082;
	s9 =	sld [smem:$0x3FA8]  }
0x2f: {  	lr =	sadd.s32 s0, s3;
	s0 =	sld [smem:$0x3F9F]  }
0x30: {  	s3 =	sld [smem:$0x3FA2]  }
0x31: {  	[smem:$0x3FAB] =	sst s10  }
0x32: {  	s10 =	sld [smem:$0x3FA9];
	_ =	sdelay $0x3  }
0x33: {  	p0 =	seq.s32 s10, $0x1;
	s10 =	sld [smem:$0x3FAB];
	_ =	sdelay $0x3  }
0x34: {  	[smem:$0x3FAB] =	sst s10  }
0x35: {  	s10 =	sld [smem:$0x3FAA];
	_ =	sdelay $0x3  }
0x36: {  	p1 =	seq.s32 s10, $0x1;
	s10 =	sld [smem:$0x3FAB];
	_ =	sdelay $0x3  }
0x37: {  	[smem:$0x3FAB] =	sst s10  }
0x38: {  	s10 =	sld [smem:$0x3FAC]  }
0x39: {  	_ = 	snop;
	(pc) =	sbr.ind lr, $3  }
0x3a: {  	_ = 	snop  }
0x3b: {  	_ = 	snop  }
0x3c: {  	p2 =	seq.s32 s10, $0x1;
	s10 =	sld [smem:$0x3FAB]  }
0x3d: {  	_ =	shalt  }
0x3e: {  	_ =	shalt  }
0x3f: {  	_ =	shalt  }
0x40: {  	_ =	shalt  }
0x41: {  	_ =	shalt  }
0x42: {  	_ =	shalt  }
0x43: {  	_ =	shalt  }
0x44: {  	_ =	shalt  }
0x45: {  	_ =	shalt  }
0x46: {  	_ =	shalt  }
0x47: {  	_ =	shalt  }
0x48: {  	_ =	shalt  }
0x49: {  	_ =	shalt  }
0x4a: {  	_ =	shalt  }
0x4b: {  	_ =	shalt  }
0x4c: {  	_ =	shalt  }
0x4d: {  	_ =	shalt  }
0x4e: {  	_ =	shalt  }
0x4f: {  	_ =	shalt  }
0x50: {  	_ =	shalt  }
0x51: {  	_ =	shalt  }
0x52: {  	_ =	shalt  }
0x53: {  	_ =	shalt  }
0x54: {  	_ =	shalt  }
0x55: {  	_ =	shalt  }
0x56: {  	_ =	shalt  }
0x57: {  	_ =	shalt  }
0x58: {  	_ =	shalt  }
0x59: {  	_ =	shalt  }
0x5a: {  	_ =	shalt  }
0x5b: {  	_ =	shalt  }
0x5c: {  	_ =	shalt  }
0x5d: {  	_ =	shalt  }
0x5e: {  	_ =	shalt  }
0x5f: {  	_ =	shalt  }
0x60: {  	_ =	shalt  }
0x61: {  	_ =	shalt  }
0x62: {  	_ =	shalt  }
0x63: {  	_ =	shalt  }
0x64: {  	_ =	shalt  }
0x65: {  	_ =	shalt  }
0x66: {  	_ =	shalt  }
0x67: {  	_ =	shalt  }
0x68: {  	_ =	shalt  }
0x69: {  	_ =	shalt  }
0x6a: {  	_ =	shalt  }
0x6b: {  	_ =	shalt  }
0x6c: {  	_ =	shalt  }
0x6d: {  	_ =	shalt  }
0x6e: {  	_ =	shalt  }
0x6f: {  	_ =	shalt  }
0x70: {  	_ =	shalt  }
0x71: {  	_ =	shalt  }
0x72: {  	_ =	shalt  }
0x73: {  	_ =	shalt  }
0x74: {  	_ =	shalt  }
0x75: {  	_ =	shalt  }
0x76: {  	_ =	shalt  }
0x77: {  	_ =	shalt  }
0x78: {  	_ =	shalt  }
0x79: {  	_ =	shalt  }
0x7a: {  	_ =	shalt  }
0x7b: {  	_ =	shalt  }
0x7c: {  	_ =	shalt  }
0x7d: {  	_ =	shalt  }
0x7e: {  	_ =	shalt  }
0x7f: {  	_ =	shalt  }
0x80: {  	_ =	shalt  }
0x81: {  	_ =	shalt  }
0x82: {  	_ =	shalt  }
0x83: {  	_ =	shalt  }
0x84: {  	_ =	shalt  }
0x85: {  	_ =	shalt  }
0x86: {  	_ =	shalt  }
0x87: {  	_ =	shalt  }
.Lfunc_end0:
.L_simem_size_0:
called_computation_lowered:
.L_overlay_start_0:
0x88: {  	s2 =	sld [smem:$0x3FD9]  }
0x89: {  	s3 =	sld [smem:$0x3FFE];
	_ =	sdelay $0x1  }
0x8a: {  	s1 =	srdreg.scid  }
0x8b: {  	s0 =	sand.u32 $0x1, s1  }
0x8c: {  	s16 =	sshll.u32 s0, $0xA;
	s2 =	sadd.s32 s3, s2  }
0x8d: {  	s2 =	sadd.s32 s2, s16  }
0x8e: {  	[smem:$0x3FB7] =	sst s2  }
0x8f: {  	_ = 	snop  }
0x90: {  	(tm) =	ssettm $0x1  }
0x91: {  	s17 =	sld [smem:$0x3FFB];
	_ =	sdelay $0x3  }
0x92: {  	_ =	strace s17  }
0x93: {  	s2 =	sld [smem:$0x3FFC];
	_ =	sdelay $0x3  }
0x94: {  	_ =	strace s2  }
0x95: {  	s2 =	sld [smem:$0x3FFD];
	_ =	sdelay $0x3  }
0x96: {  	_ =	strace s2  }
0x97: {  	_ =	strace $0x8FFFFFFF  }
0x98: {  	s18 =	sld [smem:$0x3FDB];
	_ =	sdelay $0x1  }
0x99: {  	s19 =	simm.s32 $_scs_section_size  }
0x9a: {  	s4 =	simm.s32 $_size__tile_overlayer_lowered;
	s5 =	simm.s32 $_tile_overlayer_lowered  }
0x9b: {  	s22 =	simm.s32 $0x1BFF;
	s21 =	sshll.u32 s5, $0x1;
	s2 =	sadd.s32 s19, s18  }
0x9c: {  	s6 =	simm.s32 $0x0;
	s20 =	sshll.u32 s4, $0x1;
	s4 =	sadd.s32 s21, s2  }
0x9d: {  	[timem:s6], [sflag:s22] =	dma.local [hbm:s4], s20  }
0x9e: {  	_ =	swait.ge [sflag:s22], s20  }
0x9f: {  	s3 =	ssub.s32 $0x0, s20;
	[sflag:s22] =	ssyncset.done $0x0  }
0xa0: {  	[sflag:s22] =	ssyncadd.s32 s3;
	_ =	sdelay $0x1  }
0xa1: {  	s23 =	simm.s32 $0x1B8B  }
0xa2: {  	_ =	swait.ge [sflag:s23], $0x1  }
0xa3: {  	[sflag:s23] =	ssyncset.done $0x0  }
0xa4: {  	s25 =	simm.s32 $0x1B8E;
	s24 =	sld [smem:$0x3FFE];
	[sflag:s23] =	ssyncadd.s32 $0xFFFFFFFF  }
0xa5: {  	s26 =	simm.s32 $execute0_lowered;
	[smem:$0x3FD2] =	sst s25  }
0xa6: {  	s4 =	sshll.u32 s26, $0x1;
	_ =	strace $0x80000046;
	[dreg:$0x1] =	wrdreg $0xFFFFFFFF  }
0xa7: {  	s28 =	simm.s32 $_size_execute0_lowered;
	s2 =	sadd.s32 s2, s4;
	[dreg:$0x0] =	wrdreg $0x0  }
0xa8: {  	s4 =	sshll.u32 s28, $0x1;
	[dreg:$0x2] =	wrdreg s2  }
0xa9: {  	[dreg:$0x3] =	wrdreg s4  }
0xaa: {  	[dreg:$0x4] =	wrdreg $0xC0  }
0xab: {  	_ =	task [dreg:s6], $0x5FFFF  }
0xac: {  	[dreg:$0x1] =	wrdreg $0xFFFFFFFF  }
0xad: {  	[dreg:$0x0] =	wrdreg $0x60  }
0xae: {  	[dreg:$0x2] =	wrdreg s24  }
0xaf: {  	[dreg:$0x3] =	wrdreg $0x9  }
0xb0: {  	_ =	task.clear_ibuf [dreg:s6], $0x4FFFF;
	_ =	strace $0x90000046  }
0xb1: {  	s29 =	simm.s32 $0x9;
	_ =	strace $0x80000048  }
0xb2: {  	_ =	swait.ge [sflag:s29], $0x1  }
0xb3: {  	[sflag:s29] =	ssyncadd.s32 $0xFFFFFFFF  }
0xb4: {  	_ =	strace $0x90000048  }
0xb5: {  	_ =	sfence  }
0xb6: {  	s30 =	sld [smem:$0x0];
	_ =	sdelay $0x2  }
0xb7: {  	s31 =	sshll.u32 s1, $0xD;
	s1 =	sshrl.u32 s1, $0x2  }
0xb8: {  	s3 =	sand.u32 $0x4000, s31;
	s1 =	sadd.s32 s1, s30  }
0xb9: {  	s0 =	sor.u32 s3, s0;
	s1 =	sshll.u32 s1, $0x11  }
0xba: {  	s0 =	sor.u32 s1, s0  }
0xbb: {  	s0 =	sadd.s32 $0x8F2B, s0  }
0xbc: {  	[sflag:s0] =	ssyncadd.remote.s32 $0x1  }
0xbd: {  	_ =	sfence.sel $0xFFFF  }
0xbe: {  	[dreg:$0x0] =	wrdreg $0xFFFFFFFF;
	(pc) =	sbr.abs _section_cstart, $3  }
0xbf: {  	[dreg:$0x1] =	wrdreg $0xFFFFFFFF  }
0xc0: {  	_ =	task.clear_ibuf [dreg:s6], $0x2FFFF;
	_ =	strace $0x9FFFFFFF  }
0xc1: {  	(tm) =	ssettm $0x7FFFFFFF  }
tec
execute0_lowered:
.L_overlay_start_1:
0x0: {  	(tag) =	ssettag $0x1  }
0x1: {  	s0 =	srdreg.scid  }
0x2: {  	s2 =	stileid.u32;
	s1 =	rddreg [dreg:$0x0]  }
0x3: {  	s11 =	simm.s32 $0x5;
	s12 =	simm.s32 $0x2800;
	s13 =	simm.s32 $0x80  }
0x4: {  	s20 =	simm.s32 $0x9000;
	s21 =	simm.s32 $0x2900;
	s22 =	simm.s32 $0x11000  }
0x5: {  	s23 =	simm.s32 $0x180;
	s24 =	simm.s32 $0xB000;
	s28 =	simm.s32 $0x1  }
0x6: {  	s29 =	simm.s32 $0x15000;
	s0 =	sand.u32 $0x1, s0;
	s3 =	sshll.u32 s2, $0x1  }
0x7: {  	s30 =	simm.s32 $0x2;
	s31 =	simm.s32 $0x19000;
	s8 =	sor.u32 s0, s3  }
0x8: {  	s14 =	simm.s32 $0x0;
	s2 =	simm.s32 $0x0;
	s5 =	smul.u32 $0x500, s8  }
0x9: {  	s4 =	sadd.s32 $0x16A00, s1;
	[smem:$0x7FF] =	sst s2;
	s10 =	smul.u32 $0x14000, s8  }
0xa: {  	s3 =	sadd.s32 $0x3000, s1;
	s0 =	ssub.s32 $0x2, s0;
	s8 =	smul.u32 $0xA0000, s8  }
.Ltmp0:
0xb: {  	_ =	strace $0x80000047;
	s25 =	sshrl.u32 s0, $0x1;
	(pc) =	sbr.rel .LBB2_1-.Ltmp0, $4  }
0xc: {  	s0 =	ssub.s32 s0, s25;
	s25 =	simm.s32 $0x2980;
	s7 =	sadd.s32 s5, s1  }
0xd: {  	s5 =	sadd.s32 $0x3E400, s1;
	s9 =	smax.u32 s0, $0x1;
	s1 =	simm.s32 $0x3  }
0xe: {  	s0 =	simm.s32 $0x4;
	s6 =	sadd.s32 $0x2A400, s7;
	s26 =	sadd.s32 s10, s5  }
0xf: {  	s7 =	sadd.s32 $0x34400, s7;
	s10 =	sadd.s32 $0x800, s26;
	s26 =	simm.s32 $0x13000  }
.LBB2_8:
0x10: {  	s14 =	sadd.s32 $0x1, s14  }
0x11: {  	_ =	swait.ge [sflag:s1], $0x4000;
	p0 =	sne.s32 s14, s9  }
.Ltmp1:
0x12: {  	[sflag:s1] =	ssyncset.done $0x0;
	(pc) =	sbr.rel @!p0 .LBB2_9-.Ltmp1, $4  }
0x13: {  	[sflag:s1] =	ssyncadd.s32 $0xFFFFC000  }
0x14: {  	_ =	swait.ge [sflag:s0], $0x4000  }
0x15: {  	[sflag:s0] =	ssyncset.done $0x0  }
0x16: {  	[sflag:s0] =	ssyncadd.s32 $0xFFFFC000  }
.LBB2_1:
0x17: {  	[tilespmem:s2], [sflag:$0x5] =	stream.linear.gather [hbm4b:s6+s2], $0x2800, $0x38;
	[tilespmem:$0x1D000] =	vst v63  }
0x18: {  	_ =	swait.ge [sflag:s11], $0x2800  }
0x19: {  	[sflag:s11] =	ssyncset.done $0x0  }
0x1a: {  	[sflag:s11] =	ssyncadd.s32 $0xFFFFD800  }
0x1b: {  	[tilespmem:s12], [sflag:$0x5] =	stream.linear.gather [hbm4b:s7+s2], $0x2800, $0x38;
	[tilespmem:$0x1D000] =	vst v63  }
0x1c: {  	_ =	swait.ge [sflag:s11], $0x2800  }
0x1d: {  	[sflag:s11] =	ssyncset.done $0x0  }
0x1e: {  	s15 =	simm.s32 $0x5000;
	[sflag:s11] =	ssyncadd.s32 $0xFFFFD800  }
0x1f: {  	[tilespmem:s15], [sflag:$0x1] =	stream.indirect.gather [hbm4b:s3+s13], $0x40, s2, s13, $0xb8;
	[tilespmem:$0x1D000] =	vst v63  }
0x20: {  	s16 =	simm.s32 $0xD000  }
0x21: {  	[tilespmem:s16], [sflag:$0x1] =	stream.indirect.gather [hbm4b:s4+s13], $0x40, s12, s13, $0xb8;
	[tilespmem:$0x1D000] =	vst v63  }
0x22: {  	s17 =	simm.s32 $0x7000  }
0x23: {  	[tilespmem:s17], [sflag:$0x1] =	stream.indirect.gather [hbm4b:s3+s13], $0x40, s13, s13, $0xb8;
	[tilespmem:$0x1D000] =	vst v63  }
0x24: {  	s18 =	simm.s32 $0x2880;
	s16 =	simm.s32 $0xF000  }
0x25: {  	[tilespmem:s16], [sflag:$0x1] =	stream.indirect.gather [hbm4b:s4+s13], $0x40, s18, s13, $0xb8;
	[tilespmem:$0x1D000] =	vst v63  }
0x26: {  	s19 =	simm.s32 $0x100  }
0x27: {  	[tilespmem:s20], [sflag:$0x2] =	stream.indirect.gather [hbm4b:s3+s13], $0x40, s19, s13, $0xb8;
	[tilespmem:$0x1D000] =	vst v63  }
0x28: {  	_ = 	snop  }
0x29: {  	[tilespmem:s22], [sflag:$0x2] =	stream.indirect.gather [hbm4b:s4+s13], $0x40, s21, s13, $0xb8;
	[tilespmem:$0x1D000] =	vst v63  }
0x2a: {  	_ = 	snop  }
0x2b: {  	[tilespmem:s24], [sflag:$0x2] =	stream.indirect.gather [hbm4b:s3+s13], $0x40, s23, s13, $0xb8;
	[tilespmem:$0x1D000] =	vst v63  }
0x2c: {  	s15 =	simm.s32 $0x0  }
0x2d: {  	[tilespmem:s26], [sflag:$0x2] =	stream.indirect.gather [hbm4b:s4+s13], $0x40, s25, s13, $0xb8;
	[tilespmem:$0x1D000] =	vst v63  }
.LBB2_2:
0x2e: {  	_ =	swait.ge [sflag:s28], $0x2000  }
0x2f: {  	[sflag:s28] =	ssyncset.done $0x0  }
0x30: {  	[sflag:s28] =	ssyncadd.s32 $0xFFFFE000  }
0x31: {  	_ =	swait.ge [sflag:s28], $0x2000  }
0x32: {  	[sflag:s28] =	ssyncset.done $0x0  }
0x33: {  	[sflag:s28] =	ssyncadd.s32 $0xFFFFE000  }
0x34: {  	_ =	swait.ge [sflag:s28], $0x2000  }
0x35: {  	[sflag:s28] =	ssyncset.done $0x0  }
0x36: {  	[sflag:s28] =	ssyncadd.s32 $0xFFFFE000  }
0x37: {  	_ =	swait.ge [sflag:s28], $0x2000  }
0x38: {  	p0 =	seq.s32 s15, $0x0;
	[sflag:s28] =	ssyncset.done $0x0  }
0x39: {  	s16 =	simm.s32 @!p0 $0x3;
	[sflag:s28] =	ssyncadd.s32 $0xFFFFE000  }
0x3a: {  	_ =	swait.ge @!p0 [sflag:s16], $0x4000  }
0x3b: {  	[sflag:s16] =	ssyncset.done @!p0 $0x0  }
0x3c: {  	s18 =	simm.s32 $0x0;
	[sflag:s16] =	ssyncadd.s32 @!p0 $0xFFFFC000  }
0x3d: {  	v2 =	vld [tilespmem:s18+$0x5030]  }
0x3e: {  	v4 =	vld [tilespmem:s18+$0xD030]  }
0x3f: {  	v5 =	vld [tilespmem:s18+$0x5000]  }
0x40: {  	v6 =	vld [tilespmem:s18+$0xD000]  }
0x41: {  	v1 =	vld [tilespmem:s18+$0x5010]  }
0x42: {  	v3 =	vld [tilespmem:s18+$0xD010]  }
0x43: {  	v0 =	vld [tilespmem:s18+$0x5020];
	v7 =	vadd.f32 v4, v2  }
0x44: {  	s17 =	simm.s32 $0x40;
	v4 =	vld [tilespmem:s18+$0xD020]  }
0x45: {  	s19 =	simm.s32 $0x200;
	s16 =	sshll.u32 s15, $0x9;
	v2 =	vld [tilespmem:s17+$0x5030];
	v5 =	vadd.f32 v6, v5;
	[tilespmem:s18+$0x15030] =	vst v7  }
.LBB2_3:
0x46: {  	p1 =	sne.s32 s19, $0xFF00;
	v6 =	vld [tilespmem:s17+$0xD030]  }
0x47: {  	v7 =	vld [tilespmem:s17+$0x5000];
	[tilespmem:s18+$0x15000] =	vst v5;
	v3 =	vadd.f32 v3, v1  }
0x48: {  	v5 =	vld [tilespmem:s17+$0xD000]  }
.Ltmp2:
0x49: {  	v1 =	vld [tilespmem:s17+$0x5010];
	[tilespmem:s18+$0x15010] =	vst v3;
	v4 =	vadd.f32 v4, v0;
	(pc) =	sbr.rel @p1 .LBB2_3-.Ltmp2, $4  }
0x4a: {  	v3 =	vld [tilespmem:s17+$0xD010]  }
0x4b: {  	v0 =	vld [tilespmem:s17+$0x5020];
	v6 =	vadd.f32 v6, v2;
	[tilespmem:s18+$0x15020] =	vst v4;
	s18 =	smov.u32 s17  }
0x4c: {  	s17 =	sshra.s32 s19, $0x2;
	v4 =	vld [tilespmem:s18+$0xD020]  }
0x4d: {  	s19 =	sadd.s32 $0x100, s19;
	v2 =	vld [tilespmem:s17+$0x5030];
	v5 =	vadd.f32 v5, v7;
	[tilespmem:s18+$0x15030] =	vst v6  }
0x4e: {  	v6 =	vld [tilespmem:s17+$0xD030]  }
0x4f: {  	v7 =	vld [tilespmem:s17+$0x5000];
	[tilespmem:s18+$0x15000] =	vst v5;
	v1 =	vadd.f32 v3, v1  }
0x50: {  	v3 =	vld [tilespmem:s17+$0xD000]  }
0x51: {  	v5 =	vld [tilespmem:s17+$0x5010];
	[tilespmem:s18+$0x15010] =	vst v1;
	v0 =	vadd.f32 v4, v0  }
0x52: {  	v1 =	vld [tilespmem:s17+$0xD010]  }
0x53: {  	v4 =	vld [tilespmem:s17+$0x5020];
	[tilespmem:s18+$0x15020] =	vst v0  }
0x54: {  	v0 =	vld [tilespmem:s17+$0xD020];
	_ =	sdelay $0x1  }
0x55: {  	v2 =	vadd.f32 v6, v2  }
0x56: {  	v3 =	vadd.f32 v3, v7  }
0x57: {  	s19 =	sshll.u32 s15, $0xF;
	[tilespmem:s17+$0x15030] =	vst v2;
	v1 =	vadd.f32 v1, v5  }
0x58: {  	s18 =	sadd.s32 s8, s19;
	[tilespmem:s17+$0x15000] =	vst v3;
	v0 =	vadd.f32 v0, v4  }
0x59: {  	s18 =	sshrl.u32 s18, $0x3;
	[tilespmem:s17+$0x15010] =	vst v1  }
0x5a: {  	p1 =	seq.s32 s15, $0x13;
	s19 =	sadd.s32 s5, s18;
	[tilespmem:s17+$0x15020] =	vst v0  }
0x5b: {  	[hbm4b:s19+s2] =	stream.linear.scatter [tilespmem:s29], [sflag:$0x3], $0x4000, $0x38;
	[tilespmem:$0x1D000] =	vst v63  }
0x5c: {  	s18 =	simm.s32 @!p1 $0x80;
	s17 =	sadd.s32 @!p1 $0x200, s16;
	s19 =	simm.s32 @!p1 $0x5000  }
0x5d: {  	[tilespmem:s19], [sflag:$0x1] =	stream.indirect.gather @!p1 [hbm4b:s3+s18], $0x40, s17, s18, $0xb8;
	[tilespmem:$0x1D000] =	vst v63  }
0x5e: {  	s17 =	sadd.s32 @!p1 $0x2A00, s16;
	s19 =	simm.s32 @!p1 $0xD000  }
0x5f: {  	[tilespmem:s19], [sflag:$0x1] =	stream.indirect.gather @!p1 [hbm4b:s4+s18], $0x40, s17, s18, $0xb8;
	[tilespmem:$0x1D000] =	vst v63  }
0x60: {  	s17 =	sadd.s32 @!p1 $0x280, s16;
	s19 =	simm.s32 @!p1 $0x7000  }
0x61: {  	[tilespmem:s19], [sflag:$0x1] =	stream.indirect.gather @!p1 [hbm4b:s3+s18], $0x40, s17, s18, $0xb8;
	[tilespmem:$0x1D000] =	vst v63  }
0x62: {  	s17 =	sadd.s32 @!p1 $0x2A80, s16;
	s19 =	simm.s32 @!p1 $0xF000  }
0x63: {  	[tilespmem:s19], [sflag:$0x1] =	stream.indirect.gather @!p1 [hbm4b:s4+s18], $0x40, s17, s18, $0xb8;
	[tilespmem:$0x1D000] =	vst v63  }
0x64: {  	_ =	swait.ge [sflag:s30], $0x2000  }
0x65: {  	[sflag:s30] =	ssyncset.done $0x0  }
0x66: {  	[sflag:s30] =	ssyncadd.s32 $0xFFFFE000  }
0x67: {  	_ =	swait.ge [sflag:s30], $0x2000  }
0x68: {  	[sflag:s30] =	ssyncset.done $0x0  }
0x69: {  	[sflag:s30] =	ssyncadd.s32 $0xFFFFE000  }
0x6a: {  	_ =	swait.ge [sflag:s30], $0x2000  }
0x6b: {  	[sflag:s30] =	ssyncset.done $0x0  }
0x6c: {  	[sflag:s30] =	ssyncadd.s32 $0xFFFFE000  }
0x6d: {  	_ =	swait.ge [sflag:s30], $0x2000  }
0x6e: {  	[sflag:s30] =	ssyncset.done $0x0  }
0x6f: {  	s17 =	simm.s32 @!p0 $0x4;
	[sflag:s30] =	ssyncadd.s32 $0xFFFFE000  }
0x70: {  	_ =	swait.ge @!p0 [sflag:s17], $0x4000  }
0x71: {  	[sflag:s17] =	ssyncset.done @!p0 $0x0  }
0x72: {  	[sflag:s17] =	ssyncadd.s32 @!p0 $0xFFFFC000;
	s17 =	simm.s32 $0x0  }
0x73: {  	v2 =	vld [tilespmem:s17+$0x9030]  }
0x74: {  	v4 =	vld [tilespmem:s17+$0x11030]  }
0x75: {  	v5 =	vld [tilespmem:s17+$0x9000]  }
0x76: {  	v6 =	vld [tilespmem:s17+$0x11000]  }
0x77: {  	v1 =	vld [tilespmem:s17+$0x9010]  }
0x78: {  	v3 =	vld [tilespmem:s17+$0x11010]  }
0x79: {  	v0 =	vld [tilespmem:s17+$0x9020];
	v7 =	vadd.f32 v4, v2  }
0x7a: {  	s18 =	simm.s32 $0x40;
	v4 =	vld [tilespmem:s17+$0x11020]  }
0x7b: {  	s19 =	simm.s32 $0x200;
	v2 =	vld [tilespmem:s18+$0x9030];
	v5 =	vadd.f32 v6, v5;
	[tilespmem:s17+$0x19030] =	vst v7  }
.LBB2_5:
0x7c: {  	p0 =	sne.s32 s19, $0xFF00;
	v6 =	vld [tilespmem:s18+$0x11030]  }
0x7d: {  	v7 =	vld [tilespmem:s18+$0x9000];
	[tilespmem:s17+$0x19000] =	vst v5;
	v3 =	vadd.f32 v3, v1  }
0x7e: {  	v5 =	vld [tilespmem:s18+$0x11000]  }
.Ltmp3:
0x7f: {  	v1 =	vld [tilespmem:s18+$0x9010];
	[tilespmem:s17+$0x19010] =	vst v3;
	v4 =	vadd.f32 v4, v0;
	(pc) =	sbr.rel @p0 .LBB2_5-.Ltmp3, $4  }
0x80: {  	v3 =	vld [tilespmem:s18+$0x11010]  }
0x81: {  	v0 =	vld [tilespmem:s18+$0x9020];
	v6 =	vadd.f32 v6, v2;
	[tilespmem:s17+$0x19020] =	vst v4;
	s17 =	smov.u32 s18  }
0x82: {  	s18 =	sshra.s32 s19, $0x2;
	v4 =	vld [tilespmem:s17+$0x11020]  }
0x83: {  	s19 =	sadd.s32 $0x100, s19;
	v2 =	vld [tilespmem:s18+$0x9030];
	v5 =	vadd.f32 v5, v7;
	[tilespmem:s17+$0x19030] =	vst v6  }
0x84: {  	v6 =	vld [tilespmem:s18+$0x11030]  }
0x85: {  	v7 =	vld [tilespmem:s18+$0x9000];
	[tilespmem:s17+$0x19000] =	vst v5;
	v1 =	vadd.f32 v3, v1  }
0x86: {  	v62 =	vld [tilespmem:s18+$0x11000]  }
0x87: {  	v5 =	vld [tilespmem:s18+$0x9010];
	[tilespmem:s17+$0x19010] =	vst v1;
	v0 =	vadd.f32 v4, v0  }
0x88: {  	v1 =	vld [tilespmem:s18+$0x11010]  }
0x89: {  	v63 =	vld [tilespmem:s18+$0x9020];
	[tilespmem:s17+$0x19020] =	vst v0  }
0x8a: {  	v0 =	vld [tilespmem:s18+$0x11020];
	_ =	sdelay $0x1  }
0x8b: {  	v2 =	vadd.f32 v6, v2  }
0x8c: {  	v3 =	vadd.f32 v62, v7  }
.Ltmp4:
0x8d: {  	[tilespmem:s18+$0x19030] =	vst v2;
	v1 =	vadd.f32 v1, v5;
	(pc) =	sbr.rel @p1 .LBB2_8-.Ltmp4, $4  }
0x8e: {  	[tilespmem:s18+$0x19000] =	vst v3;
	v0 =	vadd.f32 v0, v63  }
0x8f: {  	s19 =	sshll.u32 s15, $0xC;
	[tilespmem:s18+$0x19010] =	vst v1  }
0x90: {  	s17 =	sadd.s32 s10, s19;
	[tilespmem:s18+$0x19020] =	vst v0  }
0x91: {  	[hbm4b:s17+s2] =	stream.linear.scatter [tilespmem:s31], [sflag:$0x4], $0x4000, $0x38;
	[tilespmem:$0x1D000] =	vst v63  }
0x92: {  	s17 =	sadd.s32 $0x300, s16  }
0x93: {  	[tilespmem:s20], [sflag:$0x2] =	stream.indirect.gather [hbm4b:s3+s13], $0x40, s17, s13, $0xb8;
	[tilespmem:$0x1D000] =	vst v63  }
0x94: {  	s19 =	sadd.s32 $0x2B00, s16  }
0x95: {  	[tilespmem:s22], [sflag:$0x2] =	stream.indirect.gather [hbm4b:s4+s13], $0x40, s19, s13, $0xb8;
	[tilespmem:$0x1D000] =	vst v63  }
.Ltmp5:
0x96: {  	_ = 	snop;
	(pc) =	sbr.rel .LBB2_2-.Ltmp5, $4  }
0x97: {  	s18 =	sadd.s32 $0x380, s16  }
0x98: {  	[tilespmem:s24], [sflag:$0x2] =	stream.indirect.gather [hbm4b:s3+s13], $0x40, s18, s13, $0xb8;
	[tilespmem:$0x1D000] =	vst v63  }
0x99: {  	s15 =	sadd.s32 $0x1, s15;
	s19 =	sadd.s32 $0x2B80, s16  }
0x9a: {  	[tilespmem:s26], [sflag:$0x2] =	stream.indirect.gather [hbm4b:s4+s13], $0x40, s19, s13, $0xb8;
	[tilespmem:$0x1D000] =	vst v63  }
.LBB2_9:
0x9b: {  	_ =	sfence.sel $0x180000  }
0x9c: {  	[bflag:$0x0] =	sbarrier.arrive $0xFFFF  }
0x9d: {  	_ =	strace $0x90000047  }
0x9e: {  	s0 =	stileid.u32;
	[bflag:$0x2] =	sbarrier.arrive $0xFFFF  }
0x9f: {  	p0 =	sne.s32 s0, $0x0;
	s0 =	rddreg [dreg:$0x1]  }
0xa0: {  	s0 =	sadd.s32 @!p0 $0x100000, s0  }
0xa1: {  	[sflag:s0] =	ssyncadd.tile.s32 @!p0 $0x1;
	_ =	shalt  }
.Lfunc_end2:
_tile_overlayer_lowered:
.L_overlay_start_2:
0xa2: {  	(tag) =	ssettag $0x2  }
0xa3: {  	s0 =	rddreg [dreg:$0x0];
	s2 =	stileid.u32  }
0xa4: {  	s1 =	rddreg [dreg:$0x1];
	p0 =	sne.s32 s2, $0x0  }
0xa5: {  	s3 =	rddreg [dreg:$0x2];
	[bflag:$0x3] =	sbarrier.arrive $0xFFFF;
	s2 =	simm.s32 @!p0 $0x1C05  }
0xa6: {  	[timem:s3], [sflag:s2] =	dma.local @!p0 [hbm:s0], s1  }
0xa7: {  	s0 =	simm.s32 @!p0 $0x5  }
0xa8: {  	_ =	swait.ge @!p0 [sflag:s0], s1  }
0xa9: {  	s1 =	ssub.s32 @!p0 $0x0, s1;
	[sflag:s0] =	ssyncset.done @!p0 $0x0  }
0xaa: {  	[sflag:s0] =	ssyncadd.s32 @!p0 s1  }
0xab: {  	[bflag:$0x3] =	sbarrier.arrive $0xFFFF  }
0xac: {  	_ =	shalt  }

// kernel: kernel.14.cloned.1.call-start
scs
__scs_entry_jumppad:
0x0: {  	(pc) =	sbr.rel $0x88, $3  }
0x1: {  	(tag) =	ssettag $0x0;
	lr =	simm.s32 $0x1  }
0x2: {  	[smem:$0x3F90] =	sst lr;
	_ =	strace $0xD0000000  }
0x3: {  	_ = 	snop  }
0x4: {  	_ = 	snop  }
0x5: {  	_ = 	snop  }
0x6: {  	_ = 	snop  }
0x7: {  	_ = 	snop  }
__scs_overlays_trampoline_lowered:
0x8: {  	[smem:$0x3F9F] =	sst s0  }
0x9: {  	[smem:$0x3FA0] =	sst s1  }
0xa: {  	[smem:$0x3FA1] =	sst s2  }
0xb: {  	[smem:$0x3FA2] =	sst s3  }
0xc: {  	[smem:$0x3FA3] =	sst s4  }
0xd: {  	[smem:$0x3FA4] =	sst s5  }
0xe: {  	[smem:$0x3FA5] =	sst s6  }
0xf: {  	[smem:$0x3FA6] =	sst s7  }
0x10: {  	[smem:$0x3FA7] =	sst s8  }
0x11: {  	[smem:$0x3FA8] =	sst s9;
	s0 =	simm.s32 @!p0 $0x0  }
0x12: {  	s1 =	sld [smem:$0x3F8E];
	s0 =	simm.s32 @p0 $0x1  }
0x13: {  	[smem:$0x3FA9] =	sst s0;
	s0 =	simm.s32 @!p1 $0x0  }
0x14: {  	s2 =	sld [smem:$0x3F8D];
	s0 =	simm.s32 @p1 $0x1  }
0x15: {  	[smem:$0x3FAA] =	sst s0;
	s0 =	simm.s32 @!p2 $0x0  }
0x16: {  	s3 =	sld [smem:$0x3FDB];
	s0 =	simm.s32 @p2 $0x1  }
0x17: {  	s4 =	simm.s32 $0x1BF5;
	[smem:$0x3FAC] =	sst s0  }
0x18: {  	s0 =	sld [smem:$0x3F8F];
	_ =	swait.ge [sflag:s4], $0x0  }
0x19: {  	s7 =	sld [smem:$0x3F90]  }
0x1a: {  	s8 =	sadd.s32 $0xFFFFE003, lr  }
0x1b: {  	s9 =	sadd.s32 $0xFFFFFEF7, lr;
	s5 =	simm.s32 $0xFFFFFFFF;
	p2 =	slt.u32 s8, $0xFFFFF086  }
0x1c: {  	p1 =	slt.u32 s9, $0xF7A;
	s5 =	simm.s32 @!p2 $0x0  }
0x1d: {  	s5 =	simm.s32 @p1 $0x1;
	p0 =	seq.s32 s7, s2  }
0x1e: {  	s7 =	smul.u32 @!p0 $0xF7A, s2;
	p2 =	seq.s32 @!p0 s5, $0x0  }
0x1f: {  	s9 =	smul.u32 $0xF7A, s1;
	s8 =	simm.s32 @!p0 $0x1BF5;
	p2 =	por !p2, p0  }
0x20: {  	[sflag:s8] =	ssyncset.s32 @!p0 $0xFFFFF086;
	s6 =	sadd.s32 @!p0 s3, s7;
	s7 =	simm.s32 @!p0 $0x108  }
0x21: {  	s3 =	sadd.s32 s3, s9;
	s6 =	sadd.s32 @!p0 $0x88, s6;
	s7 =	simm.s32 @p2 $0x1082  }
0x22: {  	[simem:s7], [sflag:s8] =	dma.local @!p0 [hbm:s6], $0xF7A  }
0x23: {  	s9 =	sor.u32 $0xD0000000, s2;
	s6 =	simm.s32 $0x108;
	_ =	swait.ge @!p0 [sflag:s8], $0x0  }
0x24: {  	s3 =	sadd.s32 $0x88, s3;
	s6 =	simm.s32 @!p1 $0x1082;
	[sflag:s4] =	ssyncset.s32 $0xFFFFF086  }
0x25: {  	[simem:s6], [sflag:s4] =	dma.local [hbm:s3], $0xF7A  }
0x26: {  	[smem:$0x3F90] =	sst s1;
	(tag) =	ssettag s2;
	_ =	strace s9  }
0x27: {  	s1 =	sld [smem:$0x3FA0]  }
0x28: {  	s2 =	sld [smem:$0x3FA1]  }
0x29: {  	s4 =	sld [smem:$0x3FA3]  }
0x2a: {  	p0 =	seq.s32 s5, $0x0;
	s5 =	sld [smem:$0x3FA4]  }
0x2b: {  	s6 =	sld [smem:$0x3FA5]  }
0x2c: {  	s7 =	sld [smem:$0x3FA6]  }
0x2d: {  	s3 =	simm.s32 $0x108;
	s8 =	sld [smem:$0x3FA7]  }
0x2e: {  	s3 =	simm.s32 @!p0 $0x1082;
	s9 =	sld [smem:$0x3FA8]  }
0x2f: {  	lr =	sadd.s32 s0, s3;
	s0 =	sld [smem:$0x3F9F]  }
0x30: {  	s3 =	sld [smem:$0x3FA2]  }
0x31: {  	[smem:$0x3FAB] =	sst s10  }
0x32: {  	s10 =	sld [smem:$0x3FA9];
	_ =	sdelay $0x3  }
0x33: {  	p0 =	seq.s32 s10, $0x1;
	s10 =	sld [smem:$0x3FAB];
	_ =	sdelay $0x3  }
0x34: {  	[smem:$0x3FAB] =	sst s10  }
0x35: {  	s10 =	sld [smem:$0x3FAA];
	_ =	sdelay $0x3  }
0x36: {  	p1 =	seq.s32 s10, $0x1;
	s10 =	sld [smem:$0x3FAB];
	_ =	sdelay $0x3  }
0x37: {  	[smem:$0x3FAB] =	sst s10  }
0x38: {  	s10 =	sld [smem:$0x3FAC]  }
0x39: {  	_ = 	snop;
	(pc) =	sbr.ind lr, $3  }
0x3a: {  	_ = 	snop  }
0x3b: {  	_ = 	snop  }
0x3c: {  	p2 =	seq.s32 s10, $0x1;
	s10 =	sld [smem:$0x3FAB]  }
0x3d: {  	_ =	shalt  }
0x3e: {  	_ =	shalt  }
0x3f: {  	_ =	shalt  }
0x40: {  	_ =	shalt  }
0x41: {  	_ =	shalt  }
0x42: {  	_ =	shalt  }
0x43: {  	_ =	shalt  }
0x44: {  	_ =	shalt  }
0x45: {  	_ =	shalt  }
0x46: {  	_ =	shalt  }
0x47: {  	_ =	shalt  }
0x48: {  	_ =	shalt  }
0x49: {  	_ =	shalt  }
0x4a: {  	_ =	shalt  }
0x4b: {  	_ =	shalt  }
0x4c: {  	_ =	shalt  }
0x4d: {  	_ =	shalt  }
0x4e: {  	_ =	shalt  }
0x4f: {  	_ =	shalt  }
0x50: {  	_ =	shalt  }
0x51: {  	_ =	shalt  }
0x52: {  	_ =	shalt  }
0x53: {  	_ =	shalt  }
0x54: {  	_ =	shalt  }
0x55: {  	_ =	shalt  }
0x56: {  	_ =	shalt  }
0x57: {  	_ =	shalt  }
0x58: {  	_ =	shalt  }
0x59: {  	_ =	shalt  }
0x5a: {  	_ =	shalt  }
0x5b: {  	_ =	shalt  }
0x5c: {  	_ =	shalt  }
0x5d: {  	_ =	shalt  }
0x5e: {  	_ =	shalt  }
0x5f: {  	_ =	shalt  }
0x60: {  	_ =	shalt  }
0x61: {  	_ =	shalt  }
0x62: {  	_ =	shalt  }
0x63: {  	_ =	shalt  }
0x64: {  	_ =	shalt  }
0x65: {  	_ =	shalt  }
0x66: {  	_ =	shalt  }
0x67: {  	_ =	shalt  }
0x68: {  	_ =	shalt  }
0x69: {  	_ =	shalt  }
0x6a: {  	_ =	shalt  }
0x6b: {  	_ =	shalt  }
0x6c: {  	_ =	shalt  }
0x6d: {  	_ =	shalt  }
0x6e: {  	_ =	shalt  }
0x6f: {  	_ =	shalt  }
0x70: {  	_ =	shalt  }
0x71: {  	_ =	shalt  }
0x72: {  	_ =	shalt  }
0x73: {  	_ =	shalt  }
0x74: {  	_ =	shalt  }
0x75: {  	_ =	shalt  }
0x76: {  	_ =	shalt  }
0x77: {  	_ =	shalt  }
0x78: {  	_ =	shalt  }
0x79: {  	_ =	shalt  }
0x7a: {  	_ =	shalt  }
0x7b: {  	_ =	shalt  }
0x7c: {  	_ =	shalt  }
0x7d: {  	_ =	shalt  }
0x7e: {  	_ =	shalt  }
0x7f: {  	_ =	shalt  }
0x80: {  	_ =	shalt  }
0x81: {  	_ =	shalt  }
0x82: {  	_ =	shalt  }
0x83: {  	_ =	shalt  }
0x84: {  	_ =	shalt  }
0x85: {  	_ =	shalt  }
0x86: {  	_ =	shalt  }
0x87: {  	_ =	shalt  }
.Lfunc_end0:
.L_simem_size_0:
called_computation.1_lowered:
.L_overlay_start_0:
0x88: {  	s2 =	sld [smem:$0x3FD9]  }
0x89: {  	s3 =	sld [smem:$0x3FFE];
	_ =	sdelay $0x1  }
0x8a: {  	s1 =	srdreg.scid  }
0x8b: {  	s0 =	sand.u32 $0x1, s1  }
0x8c: {  	s17 =	sshll.u32 s0, $0xA;
	s2 =	sadd.s32 s3, s2  }
0x8d: {  	s2 =	sadd.s32 s2, s17  }
0x8e: {  	[smem:$0x3FB7] =	sst s2  }
0x8f: {  	_ = 	snop  }
0x90: {  	s2 =	sld [smem:$0x3FD0];
	(tm) =	ssettm $0x1  }
0x91: {  	s18 =	sld [smem:$0x3FFB];
	_ =	sdelay $0x3  }
0x92: {  	_ =	strace s18  }
0x93: {  	s3 =	sld [smem:$0x3FFC];
	_ =	sdelay $0x3  }
0x94: {  	_ =	strace s3  }
0x95: {  	s3 =	sld [smem:$0x3FFD];
	_ =	sdelay $0x3  }
0x96: {  	_ =	strace s3  }
0x97: {  	_ =	strace $0x8FFFFFFF  }
0x98: {  	s19 =	sld [smem:$0x3FDB];
	_ =	sdelay $0x1  }
0x99: {  	s4 =	simm.s32 $_scs_section_size  }
0x9a: {  	s5 =	simm.s32 $_size__tile_overlayer_lowered;
	s6 =	simm.s32 $_tile_overlayer_lowered  }
0x9b: {  	s22 =	simm.s32 $0x1BFF;
	s21 =	sshll.u32 s6, $0x1;
	s3 =	sadd.s32 s4, s19  }
0x9c: {  	s7 =	simm.s32 $0x0;
	s20 =	sshll.u32 s5, $0x1;
	s5 =	sadd.s32 s21, s3  }
0x9d: {  	[timem:s7], [sflag:s22] =	dma.local [hbm:s5], s20  }
0x9e: {  	_ =	swait.ge [sflag:s22], s20  }
0x9f: {  	s4 =	ssub.s32 $0x0, s20;
	[sflag:s22] =	ssyncset.done $0x0  }
0xa0: {  	[sflag:s22] =	ssyncadd.s32 s4;
	_ =	sdelay $0x1  }
0xa1: {  	s23 =	simm.s32 $0x1B8B  }
0xa2: {  	_ =	swait.ge [sflag:s23], $0x1  }
0xa3: {  	[sflag:s23] =	ssyncset.done $0x0  }
0xa4: {  	s25 =	simm.s32 $0x1B8E;
	s24 =	sld [smem:$0x3FFE];
	[sflag:s23] =	ssyncadd.s32 $0xFFFFFFFF  }
0xa5: {  	s26 =	simm.s32 $execute0_lowered;
	[smem:$0x3FD2] =	sst s25  }
0xa6: {  	s5 =	sshll.u32 s26, $0x1;
	_ =	strace $0x80000049;
	[dreg:$0x1] =	wrdreg $0xFFFFFFFF  }
0xa7: {  	s28 =	simm.s32 $_size_execute0_lowered;
	s3 =	sadd.s32 s3, s5;
	[dreg:$0x0] =	wrdreg $0x0  }
0xa8: {  	s5 =	sshll.u32 s28, $0x1;
	[dreg:$0x2] =	wrdreg s3  }
0xa9: {  	[dreg:$0x3] =	wrdreg s5  }
0xaa: {  	[dreg:$0x4] =	wrdreg $0xC0  }
0xab: {  	_ =	task [dreg:s7], $0x5FFFF  }
0xac: {  	[dreg:$0x1] =	wrdreg $0xFFFFFFFF  }
0xad: {  	[dreg:$0x0] =	wrdreg $0x60  }
0xae: {  	[dreg:$0x2] =	wrdreg s2  }
0xaf: {  	[dreg:$0x3] =	wrdreg s24  }
0xb0: {  	[dreg:$0x4] =	wrdreg $0x138000  }
0xb1: {  	[dreg:$0x5] =	wrdreg $0x9  }
0xb2: {  	_ =	task.clear_ibuf [dreg:s7], $0x6FFFF;
	_ =	strace $0x90000049  }
0xb3: {  	s29 =	simm.s32 $0x9;
	_ =	strace $0x8000004B  }
0xb4: {  	_ =	swait.ge [sflag:s29], $0x1  }
0xb5: {  	[sflag:s29] =	ssyncadd.s32 $0xFFFFFFFF  }
0xb6: {  	_ =	strace $0x9000004B  }
0xb7: {  	_ =	sfence  }
0xb8: {  	s30 =	sld [smem:$0x0];
	_ =	sdelay $0x2  }
0xb9: {  	s31 =	sshll.u32 s1, $0xD;
	s1 =	sshrl.u32 s1, $0x2  }
0xba: {  	s3 =	sand.u32 $0x4000, s31;
	s1 =	sadd.s32 s1, s30  }
0xbb: {  	s0 =	sor.u32 s3, s0;
	s1 =	sshll.u32 s1, $0x11  }
0xbc: {  	s0 =	sor.u32 s1, s0  }
0xbd: {  	s0 =	sadd.s32 $0x8F2B, s0  }
0xbe: {  	[sflag:s0] =	ssyncadd.remote.s32 $0x1  }
0xbf: {  	_ =	sfence.sel $0xFFFF  }
0xc0: {  	[dreg:$0x0] =	wrdreg $0xFFFFFFFF;
	(pc) =	sbr.abs _section_cstart, $3  }
0xc1: {  	[dreg:$0x1] =	wrdreg $0xFFFFFFFF  }
0xc2: {  	_ =	task.clear_ibuf [dreg:s7], $0x2FFFF;
	_ =	strace $0x9FFFFFFF  }
0xc3: {  	(tm) =	ssettm $0x7FFFFFFF  }
tec
execute0_lowered:
.L_overlay_start_1:
0x0: {  	(tag) =	ssettag $0x1  }
0x1: {  	s2 =	rddreg [dreg:$0x0]  }
0x2: {  	s0 =	rddreg [dreg:$0x1]  }
0x3: {  	s3 =	rddreg [dreg:$0x2]  }
0x4: {  	s11 =	stileid.u32;
	s4 =	srdreg.scid  }
0x5: {  	s5 =	simm.s32 $0x0;
	s16 =	simm.s32 $0x7;
	s28 =	simm.s32 $0x2  }
0x6: {  	s29 =	simm.s32 $0x4;
	s30 =	simm.s32 $0x11000;
	s1 =	smul.u32 $0xA00, s11  }
0x7: {  	s31 =	simm.s32 $0x5;
	s6 =	smul.u32 $0xC350, s11;
	s4 =	sand.u32 $0x1, s4  }
0x8: {  	[smem:$0x7FF] =	sst s5;
	s5 =	sadd.s32 $0x3E400, s0;
	s18 =	sshll.u32 s11, $0x6  }
0x9: {  	s7 =	smul.u32 $0xC3500, s4;
	_ =	strace $0x8000004A;
	s9 =	ssub.s32 $0x2, s4  }
0xa: {  	s21 =	smul.u32 $0x2710, s4;
	s4 =	sshll.u32 s4, $0x9;
	s10 =	sadd.s32 s1, s0  }
0xb: {  	s8 =	sshrl.u32 s6, $0x3;
	s17 =	sshrl.u32 s9, $0x1;
	s12 =	sadd.s32 s5, s1  }
0xc: {  	s23 =	sor.u32 $0xE000, s4;
	s24 =	sor.u32 $0xE080, s4;
	s25 =	sor.u32 $0xE100, s4  }
0xd: {  	s13 =	sor.u32 $0xE180, s4;
	s14 =	sor.u32 $0xE400, s4;
	s15 =	sor.u32 $0xE480, s4  }
0xe: {  	s1 =	simm.s32 $0x0;
	s7 =	sadd.s32 s6, s7;
	s8 =	sadd.s32 s8, s0  }
0xf: {  	s6 =	sadd.s32 s6, s3;
	s19 =	sadd.s32 $0x2A400, s10;
	s20 =	sadd.s32 $0x34400, s10  }
0x10: {  	s22 =	sadd.s32 $0x10, s12;
	v1 =	vmov s23;
	s23 =	simm.s32 $0xE400;
	[dreg:$0x4] =	wrdreg s6  }
0x11: {  	v2 =	vmov s24;
	v3 =	vmov s25;
	s24 =	simm.s32 $0x1;
	s25 =	simm.s32 $0x3;
	[dreg:$0x6] =	wrdreg s19  }
0x12: {  	s7 =	sshrl.u32 s7, $0x3;
	s8 =	sadd.s32 $0x3000, s8;
	[dreg:$0x7] =	wrdreg s20  }
0x13: {  	[dreg:$0x8] =	wrdreg s22;
	s20 =	simm.s32 $0x50000;
	s22 =	simm.s32 $0xC000  }
.Ltmp0:
0x14: {  	s0 =	sadd.s32 s7, s0;
	s7 =	ssub.s32 s9, s17;
	(pc) =	sbr.rel .LBB2_1-.Ltmp0, $4  }
0x15: {  	vm0 =	vmmov $0x1;
	[dreg:$0x5] =	wrdreg s8;
	s8 =	sor.u32 $0x1C07, s18;
	s9 =	smul.u32 $0xA0, s11  }
0x16: {  	vm1 =	vcmask $0x310;
	vm2 =	vcmask $0x710;
	vm3 =	vcmask $0xB10;
	s17 =	sor.u32 $0xE500, s4;
	s4 =	sor.u32 $0xE580, s4;
	s0 =	sadd.s32 $0x8E400, s0  }
0x17: {  	v0 =	vmov s21;
	v4 =	vmov s13;
	v5 =	vmov s14;
	s18 =	simm.s32 $0x80;
	s26 =	smax.u32 s7, $0x1;
	[dreg:$0x9] =	wrdreg s0  }
0x18: {  	v6 =	vmov s15;
	v7 =	vmov s17;
	v8 =	vmov s4;
	[dreg:$0xa] =	wrdreg s26;
	s26 =	simm.s32 $0xE800;
	s0 =	simm.s32 $0x6  }
.LBB2_14:
0x19: {  	_ =	swait.ge [sflag:s31], $0x2800  }
0x1a: {  	[sflag:s31] =	ssyncset.done $0x0  }
0x1b: {  	[sflag:s31] =	ssyncadd.s32 $0xFFFFD800  }
0x1c: {  	_ =	swait.ge [sflag:s0], $0x2800  }
0x1d: {  	[sflag:s0] =	ssyncset.done $0x0  }
0x1e: {  	[sflag:s0] =	ssyncadd.s32 $0xFFFFD800  }
0x1f: {  	[bflag:$0x0] =	sbarrier.arrive $0xFFFF  }
0x20: {  	s4 =	rddreg [dreg:$0x9]  }
0x21: {  	[hbm:s4], [sflag:s8] =	dma.local [spmem:s17], $0x186A  }
0x22: {  	_ =	swait.ge [sflag:s16], $0x186A  }
0x23: {  	s1 =	sadd.s32 $0x1, s1;
	s21 =	rddreg [dreg:$0xa]  }
0x24: {  	p0 =	sne.s32 s1, s21  }
.Ltmp1:
0x25: {  	_ = 	snop;
	(pc) =	sbr.rel @!p0 .LBB2_15-.Ltmp1, $3  }
0x26: {  	_ =	sdelay $0x1  }
0x27: {  	[sflag:s16] =	ssyncset.done $0x0  }
0x28: {  	[sflag:s16] =	ssyncadd.s32 $0xFFFFE796  }
.LBB2_1:
0x29: {  	s4 =	rddreg [dreg:$0x4]  }
0x2a: {  	s15 =	rddreg [dreg:$0x5];
	s17 =	sshrl.u32 s4, $0x3  }
0x2b: {  	[spmem:s17], [sflag:s8] =	dma.local [hbm:s15], $0x186A  }
0x2c: {  	_ =	swait.ge [sflag:s16], $0x186A  }
0x2d: {  	[sflag:s16] =	ssyncset.done $0x0  }
0x2e: {  	s19 =	simm.s32 $0x0;
	s6 =	rddreg [dreg:$0x6];
	[sflag:s16] =	ssyncadd.s32 $0xFFFFE796  }
0x2f: {  	[tilespmem:s19], [sflag:$0x7] =	stream.linear.gather [hbm4b:s6+s19], $0x5000, $0x38;
	[tilespmem:$0x1FB50] =	vst v63  }
0x30: {  	_ =	swait.ge [sflag:s16], $0x5000  }
0x31: {  	[sflag:s16] =	ssyncset.done $0x0  }
0x32: {  	s7 =	simm.s32 $0x5000;
	s21 =	rddreg [dreg:$0x7];
	[sflag:s16] =	ssyncadd.s32 $0xFFFFB000  }
0x33: {  	[tilespmem:s7], [sflag:$0x7] =	stream.linear.gather [hbm4b:s21+s19], $0x5000, $0x38;
	[tilespmem:$0x1FB50] =	vst v63  }
0x34: {  	_ =	swait.ge [sflag:s16], $0x5000  }
0x35: {  	[sflag:s16] =	ssyncset.done $0x0  }
0x36: {  	s4 =	simm.s32 $0x0;
	[sflag:s16] =	ssyncadd.s32 $0xFFFFB000  }
0x37: {  	v11 =	vld [tilespmem:s4+$0x0]  }
0x38: {  	v13 =	vld [tilespmem:s4+$0x10]  }
0x39: {  	v12 =	vld [tilespmem:s4+$0x20]  }
0x3a: {  	v10 =	vld [tilespmem:s4+$0x30]  }
0x3b: {  	v9 =	vld [tilespmem:s4+$0x40]  }
0x3c: {  	v14 =	vadd.s32 v0, v11;
	v11 =	vld [tilespmem:s4+$0x50]  }
0x3d: {  	s6 =	simm.s32 $0x200;
	[tilespmem:s4+$0x0] =	vst v14;
	v14 =	vadd.s32 v0, v13;
	v13 =	vld [tilespmem:s4+$0x60]  }
.LBB2_2:
0x3e: {  	s7 =	sshra.s32 s6, $0x2;
	p0 =	sne.s32 s6, $0x13E00;
	[tilespmem:s4+$0x10] =	vst v14;
	v12 =	vadd.s32 v0, v12;
	v14 =	vld [tilespmem:s4+$0x70]  }
0x3f: {  	v15 =	vld [tilespmem:s7+$0x0];
	[tilespmem:s4+$0x20] =	vst v12;
	v10 =	vadd.s32 v0, v10  }
0x40: {  	v16 =	vld [tilespmem:s7+$0x10];
	[tilespmem:s4+$0x30] =	vst v10;
	v9 =	vadd.s32 v0, v9  }
.Ltmp2:
0x41: {  	v12 =	vld [tilespmem:s7+$0x20];
	[tilespmem:s4+$0x40] =	vst v9;
	v9 =	vadd.s32 v0, v11;
	(pc) =	sbr.rel @p0 .LBB2_2-.Ltmp2, $4  }
0x42: {  	v10 =	vld [tilespmem:s7+$0x30];
	[tilespmem:s4+$0x50] =	vst v9;
	v11 =	vadd.s32 v0, v13  }
0x43: {  	v9 =	vld [tilespmem:s7+$0x40];
	[tilespmem:s4+$0x60] =	vst v11;
	v13 =	vadd.s32 v0, v14  }
0x44: {  	v14 =	vadd.s32 v0, v15;
	v11 =	vld [tilespmem:s7+$0x50];
	[tilespmem:s4+$0x70] =	vst v13;
	s4 =	smov.u32 s7  }
0x45: {  	s6 =	sadd.s32 $0x200, s6;
	[tilespmem:s4+$0x0] =	vst v14;
	v14 =	vadd.s32 v0, v16;
	v13 =	vld [tilespmem:s4+$0x60]  }
0x46: {  	[tilespmem:s4+$0x10] =	vst v14;
	v12 =	vadd.s32 v0, v12;
	v63 =	vld [tilespmem:s4+$0x70]  }
0x47: {  	[tilespmem:s4+$0x20] =	vst v12;
	v10 =	vadd.s32 v0, v10  }
0x48: {  	[tilespmem:s4+$0x30] =	vst v10;
	v9 =	vadd.s32 v0, v9  }
0x49: {  	[tilespmem:s4+$0x40] =	vst v9;
	v9 =	vadd.s32 v0, v11  }
0x4a: {  	[tilespmem:s4+$0x50] =	vst v9;
	v9 =	vadd.s32 v0, v13  }
0x4b: {  	[tilespmem:s4+$0x60] =	vst v9;
	v9 =	vadd.s32 v0, v63  }
0x4c: {  	[tilespmem:s4+$0x70] =	vst v9  }
0x4d: {  	s19 =	simm.s32 $0x0;
	s14 =	simm.s32 $0xA000;
	[bflag:$0x0] =	sbarrier.arrive $0xFFFF  }
0x4e: {  	[tilespmem:s14], [sflag:$0x1] =	stream.indirect.gather [hbm4b:s2+s18], $0x40, s19, s18, $0xb8;
	[tilespmem:$0x1FB50] =	vst v63  }
0x4f: {  	s15 =	simm.s32 $0xE000  }
0x50: {  	[tilespmem:s15], [sflag:$0x3] =	stream.strided.gather [hbm4b:s12+s18], $0x400, s20, s18, $0x38;
	[tilespmem:$0x1FB50] =	vst v63  }
0x51: {  	_ = 	snop  }
0x52: {  	[tilespmem:s22], [sflag:$0x2] =	stream.indirect.gather [hbm4b:s2+s18], $0x40, s18, s18, $0xb8;
	[tilespmem:$0x1FB50] =	vst v63  }
0x53: {  	s21 =	rddreg [dreg:$0x8]  }
0x54: {  	[tilespmem:s23], [sflag:$0x4] =	stream.strided.gather [hbm4b:s21+s18], $0x400, s20, s18, $0x38;
	[tilespmem:$0x1FB50] =	vst v63  }
.LBB2_4:
0x55: {  	_ =	swait.ge [sflag:s24], $0x2000  }
0x56: {  	[sflag:s24] =	ssyncset.done $0x0  }
0x57: {  	[sflag:s24] =	ssyncadd.s32 $0xFFFFE000  }
0x58: {  	_ =	swait.ge [sflag:s25], $0x400  }
0x59: {  	p0 =	seq.s32 s19, $0x0;
	[sflag:s25] =	ssyncset.done $0x0  }
0x5a: {  	s4 =	simm.s32 @!p0 $0x5;
	[sflag:s25] =	ssyncadd.s32 $0xFFFFFC00  }
0x5b: {  	_ =	swait.ge @!p0 [sflag:s4], $0x2800  }
0x5c: {  	s21 =	sshll.u32 s19, $0x1;
	s6 =	simm.s32 $0xE820;
	[sflag:s4] =	ssyncset.done @!p0 $0x0  }
0x5d: {  	s7 =	simm.s32 $0x0;
	[sflag:s4] =	ssyncadd.s32 @!p0 $0xFFFFD800;
	s4 =	simm.s32 $0xA020  }
.LBB2_5:
0x5e: {  	_ =	sdelay $0x2  }
0x5f: {  	s10 =	sshll.u32 s7, $0x4  }
0x60: {  	s11 =	simm.s32 $0x0;
	v11 =	vld.idx.msk [tilespmem:v1+s10+$0x0 ss:$0x1], $0xffff  }
0x61: {  	v9 =	vmov s11  }
0x62: {  	v13 =	vld [tilespmem:s4+$0xFFFFFFE0];
	v9 =	vand.u32 $0xF, v9  }
0x63: {  	v14 =	vbroadcast v9, $0x0;
	_ =	sdelay $0x1  }
0x64: {  	v15 =	vperm.xlane v11, v14;
	_ =	sdelay $0x1  }
0x65: {  	v12 =	vld.idx.msk [tilespmem:v2+s10+$0x0 ss:$0x1], $0xffff;
	v13 =	vmul.f32 v13, v15  }
0x66: {  	v10 =	vld.idx.msk [tilespmem:v3+s10+$0x0 ss:$0x1], $0xffff  }
0x67: {  	v9 =	vld.idx.msk [tilespmem:v4+s10+$0x0 ss:$0x1], $0xffff;
	[tilespmem:s6+$0xFFFFFFE0] =	vst v13  }
0x68: {  	v13 =	vld [tilespmem:s4+$0xFFFFFFF0];
	_ =	sdelay $0x2  }
0x69: {  	v16 =	vperm.xlane v12, v14;
	_ =	sdelay $0x1  }
0x6a: {  	v13 =	vmul.f32 v13, v16;
	_ =	sdelay $0x1  }
0x6b: {  	[tilespmem:s6+$0xFFFFFFF0] =	vst v13  }
0x6c: {  	v13 =	vld [tilespmem:s4+$0x0];
	_ =	sdelay $0x2  }
0x6d: {  	v17 =	vperm.xlane v10, v14;
	_ =	sdelay $0x1  }
0x6e: {  	v13 =	vmul.f32 v13, v17;
	_ =	sdelay $0x1  }
0x6f: {  	[tilespmem:s6+$0x0] =	vst v13  }
0x70: {  	v13 =	vld [tilespmem:s4+$0x10];
	_ =	sdelay $0x1  }
0x71: {  	v15 =	vnsel vm0, $0x0, v15  }
0x72: {  	v14 =	vperm.xlane v9, v14;
	v15 =	vsel vm1, v15, v16  }
0x73: {  	v15 =	vsel vm2, v15, v17  }
0x74: {  	v15 =	vsel vm3, v15, v14;
	v14 =	vmul.f32 v13, v14  }
0x75: {  	s15 =	simm.s32 $0x1;
	[tilespmem:s6+$0x20] =	vst v15  }
0x76: {  	s13 =	simm.s32 $0x2;
	s11 =	smov.u32 s6;
	s10 =	sadd.s32 $0x40, s4;
	v13 =	vmov s15;
	[tilespmem:s6+$0x10] =	vst v14  }
.LBB2_6:
0x77: {  	p1 =	sne.s32 s13, $0xF;
	v13 =	vand.u32 $0xF, v13;
	v14 =	vld [tilespmem:s10+$0xFFFFFFE0]  }
0x78: {  	v13 =	vbroadcast v13, $0x0;
	_ =	sdelay $0x1  }
0x79: {  	v15 =	vperm.xlane v11, v13;
	_ =	sdelay $0x1  }
0x7a: {  	v14 =	vmul.f32 v14, v15  }
0x7b: {  	s11 =	sadd.s32 $0x50, s11  }
0x7c: {  	[tilespmem:s11+$0xFFFFFFE0] =	vst v14  }
0x7d: {  	v14 =	vld [tilespmem:s10+$0xFFFFFFF0];
	_ =	sdelay $0x2  }
0x7e: {  	v16 =	vperm.xlane v12, v13;
	_ =	sdelay $0x1  }
0x7f: {  	v14 =	vmul.f32 v14, v16;
	_ =	sdelay $0x1  }
0x80: {  	[tilespmem:s11+$0xFFFFFFF0] =	vst v14  }
0x81: {  	v14 =	vld [tilespmem:s10+$0x0];
	_ =	sdelay $0x2  }
0x82: {  	v17 =	vperm.xlane v10, v13  }
0x83: {  	v15 =	vnsel vm0, $0x0, v15  }
0x84: {  	v13 =	vperm.xlane v9, v13;
	v15 =	vsel vm1, v15, v16;
	v14 =	vmul.f32 v14, v17  }
0x85: {  	v15 =	vsel vm2, v15, v17  }
0x86: {  	[tilespmem:s11+$0x0] =	vst v14;
	v14 =	vsel vm3, v15, v13  }
0x87: {  	v15 =	vld [tilespmem:s10+$0x10];
	[tilespmem:s11+$0x20] =	vst v14;
	_ =	sdelay $0x2  }
.Ltmp3:
0x88: {  	(pc) =	sbr.rel @p1 .LBB2_6-.Ltmp3, $3  }
0x89: {  	_ = 	snop  }
0x8a: {  	v14 =	vmul.f32 v15, v13;
	_ =	sdelay $0x1  }
0x8b: {  	s10 =	sadd.s32 $0x40, s10;
	v13 =	vmov s13;
	s13 =	sadd.s32 $0x1, s13;
	[tilespmem:s11+$0x10] =	vst v14  }
0x8c: {  	v13 =	vand.u32 $0xF, v13;
	v14 =	vld [tilespmem:s10+$0xFFFFFFE0]  }
0x8d: {  	v13 =	vbroadcast v13, $0x0;
	_ =	sdelay $0x1  }
0x8e: {  	v11 =	vperm.xlane v11, v13;
	_ =	sdelay $0x1  }
0x8f: {  	v14 =	vmul.f32 v14, v11  }
0x90: {  	s11 =	sadd.s32 $0x50, s11  }
0x91: {  	[tilespmem:s11+$0xFFFFFFE0] =	vst v14  }
0x92: {  	v14 =	vld [tilespmem:s10+$0xFFFFFFF0];
	_ =	sdelay $0x2  }
0x93: {  	v12 =	vperm.xlane v12, v13;
	_ =	sdelay $0x1  }
0x94: {  	v14 =	vmul.f32 v14, v12;
	_ =	sdelay $0x1  }
0x95: {  	[tilespmem:s11+$0xFFFFFFF0] =	vst v14  }
0x96: {  	v14 =	vld [tilespmem:s10+$0x0];
	_ =	sdelay $0x2  }
0x97: {  	v10 =	vperm.xlane v10, v13;
	_ =	sdelay $0x1  }
0x98: {  	v14 =	vmul.f32 v14, v10;
	_ =	sdelay $0x1  }
0x99: {  	[tilespmem:s11+$0x0] =	vst v14  }
0x9a: {  	v14 =	vld [tilespmem:s10+$0x10]  }
0x9b: {  	s7 =	sadd.s32 $0x1, s7  }
0x9c: {  	p1 =	sne.s32 s7, $0x8;
	v11 =	vnsel vm0, $0x0, v11  }
.Ltmp4:
0x9d: {  	v9 =	vperm.xlane v9, v13;
	v11 =	vsel vm1, v11, v12;
	(pc) =	sbr.rel @p1 .LBB2_5-.Ltmp4, $4  }
0x9e: {  	v10 =	vsel vm2, v11, v10  }
0x9f: {  	v10 =	vsel vm3, v10, v9;
	v9 =	vmul.f32 v14, v9  }
0xa0: {  	[tilespmem:s11+$0x20] =	vst v10  }
0xa1: {  	s4 =	sadd.s32 $0x400, s4;
	s6 =	sadd.s32 $0x500, s6;
	[tilespmem:s11+$0x10] =	vst v9  }
0xa2: {  	s4 =	sshll.u32 s19, $0x8  }
0xa3: {  	s4 =	sand.u32 $0x3FFFFF00, s4  }
0xa4: {  	p1 =	seq.s32 s19, $0x4F;
	s6 =	sadd.s32 $0x5000, s4  }
0xa5: {  	[spmem:s3] =	stream.indirect.scatter.add.f32 [tilespmem:s26], [sflag:$0x5], $0x50, s6, s18, $0xb8;
	[tilespmem:$0x1FB50] =	vst v63  }
0xa6: {  	s6 =	sadd.s32 @!p1 $0x2, s21  }
0xa7: {  	s10 =	simm.s32 @!p1 $0x80;
	s7 =	sshll.u32 @!p1 s6, $0x7;
	s6 =	sadd.s32 @!p1 s9, s6  }
0xa8: {  	s11 =	simm.s32 @!p1 $0xA000;
	s7 =	sand.u32 @!p1 $0x3FFFFF80, s7;
	s6 =	sshll.u32 @!p1 s6, $0x4  }
0xa9: {  	[tilespmem:s11], [sflag:$0x1] =	stream.indirect.gather @!p1 [hbm4b:s2+s10], $0x40, s7, s10, $0xb8;
	[tilespmem:$0x1FB50] =	vst v63  }
0xaa: {  	s6 =	sadd.s32 @!p1 s5, s6;
	s7 =	simm.s32 @!p1 $0x50000;
	s11 =	simm.s32 @!p1 $0xE000  }
0xab: {  	[tilespmem:s11], [sflag:$0x3] =	stream.strided.gather @!p1 [hbm4b:s6+s10], $0x400, s7, s10, $0x38;
	[tilespmem:$0x1FB50] =	vst v63  }
0xac: {  	_ =	swait.ge [sflag:s28], $0x2000  }
0xad: {  	[sflag:s28] =	ssyncset.done $0x0  }
0xae: {  	[sflag:s28] =	ssyncadd.s32 $0xFFFFE000  }
0xaf: {  	_ =	swait.ge [sflag:s29], $0x400  }
0xb0: {  	[sflag:s29] =	ssyncset.done $0x0  }
0xb1: {  	s6 =	simm.s32 @!p0 $0x6;
	[sflag:s29] =	ssyncadd.s32 $0xFFFFFC00  }
0xb2: {  	_ =	swait.ge @!p0 [sflag:s6], $0x2800  }
0xb3: {  	s14 =	simm.s32 $0x11020;
	s7 =	simm.s32 $0xC020;
	[sflag:s6] =	ssyncset.done @!p0 $0x0  }
0xb4: {  	s11 =	simm.s32 $0x0;
	[sflag:s6] =	ssyncadd.s32 @!p0 $0xFFFFD800;
	s6 =	simm.s32 $0x0  }
.LBB2_9:
0xb5: {  	_ =	sdelay $0x2  }
0xb6: {  	s10 =	sshll.u32 s11, $0x4  }
0xb7: {  	v11 =	vld.idx.msk [tilespmem:v5+s10+$0x0 ss:$0x1], $0xffff  }
0xb8: {  	v9 =	vmov s6  }
0xb9: {  	v13 =	vld [tilespmem:s7+$0xFFFFFFE0];
	v9 =	vand.u32 $0xF, v9  }
0xba: {  	v14 =	vbroadcast v9, $0x0;
	_ =	sdelay $0x1  }
0xbb: {  	v15 =	vperm.xlane v11, v14;
	_ =	sdelay $0x1  }
0xbc: {  	v12 =	vld.idx.msk [tilespmem:v6+s10+$0x0 ss:$0x1], $0xffff;
	v13 =	vmul.f32 v13, v15  }
0xbd: {  	v10 =	vld.idx.msk [tilespmem:v7+s10+$0x0 ss:$0x1], $0xffff  }
0xbe: {  	v9 =	vld.idx.msk [tilespmem:v8+s10+$0x0 ss:$0x1], $0xffff;
	[tilespmem:s14+$0xFFFFFFE0] =	vst v13  }
0xbf: {  	v13 =	vld [tilespmem:s7+$0xFFFFFFF0];
	_ =	sdelay $0x2  }
0xc0: {  	v16 =	vperm.xlane v12, v14;
	_ =	sdelay $0x1  }
0xc1: {  	v13 =	vmul.f32 v13, v16;
	_ =	sdelay $0x1  }
0xc2: {  	[tilespmem:s14+$0xFFFFFFF0] =	vst v13  }
0xc3: {  	v13 =	vld [tilespmem:s7+$0x0];
	_ =	sdelay $0x2  }
0xc4: {  	v17 =	vperm.xlane v10, v14;
	_ =	sdelay $0x1  }
0xc5: {  	v13 =	vmul.f32 v13, v17;
	_ =	sdelay $0x1  }
0xc6: {  	[tilespmem:s14+$0x0] =	vst v13  }
0xc7: {  	v13 =	vld [tilespmem:s7+$0x10];
	_ =	sdelay $0x1  }
0xc8: {  	v15 =	vnsel vm0, $0x0, v15  }
0xc9: {  	v14 =	vperm.xlane v9, v14;
	v15 =	vsel vm1, v15, v16  }
0xca: {  	v15 =	vsel vm2, v15, v17  }
0xcb: {  	v15 =	vsel vm3, v15, v14;
	v14 =	vmul.f32 v13, v14  }
0xcc: {  	s15 =	simm.s32 $0x1;
	[tilespmem:s14+$0x20] =	vst v15  }
0xcd: {  	s13 =	sadd.s32 $0x40, s7;
	s10 =	smov.u32 s14;
	v13 =	vmov s15;
	s15 =	simm.s32 $0x2;
	[tilespmem:s14+$0x10] =	vst v14  }
.LBB2_10:
0xce: {  	p0 =	sne.s32 s15, $0xF;
	v13 =	vand.u32 $0xF, v13;
	v14 =	vld [tilespmem:s13+$0xFFFFFFE0]  }
0xcf: {  	v13 =	vbroadcast v13, $0x0;
	_ =	sdelay $0x1  }
0xd0: {  	v15 =	vperm.xlane v11, v13;
	_ =	sdelay $0x1  }
0xd1: {  	v14 =	vmul.f32 v14, v15  }
0xd2: {  	s10 =	sadd.s32 $0x50, s10  }
0xd3: {  	[tilespmem:s10+$0xFFFFFFE0] =	vst v14  }
0xd4: {  	v14 =	vld [tilespmem:s13+$0xFFFFFFF0];
	_ =	sdelay $0x2  }
0xd5: {  	v16 =	vperm.xlane v12, v13;
	_ =	sdelay $0x1  }
0xd6: {  	v14 =	vmul.f32 v14, v16;
	_ =	sdelay $0x1  }
0xd7: {  	[tilespmem:s10+$0xFFFFFFF0] =	vst v14  }
0xd8: {  	v14 =	vld [tilespmem:s13+$0x0];
	_ =	sdelay $0x2  }
0xd9: {  	v17 =	vperm.xlane v10, v13  }
0xda: {  	v15 =	vnsel vm0, $0x0, v15  }
0xdb: {  	v13 =	vperm.xlane v9, v13;
	v15 =	vsel vm1, v15, v16;
	v14 =	vmul.f32 v14, v17  }
0xdc: {  	v15 =	vsel vm2, v15, v17  }
0xdd: {  	[tilespmem:s10+$0x0] =	vst v14;
	v14 =	vsel vm3, v15, v13  }
0xde: {  	v15 =	vld [tilespmem:s13+$0x10];
	[tilespmem:s10+$0x20] =	vst v14;
	_ =	sdelay $0x2  }
.Ltmp5:
0xdf: {  	(pc) =	sbr.rel @p0 .LBB2_10-.Ltmp5, $3  }
0xe0: {  	_ = 	snop  }
0xe1: {  	v14 =	vmul.f32 v15, v13;
	_ =	sdelay $0x1  }
0xe2: {  	s13 =	sadd.s32 $0x40, s13;
	v13 =	vmov s15;
	s15 =	sadd.s32 $0x1, s15;
	[tilespmem:s10+$0x10] =	vst v14  }
0xe3: {  	v13 =	vand.u32 $0xF, v13;
	v14 =	vld [tilespmem:s13+$0xFFFFFFE0]  }
0xe4: {  	v13 =	vbroadcast v13, $0x0;
	_ =	sdelay $0x1  }
0xe5: {  	v11 =	vperm.xlane v11, v13;
	_ =	sdelay $0x1  }
0xe6: {  	v14 =	vmul.f32 v14, v11  }
0xe7: {  	s10 =	sadd.s32 $0x50, s10  }
0xe8: {  	[tilespmem:s10+$0xFFFFFFE0] =	vst v14  }
0xe9: {  	v14 =	vld [tilespmem:s13+$0xFFFFFFF0];
	_ =	sdelay $0x2  }
0xea: {  	v12 =	vperm.xlane v12, v13;
	_ =	sdelay $0x1  }
0xeb: {  	v14 =	vmul.f32 v14, v12;
	_ =	sdelay $0x1  }
0xec: {  	[tilespmem:s10+$0xFFFFFFF0] =	vst v14  }
0xed: {  	v14 =	vld [tilespmem:s13+$0x0];
	_ =	sdelay $0x2  }
0xee: {  	v10 =	vperm.xlane v10, v13;
	_ =	sdelay $0x1  }
0xef: {  	v14 =	vmul.f32 v14, v10;
	_ =	sdelay $0x1  }
0xf0: {  	[tilespmem:s10+$0x0] =	vst v14  }
0xf1: {  	v14 =	vld [tilespmem:s13+$0x10]  }
0xf2: {  	s11 =	sadd.s32 $0x1, s11  }
0xf3: {  	p0 =	sne.s32 s11, $0x8;
	v11 =	vnsel vm0, $0x0, v11  }
.Ltmp6:
0xf4: {  	v9 =	vperm.xlane v9, v13;
	v11 =	vsel vm1, v11, v12;
	(pc) =	sbr.rel @p0 .LBB2_9-.Ltmp6, $4  }
0xf5: {  	v10 =	vsel vm2, v11, v10  }
0xf6: {  	v10 =	vsel vm3, v10, v9;
	v9 =	vmul.f32 v14, v9  }
0xf7: {  	[tilespmem:s10+$0x20] =	vst v10  }
0xf8: {  	s7 =	sadd.s32 $0x400, s7;
	s14 =	sadd.s32 $0x500, s14;
	[tilespmem:s10+$0x10] =	vst v9  }
.Ltmp7:
0xf9: {  	(pc) =	sbr.rel @p1 .LBB2_14-.Ltmp7, $3  }
0xfa: {  	_ =	sdelay $0x1  }
0xfb: {  	s4 =	sadd.s32 $0x5080, s4  }
0xfc: {  	[spmem:s3] =	stream.indirect.scatter.add.f32 [tilespmem:s30], [sflag:$0x6], $0x50, s4, s18, $0xb8;
	[tilespmem:$0x1FB50] =	vst v63  }
0xfd: {  	s4 =	sadd.s32 $0x3, s21  }
.Ltmp8:
0xfe: {  	s6 =	sshll.u32 s4, $0x7;
	s4 =	sadd.s32 s9, s4;
	(pc) =	sbr.rel .LBB2_4-.Ltmp8, $4  }
0xff: {  	s6 =	sand.u32 $0x3FFFFF80, s6;
	s4 =	sshll.u32 s4, $0x4  }
0x100: {  	[tilespmem:s22], [sflag:$0x2] =	stream.indirect.gather [hbm4b:s2+s18], $0x40, s6, s18, $0xb8;
	[tilespmem:$0x1FB50] =	vst v63  }
0x101: {  	s19 =	sadd.s32 $0x1, s19;
	s4 =	sadd.s32 s5, s4  }
0x102: {  	[tilespmem:s23], [sflag:$0x4] =	stream.strided.gather [hbm4b:s4+s18], $0x400, s20, s18, $0x38;
	[tilespmem:$0x1FB50] =	vst v63  }
.LBB2_15:
0x103: {  	_ =	sfence.sel $0x180000  }
0x104: {  	[bflag:$0x0] =	sbarrier.arrive $0xFFFF  }
0x105: {  	_ =	strace $0x9000004A  }
0x106: {  	s0 =	stileid.u32;
	[bflag:$0x2] =	sbarrier.arrive $0xFFFF  }
0x107: {  	p0 =	sne.s32 s0, $0x0;
	s0 =	rddreg [dreg:$0x3]  }
0x108: {  	s0 =	sadd.s32 @!p0 $0x100000, s0  }
0x109: {  	[sflag:s0] =	ssyncadd.tile.s32 @!p0 $0x1;
	_ =	shalt  }
.Lfunc_end2:
_tile_overlayer_lowered:
.L_overlay_start_2:
0x10a: {  	(tag) =	ssettag $0x2  }
0x10b: {  	s0 =	rddreg [dreg:$0x0];
	s2 =	stileid.u32  }
0x10c: {  	s1 =	rddreg [dreg:$0x1];
	p0 =	sne.s32 s2, $0x0  }
0x10d: {  	s3 =	rddreg [dreg:$0x2];
	[bflag:$0x3] =	sbarrier.arrive $0xFFFF;
	s2 =	simm.s32 @!p0 $0x1C07  }
0x10e: {  	[timem:s3], [sflag:s2] =	dma.local @!p0 [hbm:s0], s1  }
0x10f: {  	s0 =	simm.s32 @!p0 $0x7  }
0x110: {  	_ =	swait.ge @!p0 [sflag:s0], s1  }
0x111: {  	s1 =	ssub.s32 @!p0 $0x0, s1;
	[sflag:s0] =	ssyncset.done @!p0 $0x0  }
0x112: {  	[sflag:s0] =	ssyncadd.s32 @!p0 s1  }
0x113: {  	[bflag:$0x3] =	sbarrier.arrive $0xFFFF  }
0x114: {  	_ =	shalt  }

// kernel: kernel.17.cloned.1.call-start
scs
__scs_entry_jumppad:
0x0: {  	(pc) =	sbr.rel $0x88, $3  }
0x1: {  	(tag) =	ssettag $0x0;
	lr =	simm.s32 $0x1  }
0x2: {  	[smem:$0x3F90] =	sst lr;
	_ =	strace $0xD0000000  }
0x3: {  	_ = 	snop  }
0x4: {  	_ = 	snop  }
0x5: {  	_ = 	snop  }
0x6: {  	_ = 	snop  }
0x7: {  	_ = 	snop  }
__scs_overlays_trampoline_lowered:
0x8: {  	[smem:$0x3F9F] =	sst s0  }
0x9: {  	[smem:$0x3FA0] =	sst s1  }
0xa: {  	[smem:$0x3FA1] =	sst s2  }
0xb: {  	[smem:$0x3FA2] =	sst s3  }
0xc: {  	[smem:$0x3FA3] =	sst s4  }
0xd: {  	[smem:$0x3FA4] =	sst s5  }
0xe: {  	[smem:$0x3FA5] =	sst s6  }
0xf: {  	[smem:$0x3FA6] =	sst s7  }
0x10: {  	[smem:$0x3FA7] =	sst s8  }
0x11: {  	[smem:$0x3FA8] =	sst s9;
	s0 =	simm.s32 @!p0 $0x0  }
0x12: {  	s1 =	sld [smem:$0x3F8E];
	s0 =	simm.s32 @p0 $0x1  }
0x13: {  	[smem:$0x3FA9] =	sst s0;
	s0 =	simm.s32 @!p1 $0x0  }
0x14: {  	s2 =	sld [smem:$0x3F8D];
	s0 =	simm.s32 @p1 $0x1  }
0x15: {  	[smem:$0x3FAA] =	sst s0;
	s0 =	simm.s32 @!p2 $0x0  }
0x16: {  	s3 =	sld [smem:$0x3FDB];
	s0 =	simm.s32 @p2 $0x1  }
0x17: {  	s4 =	simm.s32 $0x1BF5;
	[smem:$0x3FAC] =	sst s0  }
0x18: {  	s0 =	sld [smem:$0x3F8F];
	_ =	swait.ge [sflag:s4], $0x0  }
0x19: {  	s7 =	sld [smem:$0x3F90]  }
0x1a: {  	s8 =	sadd.s32 $0xFFFFE003, lr  }
0x1b: {  	s9 =	sadd.s32 $0xFFFFFEF7, lr;
	s5 =	simm.s32 $0xFFFFFFFF;
	p2 =	slt.u32 s8, $0xFFFFF086  }
0x1c: {  	p1 =	slt.u32 s9, $0xF7A;
	s5 =	simm.s32 @!p2 $0x0  }
0x1d: {  	s5 =	simm.s32 @p1 $0x1;
	p0 =	seq.s32 s7, s2  }
0x1e: {  	s7 =	smul.u32 @!p0 $0xF7A, s2;
	p2 =	seq.s32 @!p0 s5, $0x0  }
0x1f: {  	s9 =	smul.u32 $0xF7A, s1;
	s8 =	simm.s32 @!p0 $0x1BF5;
	p2 =	por !p2, p0  }
0x20: {  	[sflag:s8] =	ssyncset.s32 @!p0 $0xFFFFF086;
	s6 =	sadd.s32 @!p0 s3, s7;
	s7 =	simm.s32 @!p0 $0x108  }
0x21: {  	s3 =	sadd.s32 s3, s9;
	s6 =	sadd.s32 @!p0 $0x88, s6;
	s7 =	simm.s32 @p2 $0x1082  }
0x22: {  	[simem:s7], [sflag:s8] =	dma.local @!p0 [hbm:s6], $0xF7A  }
0x23: {  	s9 =	sor.u32 $0xD0000000, s2;
	s6 =	simm.s32 $0x108;
	_ =	swait.ge @!p0 [sflag:s8], $0x0  }
0x24: {  	s3 =	sadd.s32 $0x88, s3;
	s6 =	simm.s32 @!p1 $0x1082;
	[sflag:s4] =	ssyncset.s32 $0xFFFFF086  }
0x25: {  	[simem:s6], [sflag:s4] =	dma.local [hbm:s3], $0xF7A  }
0x26: {  	[smem:$0x3F90] =	sst s1;
	(tag) =	ssettag s2;
	_ =	strace s9  }
0x27: {  	s1 =	sld [smem:$0x3FA0]  }
0x28: {  	s2 =	sld [smem:$0x3FA1]  }
0x29: {  	s4 =	sld [smem:$0x3FA3]  }
0x2a: {  	p0 =	seq.s32 s5, $0x0;
	s5 =	sld [smem:$0x3FA4]  }
0x2b: {  	s6 =	sld [smem:$0x3FA5]  }
0x2c: {  	s7 =	sld [smem:$0x3FA6]  }
0x2d: {  	s3 =	simm.s32 $0x108;
	s8 =	sld [smem:$0x3FA7]  }
0x2e: {  	s3 =	simm.s32 @!p0 $0x1082;
	s9 =	sld [smem:$0x3FA8]  }
0x2f: {  	lr =	sadd.s32 s0, s3;
	s0 =	sld [smem:$0x3F9F]  }
0x30: {  	s3 =	sld [smem:$0x3FA2]  }
0x31: {  	[smem:$0x3FAB] =	sst s10  }
0x32: {  	s10 =	sld [smem:$0x3FA9];
	_ =	sdelay $0x3  }
0x33: {  	p0 =	seq.s32 s10, $0x1;
	s10 =	sld [smem:$0x3FAB];
	_ =	sdelay $0x3  }
0x34: {  	[smem:$0x3FAB] =	sst s10  }
0x35: {  	s10 =	sld [smem:$0x3FAA];
	_ =	sdelay $0x3  }
0x36: {  	p1 =	seq.s32 s10, $0x1;
	s10 =	sld [smem:$0x3FAB];
	_ =	sdelay $0x3  }
0x37: {  	[smem:$0x3FAB] =	sst s10  }
0x38: {  	s10 =	sld [smem:$0x3FAC]  }
0x39: {  	_ = 	snop;
	(pc) =	sbr.ind lr, $3  }
0x3a: {  	_ = 	snop  }
0x3b: {  	_ = 	snop  }
0x3c: {  	p2 =	seq.s32 s10, $0x1;
	s10 =	sld [smem:$0x3FAB]  }
0x3d: {  	_ =	shalt  }
0x3e: {  	_ =	shalt  }
0x3f: {  	_ =	shalt  }
0x40: {  	_ =	shalt  }
0x41: {  	_ =	shalt  }
0x42: {  	_ =	shalt  }
0x43: {  	_ =	shalt  }
0x44: {  	_ =	shalt  }
0x45: {  	_ =	shalt  }
0x46: {  	_ =	shalt  }
0x47: {  	_ =	shalt  }
0x48: {  	_ =	shalt  }
0x49: {  	_ =	shalt  }
0x4a: {  	_ =	shalt  }
0x4b: {  	_ =	shalt  }
0x4c: {  	_ =	shalt  }
0x4d: {  	_ =	shalt  }
0x4e: {  	_ =	shalt  }
0x4f: {  	_ =	shalt  }
0x50: {  	_ =	shalt  }
0x51: {  	_ =	shalt  }
0x52: {  	_ =	shalt  }
0x53: {  	_ =	shalt  }
0x54: {  	_ =	shalt  }
0x55: {  	_ =	shalt  }
0x56: {  	_ =	shalt  }
0x57: {  	_ =	shalt  }
0x58: {  	_ =	shalt  }
0x59: {  	_ =	shalt  }
0x5a: {  	_ =	shalt  }
0x5b: {  	_ =	shalt  }
0x5c: {  	_ =	shalt  }
0x5d: {  	_ =	shalt  }
0x5e: {  	_ =	shalt  }
0x5f: {  	_ =	shalt  }
0x60: {  	_ =	shalt  }
0x61: {  	_ =	shalt  }
0x62: {  	_ =	shalt  }
0x63: {  	_ =	shalt  }
0x64: {  	_ =	shalt  }
0x65: {  	_ =	shalt  }
0x66: {  	_ =	shalt  }
0x67: {  	_ =	shalt  }
0x68: {  	_ =	shalt  }
0x69: {  	_ =	shalt  }
0x6a: {  	_ =	shalt  }
0x6b: {  	_ =	shalt  }
0x6c: {  	_ =	shalt  }
0x6d: {  	_ =	shalt  }
0x6e: {  	_ =	shalt  }
0x6f: {  	_ =	shalt  }
0x70: {  	_ =	shalt  }
0x71: {  	_ =	shalt  }
0x72: {  	_ =	shalt  }
0x73: {  	_ =	shalt  }
0x74: {  	_ =	shalt  }
0x75: {  	_ =	shalt  }
0x76: {  	_ =	shalt  }
0x77: {  	_ =	shalt  }
0x78: {  	_ =	shalt  }
0x79: {  	_ =	shalt  }
0x7a: {  	_ =	shalt  }
0x7b: {  	_ =	shalt  }
0x7c: {  	_ =	shalt  }
0x7d: {  	_ =	shalt  }
0x7e: {  	_ =	shalt  }
0x7f: {  	_ =	shalt  }
0x80: {  	_ =	shalt  }
0x81: {  	_ =	shalt  }
0x82: {  	_ =	shalt  }
0x83: {  	_ =	shalt  }
0x84: {  	_ =	shalt  }
0x85: {  	_ =	shalt  }
0x86: {  	_ =	shalt  }
0x87: {  	_ =	shalt  }
.Lfunc_end0:
.L_simem_size_0:
called_computation.2_lowered:
.L_overlay_start_0:
0x88: {  	s2 =	sld [smem:$0x3FD9]  }
0x89: {  	s3 =	sld [smem:$0x3FFE];
	_ =	sdelay $0x1  }
0x8a: {  	s1 =	srdreg.scid  }
0x8b: {  	s0 =	sand.u32 $0x1, s1  }
0x8c: {  	s16 =	sshll.u32 s0, $0xA;
	s2 =	sadd.s32 s3, s2  }
0x8d: {  	s2 =	sadd.s32 s2, s16  }
0x8e: {  	[smem:$0x3FB7] =	sst s2  }
0x8f: {  	_ = 	snop  }
0x90: {  	(tm) =	ssettm $0x1  }
0x91: {  	s17 =	sld [smem:$0x3FFB];
	_ =	sdelay $0x3  }
0x92: {  	_ =	strace s17  }
0x93: {  	s2 =	sld [smem:$0x3FFC];
	_ =	sdelay $0x3  }
0x94: {  	_ =	strace s2  }
0x95: {  	s2 =	sld [smem:$0x3FFD];
	_ =	sdelay $0x3  }
0x96: {  	_ =	strace s2  }
0x97: {  	_ =	strace $0x8FFFFFFF  }
0x98: {  	s18 =	sld [smem:$0x3FDB];
	_ =	sdelay $0x1  }
0x99: {  	s19 =	simm.s32 $_scs_section_size  }
0x9a: {  	s4 =	simm.s32 $_size__tile_overlayer_lowered;
	s5 =	simm.s32 $_tile_overlayer_lowered  }
0x9b: {  	s22 =	simm.s32 $0x1BFF;
	s21 =	sshll.u32 s5, $0x1;
	s2 =	sadd.s32 s19, s18  }
0x9c: {  	s6 =	simm.s32 $0x0;
	s20 =	sshll.u32 s4, $0x1;
	s4 =	sadd.s32 s21, s2  }
0x9d: {  	[timem:s6], [sflag:s22] =	dma.local [hbm:s4], s20  }
0x9e: {  	_ =	swait.ge [sflag:s22], s20  }
0x9f: {  	s3 =	ssub.s32 $0x0, s20;
	[sflag:s22] =	ssyncset.done $0x0  }
0xa0: {  	[sflag:s22] =	ssyncadd.s32 s3;
	_ =	sdelay $0x1  }
0xa1: {  	s23 =	simm.s32 $0x1B8B  }
0xa2: {  	_ =	swait.ge [sflag:s23], $0x1  }
0xa3: {  	[sflag:s23] =	ssyncset.done $0x0  }
0xa4: {  	s25 =	simm.s32 $0x1B8E;
	s24 =	sld [smem:$0x3FFE];
	[sflag:s23] =	ssyncadd.s32 $0xFFFFFFFF  }
0xa5: {  	s26 =	simm.s32 $execute0_lowered;
	[smem:$0x3FD2] =	sst s25  }
0xa6: {  	s4 =	sshll.u32 s26, $0x1;
	_ =	strace $0x8000004C;
	[dreg:$0x1] =	wrdreg $0xFFFFFFFF  }
0xa7: {  	s28 =	simm.s32 $_size_execute0_lowered;
	s2 =	sadd.s32 s2, s4;
	[dreg:$0x0] =	wrdreg $0x0  }
0xa8: {  	s4 =	sshll.u32 s28, $0x1;
	[dreg:$0x2] =	wrdreg s2  }
0xa9: {  	[dreg:$0x3] =	wrdreg s4  }
0xaa: {  	[dreg:$0x4] =	wrdreg $0xC0  }
0xab: {  	_ =	task [dreg:s6], $0x5FFFF  }
0xac: {  	[dreg:$0x1] =	wrdreg $0xFFFFFFFF  }
0xad: {  	[dreg:$0x0] =	wrdreg $0x60  }
0xae: {  	[dreg:$0x2] =	wrdreg s24  }
0xaf: {  	[dreg:$0x3] =	wrdreg $0x9  }
0xb0: {  	_ =	task.clear_ibuf [dreg:s6], $0x4FFFF;
	_ =	strace $0x9000004C  }
0xb1: {  	s29 =	simm.s32 $0x9;
	_ =	strace $0x8000004E  }
0xb2: {  	_ =	swait.ge [sflag:s29], $0x1  }
0xb3: {  	[sflag:s29] =	ssyncadd.s32 $0xFFFFFFFF  }
0xb4: {  	_ =	strace $0x9000004E  }
0xb5: {  	_ =	sfence  }
0xb6: {  	s30 =	sld [smem:$0x0];
	_ =	sdelay $0x2  }
0xb7: {  	s31 =	sshll.u32 s1, $0xD;
	s1 =	sshrl.u32 s1, $0x2  }
0xb8: {  	s3 =	sand.u32 $0x4000, s31;
	s1 =	sadd.s32 s1, s30  }
0xb9: {  	s0 =	sor.u32 s3, s0;
	s1 =	sshll.u32 s1, $0x11  }
0xba: {  	s0 =	sor.u32 s1, s0  }
0xbb: {  	s0 =	sadd.s32 $0x8F2B, s0  }
0xbc: {  	[sflag:s0] =	ssyncadd.remote.s32 $0x1  }
0xbd: {  	_ =	sfence.sel $0xFFFF  }
0xbe: {  	[dreg:$0x0] =	wrdreg $0xFFFFFFFF;
	(pc) =	sbr.abs _section_cstart, $3  }
0xbf: {  	[dreg:$0x1] =	wrdreg $0xFFFFFFFF  }
0xc0: {  	_ =	task.clear_ibuf [dreg:s6], $0x2FFFF;
	_ =	strace $0x9FFFFFFF  }
0xc1: {  	(tm) =	ssettm $0x7FFFFFFF  }
tec
execute0_lowered:
.L_overlay_start_1:
0x0: {  	(tag) =	ssettag $0x1  }
0x1: {  	s0 =	srdreg.scid  }
0x2: {  	s2 =	stileid.u32;
	s1 =	rddreg [dreg:$0x0]  }
0x3: {  	s11 =	simm.s32 $0x5;
	s12 =	simm.s32 $0x2800;
	s13 =	simm.s32 $0x80  }
0x4: {  	s20 =	simm.s32 $0x9000;
	s21 =	simm.s32 $0x2900;
	s22 =	simm.s32 $0x11000  }
0x5: {  	s23 =	simm.s32 $0x180;
	s24 =	simm.s32 $0xB000;
	s28 =	simm.s32 $0x1  }
0x6: {  	s29 =	simm.s32 $0x15000;
	s0 =	sand.u32 $0x1, s0;
	s3 =	sshll.u32 s2, $0x1  }
0x7: {  	s30 =	simm.s32 $0x2;
	s31 =	simm.s32 $0x19000;
	s8 =	sor.u32 s0, s3  }
0x8: {  	s14 =	simm.s32 $0x0;
	s2 =	simm.s32 $0x0;
	s5 =	smul.u32 $0x500, s8  }
0x9: {  	s4 =	sadd.s32 $0x51E00, s1;
	[smem:$0x7FF] =	sst s2;
	s10 =	smul.u32 $0x14000, s8  }
0xa: {  	s3 =	sadd.s32 $0x3E400, s1;
	s0 =	ssub.s32 $0x2, s0;
	s8 =	smul.u32 $0xA0000, s8  }
.Ltmp0:
0xb: {  	_ =	strace $0x8000004D;
	s25 =	sshrl.u32 s0, $0x1;
	(pc) =	sbr.rel .LBB2_1-.Ltmp0, $4  }
0xc: {  	s0 =	ssub.s32 s0, s25;
	s25 =	simm.s32 $0x2980;
	s7 =	sadd.s32 s5, s1  }
0xd: {  	s5 =	sadd.s32 $0x7A0400, s1;
	s9 =	smax.u32 s0, $0x1;
	s1 =	simm.s32 $0x3  }
0xe: {  	s0 =	simm.s32 $0x4;
	s6 =	sadd.s32 $0x2A400, s7;
	s26 =	sadd.s32 s10, s5  }
0xf: {  	s7 =	sadd.s32 $0x34400, s7;
	s10 =	sadd.s32 $0x800, s26;
	s26 =	simm.s32 $0x13000  }
.LBB2_8:
0x10: {  	s14 =	sadd.s32 $0x1, s14  }
0x11: {  	_ =	swait.ge [sflag:s1], $0x4000;
	p0 =	sne.s32 s14, s9  }
.Ltmp1:
0x12: {  	[sflag:s1] =	ssyncset.done $0x0;
	(pc) =	sbr.rel @!p0 .LBB2_9-.Ltmp1, $4  }
0x13: {  	[sflag:s1] =	ssyncadd.s32 $0xFFFFC000  }
0x14: {  	_ =	swait.ge [sflag:s0], $0x4000  }
0x15: {  	[sflag:s0] =	ssyncset.done $0x0  }
0x16: {  	[sflag:s0] =	ssyncadd.s32 $0xFFFFC000  }
.LBB2_1:
0x17: {  	[tilespmem:s2], [sflag:$0x5] =	stream.linear.gather [hbm4b:s6+s2], $0x2800, $0x38;
	[tilespmem:$0x1D000] =	vst v63  }
0x18: {  	_ =	swait.ge [sflag:s11], $0x2800  }
0x19: {  	[sflag:s11] =	ssyncset.done $0x0  }
0x1a: {  	[sflag:s11] =	ssyncadd.s32 $0xFFFFD800  }
0x1b: {  	[tilespmem:s12], [sflag:$0x5] =	stream.linear.gather [hbm4b:s7+s2], $0x2800, $0x38;
	[tilespmem:$0x1D000] =	vst v63  }
0x1c: {  	_ =	swait.ge [sflag:s11], $0x2800  }
0x1d: {  	[sflag:s11] =	ssyncset.done $0x0  }
0x1e: {  	s15 =	simm.s32 $0x5000;
	[sflag:s11] =	ssyncadd.s32 $0xFFFFD800  }
0x1f: {  	[tilespmem:s15], [sflag:$0x1] =	stream.indirect.gather [hbm4b:s3+s13], $0x40, s2, s13, $0xb8;
	[tilespmem:$0x1D000] =	vst v63  }
0x20: {  	s16 =	simm.s32 $0xD000  }
0x21: {  	[tilespmem:s16], [sflag:$0x1] =	stream.indirect.gather [hbm4b:s4+s13], $0x40, s12, s13, $0xb8;
	[tilespmem:$0x1D000] =	vst v63  }
0x22: {  	s17 =	simm.s32 $0x7000  }
0x23: {  	[tilespmem:s17], [sflag:$0x1] =	stream.indirect.gather [hbm4b:s3+s13], $0x40, s13, s13, $0xb8;
	[tilespmem:$0x1D000] =	vst v63  }
0x24: {  	s18 =	simm.s32 $0x2880;
	s16 =	simm.s32 $0xF000  }
0x25: {  	[tilespmem:s16], [sflag:$0x1] =	stream.indirect.gather [hbm4b:s4+s13], $0x40, s18, s13, $0xb8;
	[tilespmem:$0x1D000] =	vst v63  }
0x26: {  	s19 =	simm.s32 $0x100  }
0x27: {  	[tilespmem:s20], [sflag:$0x2] =	stream.indirect.gather [hbm4b:s3+s13], $0x40, s19, s13, $0xb8;
	[tilespmem:$0x1D000] =	vst v63  }
0x28: {  	_ = 	snop  }
0x29: {  	[tilespmem:s22], [sflag:$0x2] =	stream.indirect.gather [hbm4b:s4+s13], $0x40, s21, s13, $0xb8;
	[tilespmem:$0x1D000] =	vst v63  }
0x2a: {  	_ = 	snop  }
0x2b: {  	[tilespmem:s24], [sflag:$0x2] =	stream.indirect.gather [hbm4b:s3+s13], $0x40, s23, s13, $0xb8;
	[tilespmem:$0x1D000] =	vst v63  }
0x2c: {  	s15 =	simm.s32 $0x0  }
0x2d: {  	[tilespmem:s26], [sflag:$0x2] =	stream.indirect.gather [hbm4b:s4+s13], $0x40, s25, s13, $0xb8;
	[tilespmem:$0x1D000] =	vst v63  }
.LBB2_2:
0x2e: {  	_ =	swait.ge [sflag:s28], $0x2000  }
0x2f: {  	[sflag:s28] =	ssyncset.done $0x0  }
0x30: {  	[sflag:s28] =	ssyncadd.s32 $0xFFFFE000  }
0x31: {  	_ =	swait.ge [sflag:s28], $0x2000  }
0x32: {  	[sflag:s28] =	ssyncset.done $0x0  }
0x33: {  	[sflag:s28] =	ssyncadd.s32 $0xFFFFE000  }
0x34: {  	_ =	swait.ge [sflag:s28], $0x2000  }
0x35: {  	[sflag:s28] =	ssyncset.done $0x0  }
0x36: {  	[sflag:s28] =	ssyncadd.s32 $0xFFFFE000  }
0x37: {  	_ =	swait.ge [sflag:s28], $0x2000  }
0x38: {  	p0 =	seq.s32 s15, $0x0;
	[sflag:s28] =	ssyncset.done $0x0  }
0x39: {  	s16 =	simm.s32 @!p0 $0x3;
	[sflag:s28] =	ssyncadd.s32 $0xFFFFE000  }
0x3a: {  	_ =	swait.ge @!p0 [sflag:s16], $0x4000  }
0x3b: {  	[sflag:s16] =	ssyncset.done @!p0 $0x0  }
0x3c: {  	s18 =	simm.s32 $0x0;
	[sflag:s16] =	ssyncadd.s32 @!p0 $0xFFFFC000  }
0x3d: {  	v2 =	vld [tilespmem:s18+$0x5030]  }
0x3e: {  	v4 =	vld [tilespmem:s18+$0xD030]  }
0x3f: {  	v5 =	vld [tilespmem:s18+$0x5000]  }
0x40: {  	v6 =	vld [tilespmem:s18+$0xD000]  }
0x41: {  	v1 =	vld [tilespmem:s18+$0x5010]  }
0x42: {  	v3 =	vld [tilespmem:s18+$0xD010]  }
0x43: {  	v0 =	vld [tilespmem:s18+$0x5020];
	v7 =	vadd.f32 v4, v2  }
0x44: {  	s17 =	simm.s32 $0x40;
	v4 =	vld [tilespmem:s18+$0xD020]  }
0x45: {  	s19 =	simm.s32 $0x200;
	s16 =	sshll.u32 s15, $0x9;
	v2 =	vld [tilespmem:s17+$0x5030];
	v5 =	vadd.f32 v6, v5;
	[tilespmem:s18+$0x15030] =	vst v7  }
.LBB2_3:
0x46: {  	p1 =	sne.s32 s19, $0xFF00;
	v6 =	vld [tilespmem:s17+$0xD030]  }
0x47: {  	v7 =	vld [tilespmem:s17+$0x5000];
	[tilespmem:s18+$0x15000] =	vst v5;
	v3 =	vadd.f32 v3, v1  }
0x48: {  	v5 =	vld [tilespmem:s17+$0xD000]  }
.Ltmp2:
0x49: {  	v1 =	vld [tilespmem:s17+$0x5010];
	[tilespmem:s18+$0x15010] =	vst v3;
	v4 =	vadd.f32 v4, v0;
	(pc) =	sbr.rel @p1 .LBB2_3-.Ltmp2, $4  }
0x4a: {  	v3 =	vld [tilespmem:s17+$0xD010]  }
0x4b: {  	v0 =	vld [tilespmem:s17+$0x5020];
	v6 =	vadd.f32 v6, v2;
	[tilespmem:s18+$0x15020] =	vst v4;
	s18 =	smov.u32 s17  }
0x4c: {  	s17 =	sshra.s32 s19, $0x2;
	v4 =	vld [tilespmem:s18+$0xD020]  }
0x4d: {  	s19 =	sadd.s32 $0x100, s19;
	v2 =	vld [tilespmem:s17+$0x5030];
	v5 =	vadd.f32 v5, v7;
	[tilespmem:s18+$0x15030] =	vst v6  }
0x4e: {  	v6 =	vld [tilespmem:s17+$0xD030]  }
0x4f: {  	v7 =	vld [tilespmem:s17+$0x5000];
	[tilespmem:s18+$0x15000] =	vst v5;
	v1 =	vadd.f32 v3, v1  }
0x50: {  	v3 =	vld [tilespmem:s17+$0xD000]  }
0x51: {  	v5 =	vld [tilespmem:s17+$0x5010];
	[tilespmem:s18+$0x15010] =	vst v1;
	v0 =	vadd.f32 v4, v0  }
0x52: {  	v1 =	vld [tilespmem:s17+$0xD010]  }
0x53: {  	v4 =	vld [tilespmem:s17+$0x5020];
	[tilespmem:s18+$0x15020] =	vst v0  }
0x54: {  	v0 =	vld [tilespmem:s17+$0xD020];
	_ =	sdelay $0x1  }
0x55: {  	v2 =	vadd.f32 v6, v2  }
0x56: {  	v3 =	vadd.f32 v3, v7  }
0x57: {  	s19 =	sshll.u32 s15, $0xF;
	[tilespmem:s17+$0x15030] =	vst v2;
	v1 =	vadd.f32 v1, v5  }
0x58: {  	s18 =	sadd.s32 s8, s19;
	[tilespmem:s17+$0x15000] =	vst v3;
	v0 =	vadd.f32 v0, v4  }
0x59: {  	s18 =	sshrl.u32 s18, $0x3;
	[tilespmem:s17+$0x15010] =	vst v1  }
0x5a: {  	p1 =	seq.s32 s15, $0x13;
	s19 =	sadd.s32 s5, s18;
	[tilespmem:s17+$0x15020] =	vst v0  }
0x5b: {  	[hbm4b:s19+s2] =	stream.linear.scatter [tilespmem:s29], [sflag:$0x3], $0x4000, $0x38;
	[tilespmem:$0x1D000] =	vst v63  }
0x5c: {  	s18 =	simm.s32 @!p1 $0x80;
	s17 =	sadd.s32 @!p1 $0x200, s16;
	s19 =	simm.s32 @!p1 $0x5000  }
0x5d: {  	[tilespmem:s19], [sflag:$0x1] =	stream.indirect.gather @!p1 [hbm4b:s3+s18], $0x40, s17, s18, $0xb8;
	[tilespmem:$0x1D000] =	vst v63  }
0x5e: {  	s17 =	sadd.s32 @!p1 $0x2A00, s16;
	s19 =	simm.s32 @!p1 $0xD000  }
0x5f: {  	[tilespmem:s19], [sflag:$0x1] =	stream.indirect.gather @!p1 [hbm4b:s4+s18], $0x40, s17, s18, $0xb8;
	[tilespmem:$0x1D000] =	vst v63  }
0x60: {  	s17 =	sadd.s32 @!p1 $0x280, s16;
	s19 =	simm.s32 @!p1 $0x7000  }
0x61: {  	[tilespmem:s19], [sflag:$0x1] =	stream.indirect.gather @!p1 [hbm4b:s3+s18], $0x40, s17, s18, $0xb8;
	[tilespmem:$0x1D000] =	vst v63  }
0x62: {  	s17 =	sadd.s32 @!p1 $0x2A80, s16;
	s19 =	simm.s32 @!p1 $0xF000  }
0x63: {  	[tilespmem:s19], [sflag:$0x1] =	stream.indirect.gather @!p1 [hbm4b:s4+s18], $0x40, s17, s18, $0xb8;
	[tilespmem:$0x1D000] =	vst v63  }
0x64: {  	_ =	swait.ge [sflag:s30], $0x2000  }
0x65: {  	[sflag:s30] =	ssyncset.done $0x0  }
0x66: {  	[sflag:s30] =	ssyncadd.s32 $0xFFFFE000  }
0x67: {  	_ =	swait.ge [sflag:s30], $0x2000  }
0x68: {  	[sflag:s30] =	ssyncset.done $0x0  }
0x69: {  	[sflag:s30] =	ssyncadd.s32 $0xFFFFE000  }
0x6a: {  	_ =	swait.ge [sflag:s30], $0x2000  }
0x6b: {  	[sflag:s30] =	ssyncset.done $0x0  }
0x6c: {  	[sflag:s30] =	ssyncadd.s32 $0xFFFFE000  }
0x6d: {  	_ =	swait.ge [sflag:s30], $0x2000  }
0x6e: {  	[sflag:s30] =	ssyncset.done $0x0  }
0x6f: {  	s17 =	simm.s32 @!p0 $0x4;
	[sflag:s30] =	ssyncadd.s32 $0xFFFFE000  }
0x70: {  	_ =	swait.ge @!p0 [sflag:s17], $0x4000  }
0x71: {  	[sflag:s17] =	ssyncset.done @!p0 $0x0  }
0x72: {  	[sflag:s17] =	ssyncadd.s32 @!p0 $0xFFFFC000;
	s17 =	simm.s32 $0x0  }
0x73: {  	v2 =	vld [tilespmem:s17+$0x9030]  }
0x74: {  	v4 =	vld [tilespmem:s17+$0x11030]  }
0x75: {  	v5 =	vld [tilespmem:s17+$0x9000]  }
0x76: {  	v6 =	vld [tilespmem:s17+$0x11000]  }
0x77: {  	v1 =	vld [tilespmem:s17+$0x9010]  }
0x78: {  	v3 =	vld [tilespmem:s17+$0x11010]  }
0x79: {  	v0 =	vld [tilespmem:s17+$0x9020];
	v7 =	vadd.f32 v4, v2  }
0x7a: {  	s18 =	simm.s32 $0x40;
	v4 =	vld [tilespmem:s17+$0x11020]  }
0x7b: {  	s19 =	simm.s32 $0x200;
	v2 =	vld [tilespmem:s18+$0x9030];
	v5 =	vadd.f32 v6, v5;
	[tilespmem:s17+$0x19030] =	vst v7  }
.LBB2_5:
0x7c: {  	p0 =	sne.s32 s19, $0xFF00;
	v6 =	vld [tilespmem:s18+$0x11030]  }
0x7d: {  	v7 =	vld [tilespmem:s18+$0x9000];
	[tilespmem:s17+$0x19000] =	vst v5;
	v3 =	vadd.f32 v3, v1  }
0x7e: {  	v5 =	vld [tilespmem:s18+$0x11000]  }
.Ltmp3:
0x7f: {  	v1 =	vld [tilespmem:s18+$0x9010];
	[tilespmem:s17+$0x19010] =	vst v3;
	v4 =	vadd.f32 v4, v0;
	(pc) =	sbr.rel @p0 .LBB2_5-.Ltmp3, $4  }
0x80: {  	v3 =	vld [tilespmem:s18+$0x11010]  }
0x81: {  	v0 =	vld [tilespmem:s18+$0x9020];
	v6 =	vadd.f32 v6, v2;
	[tilespmem:s17+$0x19020] =	vst v4;
	s17 =	smov.u32 s18  }
0x82: {  	s18 =	sshra.s32 s19, $0x2;
	v4 =	vld [tilespmem:s17+$0x11020]  }
0x83: {  	s19 =	sadd.s32 $0x100, s19;
	v2 =	vld [tilespmem:s18+$0x9030];
	v5 =	vadd.f32 v5, v7;
	[tilespmem:s17+$0x19030] =	vst v6  }
0x84: {  	v6 =	vld [tilespmem:s18+$0x11030]  }
0x85: {  	v7 =	vld [tilespmem:s18+$0x9000];
	[tilespmem:s17+$0x19000] =	vst v5;
	v1 =	vadd.f32 v3, v1  }
0x86: {  	v62 =	vld [tilespmem:s18+$0x11000]  }
0x87: {  	v5 =	vld [tilespmem:s18+$0x9010];
	[tilespmem:s17+$0x19010] =	vst v1;
	v0 =	vadd.f32 v4, v0  }
0x88: {  	v1 =	vld [tilespmem:s18+$0x11010]  }
0x89: {  	v63 =	vld [tilespmem:s18+$0x9020];
	[tilespmem:s17+$0x19020] =	vst v0  }
0x8a: {  	v0 =	vld [tilespmem:s18+$0x11020];
	_ =	sdelay $0x1  }
0x8b: {  	v2 =	vadd.f32 v6, v2  }
0x8c: {  	v3 =	vadd.f32 v62, v7  }
.Ltmp4:
0x8d: {  	[tilespmem:s18+$0x19030] =	vst v2;
	v1 =	vadd.f32 v1, v5;
	(pc) =	sbr.rel @p1 .LBB2_8-.Ltmp4, $4  }
0x8e: {  	[tilespmem:s18+$0x19000] =	vst v3;
	v0 =	vadd.f32 v0, v63  }
0x8f: {  	s19 =	sshll.u32 s15, $0xC;
	[tilespmem:s18+$0x19010] =	vst v1  }
0x90: {  	s17 =	sadd.s32 s10, s19;
	[tilespmem:s18+$0x19020] =	vst v0  }
0x91: {  	[hbm4b:s17+s2] =	stream.linear.scatter [tilespmem:s31], [sflag:$0x4], $0x4000, $0x38;
	[tilespmem:$0x1D000] =	vst v63  }
0x92: {  	s17 =	sadd.s32 $0x300, s16  }
0x93: {  	[tilespmem:s20], [sflag:$0x2] =	stream.indirect.gather [hbm4b:s3+s13], $0x40, s17, s13, $0xb8;
	[tilespmem:$0x1D000] =	vst v63  }
0x94: {  	s19 =	sadd.s32 $0x2B00, s16  }
0x95: {  	[tilespmem:s22], [sflag:$0x2] =	stream.indirect.gather [hbm4b:s4+s13], $0x40, s19, s13, $0xb8;
	[tilespmem:$0x1D000] =	vst v63  }
.Ltmp5:
0x96: {  	_ = 	snop;
	(pc) =	sbr.rel .LBB2_2-.Ltmp5, $4  }
0x97: {  	s18 =	sadd.s32 $0x380, s16  }
0x98: {  	[tilespmem:s24], [sflag:$0x2] =	stream.indirect.gather [hbm4b:s3+s13], $0x40, s18, s13, $0xb8;
	[tilespmem:$0x1D000] =	vst v63  }
0x99: {  	s15 =	sadd.s32 $0x1, s15;
	s19 =	sadd.s32 $0x2B80, s16  }
0x9a: {  	[tilespmem:s26], [sflag:$0x2] =	stream.indirect.gather [hbm4b:s4+s13], $0x40, s19, s13, $0xb8;
	[tilespmem:$0x1D000] =	vst v63  }
.LBB2_9:
0x9b: {  	_ =	sfence.sel $0x180000  }
0x9c: {  	[bflag:$0x0] =	sbarrier.arrive $0xFFFF  }
0x9d: {  	_ =	strace $0x9000004D  }
0x9e: {  	s0 =	stileid.u32;
	[bflag:$0x2] =	sbarrier.arrive $0xFFFF  }
0x9f: {  	p0 =	sne.s32 s0, $0x0;
	s0 =	rddreg [dreg:$0x1]  }
0xa0: {  	s0 =	sadd.s32 @!p0 $0x100000, s0  }
0xa1: {  	[sflag:s0] =	ssyncadd.tile.s32 @!p0 $0x1;
	_ =	shalt  }
.Lfunc_end2:
_tile_overlayer_lowered:
.L_overlay_start_2:
0xa2: {  	(tag) =	ssettag $0x2  }
0xa3: {  	s0 =	rddreg [dreg:$0x0];
	s2 =	stileid.u32  }
0xa4: {  	s1 =	rddreg [dreg:$0x1];
	p0 =	sne.s32 s2, $0x0  }
0xa5: {  	s3 =	rddreg [dreg:$0x2];
	[bflag:$0x3] =	sbarrier.arrive $0xFFFF;
	s2 =	simm.s32 @!p0 $0x1C05  }
0xa6: {  	[timem:s3], [sflag:s2] =	dma.local @!p0 [hbm:s0], s1  }
0xa7: {  	s0 =	simm.s32 @!p0 $0x5  }
0xa8: {  	_ =	swait.ge @!p0 [sflag:s0], s1  }
0xa9: {  	s1 =	ssub.s32 @!p0 $0x0, s1;
	[sflag:s0] =	ssyncset.done @!p0 $0x0  }
0xaa: {  	[sflag:s0] =	ssyncadd.s32 @!p0 s1  }
0xab: {  	[bflag:$0x3] =	sbarrier.arrive $0xFFFF  }
0xac: {  	_ =	shalt  }

// kernel: kernel.20.cloned.1.call-start
scs
__scs_entry_jumppad:
0x0: {  	(pc) =	sbr.rel $0x88, $3  }
0x1: {  	(tag) =	ssettag $0x0;
	lr =	simm.s32 $0x1  }
0x2: {  	[smem:$0x3F90] =	sst lr;
	_ =	strace $0xD0000000  }
0x3: {  	_ = 	snop  }
0x4: {  	_ = 	snop  }
0x5: {  	_ = 	snop  }
0x6: {  	_ = 	snop  }
0x7: {  	_ = 	snop  }
__scs_overlays_trampoline_lowered:
0x8: {  	[smem:$0x3F9F] =	sst s0  }
0x9: {  	[smem:$0x3FA0] =	sst s1  }
0xa: {  	[smem:$0x3FA1] =	sst s2  }
0xb: {  	[smem:$0x3FA2] =	sst s3  }
0xc: {  	[smem:$0x3FA3] =	sst s4  }
0xd: {  	[smem:$0x3FA4] =	sst s5  }
0xe: {  	[smem:$0x3FA5] =	sst s6  }
0xf: {  	[smem:$0x3FA6] =	sst s7  }
0x10: {  	[smem:$0x3FA7] =	sst s8  }
0x11: {  	[smem:$0x3FA8] =	sst s9;
	s0 =	simm.s32 @!p0 $0x0  }
0x12: {  	s1 =	sld [smem:$0x3F8E];
	s0 =	simm.s32 @p0 $0x1  }
0x13: {  	[smem:$0x3FA9] =	sst s0;
	s0 =	simm.s32 @!p1 $0x0  }
0x14: {  	s2 =	sld [smem:$0x3F8D];
	s0 =	simm.s32 @p1 $0x1  }
0x15: {  	[smem:$0x3FAA] =	sst s0;
	s0 =	simm.s32 @!p2 $0x0  }
0x16: {  	s3 =	sld [smem:$0x3FDB];
	s0 =	simm.s32 @p2 $0x1  }
0x17: {  	s4 =	simm.s32 $0x1BF5;
	[smem:$0x3FAC] =	sst s0  }
0x18: {  	s0 =	sld [smem:$0x3F8F];
	_ =	swait.ge [sflag:s4], $0x0  }
0x19: {  	s7 =	sld [smem:$0x3F90]  }
0x1a: {  	s8 =	sadd.s32 $0xFFFFE003, lr  }
0x1b: {  	s9 =	sadd.s32 $0xFFFFFEF7, lr;
	s5 =	simm.s32 $0xFFFFFFFF;
	p2 =	slt.u32 s8, $0xFFFFF086  }
0x1c: {  	p1 =	slt.u32 s9, $0xF7A;
	s5 =	simm.s32 @!p2 $0x0  }
0x1d: {  	s5 =	simm.s32 @p1 $0x1;
	p0 =	seq.s32 s7, s2  }
0x1e: {  	s7 =	smul.u32 @!p0 $0xF7A, s2;
	p2 =	seq.s32 @!p0 s5, $0x0  }
0x1f: {  	s9 =	smul.u32 $0xF7A, s1;
	s8 =	simm.s32 @!p0 $0x1BF5;
	p2 =	por !p2, p0  }
0x20: {  	[sflag:s8] =	ssyncset.s32 @!p0 $0xFFFFF086;
	s6 =	sadd.s32 @!p0 s3, s7;
	s7 =	simm.s32 @!p0 $0x108  }
0x21: {  	s3 =	sadd.s32 s3, s9;
	s6 =	sadd.s32 @!p0 $0x88, s6;
	s7 =	simm.s32 @p2 $0x1082  }
0x22: {  	[simem:s7], [sflag:s8] =	dma.local @!p0 [hbm:s6], $0xF7A  }
0x23: {  	s9 =	sor.u32 $0xD0000000, s2;
	s6 =	simm.s32 $0x108;
	_ =	swait.ge @!p0 [sflag:s8], $0x0  }
0x24: {  	s3 =	sadd.s32 $0x88, s3;
	s6 =	simm.s32 @!p1 $0x1082;
	[sflag:s4] =	ssyncset.s32 $0xFFFFF086  }
0x25: {  	[simem:s6], [sflag:s4] =	dma.local [hbm:s3], $0xF7A  }
0x26: {  	[smem:$0x3F90] =	sst s1;
	(tag) =	ssettag s2;
	_ =	strace s9  }
0x27: {  	s1 =	sld [smem:$0x3FA0]  }
0x28: {  	s2 =	sld [smem:$0x3FA1]  }
0x29: {  	s4 =	sld [smem:$0x3FA3]  }
0x2a: {  	p0 =	seq.s32 s5, $0x0;
	s5 =	sld [smem:$0x3FA4]  }
0x2b: {  	s6 =	sld [smem:$0x3FA5]  }
0x2c: {  	s7 =	sld [smem:$0x3FA6]  }
0x2d: {  	s3 =	simm.s32 $0x108;
	s8 =	sld [smem:$0x3FA7]  }
0x2e: {  	s3 =	simm.s32 @!p0 $0x1082;
	s9 =	sld [smem:$0x3FA8]  }
0x2f: {  	lr =	sadd.s32 s0, s3;
	s0 =	sld [smem:$0x3F9F]  }
0x30: {  	s3 =	sld [smem:$0x3FA2]  }
0x31: {  	[smem:$0x3FAB] =	sst s10  }
0x32: {  	s10 =	sld [smem:$0x3FA9];
	_ =	sdelay $0x3  }
0x33: {  	p0 =	seq.s32 s10, $0x1;
	s10 =	sld [smem:$0x3FAB];
	_ =	sdelay $0x3  }
0x34: {  	[smem:$0x3FAB] =	sst s10  }
0x35: {  	s10 =	sld [smem:$0x3FAA];
	_ =	sdelay $0x3  }
0x36: {  	p1 =	seq.s32 s10, $0x1;
	s10 =	sld [smem:$0x3FAB];
	_ =	sdelay $0x3  }
0x37: {  	[smem:$0x3FAB] =	sst s10  }
0x38: {  	s10 =	sld [smem:$0x3FAC]  }
0x39: {  	_ = 	snop;
	(pc) =	sbr.ind lr, $3  }
0x3a: {  	_ = 	snop  }
0x3b: {  	_ = 	snop  }
0x3c: {  	p2 =	seq.s32 s10, $0x1;
	s10 =	sld [smem:$0x3FAB]  }
0x3d: {  	_ =	shalt  }
0x3e: {  	_ =	shalt  }
0x3f: {  	_ =	shalt  }
0x40: {  	_ =	shalt  }
0x41: {  	_ =	shalt  }
0x42: {  	_ =	shalt  }
0x43: {  	_ =	shalt  }
0x44: {  	_ =	shalt  }
0x45: {  	_ =	shalt  }
0x46: {  	_ =	shalt  }
0x47: {  	_ =	shalt  }
0x48: {  	_ =	shalt  }
0x49: {  	_ =	shalt  }
0x4a: {  	_ =	shalt  }
0x4b: {  	_ =	shalt  }
0x4c: {  	_ =	shalt  }
0x4d: {  	_ =	shalt  }
0x4e: {  	_ =	shalt  }
0x4f: {  	_ =	shalt  }
0x50: {  	_ =	shalt  }
0x51: {  	_ =	shalt  }
0x52: {  	_ =	shalt  }
0x53: {  	_ =	shalt  }
0x54: {  	_ =	shalt  }
0x55: {  	_ =	shalt  }
0x56: {  	_ =	shalt  }
0x57: {  	_ =	shalt  }
0x58: {  	_ =	shalt  }
0x59: {  	_ =	shalt  }
0x5a: {  	_ =	shalt  }
0x5b: {  	_ =	shalt  }
0x5c: {  	_ =	shalt  }
0x5d: {  	_ =	shalt  }
0x5e: {  	_ =	shalt  }
0x5f: {  	_ =	shalt  }
0x60: {  	_ =	shalt  }
0x61: {  	_ =	shalt  }
0x62: {  	_ =	shalt  }
0x63: {  	_ =	shalt  }
0x64: {  	_ =	shalt  }
0x65: {  	_ =	shalt  }
0x66: {  	_ =	shalt  }
0x67: {  	_ =	shalt  }
0x68: {  	_ =	shalt  }
0x69: {  	_ =	shalt  }
0x6a: {  	_ =	shalt  }
0x6b: {  	_ =	shalt  }
0x6c: {  	_ =	shalt  }
0x6d: {  	_ =	shalt  }
0x6e: {  	_ =	shalt  }
0x6f: {  	_ =	shalt  }
0x70: {  	_ =	shalt  }
0x71: {  	_ =	shalt  }
0x72: {  	_ =	shalt  }
0x73: {  	_ =	shalt  }
0x74: {  	_ =	shalt  }
0x75: {  	_ =	shalt  }
0x76: {  	_ =	shalt  }
0x77: {  	_ =	shalt  }
0x78: {  	_ =	shalt  }
0x79: {  	_ =	shalt  }
0x7a: {  	_ =	shalt  }
0x7b: {  	_ =	shalt  }
0x7c: {  	_ =	shalt  }
0x7d: {  	_ =	shalt  }
0x7e: {  	_ =	shalt  }
0x7f: {  	_ =	shalt  }
0x80: {  	_ =	shalt  }
0x81: {  	_ =	shalt  }
0x82: {  	_ =	shalt  }
0x83: {  	_ =	shalt  }
0x84: {  	_ =	shalt  }
0x85: {  	_ =	shalt  }
0x86: {  	_ =	shalt  }
0x87: {  	_ =	shalt  }
.Lfunc_end0:
.L_simem_size_0:
called_computation.3_lowered:
.L_overlay_start_0:
0x88: {  	s2 =	sld [smem:$0x3FD9]  }
0x89: {  	s3 =	sld [smem:$0x3FFE];
	_ =	sdelay $0x1  }
0x8a: {  	s1 =	srdreg.scid  }
0x8b: {  	s0 =	sand.u32 $0x1, s1  }
0x8c: {  	s17 =	sshll.u32 s0, $0xA;
	s2 =	sadd.s32 s3, s2  }
0x8d: {  	s2 =	sadd.s32 s2, s17  }
0x8e: {  	[smem:$0x3FB7] =	sst s2  }
0x8f: {  	_ = 	snop  }
0x90: {  	s2 =	sld [smem:$0x3FD0];
	(tm) =	ssettm $0x1  }
0x91: {  	s18 =	sld [smem:$0x3FFB];
	_ =	sdelay $0x3  }
0x92: {  	_ =	strace s18  }
0x93: {  	s3 =	sld [smem:$0x3FFC];
	_ =	sdelay $0x3  }
0x94: {  	_ =	strace s3  }
0x95: {  	s3 =	sld [smem:$0x3FFD];
	_ =	sdelay $0x3  }
0x96: {  	_ =	strace s3  }
0x97: {  	_ =	strace $0x8FFFFFFF  }
0x98: {  	s19 =	sld [smem:$0x3FDB];
	_ =	sdelay $0x1  }
0x99: {  	s4 =	simm.s32 $_scs_section_size  }
0x9a: {  	s5 =	simm.s32 $_size__tile_overlayer_lowered;
	s6 =	simm.s32 $_tile_overlayer_lowered  }
0x9b: {  	s22 =	simm.s32 $0x1BFF;
	s21 =	sshll.u32 s6, $0x1;
	s3 =	sadd.s32 s4, s19  }
0x9c: {  	s7 =	simm.s32 $0x0;
	s20 =	sshll.u32 s5, $0x1;
	s5 =	sadd.s32 s21, s3  }
0x9d: {  	[timem:s7], [sflag:s22] =	dma.local [hbm:s5], s20  }
0x9e: {  	_ =	swait.ge [sflag:s22], s20  }
0x9f: {  	s4 =	ssub.s32 $0x0, s20;
	[sflag:s22] =	ssyncset.done $0x0  }
0xa0: {  	[sflag:s22] =	ssyncadd.s32 s4;
	_ =	sdelay $0x1  }
0xa1: {  	s23 =	simm.s32 $0x1B8B  }
0xa2: {  	_ =	swait.ge [sflag:s23], $0x1  }
0xa3: {  	[sflag:s23] =	ssyncset.done $0x0  }
0xa4: {  	s25 =	simm.s32 $0x1B8E;
	s24 =	sld [smem:$0x3FFE];
	[sflag:s23] =	ssyncadd.s32 $0xFFFFFFFF  }
0xa5: {  	s26 =	simm.s32 $execute0_lowered;
	[smem:$0x3FD2] =	sst s25  }
0xa6: {  	s5 =	sshll.u32 s26, $0x1;
	_ =	strace $0x8000004F;
	[dreg:$0x1] =	wrdreg $0xFFFFFFFF  }
0xa7: {  	s28 =	simm.s32 $_size_execute0_lowered;
	s3 =	sadd.s32 s3, s5;
	[dreg:$0x0] =	wrdreg $0x0  }
0xa8: {  	s5 =	sshll.u32 s28, $0x1;
	[dreg:$0x2] =	wrdreg s3  }
0xa9: {  	[dreg:$0x3] =	wrdreg s5  }
0xaa: {  	[dreg:$0x4] =	wrdreg $0xC0  }
0xab: {  	_ =	task [dreg:s7], $0x5FFFF  }
0xac: {  	[dreg:$0x1] =	wrdreg $0xFFFFFFFF  }
0xad: {  	[dreg:$0x0] =	wrdreg $0x60  }
0xae: {  	[dreg:$0x2] =	wrdreg s2  }
0xaf: {  	[dreg:$0x3] =	wrdreg s24  }
0xb0: {  	[dreg:$0x4] =	wrdreg $0x138000  }
0xb1: {  	[dreg:$0x5] =	wrdreg $0x9  }
0xb2: {  	_ =	task.clear_ibuf [dreg:s7], $0x6FFFF;
	_ =	strace $0x9000004F  }
0xb3: {  	s29 =	simm.s32 $0x9;
	_ =	strace $0x80000051  }
0xb4: {  	_ =	swait.ge [sflag:s29], $0x1  }
0xb5: {  	[sflag:s29] =	ssyncadd.s32 $0xFFFFFFFF  }
0xb6: {  	_ =	strace $0x90000051  }
0xb7: {  	_ =	sfence  }
0xb8: {  	s30 =	sld [smem:$0x0];
	_ =	sdelay $0x2  }
0xb9: {  	s31 =	sshll.u32 s1, $0xD;
	s1 =	sshrl.u32 s1, $0x2  }
0xba: {  	s3 =	sand.u32 $0x4000, s31;
	s1 =	sadd.s32 s1, s30  }
0xbb: {  	s0 =	sor.u32 s3, s0;
	s1 =	sshll.u32 s1, $0x11  }
0xbc: {  	s0 =	sor.u32 s1, s0  }
0xbd: {  	s0 =	sadd.s32 $0x8F2B, s0  }
0xbe: {  	[sflag:s0] =	ssyncadd.remote.s32 $0x1  }
0xbf: {  	_ =	sfence.sel $0xFFFF  }
0xc0: {  	[dreg:$0x0] =	wrdreg $0xFFFFFFFF;
	(pc) =	sbr.abs _section_cstart, $3  }
0xc1: {  	[dreg:$0x1] =	wrdreg $0xFFFFFFFF  }
0xc2: {  	_ =	task.clear_ibuf [dreg:s7], $0x2FFFF;
	_ =	strace $0x9FFFFFFF  }
0xc3: {  	(tm) =	ssettm $0x7FFFFFFF  }
tec
execute0_lowered:
.L_overlay_start_1:
0x0: {  	(tag) =	ssettag $0x1  }
0x1: {  	s2 =	rddreg [dreg:$0x0]  }
0x2: {  	s0 =	rddreg [dreg:$0x1]  }
0x3: {  	s3 =	rddreg [dreg:$0x2]  }
0x4: {  	s11 =	stileid.u32;
	s4 =	srdreg.scid  }
0x5: {  	s5 =	simm.s32 $0x0;
	s16 =	simm.s32 $0x7;
	s28 =	simm.s32 $0x2  }
0x6: {  	s29 =	simm.s32 $0x4;
	s30 =	simm.s32 $0x11000;
	s1 =	smul.u32 $0xA00, s11  }
0x7: {  	s31 =	simm.s32 $0x5;
	s6 =	smul.u32 $0xC350, s11;
	s4 =	sand.u32 $0x1, s4  }
0x8: {  	[smem:$0x7FF] =	sst s5;
	s5 =	sadd.s32 $0x3E400, s0;
	s18 =	sshll.u32 s11, $0x6  }
0x9: {  	s7 =	smul.u32 $0xC3500, s4;
	_ =	strace $0x80000050;
	s9 =	ssub.s32 $0x2, s4  }
0xa: {  	s21 =	smul.u32 $0x2710, s4;
	s4 =	sshll.u32 s4, $0x9;
	s10 =	sadd.s32 s1, s0  }
0xb: {  	s8 =	sshrl.u32 s6, $0x3;
	s17 =	sshrl.u32 s9, $0x1;
	s12 =	sadd.s32 s5, s1  }
0xc: {  	s23 =	sor.u32 $0xE000, s4;
	s24 =	sor.u32 $0xE080, s4;
	s25 =	sor.u32 $0xE100, s4  }
0xd: {  	s13 =	sor.u32 $0xE180, s4;
	s14 =	sor.u32 $0xE400, s4;
	s15 =	sor.u32 $0xE480, s4  }
0xe: {  	s1 =	simm.s32 $0x0;
	s7 =	sadd.s32 s6, s7;
	s8 =	sadd.s32 s8, s0  }
0xf: {  	s6 =	sadd.s32 s6, s3;
	s19 =	sadd.s32 $0x2A400, s10;
	s20 =	sadd.s32 $0x34400, s10  }
0x10: {  	s22 =	sadd.s32 $0x10, s12;
	v1 =	vmov s23;
	s23 =	simm.s32 $0xE400;
	[dreg:$0x4] =	wrdreg s6  }
0x11: {  	v2 =	vmov s24;
	v3 =	vmov s25;
	s24 =	simm.s32 $0x1;
	s25 =	simm.s32 $0x3;
	[dreg:$0x6] =	wrdreg s19  }
0x12: {  	s7 =	sshrl.u32 s7, $0x3;
	s8 =	sadd.s32 $0x3000, s8;
	[dreg:$0x7] =	wrdreg s20  }
0x13: {  	[dreg:$0x8] =	wrdreg s22;
	s20 =	simm.s32 $0x50000;
	s22 =	simm.s32 $0xC000  }
.Ltmp0:
0x14: {  	s0 =	sadd.s32 s7, s0;
	s7 =	ssub.s32 s9, s17;
	(pc) =	sbr.rel .LBB2_1-.Ltmp0, $4  }
0x15: {  	vm0 =	vmmov $0x1;
	[dreg:$0x5] =	wrdreg s8;
	s8 =	sor.u32 $0x1C07, s18;
	s9 =	smul.u32 $0xA0, s11  }
0x16: {  	vm1 =	vcmask $0x310;
	vm2 =	vcmask $0x710;
	vm3 =	vcmask $0xB10;
	s17 =	sor.u32 $0xE500, s4;
	s4 =	sor.u32 $0xE580, s4;
	s0 =	sadd.s32 $0x8E400, s0  }
0x17: {  	v0 =	vmov s21;
	v4 =	vmov s13;
	v5 =	vmov s14;
	s18 =	simm.s32 $0x80;
	s26 =	smax.u32 s7, $0x1;
	[dreg:$0x9] =	wrdreg s0  }
0x18: {  	v6 =	vmov s15;
	v7 =	vmov s17;
	v8 =	vmov s4;
	[dreg:$0xa] =	wrdreg s26;
	s26 =	simm.s32 $0xE800;
	s0 =	simm.s32 $0x6  }
.LBB2_14:
0x19: {  	_ =	swait.ge [sflag:s31], $0x2800  }
0x1a: {  	[sflag:s31] =	ssyncset.done $0x0  }
0x1b: {  	[sflag:s31] =	ssyncadd.s32 $0xFFFFD800  }
0x1c: {  	_ =	swait.ge [sflag:s0], $0x2800  }
0x1d: {  	[sflag:s0] =	ssyncset.done $0x0  }
0x1e: {  	[sflag:s0] =	ssyncadd.s32 $0xFFFFD800  }
0x1f: {  	[bflag:$0x0] =	sbarrier.arrive $0xFFFF  }
0x20: {  	s4 =	rddreg [dreg:$0x9]  }
0x21: {  	[hbm:s4], [sflag:s8] =	dma.local [spmem:s17], $0x186A  }
0x22: {  	_ =	swait.ge [sflag:s16], $0x186A  }
0x23: {  	s1 =	sadd.s32 $0x1, s1;
	s21 =	rddreg [dreg:$0xa]  }
0x24: {  	p0 =	sne.s32 s1, s21  }
.Ltmp1:
0x25: {  	_ = 	snop;
	(pc) =	sbr.rel @!p0 .LBB2_15-.Ltmp1, $3  }
0x26: {  	_ =	sdelay $0x1  }
0x27: {  	[sflag:s16] =	ssyncset.done $0x0  }
0x28: {  	[sflag:s16] =	ssyncadd.s32 $0xFFFFE796  }
.LBB2_1:
0x29: {  	s4 =	rddreg [dreg:$0x4]  }
0x2a: {  	s15 =	rddreg [dreg:$0x5];
	s17 =	sshrl.u32 s4, $0x3  }
0x2b: {  	[spmem:s17], [sflag:s8] =	dma.local [hbm:s15], $0x186A  }
0x2c: {  	_ =	swait.ge [sflag:s16], $0x186A  }
0x2d: {  	[sflag:s16] =	ssyncset.done $0x0  }
0x2e: {  	s19 =	simm.s32 $0x0;
	s6 =	rddreg [dreg:$0x6];
	[sflag:s16] =	ssyncadd.s32 $0xFFFFE796  }
0x2f: {  	[tilespmem:s19], [sflag:$0x7] =	stream.linear.gather [hbm4b:s6+s19], $0x5000, $0x38;
	[tilespmem:$0x1FB50] =	vst v63  }
0x30: {  	_ =	swait.ge [sflag:s16], $0x5000  }
0x31: {  	[sflag:s16] =	ssyncset.done $0x0  }
0x32: {  	s7 =	simm.s32 $0x5000;
	s21 =	rddreg [dreg:$0x7];
	[sflag:s16] =	ssyncadd.s32 $0xFFFFB000  }
0x33: {  	[tilespmem:s7], [sflag:$0x7] =	stream.linear.gather [hbm4b:s21+s19], $0x5000, $0x38;
	[tilespmem:$0x1FB50] =	vst v63  }
0x34: {  	_ =	swait.ge [sflag:s16], $0x5000  }
0x35: {  	[sflag:s16] =	ssyncset.done $0x0  }
0x36: {  	s4 =	simm.s32 $0x0;
	[sflag:s16] =	ssyncadd.s32 $0xFFFFB000  }
0x37: {  	v11 =	vld [tilespmem:s4+$0x0]  }
0x38: {  	v13 =	vld [tilespmem:s4+$0x10]  }
0x39: {  	v12 =	vld [tilespmem:s4+$0x20]  }
0x3a: {  	v10 =	vld [tilespmem:s4+$0x30]  }
0x3b: {  	v9 =	vld [tilespmem:s4+$0x40]  }
0x3c: {  	v14 =	vadd.s32 v0, v11;
	v11 =	vld [tilespmem:s4+$0x50]  }
0x3d: {  	s6 =	simm.s32 $0x200;
	[tilespmem:s4+$0x0] =	vst v14;
	v14 =	vadd.s32 v0, v13;
	v13 =	vld [tilespmem:s4+$0x60]  }
.LBB2_2:
0x3e: {  	s7 =	sshra.s32 s6, $0x2;
	p0 =	sne.s32 s6, $0x13E00;
	[tilespmem:s4+$0x10] =	vst v14;
	v12 =	vadd.s32 v0, v12;
	v14 =	vld [tilespmem:s4+$0x70]  }
0x3f: {  	v15 =	vld [tilespmem:s7+$0x0];
	[tilespmem:s4+$0x20] =	vst v12;
	v10 =	vadd.s32 v0, v10  }
0x40: {  	v16 =	vld [tilespmem:s7+$0x10];
	[tilespmem:s4+$0x30] =	vst v10;
	v9 =	vadd.s32 v0, v9  }
.Ltmp2:
0x41: {  	v12 =	vld [tilespmem:s7+$0x20];
	[tilespmem:s4+$0x40] =	vst v9;
	v9 =	vadd.s32 v0, v11;
	(pc) =	sbr.rel @p0 .LBB2_2-.Ltmp2, $4  }
0x42: {  	v10 =	vld [tilespmem:s7+$0x30];
	[tilespmem:s4+$0x50] =	vst v9;
	v11 =	vadd.s32 v0, v13  }
0x43: {  	v9 =	vld [tilespmem:s7+$0x40];
	[tilespmem:s4+$0x60] =	vst v11;
	v13 =	vadd.s32 v0, v14  }
0x44: {  	v14 =	vadd.s32 v0, v15;
	v11 =	vld [tilespmem:s7+$0x50];
	[tilespmem:s4+$0x70] =	vst v13;
	s4 =	smov.u32 s7  }
0x45: {  	s6 =	sadd.s32 $0x200, s6;
	[tilespmem:s4+$0x0] =	vst v14;
	v14 =	vadd.s32 v0, v16;
	v13 =	vld [tilespmem:s4+$0x60]  }
0x46: {  	[tilespmem:s4+$0x10] =	vst v14;
	v12 =	vadd.s32 v0, v12;
	v63 =	vld [tilespmem:s4+$0x70]  }
0x47: {  	[tilespmem:s4+$0x20] =	vst v12;
	v10 =	vadd.s32 v0, v10  }
0x48: {  	[tilespmem:s4+$0x30] =	vst v10;
	v9 =	vadd.s32 v0, v9  }
0x49: {  	[tilespmem:s4+$0x40] =	vst v9;
	v9 =	vadd.s32 v0, v11  }
0x4a: {  	[tilespmem:s4+$0x50] =	vst v9;
	v9 =	vadd.s32 v0, v13  }
0x4b: {  	[tilespmem:s4+$0x60] =	vst v9;
	v9 =	vadd.s32 v0, v63  }
0x4c: {  	[tilespmem:s4+$0x70] =	vst v9  }
0x4d: {  	s19 =	simm.s32 $0x0;
	s14 =	simm.s32 $0xA000;
	[bflag:$0x0] =	sbarrier.arrive $0xFFFF  }
0x4e: {  	[tilespmem:s14], [sflag:$0x1] =	stream.indirect.gather [hbm4b:s2+s18], $0x40, s19, s18, $0xb8;
	[tilespmem:$0x1FB50] =	vst v63  }
0x4f: {  	s15 =	simm.s32 $0xE000  }
0x50: {  	[tilespmem:s15], [sflag:$0x3] =	stream.strided.gather [hbm4b:s12+s18], $0x400, s20, s18, $0x38;
	[tilespmem:$0x1FB50] =	vst v63  }
0x51: {  	_ = 	snop  }
0x52: {  	[tilespmem:s22], [sflag:$0x2] =	stream.indirect.gather [hbm4b:s2+s18], $0x40, s18, s18, $0xb8;
	[tilespmem:$0x1FB50] =	vst v63  }
0x53: {  	s21 =	rddreg [dreg:$0x8]  }
0x54: {  	[tilespmem:s23], [sflag:$0x4] =	stream.strided.gather [hbm4b:s21+s18], $0x400, s20, s18, $0x38;
	[tilespmem:$0x1FB50] =	vst v63  }
.LBB2_4:
0x55: {  	_ =	swait.ge [sflag:s24], $0x2000  }
0x56: {  	[sflag:s24] =	ssyncset.done $0x0  }
0x57: {  	[sflag:s24] =	ssyncadd.s32 $0xFFFFE000  }
0x58: {  	_ =	swait.ge [sflag:s25], $0x400  }
0x59: {  	p0 =	seq.s32 s19, $0x0;
	[sflag:s25] =	ssyncset.done $0x0  }
0x5a: {  	s4 =	simm.s32 @!p0 $0x5;
	[sflag:s25] =	ssyncadd.s32 $0xFFFFFC00  }
0x5b: {  	_ =	swait.ge @!p0 [sflag:s4], $0x2800  }
0x5c: {  	s21 =	sshll.u32 s19, $0x1;
	s6 =	simm.s32 $0xE820;
	[sflag:s4] =	ssyncset.done @!p0 $0x0  }
0x5d: {  	s7 =	simm.s32 $0x0;
	[sflag:s4] =	ssyncadd.s32 @!p0 $0xFFFFD800;
	s4 =	simm.s32 $0xA020  }
.LBB2_5:
0x5e: {  	_ =	sdelay $0x2  }
0x5f: {  	s10 =	sshll.u32 s7, $0x4  }
0x60: {  	s11 =	simm.s32 $0x0;
	v11 =	vld.idx.msk [tilespmem:v1+s10+$0x0 ss:$0x1], $0xffff  }
0x61: {  	v9 =	vmov s11  }
0x62: {  	v13 =	vld [tilespmem:s4+$0xFFFFFFE0];
	v9 =	vand.u32 $0xF, v9  }
0x63: {  	v14 =	vbroadcast v9, $0x0;
	_ =	sdelay $0x1  }
0x64: {  	v15 =	vperm.xlane v11, v14;
	_ =	sdelay $0x1  }
0x65: {  	v12 =	vld.idx.msk [tilespmem:v2+s10+$0x0 ss:$0x1], $0xffff;
	v13 =	vmul.f32 v13, v15  }
0x66: {  	v10 =	vld.idx.msk [tilespmem:v3+s10+$0x0 ss:$0x1], $0xffff  }
0x67: {  	v9 =	vld.idx.msk [tilespmem:v4+s10+$0x0 ss:$0x1], $0xffff;
	[tilespmem:s6+$0xFFFFFFE0] =	vst v13  }
0x68: {  	v13 =	vld [tilespmem:s4+$0xFFFFFFF0];
	_ =	sdelay $0x2  }
0x69: {  	v16 =	vperm.xlane v12, v14;
	_ =	sdelay $0x1  }
0x6a: {  	v13 =	vmul.f32 v13, v16;
	_ =	sdelay $0x1  }
0x6b: {  	[tilespmem:s6+$0xFFFFFFF0] =	vst v13  }
0x6c: {  	v13 =	vld [tilespmem:s4+$0x0];
	_ =	sdelay $0x2  }
0x6d: {  	v17 =	vperm.xlane v10, v14;
	_ =	sdelay $0x1  }
0x6e: {  	v13 =	vmul.f32 v13, v17;
	_ =	sdelay $0x1  }
0x6f: {  	[tilespmem:s6+$0x0] =	vst v13  }
0x70: {  	v13 =	vld [tilespmem:s4+$0x10];
	_ =	sdelay $0x1  }
0x71: {  	v15 =	vnsel vm0, $0x0, v15  }
0x72: {  	v14 =	vperm.xlane v9, v14;
	v15 =	vsel vm1, v15, v16  }
0x73: {  	v15 =	vsel vm2, v15, v17  }
0x74: {  	v15 =	vsel vm3, v15, v14;
	v14 =	vmul.f32 v13, v14  }
0x75: {  	s15 =	simm.s32 $0x1;
	[tilespmem:s6+$0x20] =	vst v15  }
0x76: {  	s13 =	simm.s32 $0x2;
	s11 =	smov.u32 s6;
	s10 =	sadd.s32 $0x40, s4;
	v13 =	vmov s15;
	[tilespmem:s6+$0x10] =	vst v14  }
.LBB2_6:
0x77: {  	p1 =	sne.s32 s13, $0xF;
	v13 =	vand.u32 $0xF, v13;
	v14 =	vld [tilespmem:s10+$0xFFFFFFE0]  }
0x78: {  	v13 =	vbroadcast v13, $0x0;
	_ =	sdelay $0x1  }
0x79: {  	v15 =	vperm.xlane v11, v13;
	_ =	sdelay $0x1  }
0x7a: {  	v14 =	vmul.f32 v14, v15  }
0x7b: {  	s11 =	sadd.s32 $0x50, s11  }
0x7c: {  	[tilespmem:s11+$0xFFFFFFE0] =	vst v14  }
0x7d: {  	v14 =	vld [tilespmem:s10+$0xFFFFFFF0];
	_ =	sdelay $0x2  }
0x7e: {  	v16 =	vperm.xlane v12, v13;
	_ =	sdelay $0x1  }
0x7f: {  	v14 =	vmul.f32 v14, v16;
	_ =	sdelay $0x1  }
0x80: {  	[tilespmem:s11+$0xFFFFFFF0] =	vst v14  }
0x81: {  	v14 =	vld [tilespmem:s10+$0x0];
	_ =	sdelay $0x2  }
0x82: {  	v17 =	vperm.xlane v10, v13  }
0x83: {  	v15 =	vnsel vm0, $0x0, v15  }
0x84: {  	v13 =	vperm.xlane v9, v13;
	v15 =	vsel vm1, v15, v16;
	v14 =	vmul.f32 v14, v17  }
0x85: {  	v15 =	vsel vm2, v15, v17  }
0x86: {  	[tilespmem:s11+$0x0] =	vst v14;
	v14 =	vsel vm3, v15, v13  }
0x87: {  	v15 =	vld [tilespmem:s10+$0x10];
	[tilespmem:s11+$0x20] =	vst v14;
	_ =	sdelay $0x2  }
.Ltmp3:
0x88: {  	(pc) =	sbr.rel @p1 .LBB2_6-.Ltmp3, $3  }
0x89: {  	_ = 	snop  }
0x8a: {  	v14 =	vmul.f32 v15, v13;
	_ =	sdelay $0x1  }
0x8b: {  	s10 =	sadd.s32 $0x40, s10;
	v13 =	vmov s13;
	s13 =	sadd.s32 $0x1, s13;
	[tilespmem:s11+$0x10] =	vst v14  }
0x8c: {  	v13 =	vand.u32 $0xF, v13;
	v14 =	vld [tilespmem:s10+$0xFFFFFFE0]  }
0x8d: {  	v13 =	vbroadcast v13, $0x0;
	_ =	sdelay $0x1  }
0x8e: {  	v11 =	vperm.xlane v11, v13;
	_ =	sdelay $0x1  }
0x8f: {  	v14 =	vmul.f32 v14, v11  }
0x90: {  	s11 =	sadd.s32 $0x50, s11  }
0x91: {  	[tilespmem:s11+$0xFFFFFFE0] =	vst v14  }
0x92: {  	v14 =	vld [tilespmem:s10+$0xFFFFFFF0];
	_ =	sdelay $0x2  }
0x93: {  	v12 =	vperm.xlane v12, v13;
	_ =	sdelay $0x1  }
0x94: {  	v14 =	vmul.f32 v14, v12;
	_ =	sdelay $0x1  }
0x95: {  	[tilespmem:s11+$0xFFFFFFF0] =	vst v14  }
0x96: {  	v14 =	vld [tilespmem:s10+$0x0];
	_ =	sdelay $0x2  }
0x97: {  	v10 =	vperm.xlane v10, v13;
	_ =	sdelay $0x1  }
0x98: {  	v14 =	vmul.f32 v14, v10;
	_ =	sdelay $0x1  }
0x99: {  	[tilespmem:s11+$0x0] =	vst v14  }
0x9a: {  	v14 =	vld [tilespmem:s10+$0x10]  }
0x9b: {  	s7 =	sadd.s32 $0x1, s7  }
0x9c: {  	p1 =	sne.s32 s7, $0x8;
	v11 =	vnsel vm0, $0x0, v11  }
.Ltmp4:
0x9d: {  	v9 =	vperm.xlane v9, v13;
	v11 =	vsel vm1, v11, v12;
	(pc) =	sbr.rel @p1 .LBB2_5-.Ltmp4, $4  }
0x9e: {  	v10 =	vsel vm2, v11, v10  }
0x9f: {  	v10 =	vsel vm3, v10, v9;
	v9 =	vmul.f32 v14, v9  }
0xa0: {  	[tilespmem:s11+$0x20] =	vst v10  }
0xa1: {  	s4 =	sadd.s32 $0x400, s4;
	s6 =	sadd.s32 $0x500, s6;
	[tilespmem:s11+$0x10] =	vst v9  }
0xa2: {  	s4 =	sshll.u32 s19, $0x8  }
0xa3: {  	s4 =	sand.u32 $0x3FFFFF00, s4  }
0xa4: {  	p1 =	seq.s32 s19, $0x4F;
	s6 =	sadd.s32 $0x5000, s4  }
0xa5: {  	[spmem:s3] =	stream.indirect.scatter.add.f32 [tilespmem:s26], [sflag:$0x5], $0x50, s6, s18, $0xb8;
	[tilespmem:$0x1FB50] =	vst v63  }
0xa6: {  	s6 =	sadd.s32 @!p1 $0x2, s21  }
0xa7: {  	s10 =	simm.s32 @!p1 $0x80;
	s7 =	sshll.u32 @!p1 s6, $0x7;
	s6 =	sadd.s32 @!p1 s9, s6  }
0xa8: {  	s11 =	simm.s32 @!p1 $0xA000;
	s7 =	sand.u32 @!p1 $0x3FFFFF80, s7;
	s6 =	sshll.u32 @!p1 s6, $0x4  }
0xa9: {  	[tilespmem:s11], [sflag:$0x1] =	stream.indirect.gather @!p1 [hbm4b:s2+s10], $0x40, s7, s10, $0xb8;
	[tilespmem:$0x1FB50] =	vst v63  }
0xaa: {  	s6 =	sadd.s32 @!p1 s5, s6;
	s7 =	simm.s32 @!p1 $0x50000;
	s11 =	simm.s32 @!p1 $0xE000  }
0xab: {  	[tilespmem:s11], [sflag:$0x3] =	stream.strided.gather @!p1 [hbm4b:s6+s10], $0x400, s7, s10, $0x38;
	[tilespmem:$0x1FB50] =	vst v63  }
0xac: {  	_ =	swait.ge [sflag:s28], $0x2000  }
0xad: {  	[sflag:s28] =	ssyncset.done $0x0  }
0xae: {  	[sflag:s28] =	ssyncadd.s32 $0xFFFFE000  }
0xaf: {  	_ =	swait.ge [sflag:s29], $0x400  }
0xb0: {  	[sflag:s29] =	ssyncset.done $0x0  }
0xb1: {  	s6 =	simm.s32 @!p0 $0x6;
	[sflag:s29] =	ssyncadd.s32 $0xFFFFFC00  }
0xb2: {  	_ =	swait.ge @!p0 [sflag:s6], $0x2800  }
0xb3: {  	s14 =	simm.s32 $0x11020;
	s7 =	simm.s32 $0xC020;
	[sflag:s6] =	ssyncset.done @!p0 $0x0  }
0xb4: {  	s11 =	simm.s32 $0x0;
	[sflag:s6] =	ssyncadd.s32 @!p0 $0xFFFFD800;
	s6 =	simm.s32 $0x0  }
.LBB2_9:
0xb5: {  	_ =	sdelay $0x2  }
0xb6: {  	s10 =	sshll.u32 s11, $0x4  }
0xb7: {  	v11 =	vld.idx.msk [tilespmem:v5+s10+$0x0 ss:$0x1], $0xffff  }
0xb8: {  	v9 =	vmov s6  }
0xb9: {  	v13 =	vld [tilespmem:s7+$0xFFFFFFE0];
	v9 =	vand.u32 $0xF, v9  }
0xba: {  	v14 =	vbroadcast v9, $0x0;
	_ =	sdelay $0x1  }
0xbb: {  	v15 =	vperm.xlane v11, v14;
	_ =	sdelay $0x1  }
0xbc: {  	v12 =	vld.idx.msk [tilespmem:v6+s10+$0x0 ss:$0x1], $0xffff;
	v13 =	vmul.f32 v13, v15  }
0xbd: {  	v10 =	vld.idx.msk [tilespmem:v7+s10+$0x0 ss:$0x1], $0xffff  }
0xbe: {  	v9 =	vld.idx.msk [tilespmem:v8+s10+$0x0 ss:$0x1], $0xffff;
	[tilespmem:s14+$0xFFFFFFE0] =	vst v13  }
0xbf: {  	v13 =	vld [tilespmem:s7+$0xFFFFFFF0];
	_ =	sdelay $0x2  }
0xc0: {  	v16 =	vperm.xlane v12, v14;
	_ =	sdelay $0x1  }
0xc1: {  	v13 =	vmul.f32 v13, v16;
	_ =	sdelay $0x1  }
0xc2: {  	[tilespmem:s14+$0xFFFFFFF0] =	vst v13  }
0xc3: {  	v13 =	vld [tilespmem:s7+$0x0];
	_ =	sdelay $0x2  }
0xc4: {  	v17 =	vperm.xlane v10, v14;
	_ =	sdelay $0x1  }
0xc5: {  	v13 =	vmul.f32 v13, v17;
	_ =	sdelay $0x1  }
0xc6: {  	[tilespmem:s14+$0x0] =	vst v13  }
0xc7: {  	v13 =	vld [tilespmem:s7+$0x10];
	_ =	sdelay $0x1  }
0xc8: {  	v15 =	vnsel vm0, $0x0, v15  }
0xc9: {  	v14 =	vperm.xlane v9, v14;
	v15 =	vsel vm1, v15, v16  }
0xca: {  	v15 =	vsel vm2, v15, v17  }
0xcb: {  	v15 =	vsel vm3, v15, v14;
	v14 =	vmul.f32 v13, v14  }
0xcc: {  	s15 =	simm.s32 $0x1;
	[tilespmem:s14+$0x20] =	vst v15  }
0xcd: {  	s13 =	sadd.s32 $0x40, s7;
	s10 =	smov.u32 s14;
	v13 =	vmov s15;
	s15 =	simm.s32 $0x2;
	[tilespmem:s14+$0x10] =	vst v14  }
.LBB2_10:
0xce: {  	p0 =	sne.s32 s15, $0xF;
	v13 =	vand.u32 $0xF, v13;
	v14 =	vld [tilespmem:s13+$0xFFFFFFE0]  }
0xcf: {  	v13 =	vbroadcast v13, $0x0;
	_ =	sdelay $0x1  }
0xd0: {  	v15 =	vperm.xlane v11, v13;
	_ =	sdelay $0x1  }
0xd1: {  	v14 =	vmul.f32 v14, v15  }
0xd2: {  	s10 =	sadd.s32 $0x50, s10  }
0xd3: {  	[tilespmem:s10+$0xFFFFFFE0] =	vst v14  }
0xd4: {  	v14 =	vld [tilespmem:s13+$0xFFFFFFF0];
	_ =	sdelay $0x2  }
0xd5: {  	v16 =	vperm.xlane v12, v13;
	_ =	sdelay $0x1  }
0xd6: {  	v14 =	vmul.f32 v14, v16;
	_ =	sdelay $0x1  }
0xd7: {  	[tilespmem:s10+$0xFFFFFFF0] =	vst v14  }
0xd8: {  	v14 =	vld [tilespmem:s13+$0x0];
	_ =	sdelay $0x2  }
0xd9: {  	v17 =	vperm.xlane v10, v13  }
0xda: {  	v15 =	vnsel vm0, $0x0, v15  }
0xdb: {  	v13 =	vperm.xlane v9, v13;
	v15 =	vsel vm1, v15, v16;
	v14 =	vmul.f32 v14, v17  }
0xdc: {  	v15 =	vsel vm2, v15, v17  }
0xdd: {  	[tilespmem:s10+$0x0] =	vst v14;
	v14 =	vsel vm3, v15, v13  }
0xde: {  	v15 =	vld [tilespmem:s13+$0x10];
	[tilespmem:s10+$0x20] =	vst v14;
	_ =	sdelay $0x2  }
.Ltmp5:
0xdf: {  	(pc) =	sbr.rel @p0 .LBB2_10-.Ltmp5, $3  }
0xe0: {  	_ = 	snop  }
0xe1: {  	v14 =	vmul.f32 v15, v13;
	_ =	sdelay $0x1  }
0xe2: {  	s13 =	sadd.s32 $0x40, s13;
	v13 =	vmov s15;
	s15 =	sadd.s32 $0x1, s15;
	[tilespmem:s10+$0x10] =	vst v14  }
0xe3: {  	v13 =	vand.u32 $0xF, v13;
	v14 =	vld [tilespmem:s13+$0xFFFFFFE0]  }
0xe4: {  	v13 =	vbroadcast v13, $0x0;
	_ =	sdelay $0x1  }
0xe5: {  	v11 =	vperm.xlane v11, v13;
	_ =	sdelay $0x1  }
0xe6: {  	v14 =	vmul.f32 v14, v11  }
0xe7: {  	s10 =	sadd.s32 $0x50, s10  }
0xe8: {  	[tilespmem:s10+$0xFFFFFFE0] =	vst v14  }
0xe9: {  	v14 =	vld [tilespmem:s13+$0xFFFFFFF0];
	_ =	sdelay $0x2  }
0xea: {  	v12 =	vperm.xlane v12, v13;
	_ =	sdelay $0x1  }
0xeb: {  	v14 =	vmul.f32 v14, v12;
	_ =	sdelay $0x1  }
0xec: {  	[tilespmem:s10+$0xFFFFFFF0] =	vst v14  }
0xed: {  	v14 =	vld [tilespmem:s13+$0x0];
	_ =	sdelay $0x2  }
0xee: {  	v10 =	vperm.xlane v10, v13;
	_ =	sdelay $0x1  }
0xef: {  	v14 =	vmul.f32 v14, v10;
	_ =	sdelay $0x1  }
0xf0: {  	[tilespmem:s10+$0x0] =	vst v14  }
0xf1: {  	v14 =	vld [tilespmem:s13+$0x10]  }
0xf2: {  	s11 =	sadd.s32 $0x1, s11  }
0xf3: {  	p0 =	sne.s32 s11, $0x8;
	v11 =	vnsel vm0, $0x0, v11  }
.Ltmp6:
0xf4: {  	v9 =	vperm.xlane v9, v13;
	v11 =	vsel vm1, v11, v12;
	(pc) =	sbr.rel @p0 .LBB2_9-.Ltmp6, $4  }
0xf5: {  	v10 =	vsel vm2, v11, v10  }
0xf6: {  	v10 =	vsel vm3, v10, v9;
	v9 =	vmul.f32 v14, v9  }
0xf7: {  	[tilespmem:s10+$0x20] =	vst v10  }
0xf8: {  	s7 =	sadd.s32 $0x400, s7;
	s14 =	sadd.s32 $0x500, s14;
	[tilespmem:s10+$0x10] =	vst v9  }
.Ltmp7:
0xf9: {  	(pc) =	sbr.rel @p1 .LBB2_14-.Ltmp7, $3  }
0xfa: {  	_ =	sdelay $0x1  }
0xfb: {  	s4 =	sadd.s32 $0x5080, s4  }
0xfc: {  	[spmem:s3] =	stream.indirect.scatter.add.f32 [tilespmem:s30], [sflag:$0x6], $0x50, s4, s18, $0xb8;
	[tilespmem:$0x1FB50] =	vst v63  }
0xfd: {  	s4 =	sadd.s32 $0x3, s21  }
.Ltmp8:
0xfe: {  	s6 =	sshll.u32 s4, $0x7;
	s4 =	sadd.s32 s9, s4;
	(pc) =	sbr.rel .LBB2_4-.Ltmp8, $4  }
0xff: {  	s6 =	sand.u32 $0x3FFFFF80, s6;
	s4 =	sshll.u32 s4, $0x4  }
0x100: {  	[tilespmem:s22], [sflag:$0x2] =	stream.indirect.gather [hbm4b:s2+s18], $0x40, s6, s18, $0xb8;
	[tilespmem:$0x1FB50] =	vst v63  }
0x101: {  	s19 =	sadd.s32 $0x1, s19;
	s4 =	sadd.s32 s5, s4  }
0x102: {  	[tilespmem:s23], [sflag:$0x4] =	stream.strided.gather [hbm4b:s4+s18], $0x400, s20, s18, $0x38;
	[tilespmem:$0x1FB50] =	vst v63  }
.LBB2_15:
0x103: {  	_ =	sfence.sel $0x180000  }
0x104: {  	[bflag:$0x0] =	sbarrier.arrive $0xFFFF  }
0x105: {  	_ =	strace $0x90000050  }
0x106: {  	s0 =	stileid.u32;
	[bflag:$0x2] =	sbarrier.arrive $0xFFFF  }
0x107: {  	p0 =	sne.s32 s0, $0x0;
	s0 =	rddreg [dreg:$0x3]  }
0x108: {  	s0 =	sadd.s32 @!p0 $0x100000, s0  }
0x109: {  	[sflag:s0] =	ssyncadd.tile.s32 @!p0 $0x1;
	_ =	shalt  }
.Lfunc_end2:
_tile_overlayer_lowered:
.L_overlay_start_2:
0x10a: {  	(tag) =	ssettag $0x2  }
0x10b: {  	s0 =	rddreg [dreg:$0x0];
	s2 =	stileid.u32  }
0x10c: {  	s1 =	rddreg [dreg:$0x1];
	p0 =	sne.s32 s2, $0x0  }
0x10d: {  	s3 =	rddreg [dreg:$0x2];
	[bflag:$0x3] =	sbarrier.arrive $0xFFFF;
	s2 =	simm.s32 @!p0 $0x1C07  }
0x10e: {  	[timem:s3], [sflag:s2] =	dma.local @!p0 [hbm:s0], s1  }
0x10f: {  	s0 =	simm.s32 @!p0 $0x7  }
0x110: {  	_ =	swait.ge @!p0 [sflag:s0], s1  }
0x111: {  	s1 =	ssub.s32 @!p0 $0x0, s1;
	[sflag:s0] =	ssyncset.done @!p0 $0x0  }
0x112: {  	[sflag:s0] =	ssyncadd.s32 @!p0 s1  }
0x113: {  	[bflag:$0x3] =	sbarrier.arrive $0xFFFF  }
0x114: {  	_ =	shalt  }

</sc_bundles>
